<compile_context>
chip_gen: v7x
topology: tpu7x:2x2x1
jax: 0.10.2.dev20260603
libtpu: 0.0.44.dev20260713+nightly
codegen_flags: <defaults>
</compile_context>

<pallas_src>
import functools

import jax
import jax.numpy as jnp
from jax import lax
from jax.experimental import pallas as pl
from jax.experimental.pallas import tpu as pltpu
from jax.experimental.pallas import tpu_sc as plsc

N_NODES = 10000
N_EDGES = 320000
D_FEAT = 128
HIDDEN_DIM = 128
MAX_COLORS = 16
BATCH_NODES = 1024

NC = 2
NS = 16
L = 16

CHUNK = 128
E_T = N_EDGES // NS
N_SEG = 5
E_SEG = E_T // N_SEG
N_GRP = E_SEG // L
C_CAP = -(-E_SEG // CHUNK)
RH = 5120
DUMP = RH
RS = RH + CHUNK
RPT = RS // NS
R_PAD = NC * RH



_mesh = plsc.VectorSubcoreMesh(
    core_axis_name="c", subcore_axis_name="s", num_cores=NC, num_subcores=NS)


@functools.partial(
    pl.kernel,
    out_type=[
        jax.ShapeDtypeStruct((NC, RS, D_FEAT), jnp.float32),
        jax.ShapeDtypeStruct((NC, NS, RS), jnp.float32),
    ],
    mesh=_mesh,
    compiler_params=pltpu.CompilerParams(needs_layout_passes=False),
    scratch_types=[
        pltpu.VMEM((N_NODES,), jnp.int32),
        pltpu.VMEM((BATCH_NODES,), jnp.int32),
        pltpu.VMEM((E_SEG,), jnp.int32),
        pltpu.VMEM((E_SEG,), jnp.int32),
        pltpu.VMEM((E_SEG,), jnp.int32),
        pltpu.VMEM((E_SEG,), jnp.int32),
        pltpu.VMEM((C_CAP, CHUNK), jnp.int32),
        pltpu.VMEM((C_CAP, CHUNK), jnp.int32),
        pltpu.VMEM((RS,), jnp.float32),
        pltpu.VMEM((2, CHUNK, D_FEAT), jnp.float32),
        pltpu.VMEM_SHARED((RS, D_FEAT), jnp.float32),
        pltpu.SemaphoreType.DMA,
        pltpu.SemaphoreType.DMA,
        pltpu.SemaphoreType.DMA,
        pltpu.SemaphoreType.DMA,
        pltpu.SemaphoreType.DMA,
    ],
)
def _sc_aggregate(src_hbm, dst_hbm, cn_hbm, x_hbm, acc_out, deg_out,
                  sel_v, cn_v, src_e0, src_e1, dst_e0, dst_e1,
                  comp_src, comp_dst,
                  degl, rowbuf, acc_sh,
                  sem_s0, sem_s1, sem_g0, sem_g1, sem_z):
    cid = lax.axis_index("c")
    sid = lax.axis_index("s")

    zero16 = jnp.zeros((L,), jnp.float32)
    ones16 = jnp.ones((L,), jnp.float32)
    iota16 = lax.iota(jnp.int32, L)
    sem_s = (sem_s0, sem_s1)
    sem_g = (sem_g0, sem_g1)
    src_e = (src_e0, src_e1)
    dst_e = (dst_e0, dst_e1)

    @plsc.parallel_loop(0, CHUNK, unroll=4)
    def _fill(i):
        for j in range(D_FEAT // L):
            rowbuf[0, i, pl.ds(j * L, L)] = zero16

    row0 = sid * RPT
    zsegs = ((0, CHUNK), (CHUNK, CHUNK), (2 * CHUNK, RPT - 2 * CHUNK))
    for k0, sz in zsegs:
        pltpu.async_copy(rowbuf.at[0, pl.ds(0, sz)],
                         acc_sh.at[pl.ds(row0 + k0, sz)], sem_z)

    e0 = sid * E_T
    pltpu.async_copy(src_hbm.at[pl.ds(e0, E_SEG)], src_e[0], sem_s[0])
    pltpu.async_copy(dst_hbm.at[pl.ds(e0, E_SEG)], dst_e[0], sem_s[0])

    @plsc.parallel_loop(0, RS // L, unroll=4)
    def _dz(i):
        degl[pl.ds(i * L, L)] = zero16

    @plsc.parallel_loop(0, N_NODES // L, unroll=4)
    def _selz(i):
        sel_v[pl.ds(i * L, L)] = jnp.zeros((L,), jnp.int32)

    pltpu.sync_copy(cn_hbm, cn_v)

    @plsc.parallel_loop(0, BATCH_NODES // L, unroll=4)
    def _sels(i):
        plsc.store_scatter(sel_v, [cn_v[pl.ds(i * L, L)]],
                           jnp.ones((L,), jnp.int32),
                           mask=jnp.full((L,), True))

    dump16 = jnp.full((L,), DUMP, jnp.int32)

    for seg in range(N_SEG):
        pb = seg % 2
        pltpu.make_async_copy(src_hbm.at[pl.ds(e0 + seg * E_SEG, E_SEG)],
                              src_e[pb], sem_s[pb]).wait()
        pltpu.make_async_copy(dst_hbm.at[pl.ds(e0 + seg * E_SEG, E_SEG)],
                              dst_e[pb], sem_s[pb]).wait()
        if seg + 1 < N_SEG:
            off = e0 + (seg + 1) * E_SEG
            nb = (seg + 1) % 2
            pltpu.async_copy(src_hbm.at[pl.ds(off, E_SEG)],
                             src_e[nb], sem_s[nb])
            pltpu.async_copy(dst_hbm.at[pl.ds(off, E_SEG)],
                             dst_e[nb], sem_s[nb])

        @plsc.parallel_loop(0, N_GRP, unroll=4,
                            carry=jnp.zeros((L,), jnp.int32))
        def _grp(i, cur):
            s16 = src_e[pb][pl.ds(i * L, L)]
            d16 = dst_e[pb][pl.ds(i * L, L)]
            selv = plsc.load_gather(sel_v, [d16])
            dloc = d16 - cid * RH
            m = (selv > 0) & (dloc >= 0) & (dloc < RH)
            inc = plsc.cumsum(m.astype(jnp.int32))
            pos = cur + inc - 1
            plsc.store_scatter(comp_src, [pos >> 7, pos & (CHUNK - 1)],
                               s16, mask=m)
            plsc.store_scatter(comp_dst, [pos >> 7, pos & (CHUNK - 1)],
                               dloc, mask=m)
            plsc.addupdate_scatter(degl, [dloc], ones16, mask=m)
            return cur + plsc.all_reduce_population_count(m)

        cnt_v = _grp

        cend_v = (cnt_v + CHUNK - 1) & ~(CHUNK - 1)
        for g in range(CHUNK // L):
            p = cnt_v + g * L + iota16
            mm = p < cend_v
            plsc.store_scatter(comp_src, [p >> 7, p & (CHUNK - 1)],
                               jnp.zeros((L,), jnp.int32), mask=mm)
            plsc.store_scatter(comp_dst, [p >> 7, p & (CHUNK - 1)],
                               dump16, mask=mm)
        nch = jnp.max(cend_v) >> 7

        if seg == 0:
            for k0, sz in zsegs:
                pltpu.make_async_copy(
                    rowbuf.at[0, pl.ds(0, sz)],
                    acc_sh.at[pl.ds(row0 + k0, sz)], sem_z).wait()

            plsc.subcore_barrier()

        @pl.when(nch > 0)
        def _prologue():
            pltpu.async_copy(x_hbm.at[comp_src.at[0]], rowbuf.at[0],
                             sem_g[0])

        def _chunk(j, c):
            b = j & 1

            @pl.when(j + 1 < nch)
            def _fire_next():
                for nb in range(2):
                    @pl.when((1 - b) == nb)
                    def _():
                        pltpu.async_copy(x_hbm.at[comp_src.at[j + 1]],
                                         rowbuf.at[nb], sem_g[nb])

            for bb in range(2):
                @pl.when(b == bb)
                def _():
                    pltpu.make_async_copy(x_hbm.at[comp_src.at[j]],
                                          rowbuf.at[bb], sem_g[bb]).wait()
                    pltpu.sync_copy(rowbuf.at[bb],
                                    acc_sh.at[comp_dst.at[j]], add=True)
            return c

        lax.fori_loop(0, nch, _chunk, 0)

    pltpu.sync_copy(degl, deg_out.at[cid, sid])
    plsc.subcore_barrier()
    pltpu.sync_copy(acc_sh.at[pl.ds(row0, RPT)],
                    acc_out.at[cid, pl.ds(row0, RPT)])


_RB = 1024
_NB = RH // _RB


def _tc_dense_body(acc_ref, deg_ref, wg_ref, bg_ref, wf_ref, bf_ref, out_ref):
    a = acc_ref[0]
    d = jnp.sum(deg_ref[0], axis=1, keepdims=True)
    e = jnp.maximum(
        jnp.dot(a / jnp.maximum(d, 1.0), wg_ref[...],
                preferred_element_type=jnp.float32)
        + bg_ref[...][None, :], 0.0)
    f = (jnp.dot(e, wf_ref[...], preferred_element_type=jnp.float32)
         + bf_ref[...][None, :])
    out_ref[...] = jnp.concatenate(
        [f, jnp.zeros((_RB, D_FEAT - MAX_COLORS), jnp.float32)], axis=1)


def _tc_dense(acc, deg, W_gnn, b_gnn, W_fc, b_fc):
    return pl.pallas_call(
        _tc_dense_body,
        grid=(NC * _NB,),
        in_specs=[
            pl.BlockSpec((1, _RB, D_FEAT), lambda i: (i // _NB, i % _NB, 0)),
            pl.BlockSpec((1, _RB, NS), lambda i: (i // _NB, i % _NB, 0)),
            pl.BlockSpec((D_FEAT, HIDDEN_DIM), lambda i: (0, 0)),
            pl.BlockSpec((HIDDEN_DIM,), lambda i: (0,)),
            pl.BlockSpec((HIDDEN_DIM, MAX_COLORS), lambda i: (0, 0)),
            pl.BlockSpec((MAX_COLORS,), lambda i: (0,)),
        ],
        out_specs=pl.BlockSpec((_RB, D_FEAT), lambda i: (i, 0)),
        out_shape=jax.ShapeDtypeStruct((R_PAD, D_FEAT), jnp.float32),
    )(acc, deg.transpose(0, 2, 1), W_gnn, b_gnn, W_fc, b_fc)


_B_W = BATCH_NODES // (NC * NS)


@functools.partial(
    pl.kernel,
    out_type=jax.ShapeDtypeStruct((BATCH_NODES, D_FEAT), jnp.float32),
    mesh=_mesh,
    compiler_params=pltpu.CompilerParams(needs_layout_passes=False),
    scratch_types=[
        pltpu.VMEM((_B_W,), jnp.int32),
        pltpu.VMEM((_B_W, D_FEAT), jnp.float32),
        pltpu.SemaphoreType.DMA,
    ],
)
def _sc_select(f_hbm, cn_hbm, out_hbm, idx_v, rows_v, sem):
    wid = lax.axis_index("c") * NS + lax.axis_index("s")
    base = wid * _B_W
    pltpu.sync_copy(cn_hbm.at[pl.ds(base, _B_W)], idx_v)
    pltpu.async_copy(f_hbm.at[idx_v], rows_v, sem).wait()
    pltpu.sync_copy(rows_v, out_hbm.at[pl.ds(base, _B_W)])


def kernel(x, edge_index, current_node, W_gnn, b_gnn, W_fc, b_fc):
    acc, deg = _sc_aggregate(edge_index[0], edge_index[1], current_node, x)
    logits = _tc_dense(acc, deg, W_gnn, b_gnn, W_fc, b_fc)
    return _sc_select(logits, current_node)[:, :MAX_COLORS]

# --- scband reference (transcript-rebuilt; emitter-appended) ---
"""Pipeline reference for scband-qnetwork-42356967473291 (READ-ONLY COPY).

The authoritative reference and input builder live on the scoring server;
editing this copy changes nothing except your own understanding.
"""

import jax, jax.numpy as jnp
import numpy as np

N_NODES = 10000
N_EDGES = 320000
D_FEAT = 128
HIDDEN_DIM = 128
MAX_COLORS = 16
BATCH_NODES = 1024


def setup_inputs(seed: int = 0) -> dict:
    key = jax.random.key(seed)
    k1, k2, k3, k4, k5 = jax.random.split(key, 5)
    x = jax.random.normal(k1, (N_NODES, D_FEAT), dtype=jnp.float32)
    edge_index = jax.random.randint(k2, (2, N_EDGES), 0, N_NODES, dtype=jnp.int32)
    current_node = jax.random.randint(k3, (BATCH_NODES,), 0, N_NODES, dtype=jnp.int32)
    W_gnn = jax.random.normal(k4, (D_FEAT, HIDDEN_DIM), dtype=jnp.float32) * 0.05
    b_gnn = jnp.zeros((HIDDEN_DIM,), dtype=jnp.float32)
    W_fc = jax.random.normal(k5, (HIDDEN_DIM, MAX_COLORS), dtype=jnp.float32) * 0.05
    b_fc = jnp.zeros((MAX_COLORS,), dtype=jnp.float32)
    return {"x": x, "edge_index": edge_index, "current_node": current_node,
            "W_gnn": W_gnn, "b_gnn": b_gnn, "W_fc": W_fc, "b_fc": b_fc}


def reference(x, edge_index, current_node, W_gnn, b_gnn, W_fc, b_fc):
    # gnn: single GCN-style layer with mean aggregation over incoming edges
    src = edge_index[0]
    dst = edge_index[1]
    msgs = x[src]  # gather: [E, D]
    agg = jax.ops.segment_sum(msgs, dst, num_segments=N_NODES)  # scatter-add: [N, D]
    deg = jax.ops.segment_sum(jnp.ones((N_EDGES,), dtype=jnp.float32), dst, num_segments=N_NODES)
    agg = agg / jnp.clip(deg, 1.0)[:, None]  # mean aggregation
    embeddings = jax.nn.relu(agg @ W_gnn + b_gnn)  # [N, H]
    # self.fc(embeddings[current_node])
    sel = embeddings[current_node]  # gather: [B, H]
    return sel @ W_fc + b_fc  # [B, max_colors]

if __name__ == "__main__":
    import jax
    _d = setup_inputs()
    print(jax.jit(kernel)(*tuple(_d.values())))

</pallas_src>

<mosaic_0001>
#map = affine_map<(d0, d1) -> (0, 0)>
#map1 = affine_map<(d0, d1) -> (0)>
module attributes {stable_mosaic.version = 14 : i64} {
  func.func @_sc_select(%arg0: i32, %arg1: i32, %arg2: memref<10240x128xf32, #tpu.memory_space<hbm>>, %arg3: memref<1024xi32, #tpu.memory_space<hbm>>, %arg4: memref<1024x128xf32, #tpu.memory_space<hbm>>, %arg5: memref<32xi32, #tpu.memory_space<vmem>>, %arg6: memref<32x128xf32, #tpu.memory_space<vmem>>, %arg7: memref<!tpu.dma_semaphore, #tpu.memory_space<semaphore_mem>>) attributes {dimension_semantics = [#tpu.dimension_semantics<core_parallel>, #tpu.dimension_semantics<subcore_parallel>], iteration_bounds = array<i64: 2, 16>, scalar_prefetch = 0 : i64, scratch_operands = 3 : i64, tpu.core_type = #tpu.core_type<sc_vector_subcore>, window_params = [{transform_indices = #map}, {transform_indices = #map1}, {transform_indices = #map}]} {
    %mul3A = arith.constant 16 : i32
    %mul3A_0 = arith.muli %arg0, %mul3A : i32
    %add3A = arith.addi %mul3A_0, %arg1 : i32
    %mul3A_1 = arith.constant 32 : i32
    %mul3A_2 = arith.muli %add3A, %mul3A_1 : i32
    "tpu.region"() ({
      %run_scoped3A = tpu.sem_alloc : memref<!tpu.dma_semaphore, #tpu.memory_space<semaphore_mem>>
      %dma_start3A_7 = tpu.memref_slice %arg3[%mul3A_2] : memref<1024xi32, #tpu.memory_space<hbm>> -> memref<32xi32, #tpu.memory_space<hbm>>
      %dma_start3A_8 = tpu.memref_slice %arg3[%mul3A_2] : memref<1024xi32, #tpu.memory_space<hbm>> -> memref<32xi32, #tpu.memory_space<hbm>>
      tpu.enqueue_dma source(%dma_start3A_8 : memref<32xi32, #tpu.memory_space<hbm>>) target(%arg5 : memref<32xi32, #tpu.memory_space<vmem>>) target_semaphore(%run_scoped3A : memref<!tpu.dma_semaphore, #tpu.memory_space<semaphore_mem>>)
      %dma_wait3A_9 = tpu.memref_slice %arg3[%mul3A_2] : memref<1024xi32, #tpu.memory_space<hbm>> -> memref<32xi32, #tpu.memory_space<hbm>>
      %dma_wait3A_10 = tpu.memref_slice %arg3[%mul3A_2] : memref<1024xi32, #tpu.memory_space<hbm>> -> memref<32xi32, #tpu.memory_space<hbm>>
      tpu.wait_dma2 semaphore(%run_scoped3A : memref<!tpu.dma_semaphore, #tpu.memory_space<semaphore_mem>>) src(%dma_wait3A_10 : memref<32xi32, #tpu.memory_space<hbm>>) dst(%arg5 : memref<32xi32, #tpu.memory_space<vmem>>)
      tpu.yield
    }) : () -> ()
    %dma_start3A = arith.constant 0 : i32
    %dma_start3A_3 = arith.constant 0 : i32
    %dma_start3A_4 = tpu.memref_slice %arg2[%dma_start3A, %dma_start3A_3] : memref<10240x128xf32, #tpu.memory_space<hbm>> -> memref<10240x128xf32, #tpu.memory_space<hbm>>
    tpu.enqueue_indirect_dma source(%dma_start3A_4 : memref<10240x128xf32, #tpu.memory_space<hbm>>) target(%arg6 : memref<32x128xf32, #tpu.memory_space<vmem>>) offsets(%arg5 : memref<32xi32, #tpu.memory_space<vmem>>) semaphore(%arg7 : memref<!tpu.dma_semaphore, #tpu.memory_space<semaphore_mem>>)
    %dma_wait3A = arith.constant 0 : i32
    %dma_wait3A_5 = arith.constant 0 : i32
    %dma_wait3A_6 = tpu.memref_slice %arg2[%dma_wait3A, %dma_wait3A_5] : memref<10240x128xf32, #tpu.memory_space<hbm>> -> memref<10240x128xf32, #tpu.memory_space<hbm>>
    tpu.wait_indirect_dma semaphore(%arg7 : memref<!tpu.dma_semaphore, #tpu.memory_space<semaphore_mem>>) src(%dma_wait3A_6 : memref<10240x128xf32, #tpu.memory_space<hbm>>) dst(%arg6 : memref<32x128xf32, #tpu.memory_space<vmem>>)
    "tpu.region"() ({
      %run_scoped3A = tpu.sem_alloc : memref<!tpu.dma_semaphore, #tpu.memory_space<semaphore_mem>>
      %dma_start3A_7 = arith.constant 0 : i32
      %dma_start3A_8 = tpu.memref_slice %arg4[%mul3A_2, %dma_start3A_7] : memref<1024x128xf32, #tpu.memory_space<hbm>> -> memref<32x128xf32, #tpu.memory_space<hbm>>
      %dma_start3A_9 = arith.constant 0 : i32
      %dma_start3A_10 = tpu.memref_slice %arg4[%mul3A_2, %dma_start3A_9] : memref<1024x128xf32, #tpu.memory_space<hbm>> -> memref<32x128xf32, #tpu.memory_space<hbm>>
      tpu.enqueue_dma source(%arg6 : memref<32x128xf32, #tpu.memory_space<vmem>>) target(%dma_start3A_10 : memref<32x128xf32, #tpu.memory_space<hbm>>) target_semaphore(%run_scoped3A : memref<!tpu.dma_semaphore, #tpu.memory_space<semaphore_mem>>)
      %dma_wait3A_11 = arith.constant 0 : i32
      %dma_wait3A_12 = tpu.memref_slice %arg4[%mul3A_2, %dma_wait3A_11] : memref<1024x128xf32, #tpu.memory_space<hbm>> -> memref<32x128xf32, #tpu.memory_space<hbm>>
      %dma_wait3A_13 = arith.constant 0 : i32
      %dma_wait3A_14 = tpu.memref_slice %arg4[%mul3A_2, %dma_wait3A_13] : memref<1024x128xf32, #tpu.memory_space<hbm>> -> memref<32x128xf32, #tpu.memory_space<hbm>>
      tpu.wait_dma2 semaphore(%run_scoped3A : memref<!tpu.dma_semaphore, #tpu.memory_space<semaphore_mem>>) src(%arg6 : memref<32x128xf32, #tpu.memory_space<vmem>>) dst(%dma_wait3A_14 : memref<32x128xf32, #tpu.memory_space<hbm>>)
      tpu.yield
    }) : () -> ()
    return
  }
}

#map = affine_map<(d0, d1) -> (0)>
#map1 = affine_map<(d0, d1) -> (0, 0)>
#map2 = affine_map<(d0, d1) -> (0, 0, 0)>
module attributes {stable_mosaic.version = 14 : i64} {
  func.func @_sc_aggregate(%arg0: i32, %arg1: i32, %arg2: memref<320000xi32, #tpu.memory_space<hbm>>, %arg3: memref<320000xi32, #tpu.memory_space<hbm>>, %arg4: memref<1024xi32, #tpu.memory_space<hbm>>, %arg5: memref<10000x128xf32, #tpu.memory_space<hbm>>, %arg6: memref<2x5248x128xf32, #tpu.memory_space<hbm>>, %arg7: memref<2x16x5248xf32, #tpu.memory_space<hbm>>, %arg8: memref<10000xi32, #tpu.memory_space<vmem>>, %arg9: memref<1024xi32, #tpu.memory_space<vmem>>, %arg10: memref<4000xi32, #tpu.memory_space<vmem>>, %arg11: memref<4000xi32, #tpu.memory_space<vmem>>, %arg12: memref<4000xi32, #tpu.memory_space<vmem>>, %arg13: memref<4000xi32, #tpu.memory_space<vmem>>, %arg14: memref<32x128xi32, #tpu.memory_space<vmem>>, %arg15: memref<32x128xi32, #tpu.memory_space<vmem>>, %arg16: memref<5248xf32, #tpu.memory_space<vmem>>, %arg17: memref<2x128x128xf32, #tpu.memory_space<vmem>>, %arg18: memref<5248x128xf32, #tpu.memory_space<vmem_shared>>, %arg19: memref<!tpu.dma_semaphore, #tpu.memory_space<semaphore_mem>>, %arg20: memref<!tpu.dma_semaphore, #tpu.memory_space<semaphore_mem>>, %arg21: memref<!tpu.dma_semaphore, #tpu.memory_space<semaphore_mem>>, %arg22: memref<!tpu.dma_semaphore, #tpu.memory_space<semaphore_mem>>, %arg23: memref<!tpu.dma_semaphore, #tpu.memory_space<semaphore_mem>>) attributes {dimension_semantics = [#tpu.dimension_semantics<core_parallel>, #tpu.dimension_semantics<subcore_parallel>], iteration_bounds = array<i64: 2, 16>, scalar_prefetch = 0 : i64, scratch_operands = 16 : i64, tpu.core_type = #tpu.core_type<sc_vector_subcore>, window_params = [{transform_indices = #map}, {transform_indices = #map}, {transform_indices = #map}, {transform_indices = #map1}, {transform_indices = #map2}, {transform_indices = #map2}]} {
    %broadcast_in_dim3A = arith.constant 0.000000e+00 : f32
    %broadcast_in_dim3A_0 = vector.broadcast %broadcast_in_dim3A : f32 to vector<16xf32>
    %broadcast_in_dim3A_1 = arith.constant 1.000000e+00 : f32
    %broadcast_in_dim3A_2 = vector.broadcast %broadcast_in_dim3A_1 : f32 to vector<16xf32>
    %iota3A = tpu.iota {dimensions = array<i32: 0>} : vector<16xi32>
    %parallel_loop3A = arith.constant 0 : i32
    %parallel_loop3A_3 = arith.constant 128 : i32
    %parallel_loop3A_4 = arith.constant 1 : i32
    scf.for %parallel_loop3A_1126 = %parallel_loop3A to %parallel_loop3A_3 step %parallel_loop3A_4  : i32 {
      %parallel_loop3A_1127 = arith.constant 0 : i32
      %parallel_loop3A_1128 = arith.index_cast %parallel_loop3A_1127 : i32 to index
      %parallel_loop3A_1129 = arith.index_cast %parallel_loop3A_1126 : i32 to index
      %parallel_loop3A_1130 = arith.constant 0 : index
      %parallel_loop3A_1131 = tpu.vector_load %arg17[%parallel_loop3A_1128, %parallel_loop3A_1129, %parallel_loop3A_1130] {strides = array<i32>} : memref<2x128x128xf32, #tpu.memory_space<vmem>>, vector<16xf32>,
      tpu.vector_store %arg17[%parallel_loop3A_1128, %parallel_loop3A_1129, %parallel_loop3A_1130], %broadcast_in_dim3A_0 {strides = array<i32>} : memref<2x128x128xf32, #tpu.memory_space<vmem>>, vector<16xf32>,
      %parallel_loop3A_1132 = arith.constant 0 : i32
      %parallel_loop3A_1133 = arith.index_cast %parallel_loop3A_1132 : i32 to index
      %parallel_loop3A_1134 = arith.index_cast %parallel_loop3A_1126 : i32 to index
      %parallel_loop3A_1135 = arith.constant 16 : index
      %parallel_loop3A_1136 = tpu.vector_load %arg17[%parallel_loop3A_1133, %parallel_loop3A_1134, %parallel_loop3A_1135] {strides = array<i32>} : memref<2x128x128xf32, #tpu.memory_space<vmem>>, vector<16xf32>,
      tpu.vector_store %arg17[%parallel_loop3A_1133, %parallel_loop3A_1134, %parallel_loop3A_1135], %broadcast_in_dim3A_0 {strides = array<i32>} : memref<2x128x128xf32, #tpu.memory_space<vmem>>, vector<16xf32>,
      %parallel_loop3A_1137 = arith.constant 0 : i32
      %parallel_loop3A_1138 = arith.index_cast %parallel_loop3A_1137 : i32 to index
      %parallel_loop3A_1139 = arith.index_cast %parallel_loop3A_1126 : i32 to index
      %parallel_loop3A_1140 = arith.constant 32 : index
      %parallel_loop3A_1141 = tpu.vector_load %arg17[%parallel_loop3A_1138, %parallel_loop3A_1139, %parallel_loop3A_1140] {strides = array<i32>} : memref<2x128x128xf32, #tpu.memory_space<vmem>>, vector<16xf32>,
      tpu.vector_store %arg17[%parallel_loop3A_1138, %parallel_loop3A_1139, %parallel_loop3A_1140], %broadcast_in_dim3A_0 {strides = array<i32>} : memref<2x128x128xf32, #tpu.memory_space<vmem>>, vector<16xf32>,
      %parallel_loop3A_1142 = arith.constant 0 : i32
      %parallel_loop3A_1143 = arith.index_cast %parallel_loop3A_1142 : i32 to index
      %parallel_loop3A_1144 = arith.index_cast %parallel_loop3A_1126 : i32 to index
      %parallel_loop3A_1145 = arith.constant 48 : index
      %parallel_loop3A_1146 = tpu.vector_load %arg17[%parallel_loop3A_1143, %parallel_loop3A_1144, %parallel_loop3A_1145] {strides = array<i32>} : memref<2x128x128xf32, #tpu.memory_space<vmem>>, vector<16xf32>,
      tpu.vector_store %arg17[%parallel_loop3A_1143, %parallel_loop3A_1144, %parallel_loop3A_1145], %broadcast_in_dim3A_0 {strides = array<i32>} : memref<2x128x128xf32, #tpu.memory_space<vmem>>, vector<16xf32>,
      %parallel_loop3A_1147 = arith.constant 0 : i32
      %parallel_loop3A_1148 = arith.index_cast %parallel_loop3A_1147 : i32 to index
      %parallel_loop3A_1149 = arith.index_cast %parallel_loop3A_1126 : i32 to index
      %parallel_loop3A_1150 = arith.constant 64 : index
      %parallel_loop3A_1151 = tpu.vector_load %arg17[%parallel_loop3A_1148, %parallel_loop3A_1149, %parallel_loop3A_1150] {strides = array<i32>} : memref<2x128x128xf32, #tpu.memory_space<vmem>>, vector<16xf32>,
      tpu.vector_store %arg17[%parallel_loop3A_1148, %parallel_loop3A_1149, %parallel_loop3A_1150], %broadcast_in_dim3A_0 {strides = array<i32>} : memref<2x128x128xf32, #tpu.memory_space<vmem>>, vector<16xf32>,
      %parallel_loop3A_1152 = arith.constant 0 : i32
      %parallel_loop3A_1153 = arith.index_cast %parallel_loop3A_1152 : i32 to index
      %parallel_loop3A_1154 = arith.index_cast %parallel_loop3A_1126 : i32 to index
      %parallel_loop3A_1155 = arith.constant 80 : index
      %parallel_loop3A_1156 = tpu.vector_load %arg17[%parallel_loop3A_1153, %parallel_loop3A_1154, %parallel_loop3A_1155] {strides = array<i32>} : memref<2x128x128xf32, #tpu.memory_space<vmem>>, vector<16xf32>,
      tpu.vector_store %arg17[%parallel_loop3A_1153, %parallel_loop3A_1154, %parallel_loop3A_1155], %broadcast_in_dim3A_0 {strides = array<i32>} : memref<2x128x128xf32, #tpu.memory_space<vmem>>, vector<16xf32>,
      %parallel_loop3A_1157 = arith.constant 0 : i32
      %parallel_loop3A_1158 = arith.index_cast %parallel_loop3A_1157 : i32 to index
      %parallel_loop3A_1159 = arith.index_cast %parallel_loop3A_1126 : i32 to index
      %parallel_loop3A_1160 = arith.constant 96 : index
      %parallel_loop3A_1161 = tpu.vector_load %arg17[%parallel_loop3A_1158, %parallel_loop3A_1159, %parallel_loop3A_1160] {strides = array<i32>} : memref<2x128x128xf32, #tpu.memory_space<vmem>>, vector<16xf32>,
      tpu.vector_store %arg17[%parallel_loop3A_1158, %parallel_loop3A_1159, %parallel_loop3A_1160], %broadcast_in_dim3A_0 {strides = array<i32>} : memref<2x128x128xf32, #tpu.memory_space<vmem>>, vector<16xf32>,
      %parallel_loop3A_1162 = arith.constant 0 : i32
      %parallel_loop3A_1163 = arith.index_cast %parallel_loop3A_1162 : i32 to index
      %parallel_loop3A_1164 = arith.index_cast %parallel_loop3A_1126 : i32 to index
      %parallel_loop3A_1165 = arith.constant 112 : index
      %parallel_loop3A_1166 = tpu.vector_load %arg17[%parallel_loop3A_1163, %parallel_loop3A_1164, %parallel_loop3A_1165] {strides = array<i32>} : memref<2x128x128xf32, #tpu.memory_space<vmem>>, vector<16xf32>,
      tpu.vector_store %arg17[%parallel_loop3A_1163, %parallel_loop3A_1164, %parallel_loop3A_1165], %broadcast_in_dim3A_0 {strides = array<i32>} : memref<2x128x128xf32, #tpu.memory_space<vmem>>, vector<16xf32>,
    } {sc.loop_unroll_factor = 4 : i64, sc.parallel_access}
    %mul3A = arith.constant 328 : i32
    %mul3A_5 = arith.muli %arg1, %mul3A : i32
    %add3A = arith.constant 0 : i32
    %add3A_6 = arith.addi %mul3A_5, %add3A : i32
    %dma_start3A = arith.constant 0 : i32
    %dma_start3A_7 = arith.constant 0 : i32
    %dma_start3A_8 = arith.constant 0 : i32
    %dma_start3A_9 = tpu.memref_slice %arg17[%dma_start3A, %dma_start3A_7, %dma_start3A_8] : memref<2x128x128xf32, #tpu.memory_space<vmem>> -> memref<1x128x128xf32, #tpu.memory_space<vmem>>
    %dma_start3A_10 = tpu.memref_squeeze %dma_start3A_9 : memref<1x128x128xf32, #tpu.memory_space<vmem>> -> memref<128x128xf32, #tpu.memory_space<vmem>>
    %dma_start3A_11 = arith.constant 0 : i32
    %dma_start3A_12 = tpu.memref_slice %arg18[%add3A_6, %dma_start3A_11] : memref<5248x128xf32, #tpu.memory_space<vmem_shared>> -> memref<128x128xf32, #tpu.memory_space<vmem_shared>>
    %dma_start3A_13 = arith.constant 0 : i32
    %dma_start3A_14 = tpu.memref_slice %arg18[%add3A_6, %dma_start3A_13] : memref<5248x128xf32, #tpu.memory_space<vmem_shared>> -> memref<128x128xf32, #tpu.memory_space<vmem_shared>>
    %dma_start3A_15 = arith.constant 0 : i32
    %dma_start3A_16 = arith.constant 0 : i32
    %dma_start3A_17 = tpu.memref_slice %arg17[%dma_start3A, %dma_start3A_15, %dma_start3A_16] : memref<2x128x128xf32, #tpu.memory_space<vmem>> -> memref<1x128x128xf32, #tpu.memory_space<vmem>>
    %dma_start3A_18 = tpu.memref_squeeze %dma_start3A_17 : memref<1x128x128xf32, #tpu.memory_space<vmem>> -> memref<128x128xf32, #tpu.memory_space<vmem>>
    tpu.enqueue_dma source(%dma_start3A_18 : memref<128x128xf32, #tpu.memory_space<vmem>>) target(%dma_start3A_14 : memref<128x128xf32, #tpu.memory_space<vmem_shared>>) target_semaphore(%arg23 : memref<!tpu.dma_semaphore, #tpu.memory_space<semaphore_mem>>)
    %add3A_19 = arith.constant 128 : i32
    %add3A_20 = arith.addi %mul3A_5, %add3A_19 : i32
    %dma_start3A_21 = arith.constant 0 : i32
    %dma_start3A_22 = arith.constant 0 : i32
    %dma_start3A_23 = arith.constant 0 : i32
    %dma_start3A_24 = tpu.memref_slice %arg17[%dma_start3A_21, %dma_start3A_22, %dma_start3A_23] : memref<2x128x128xf32, #tpu.memory_space<vmem>> -> memref<1x128x128xf32, #tpu.memory_space<vmem>>
    %dma_start3A_25 = tpu.memref_squeeze %dma_start3A_24 : memref<1x128x128xf32, #tpu.memory_space<vmem>> -> memref<128x128xf32, #tpu.memory_space<vmem>>
    %dma_start3A_26 = arith.constant 0 : i32
    %dma_start3A_27 = tpu.memref_slice %arg18[%add3A_20, %dma_start3A_26] : memref<5248x128xf32, #tpu.memory_space<vmem_shared>> -> memref<128x128xf32, #tpu.memory_space<vmem_shared>>
    %dma_start3A_28 = arith.constant 0 : i32
    %dma_start3A_29 = tpu.memref_slice %arg18[%add3A_20, %dma_start3A_28] : memref<5248x128xf32, #tpu.memory_space<vmem_shared>> -> memref<128x128xf32, #tpu.memory_space<vmem_shared>>
    %dma_start3A_30 = arith.constant 0 : i32
    %dma_start3A_31 = arith.constant 0 : i32
    %dma_start3A_32 = tpu.memref_slice %arg17[%dma_start3A_21, %dma_start3A_30, %dma_start3A_31] : memref<2x128x128xf32, #tpu.memory_space<vmem>> -> memref<1x128x128xf32, #tpu.memory_space<vmem>>
    %dma_start3A_33 = tpu.memref_squeeze %dma_start3A_32 : memref<1x128x128xf32, #tpu.memory_space<vmem>> -> memref<128x128xf32, #tpu.memory_space<vmem>>
    tpu.enqueue_dma source(%dma_start3A_33 : memref<128x128xf32, #tpu.memory_space<vmem>>) target(%dma_start3A_29 : memref<128x128xf32, #tpu.memory_space<vmem_shared>>) target_semaphore(%arg23 : memref<!tpu.dma_semaphore, #tpu.memory_space<semaphore_mem>>)
    %add3A_34 = arith.constant 256 : i32
    %add3A_35 = arith.addi %mul3A_5, %add3A_34 : i32
    %dma_start3A_36 = arith.constant 0 : i32
    %dma_start3A_37 = arith.constant 0 : i32
    %dma_start3A_38 = arith.constant 0 : i32
    %dma_start3A_39 = tpu.memref_slice %arg17[%dma_start3A_36, %dma_start3A_37, %dma_start3A_38] : memref<2x128x128xf32, #tpu.memory_space<vmem>> -> memref<1x72x128xf32, #tpu.memory_space<vmem>>
    %dma_start3A_40 = tpu.memref_squeeze %dma_start3A_39 : memref<1x72x128xf32, #tpu.memory_space<vmem>> -> memref<72x128xf32, #tpu.memory_space<vmem>>
    %dma_start3A_41 = arith.constant 0 : i32
    %dma_start3A_42 = tpu.memref_slice %arg18[%add3A_35, %dma_start3A_41] : memref<5248x128xf32, #tpu.memory_space<vmem_shared>> -> memref<72x128xf32, #tpu.memory_space<vmem_shared>>
    %dma_start3A_43 = arith.constant 0 : i32
    %dma_start3A_44 = tpu.memref_slice %arg18[%add3A_35, %dma_start3A_43] : memref<5248x128xf32, #tpu.memory_space<vmem_shared>> -> memref<72x128xf32, #tpu.memory_space<vmem_shared>>
    %dma_start3A_45 = arith.constant 0 : i32
    %dma_start3A_46 = arith.constant 0 : i32
    %dma_start3A_47 = tpu.memref_slice %arg17[%dma_start3A_36, %dma_start3A_45, %dma_start3A_46] : memref<2x128x128xf32, #tpu.memory_space<vmem>> -> memref<1x72x128xf32, #tpu.memory_space<vmem>>
    %dma_start3A_48 = tpu.memref_squeeze %dma_start3A_47 : memref<1x72x128xf32, #tpu.memory_space<vmem>> -> memref<72x128xf32, #tpu.memory_space<vmem>>
    tpu.enqueue_dma source(%dma_start3A_48 : memref<72x128xf32, #tpu.memory_space<vmem>>) target(%dma_start3A_44 : memref<72x128xf32, #tpu.memory_space<vmem_shared>>) target_semaphore(%arg23 : memref<!tpu.dma_semaphore, #tpu.memory_space<semaphore_mem>>)
    %mul3A_49 = arith.constant 20000 : i32
    %mul3A_50 = arith.muli %arg1, %mul3A_49 : i32
    %dma_start3A_51 = tpu.memref_slice %arg2[%mul3A_50] : memref<320000xi32, #tpu.memory_space<hbm>> -> memref<4000xi32, #tpu.memory_space<hbm>>
    %dma_start3A_52 = tpu.memref_slice %arg2[%mul3A_50] : memref<320000xi32, #tpu.memory_space<hbm>> -> memref<4000xi32, #tpu.memory_space<hbm>>
    tpu.enqueue_dma source(%dma_start3A_52 : memref<4000xi32, #tpu.memory_space<hbm>>) target(%arg10 : memref<4000xi32, #tpu.memory_space<vmem>>) target_semaphore(%arg19 : memref<!tpu.dma_semaphore, #tpu.memory_space<semaphore_mem>>)
    %dma_start3A_53 = tpu.memref_slice %arg3[%mul3A_50] : memref<320000xi32, #tpu.memory_space<hbm>> -> memref<4000xi32, #tpu.memory_space<hbm>>
    %dma_start3A_54 = tpu.memref_slice %arg3[%mul3A_50] : memref<320000xi32, #tpu.memory_space<hbm>> -> memref<4000xi32, #tpu.memory_space<hbm>>
    tpu.enqueue_dma source(%dma_start3A_54 : memref<4000xi32, #tpu.memory_space<hbm>>) target(%arg12 : memref<4000xi32, #tpu.memory_space<vmem>>) target_semaphore(%arg19 : memref<!tpu.dma_semaphore, #tpu.memory_space<semaphore_mem>>)
    %parallel_loop3A_55 = arith.constant 0 : i32
    %parallel_loop3A_56 = arith.constant 328 : i32
    %parallel_loop3A_57 = arith.constant 1 : i32
    scf.for %parallel_loop3A_1126 = %parallel_loop3A_55 to %parallel_loop3A_56 step %parallel_loop3A_57  : i32 {
      %parallel_loop3A_1127 = arith.constant 16 : i32
      %parallel_loop3A_1128 = arith.muli %parallel_loop3A_1126, %parallel_loop3A_1127 : i32
      %parallel_loop3A_1129 = arith.index_cast %parallel_loop3A_1128 : i32 to index
      %parallel_loop3A_1130 = tpu.vector_load %arg16[%parallel_loop3A_1129] {strides = array<i32>} : memref<5248xf32, #tpu.memory_space<vmem>>, vector<16xf32>,
      tpu.vector_store %arg16[%parallel_loop3A_1129], %broadcast_in_dim3A_0 {strides = array<i32>} : memref<5248xf32, #tpu.memory_space<vmem>>, vector<16xf32>,
    } {sc.loop_unroll_factor = 4 : i64, sc.parallel_access}
    %parallel_loop3A_58 = arith.constant 0 : i32
    %parallel_loop3A_59 = arith.constant 625 : i32
    %parallel_loop3A_60 = arith.constant 1 : i32
    scf.for %parallel_loop3A_1126 = %parallel_loop3A_58 to %parallel_loop3A_59 step %parallel_loop3A_60  : i32 {
      %parallel_loop3A_1127 = arith.constant 0 : i32
      %parallel_loop3A_1128 = vector.broadcast %parallel_loop3A_1127 : i32 to vector<16xi32>
      %parallel_loop3A_1129 = arith.constant 16 : i32
      %parallel_loop3A_1130 = arith.muli %parallel_loop3A_1126, %parallel_loop3A_1129 : i32
      %parallel_loop3A_1131 = arith.index_cast %parallel_loop3A_1130 : i32 to index
      %parallel_loop3A_1132 = tpu.vector_load %arg8[%parallel_loop3A_1131] {strides = array<i32>} : memref<10000xi32, #tpu.memory_space<vmem>>, vector<16xi32>,
      tpu.vector_store %arg8[%parallel_loop3A_1131], %parallel_loop3A_1128 {strides = array<i32>} : memref<10000xi32, #tpu.memory_space<vmem>>, vector<16xi32>,
    } {sc.loop_unroll_factor = 4 : i64, sc.parallel_access}
    "tpu.region"() ({
      %run_scoped3A = tpu.sem_alloc : memref<!tpu.dma_semaphore, #tpu.memory_space<semaphore_mem>>
      tpu.enqueue_dma source(%arg4 : memref<1024xi32, #tpu.memory_space<hbm>>) target(%arg9 : memref<1024xi32, #tpu.memory_space<vmem>>) target_semaphore(%run_scoped3A : memref<!tpu.dma_semaphore, #tpu.memory_space<semaphore_mem>>)
      tpu.wait_dma2 semaphore(%run_scoped3A : memref<!tpu.dma_semaphore, #tpu.memory_space<semaphore_mem>>) src(%arg4 : memref<1024xi32, #tpu.memory_space<hbm>>) dst(%arg9 : memref<1024xi32, #tpu.memory_space<vmem>>)
      tpu.yield
    }) : () -> ()
    %parallel_loop3A_61 = arith.constant 0 : i32
    %parallel_loop3A_62 = arith.constant 64 : i32
    %parallel_loop3A_63 = arith.constant 1 : i32
    scf.for %parallel_loop3A_1126 = %parallel_loop3A_61 to %parallel_loop3A_62 step %parallel_loop3A_63  : i32 {
      %parallel_loop3A_1127 = arith.constant 16 : i32
      %parallel_loop3A_1128 = arith.muli %parallel_loop3A_1126, %parallel_loop3A_1127 : i32
      %parallel_loop3A_1129 = arith.index_cast %parallel_loop3A_1128 : i32 to index
      %parallel_loop3A_1130 = tpu.vector_load %arg9[%parallel_loop3A_1129] {strides = array<i32>} : memref<1024xi32, #tpu.memory_space<vmem>>, vector<16xi32>,
      %parallel_loop3A_1131 = arith.constant 1 : i32
      %parallel_loop3A_1132 = vector.broadcast %parallel_loop3A_1131 : i32 to vector<16xi32>
      %parallel_loop3A_1133 = arith.constant true
      %parallel_loop3A_1134 = vector.broadcast %parallel_loop3A_1133 : i1 to vector<16xi1>
      tpu.vector_store_idx %arg8[%parallel_loop3A_1130], %parallel_loop3A_1132 masked %parallel_loop3A_1134 : memref<10000xi32, #tpu.memory_space<vmem>>[vector<16xi32>], vector<16xi32>, vector<16xi1>
    } {sc.loop_unroll_factor = 4 : i64, sc.parallel_access}
    %broadcast_in_dim3A_64 = arith.constant 5120 : i32
    %broadcast_in_dim3A_65 = vector.broadcast %broadcast_in_dim3A_64 : i32 to vector<16xi32>
    %add3A_66 = arith.constant 0 : i32
    %add3A_67 = arith.addi %mul3A_50, %add3A_66 : i32
    %dma_wait3A = tpu.memref_slice %arg2[%add3A_67] : memref<320000xi32, #tpu.memory_space<hbm>> -> memref<4000xi32, #tpu.memory_space<hbm>>
    %dma_wait3A_68 = tpu.memref_slice %arg2[%add3A_67] : memref<320000xi32, #tpu.memory_space<hbm>> -> memref<4000xi32, #tpu.memory_space<hbm>>
    tpu.wait_dma2 semaphore(%arg19 : memref<!tpu.dma_semaphore, #tpu.memory_space<semaphore_mem>>) src(%dma_wait3A_68 : memref<4000xi32, #tpu.memory_space<hbm>>) dst(%arg10 : memref<4000xi32, #tpu.memory_space<vmem>>)
    %add3A_69 = arith.constant 0 : i32
    %add3A_70 = arith.addi %mul3A_50, %add3A_69 : i32
    %dma_wait3A_71 = tpu.memref_slice %arg3[%add3A_70] : memref<320000xi32, #tpu.memory_space<hbm>> -> memref<4000xi32, #tpu.memory_space<hbm>>
    %dma_wait3A_72 = tpu.memref_slice %arg3[%add3A_70] : memref<320000xi32, #tpu.memory_space<hbm>> -> memref<4000xi32, #tpu.memory_space<hbm>>
    tpu.wait_dma2 semaphore(%arg19 : memref<!tpu.dma_semaphore, #tpu.memory_space<semaphore_mem>>) src(%dma_wait3A_72 : memref<4000xi32, #tpu.memory_space<hbm>>) dst(%arg12 : memref<4000xi32, #tpu.memory_space<vmem>>)
    %add3A_73 = arith.constant 4000 : i32
    %add3A_74 = arith.addi %mul3A_50, %add3A_73 : i32
    %dma_start3A_75 = tpu.memref_slice %arg2[%add3A_74] : memref<320000xi32, #tpu.memory_space<hbm>> -> memref<4000xi32, #tpu.memory_space<hbm>>
    %dma_start3A_76 = tpu.memref_slice %arg2[%add3A_74] : memref<320000xi32, #tpu.memory_space<hbm>> -> memref<4000xi32, #tpu.memory_space<hbm>>
    tpu.enqueue_dma source(%dma_start3A_76 : memref<4000xi32, #tpu.memory_space<hbm>>) target(%arg11 : memref<4000xi32, #tpu.memory_space<vmem>>) target_semaphore(%arg20 : memref<!tpu.dma_semaphore, #tpu.memory_space<semaphore_mem>>)
    %dma_start3A_77 = tpu.memref_slice %arg3[%add3A_74] : memref<320000xi32, #tpu.memory_space<hbm>> -> memref<4000xi32, #tpu.memory_space<hbm>>
    %dma_start3A_78 = tpu.memref_slice %arg3[%add3A_74] : memref<320000xi32, #tpu.memory_space<hbm>> -> memref<4000xi32, #tpu.memory_space<hbm>>
    tpu.enqueue_dma source(%dma_start3A_78 : memref<4000xi32, #tpu.memory_space<hbm>>) target(%arg13 : memref<4000xi32, #tpu.memory_space<vmem>>) target_semaphore(%arg20 : memref<!tpu.dma_semaphore, #tpu.memory_space<semaphore_mem>>)
    %broadcast_in_dim3A_79 = arith.constant 0 : i32
    %broadcast_in_dim3A_80 = vector.broadcast %broadcast_in_dim3A_79 : i32 to vector<16xi32>
    %parallel_loop3A_81 = arith.constant 0 : i32
    %parallel_loop3A_82 = arith.constant 250 : i32
    %parallel_loop3A_83 = arith.constant 1 : i32
    %parallel_loop3A_84 = scf.for %parallel_loop3A_1126 = %parallel_loop3A_81 to %parallel_loop3A_82 step %parallel_loop3A_83 iter_args(%parallel_loop3A_1127 = %broadcast_in_dim3A_80) -> (vector<16xi32>)  : i32 {
      %parallel_loop3A_1128 = arith.constant 16 : i32
      %parallel_loop3A_1129 = arith.muli %parallel_loop3A_1126, %parallel_loop3A_1128 : i32
      %parallel_loop3A_1130 = arith.index_cast %parallel_loop3A_1129 : i32 to index
      %parallel_loop3A_1131 = tpu.vector_load %arg10[%parallel_loop3A_1130] {strides = array<i32>} : memref<4000xi32, #tpu.memory_space<vmem>>, vector<16xi32>,
      %parallel_loop3A_1132 = arith.constant 16 : i32
      %parallel_loop3A_1133 = arith.muli %parallel_loop3A_1126, %parallel_loop3A_1132 : i32
      %parallel_loop3A_1134 = arith.index_cast %parallel_loop3A_1133 : i32 to index
      %parallel_loop3A_1135 = tpu.vector_load %arg12[%parallel_loop3A_1134] {strides = array<i32>} : memref<4000xi32, #tpu.memory_space<vmem>>, vector<16xi32>,
      %parallel_loop3A_1136 = tpu.vector_load_idx %arg8[%parallel_loop3A_1135] : memref<10000xi32, #tpu.memory_space<vmem>>[vector<16xi32>], vector<16xi32>,
      %parallel_loop3A_1137 = arith.constant 5120 : i32
      %parallel_loop3A_1138 = arith.muli %arg0, %parallel_loop3A_1137 : i32
      %parallel_loop3A_1139 = vector.broadcast %parallel_loop3A_1138 : i32 to vector<16xi32>
      %parallel_loop3A_1140 = arith.subi %parallel_loop3A_1135, %parallel_loop3A_1139 : vector<16xi32>
      %parallel_loop3A_1141 = arith.constant 0 : i32
      %parallel_loop3A_1142 = vector.broadcast %parallel_loop3A_1141 : i32 to vector<16xi32>
      %parallel_loop3A_1143 = arith.cmpi sgt, %parallel_loop3A_1136, %parallel_loop3A_1142 : vector<16xi32>
      %parallel_loop3A_1144 = arith.constant 0 : i32
      %parallel_loop3A_1145 = vector.broadcast %parallel_loop3A_1144 : i32 to vector<16xi32>
      %parallel_loop3A_1146 = arith.cmpi sge, %parallel_loop3A_1140, %parallel_loop3A_1145 : vector<16xi32>
      %parallel_loop3A_1147 = arith.andi %parallel_loop3A_1143, %parallel_loop3A_1146 : vector<16xi1>
      %parallel_loop3A_1148 = arith.constant 5120 : i32
      %parallel_loop3A_1149 = vector.broadcast %parallel_loop3A_1148 : i32 to vector<16xi32>
      %parallel_loop3A_1150 = arith.cmpi slt, %parallel_loop3A_1140, %parallel_loop3A_1149 : vector<16xi32>
      %parallel_loop3A_1151 = arith.andi %parallel_loop3A_1147, %parallel_loop3A_1150 : vector<16xi1>
      %parallel_loop3A_1152 = arith.extui %parallel_loop3A_1151 : vector<16xi1> to vector<16xi32>
      %parallel_loop3A_1153 = arith.constant true
      %parallel_loop3A_1154 = vector.broadcast %parallel_loop3A_1153 : i1 to vector<16xi1>
      %parallel_loop3A_1155 = tpu.scan <sum>, %parallel_loop3A_1152 masked %parallel_loop3A_1154 : vector<16xi32>, vector<16xi1> -> vector<16xi32>
      %parallel_loop3A_1156 = arith.addi %parallel_loop3A_1127, %parallel_loop3A_1155 : vector<16xi32>
      %parallel_loop3A_1157 = arith.constant 1 : i32
      %parallel_loop3A_1158 = vector.broadcast %parallel_loop3A_1157 : i32 to vector<16xi32>
      %parallel_loop3A_1159 = arith.subi %parallel_loop3A_1156, %parallel_loop3A_1158 : vector<16xi32>
      %parallel_loop3A_1160 = arith.constant 7 : i32
      %parallel_loop3A_1161 = vector.broadcast %parallel_loop3A_1160 : i32 to vector<16xi32>
      %parallel_loop3A_1162 = arith.shrsi %parallel_loop3A_1159, %parallel_loop3A_1161 : vector<16xi32>
      %parallel_loop3A_1163 = arith.constant 127 : i32
      %parallel_loop3A_1164 = vector.broadcast %parallel_loop3A_1163 : i32 to vector<16xi32>
      %parallel_loop3A_1165 = arith.andi %parallel_loop3A_1159, %parallel_loop3A_1164 : vector<16xi32>
      tpu.vector_store_idx %arg14[%parallel_loop3A_1162, %parallel_loop3A_1165], %parallel_loop3A_1131 masked %parallel_loop3A_1151 : memref<32x128xi32, #tpu.memory_space<vmem>>[vector<16xi32>, vector<16xi32>], vector<16xi32>, vector<16xi1>
      %parallel_loop3A_1166 = arith.constant 7 : i32
      %parallel_loop3A_1167 = vector.broadcast %parallel_loop3A_1166 : i32 to vector<16xi32>
      %parallel_loop3A_1168 = arith.shrsi %parallel_loop3A_1159, %parallel_loop3A_1167 : vector<16xi32>
      %parallel_loop3A_1169 = arith.constant 127 : i32
      %parallel_loop3A_1170 = vector.broadcast %parallel_loop3A_1169 : i32 to vector<16xi32>
      %parallel_loop3A_1171 = arith.andi %parallel_loop3A_1159, %parallel_loop3A_1170 : vector<16xi32>
      tpu.vector_store_idx %arg15[%parallel_loop3A_1168, %parallel_loop3A_1171], %parallel_loop3A_1140 masked %parallel_loop3A_1151 : memref<32x128xi32, #tpu.memory_space<vmem>>[vector<16xi32>, vector<16xi32>], vector<16xi32>, vector<16xi1>
      tpu.vector_store_idx %arg16[%parallel_loop3A_1140], %broadcast_in_dim3A_2 masked %parallel_loop3A_1151 {add = true} : memref<5248xf32, #tpu.memory_space<vmem>>[vector<16xi32>], vector<16xf32>, vector<16xi1>
      %parallel_loop3A_1172 = tpu.all_reduce %parallel_loop3A_1151 {dim = 0 : i64, kind = #tpu.reduction_kind<sum>} : vector<16xi1> -> vector<16xi32>
      %parallel_loop3A_1173 = arith.addi %parallel_loop3A_1127, %parallel_loop3A_1172 : vector<16xi32>
      scf.yield %parallel_loop3A_1173 : vector<16xi32>
    } {sc.loop_unroll_factor = 4 : i64, sc.parallel_access}
    %add3A_85 = arith.constant 128 : i32
    %add3A_86 = vector.broadcast %add3A_85 : i32 to vector<16xi32>
    %add3A_87 = arith.addi %parallel_loop3A_84, %add3A_86 : vector<16xi32>
    %sub3A = arith.constant 1 : i32
    %sub3A_88 = vector.broadcast %sub3A : i32 to vector<16xi32>
    %sub3A_89 = arith.subi %add3A_87, %sub3A_88 : vector<16xi32>
    %and3A = arith.constant -128 : i32
    %and3A_90 = vector.broadcast %and3A : i32 to vector<16xi32>
    %and3A_91 = arith.andi %sub3A_89, %and3A_90 : vector<16xi32>
    %add3A_92 = arith.constant 0 : i32
    %add3A_93 = vector.broadcast %add3A_92 : i32 to vector<16xi32>
    %add3A_94 = arith.addi %parallel_loop3A_84, %add3A_93 : vector<16xi32>
    %add3A_95 = arith.addi %add3A_94, %iota3A : vector<16xi32>
    %lt3A = arith.cmpi slt, %add3A_95, %and3A_91 : vector<16xi32>
    %shift_right_arithmetic3A = arith.constant 7 : i32
    %shift_right_arithmetic3A_96 = vector.broadcast %shift_right_arithmetic3A : i32 to vector<16xi32>
    %shift_right_arithmetic3A_97 = arith.shrsi %add3A_95, %shift_right_arithmetic3A_96 : vector<16xi32>
    %and3A_98 = arith.constant 127 : i32
    %and3A_99 = vector.broadcast %and3A_98 : i32 to vector<16xi32>
    %and3A_100 = arith.andi %add3A_95, %and3A_99 : vector<16xi32>
    %broadcast_in_dim3A_101 = arith.constant 0 : i32
    %broadcast_in_dim3A_102 = vector.broadcast %broadcast_in_dim3A_101 : i32 to vector<16xi32>
    tpu.vector_store_idx %arg14[%shift_right_arithmetic3A_97, %and3A_100], %broadcast_in_dim3A_102 masked %lt3A : memref<32x128xi32, #tpu.memory_space<vmem>>[vector<16xi32>, vector<16xi32>], vector<16xi32>, vector<16xi1>
    %shift_right_arithmetic3A_103 = arith.constant 7 : i32
    %shift_right_arithmetic3A_104 = vector.broadcast %shift_right_arithmetic3A_103 : i32 to vector<16xi32>
    %shift_right_arithmetic3A_105 = arith.shrsi %add3A_95, %shift_right_arithmetic3A_104 : vector<16xi32>
    %and3A_106 = arith.constant 127 : i32
    %and3A_107 = vector.broadcast %and3A_106 : i32 to vector<16xi32>
    %and3A_108 = arith.andi %add3A_95, %and3A_107 : vector<16xi32>
    tpu.vector_store_idx %arg15[%shift_right_arithmetic3A_105, %and3A_108], %broadcast_in_dim3A_65 masked %lt3A : memref<32x128xi32, #tpu.memory_space<vmem>>[vector<16xi32>, vector<16xi32>], vector<16xi32>, vector<16xi1>
    %add3A_109 = arith.constant 16 : i32
    %add3A_110 = vector.broadcast %add3A_109 : i32 to vector<16xi32>
    %add3A_111 = arith.addi %parallel_loop3A_84, %add3A_110 : vector<16xi32>
    %add3A_112 = arith.addi %add3A_111, %iota3A : vector<16xi32>
    %lt3A_113 = arith.cmpi slt, %add3A_112, %and3A_91 : vector<16xi32>
    %shift_right_arithmetic3A_114 = arith.constant 7 : i32
    %shift_right_arithmetic3A_115 = vector.broadcast %shift_right_arithmetic3A_114 : i32 to vector<16xi32>
    %shift_right_arithmetic3A_116 = arith.shrsi %add3A_112, %shift_right_arithmetic3A_115 : vector<16xi32>
    %and3A_117 = arith.constant 127 : i32
    %and3A_118 = vector.broadcast %and3A_117 : i32 to vector<16xi32>
    %and3A_119 = arith.andi %add3A_112, %and3A_118 : vector<16xi32>
    %broadcast_in_dim3A_120 = arith.constant 0 : i32
    %broadcast_in_dim3A_121 = vector.broadcast %broadcast_in_dim3A_120 : i32 to vector<16xi32>
    tpu.vector_store_idx %arg14[%shift_right_arithmetic3A_116, %and3A_119], %broadcast_in_dim3A_121 masked %lt3A_113 : memref<32x128xi32, #tpu.memory_space<vmem>>[vector<16xi32>, vector<16xi32>], vector<16xi32>, vector<16xi1>
    %shift_right_arithmetic3A_122 = arith.constant 7 : i32
    %shift_right_arithmetic3A_123 = vector.broadcast %shift_right_arithmetic3A_122 : i32 to vector<16xi32>
    %shift_right_arithmetic3A_124 = arith.shrsi %add3A_112, %shift_right_arithmetic3A_123 : vector<16xi32>
    %and3A_125 = arith.constant 127 : i32
    %and3A_126 = vector.broadcast %and3A_125 : i32 to vector<16xi32>
    %and3A_127 = arith.andi %add3A_112, %and3A_126 : vector<16xi32>
    tpu.vector_store_idx %arg15[%shift_right_arithmetic3A_124, %and3A_127], %broadcast_in_dim3A_65 masked %lt3A_113 : memref<32x128xi32, #tpu.memory_space<vmem>>[vector<16xi32>, vector<16xi32>], vector<16xi32>, vector<16xi1>
    %add3A_128 = arith.constant 32 : i32
    %add3A_129 = vector.broadcast %add3A_128 : i32 to vector<16xi32>
    %add3A_130 = arith.addi %parallel_loop3A_84, %add3A_129 : vector<16xi32>
    %add3A_131 = arith.addi %add3A_130, %iota3A : vector<16xi32>
    %lt3A_132 = arith.cmpi slt, %add3A_131, %and3A_91 : vector<16xi32>
    %shift_right_arithmetic3A_133 = arith.constant 7 : i32
    %shift_right_arithmetic3A_134 = vector.broadcast %shift_right_arithmetic3A_133 : i32 to vector<16xi32>
    %shift_right_arithmetic3A_135 = arith.shrsi %add3A_131, %shift_right_arithmetic3A_134 : vector<16xi32>
    %and3A_136 = arith.constant 127 : i32
    %and3A_137 = vector.broadcast %and3A_136 : i32 to vector<16xi32>
    %and3A_138 = arith.andi %add3A_131, %and3A_137 : vector<16xi32>
    %broadcast_in_dim3A_139 = arith.constant 0 : i32
    %broadcast_in_dim3A_140 = vector.broadcast %broadcast_in_dim3A_139 : i32 to vector<16xi32>
    tpu.vector_store_idx %arg14[%shift_right_arithmetic3A_135, %and3A_138], %broadcast_in_dim3A_140 masked %lt3A_132 : memref<32x128xi32, #tpu.memory_space<vmem>>[vector<16xi32>, vector<16xi32>], vector<16xi32>, vector<16xi1>
    %shift_right_arithmetic3A_141 = arith.constant 7 : i32
    %shift_right_arithmetic3A_142 = vector.broadcast %shift_right_arithmetic3A_141 : i32 to vector<16xi32>
    %shift_right_arithmetic3A_143 = arith.shrsi %add3A_131, %shift_right_arithmetic3A_142 : vector<16xi32>
    %and3A_144 = arith.constant 127 : i32
    %and3A_145 = vector.broadcast %and3A_144 : i32 to vector<16xi32>
    %and3A_146 = arith.andi %add3A_131, %and3A_145 : vector<16xi32>
    tpu.vector_store_idx %arg15[%shift_right_arithmetic3A_143, %and3A_146], %broadcast_in_dim3A_65 masked %lt3A_132 : memref<32x128xi32, #tpu.memory_space<vmem>>[vector<16xi32>, vector<16xi32>], vector<16xi32>, vector<16xi1>
    %add3A_147 = arith.constant 48 : i32
    %add3A_148 = vector.broadcast %add3A_147 : i32 to vector<16xi32>
    %add3A_149 = arith.addi %parallel_loop3A_84, %add3A_148 : vector<16xi32>
    %add3A_150 = arith.addi %add3A_149, %iota3A : vector<16xi32>
    %lt3A_151 = arith.cmpi slt, %add3A_150, %and3A_91 : vector<16xi32>
    %shift_right_arithmetic3A_152 = arith.constant 7 : i32
    %shift_right_arithmetic3A_153 = vector.broadcast %shift_right_arithmetic3A_152 : i32 to vector<16xi32>
    %shift_right_arithmetic3A_154 = arith.shrsi %add3A_150, %shift_right_arithmetic3A_153 : vector<16xi32>
    %and3A_155 = arith.constant 127 : i32
    %and3A_156 = vector.broadcast %and3A_155 : i32 to vector<16xi32>
    %and3A_157 = arith.andi %add3A_150, %and3A_156 : vector<16xi32>
    %broadcast_in_dim3A_158 = arith.constant 0 : i32
    %broadcast_in_dim3A_159 = vector.broadcast %broadcast_in_dim3A_158 : i32 to vector<16xi32>
    tpu.vector_store_idx %arg14[%shift_right_arithmetic3A_154, %and3A_157], %broadcast_in_dim3A_159 masked %lt3A_151 : memref<32x128xi32, #tpu.memory_space<vmem>>[vector<16xi32>, vector<16xi32>], vector<16xi32>, vector<16xi1>
    %shift_right_arithmetic3A_160 = arith.constant 7 : i32
    %shift_right_arithmetic3A_161 = vector.broadcast %shift_right_arithmetic3A_160 : i32 to vector<16xi32>
    %shift_right_arithmetic3A_162 = arith.shrsi %add3A_150, %shift_right_arithmetic3A_161 : vector<16xi32>
    %and3A_163 = arith.constant 127 : i32
    %and3A_164 = vector.broadcast %and3A_163 : i32 to vector<16xi32>
    %and3A_165 = arith.andi %add3A_150, %and3A_164 : vector<16xi32>
    tpu.vector_store_idx %arg15[%shift_right_arithmetic3A_162, %and3A_165], %broadcast_in_dim3A_65 masked %lt3A_151 : memref<32x128xi32, #tpu.memory_space<vmem>>[vector<16xi32>, vector<16xi32>], vector<16xi32>, vector<16xi1>
    %add3A_166 = arith.constant 64 : i32
    %add3A_167 = vector.broadcast %add3A_166 : i32 to vector<16xi32>
    %add3A_168 = arith.addi %parallel_loop3A_84, %add3A_167 : vector<16xi32>
    %add3A_169 = arith.addi %add3A_168, %iota3A : vector<16xi32>
    %lt3A_170 = arith.cmpi slt, %add3A_169, %and3A_91 : vector<16xi32>
    %shift_right_arithmetic3A_171 = arith.constant 7 : i32
    %shift_right_arithmetic3A_172 = vector.broadcast %shift_right_arithmetic3A_171 : i32 to vector<16xi32>
    %shift_right_arithmetic3A_173 = arith.shrsi %add3A_169, %shift_right_arithmetic3A_172 : vector<16xi32>
    %and3A_174 = arith.constant 127 : i32
    %and3A_175 = vector.broadcast %and3A_174 : i32 to vector<16xi32>
    %and3A_176 = arith.andi %add3A_169, %and3A_175 : vector<16xi32>
    %broadcast_in_dim3A_177 = arith.constant 0 : i32
    %broadcast_in_dim3A_178 = vector.broadcast %broadcast_in_dim3A_177 : i32 to vector<16xi32>
    tpu.vector_store_idx %arg14[%shift_right_arithmetic3A_173, %and3A_176], %broadcast_in_dim3A_178 masked %lt3A_170 : memref<32x128xi32, #tpu.memory_space<vmem>>[vector<16xi32>, vector<16xi32>], vector<16xi32>, vector<16xi1>
    %shift_right_arithmetic3A_179 = arith.constant 7 : i32
    %shift_right_arithmetic3A_180 = vector.broadcast %shift_right_arithmetic3A_179 : i32 to vector<16xi32>
    %shift_right_arithmetic3A_181 = arith.shrsi %add3A_169, %shift_right_arithmetic3A_180 : vector<16xi32>
    %and3A_182 = arith.constant 127 : i32
    %and3A_183 = vector.broadcast %and3A_182 : i32 to vector<16xi32>
    %and3A_184 = arith.andi %add3A_169, %and3A_183 : vector<16xi32>
    tpu.vector_store_idx %arg15[%shift_right_arithmetic3A_181, %and3A_184], %broadcast_in_dim3A_65 masked %lt3A_170 : memref<32x128xi32, #tpu.memory_space<vmem>>[vector<16xi32>, vector<16xi32>], vector<16xi32>, vector<16xi1>
    %add3A_185 = arith.constant 80 : i32
    %add3A_186 = vector.broadcast %add3A_185 : i32 to vector<16xi32>
    %add3A_187 = arith.addi %parallel_loop3A_84, %add3A_186 : vector<16xi32>
    %add3A_188 = arith.addi %add3A_187, %iota3A : vector<16xi32>
    %lt3A_189 = arith.cmpi slt, %add3A_188, %and3A_91 : vector<16xi32>
    %shift_right_arithmetic3A_190 = arith.constant 7 : i32
    %shift_right_arithmetic3A_191 = vector.broadcast %shift_right_arithmetic3A_190 : i32 to vector<16xi32>
    %shift_right_arithmetic3A_192 = arith.shrsi %add3A_188, %shift_right_arithmetic3A_191 : vector<16xi32>
    %and3A_193 = arith.constant 127 : i32
    %and3A_194 = vector.broadcast %and3A_193 : i32 to vector<16xi32>
    %and3A_195 = arith.andi %add3A_188, %and3A_194 : vector<16xi32>
    %broadcast_in_dim3A_196 = arith.constant 0 : i32
    %broadcast_in_dim3A_197 = vector.broadcast %broadcast_in_dim3A_196 : i32 to vector<16xi32>
    tpu.vector_store_idx %arg14[%shift_right_arithmetic3A_192, %and3A_195], %broadcast_in_dim3A_197 masked %lt3A_189 : memref<32x128xi32, #tpu.memory_space<vmem>>[vector<16xi32>, vector<16xi32>], vector<16xi32>, vector<16xi1>
    %shift_right_arithmetic3A_198 = arith.constant 7 : i32
    %shift_right_arithmetic3A_199 = vector.broadcast %shift_right_arithmetic3A_198 : i32 to vector<16xi32>
    %shift_right_arithmetic3A_200 = arith.shrsi %add3A_188, %shift_right_arithmetic3A_199 : vector<16xi32>
    %and3A_201 = arith.constant 127 : i32
    %and3A_202 = vector.broadcast %and3A_201 : i32 to vector<16xi32>
    %and3A_203 = arith.andi %add3A_188, %and3A_202 : vector<16xi32>
    tpu.vector_store_idx %arg15[%shift_right_arithmetic3A_200, %and3A_203], %broadcast_in_dim3A_65 masked %lt3A_189 : memref<32x128xi32, #tpu.memory_space<vmem>>[vector<16xi32>, vector<16xi32>], vector<16xi32>, vector<16xi1>
    %add3A_204 = arith.constant 96 : i32
    %add3A_205 = vector.broadcast %add3A_204 : i32 to vector<16xi32>
    %add3A_206 = arith.addi %parallel_loop3A_84, %add3A_205 : vector<16xi32>
    %add3A_207 = arith.addi %add3A_206, %iota3A : vector<16xi32>
    %lt3A_208 = arith.cmpi slt, %add3A_207, %and3A_91 : vector<16xi32>
    %shift_right_arithmetic3A_209 = arith.constant 7 : i32
    %shift_right_arithmetic3A_210 = vector.broadcast %shift_right_arithmetic3A_209 : i32 to vector<16xi32>
    %shift_right_arithmetic3A_211 = arith.shrsi %add3A_207, %shift_right_arithmetic3A_210 : vector<16xi32>
    %and3A_212 = arith.constant 127 : i32
    %and3A_213 = vector.broadcast %and3A_212 : i32 to vector<16xi32>
    %and3A_214 = arith.andi %add3A_207, %and3A_213 : vector<16xi32>
    %broadcast_in_dim3A_215 = arith.constant 0 : i32
    %broadcast_in_dim3A_216 = vector.broadcast %broadcast_in_dim3A_215 : i32 to vector<16xi32>
    tpu.vector_store_idx %arg14[%shift_right_arithmetic3A_211, %and3A_214], %broadcast_in_dim3A_216 masked %lt3A_208 : memref<32x128xi32, #tpu.memory_space<vmem>>[vector<16xi32>, vector<16xi32>], vector<16xi32>, vector<16xi1>
    %shift_right_arithmetic3A_217 = arith.constant 7 : i32
    %shift_right_arithmetic3A_218 = vector.broadcast %shift_right_arithmetic3A_217 : i32 to vector<16xi32>
    %shift_right_arithmetic3A_219 = arith.shrsi %add3A_207, %shift_right_arithmetic3A_218 : vector<16xi32>
    %and3A_220 = arith.constant 127 : i32
    %and3A_221 = vector.broadcast %and3A_220 : i32 to vector<16xi32>
    %and3A_222 = arith.andi %add3A_207, %and3A_221 : vector<16xi32>
    tpu.vector_store_idx %arg15[%shift_right_arithmetic3A_219, %and3A_222], %broadcast_in_dim3A_65 masked %lt3A_208 : memref<32x128xi32, #tpu.memory_space<vmem>>[vector<16xi32>, vector<16xi32>], vector<16xi32>, vector<16xi1>
    %add3A_223 = arith.constant 112 : i32
    %add3A_224 = vector.broadcast %add3A_223 : i32 to vector<16xi32>
    %add3A_225 = arith.addi %parallel_loop3A_84, %add3A_224 : vector<16xi32>
    %add3A_226 = arith.addi %add3A_225, %iota3A : vector<16xi32>
    %lt3A_227 = arith.cmpi slt, %add3A_226, %and3A_91 : vector<16xi32>
    %shift_right_arithmetic3A_228 = arith.constant 7 : i32
    %shift_right_arithmetic3A_229 = vector.broadcast %shift_right_arithmetic3A_228 : i32 to vector<16xi32>
    %shift_right_arithmetic3A_230 = arith.shrsi %add3A_226, %shift_right_arithmetic3A_229 : vector<16xi32>
    %and3A_231 = arith.constant 127 : i32
    %and3A_232 = vector.broadcast %and3A_231 : i32 to vector<16xi32>
    %and3A_233 = arith.andi %add3A_226, %and3A_232 : vector<16xi32>
    %broadcast_in_dim3A_234 = arith.constant 0 : i32
    %broadcast_in_dim3A_235 = vector.broadcast %broadcast_in_dim3A_234 : i32 to vector<16xi32>
    tpu.vector_store_idx %arg14[%shift_right_arithmetic3A_230, %and3A_233], %broadcast_in_dim3A_235 masked %lt3A_227 : memref<32x128xi32, #tpu.memory_space<vmem>>[vector<16xi32>, vector<16xi32>], vector<16xi32>, vector<16xi1>
    %shift_right_arithmetic3A_236 = arith.constant 7 : i32
    %shift_right_arithmetic3A_237 = vector.broadcast %shift_right_arithmetic3A_236 : i32 to vector<16xi32>
    %shift_right_arithmetic3A_238 = arith.shrsi %add3A_226, %shift_right_arithmetic3A_237 : vector<16xi32>
    %and3A_239 = arith.constant 127 : i32
    %and3A_240 = vector.broadcast %and3A_239 : i32 to vector<16xi32>
    %and3A_241 = arith.andi %add3A_226, %and3A_240 : vector<16xi32>
    tpu.vector_store_idx %arg15[%shift_right_arithmetic3A_238, %and3A_241], %broadcast_in_dim3A_65 masked %lt3A_227 : memref<32x128xi32, #tpu.memory_space<vmem>>[vector<16xi32>, vector<16xi32>], vector<16xi32>, vector<16xi1>
    %reduce_max3A = arith.constant true
    %reduce_max3A_242 = vector.broadcast %reduce_max3A : i1 to vector<16xi1>
    %reduce_max3A_243 = arith.constant -2147483648 : i32
    %reduce_max3A_244 = vector.broadcast %reduce_max3A_243 : i32 to vector<16xi32>
    %reduce_max3A_245 = arith.xori %and3A_91, %reduce_max3A_244 : vector<16xi32>
    %reduce_max3A_246 = tpu.scan <max>, %reduce_max3A_245 masked %reduce_max3A_242 : vector<16xi32>, vector<16xi1> -> vector<16xi32>
    %reduce_max3A_247 = arith.xori %reduce_max3A_246, %reduce_max3A_244 : vector<16xi32>
    %reduce_max3A_248 = vector.extract %reduce_max3A_247[15] : i32 from vector<16xi32>
    %shift_right_arithmetic3A_249 = arith.constant 7 : i32
    %shift_right_arithmetic3A_250 = arith.shrsi %reduce_max3A_248, %shift_right_arithmetic3A_249 : i32
    %add3A_251 = arith.constant 0 : i32
    %add3A_252 = arith.addi %mul3A_5, %add3A_251 : i32
    %dma_wait3A_253 = arith.constant 0 : i32
    %dma_wait3A_254 = arith.constant 0 : i32
    %dma_wait3A_255 = arith.constant 0 : i32
    %dma_wait3A_256 = tpu.memref_slice %arg17[%dma_wait3A_253, %dma_wait3A_254, %dma_wait3A_255] : memref<2x128x128xf32, #tpu.memory_space<vmem>> -> memref<1x128x128xf32, #tpu.memory_space<vmem>>
    %dma_wait3A_257 = tpu.memref_squeeze %dma_wait3A_256 : memref<1x128x128xf32, #tpu.memory_space<vmem>> -> memref<128x128xf32, #tpu.memory_space<vmem>>
    %dma_wait3A_258 = arith.constant 0 : i32
    %dma_wait3A_259 = tpu.memref_slice %arg18[%add3A_252, %dma_wait3A_258] : memref<5248x128xf32, #tpu.memory_space<vmem_shared>> -> memref<128x128xf32, #tpu.memory_space<vmem_shared>>
    %dma_wait3A_260 = arith.constant 0 : i32
    %dma_wait3A_261 = tpu.memref_slice %arg18[%add3A_252, %dma_wait3A_260] : memref<5248x128xf32, #tpu.memory_space<vmem_shared>> -> memref<128x128xf32, #tpu.memory_space<vmem_shared>>
    %dma_wait3A_262 = arith.constant 0 : i32
    %dma_wait3A_263 = arith.constant 0 : i32
    %dma_wait3A_264 = tpu.memref_slice %arg17[%dma_wait3A_253, %dma_wait3A_262, %dma_wait3A_263] : memref<2x128x128xf32, #tpu.memory_space<vmem>> -> memref<1x128x128xf32, #tpu.memory_space<vmem>>
    %dma_wait3A_265 = tpu.memref_squeeze %dma_wait3A_264 : memref<1x128x128xf32, #tpu.memory_space<vmem>> -> memref<128x128xf32, #tpu.memory_space<vmem>>
    tpu.wait_dma2 semaphore(%arg23 : memref<!tpu.dma_semaphore, #tpu.memory_space<semaphore_mem>>) src(%dma_wait3A_265 : memref<128x128xf32, #tpu.memory_space<vmem>>) dst(%dma_wait3A_261 : memref<128x128xf32, #tpu.memory_space<vmem_shared>>)
    %add3A_266 = arith.constant 128 : i32
    %add3A_267 = arith.addi %mul3A_5, %add3A_266 : i32
    %dma_wait3A_268 = arith.constant 0 : i32
    %dma_wait3A_269 = arith.constant 0 : i32
    %dma_wait3A_270 = arith.constant 0 : i32
    %dma_wait3A_271 = tpu.memref_slice %arg17[%dma_wait3A_268, %dma_wait3A_269, %dma_wait3A_270] : memref<2x128x128xf32, #tpu.memory_space<vmem>> -> memref<1x128x128xf32, #tpu.memory_space<vmem>>
    %dma_wait3A_272 = tpu.memref_squeeze %dma_wait3A_271 : memref<1x128x128xf32, #tpu.memory_space<vmem>> -> memref<128x128xf32, #tpu.memory_space<vmem>>
    %dma_wait3A_273 = arith.constant 0 : i32
    %dma_wait3A_274 = tpu.memref_slice %arg18[%add3A_267, %dma_wait3A_273] : memref<5248x128xf32, #tpu.memory_space<vmem_shared>> -> memref<128x128xf32, #tpu.memory_space<vmem_shared>>
    %dma_wait3A_275 = arith.constant 0 : i32
    %dma_wait3A_276 = tpu.memref_slice %arg18[%add3A_267, %dma_wait3A_275] : memref<5248x128xf32, #tpu.memory_space<vmem_shared>> -> memref<128x128xf32, #tpu.memory_space<vmem_shared>>
    %dma_wait3A_277 = arith.constant 0 : i32
    %dma_wait3A_278 = arith.constant 0 : i32
    %dma_wait3A_279 = tpu.memref_slice %arg17[%dma_wait3A_268, %dma_wait3A_277, %dma_wait3A_278] : memref<2x128x128xf32, #tpu.memory_space<vmem>> -> memref<1x128x128xf32, #tpu.memory_space<vmem>>
    %dma_wait3A_280 = tpu.memref_squeeze %dma_wait3A_279 : memref<1x128x128xf32, #tpu.memory_space<vmem>> -> memref<128x128xf32, #tpu.memory_space<vmem>>
    tpu.wait_dma2 semaphore(%arg23 : memref<!tpu.dma_semaphore, #tpu.memory_space<semaphore_mem>>) src(%dma_wait3A_280 : memref<128x128xf32, #tpu.memory_space<vmem>>) dst(%dma_wait3A_276 : memref<128x128xf32, #tpu.memory_space<vmem_shared>>)
    %add3A_281 = arith.constant 256 : i32
    %add3A_282 = arith.addi %mul3A_5, %add3A_281 : i32
    %dma_wait3A_283 = arith.constant 0 : i32
    %dma_wait3A_284 = arith.constant 0 : i32
    %dma_wait3A_285 = arith.constant 0 : i32
    %dma_wait3A_286 = tpu.memref_slice %arg17[%dma_wait3A_283, %dma_wait3A_284, %dma_wait3A_285] : memref<2x128x128xf32, #tpu.memory_space<vmem>> -> memref<1x72x128xf32, #tpu.memory_space<vmem>>
    %dma_wait3A_287 = tpu.memref_squeeze %dma_wait3A_286 : memref<1x72x128xf32, #tpu.memory_space<vmem>> -> memref<72x128xf32, #tpu.memory_space<vmem>>
    %dma_wait3A_288 = arith.constant 0 : i32
    %dma_wait3A_289 = tpu.memref_slice %arg18[%add3A_282, %dma_wait3A_288] : memref<5248x128xf32, #tpu.memory_space<vmem_shared>> -> memref<72x128xf32, #tpu.memory_space<vmem_shared>>
    %dma_wait3A_290 = arith.constant 0 : i32
    %dma_wait3A_291 = tpu.memref_slice %arg18[%add3A_282, %dma_wait3A_290] : memref<5248x128xf32, #tpu.memory_space<vmem_shared>> -> memref<72x128xf32, #tpu.memory_space<vmem_shared>>
    %dma_wait3A_292 = arith.constant 0 : i32
    %dma_wait3A_293 = arith.constant 0 : i32
    %dma_wait3A_294 = tpu.memref_slice %arg17[%dma_wait3A_283, %dma_wait3A_292, %dma_wait3A_293] : memref<2x128x128xf32, #tpu.memory_space<vmem>> -> memref<1x72x128xf32, #tpu.memory_space<vmem>>
    %dma_wait3A_295 = tpu.memref_squeeze %dma_wait3A_294 : memref<1x72x128xf32, #tpu.memory_space<vmem>> -> memref<72x128xf32, #tpu.memory_space<vmem>>
    tpu.wait_dma2 semaphore(%arg23 : memref<!tpu.dma_semaphore, #tpu.memory_space<semaphore_mem>>) src(%dma_wait3A_295 : memref<72x128xf32, #tpu.memory_space<vmem>>) dst(%dma_wait3A_291 : memref<72x128xf32, #tpu.memory_space<vmem_shared>>)
    %barrier3A = arith.constant 0 : index
    tpu.barrier barrier_id(%barrier3A)
    %gt3A = arith.constant 0 : i32
    %gt3A_296 = arith.cmpi sgt, %shift_right_arithmetic3A_250, %gt3A : i32
    %convert_element_type3A = arith.extui %gt3A_296 : i1 to i32
    %cond3A = arith.constant 0 : i32
    %cond3A_297 = arith.cmpi ne, %convert_element_type3A, %cond3A : i32
    scf.if %cond3A_297 {
      %dma_start3A_1126 = arith.constant 0 : i32
      %dma_start3A_1127 = arith.constant 0 : i32
      %dma_start3A_1128 = arith.constant 0 : i32
      %dma_start3A_1129 = arith.constant 0 : i32
      %dma_start3A_1130 = tpu.memref_slice %arg17[%dma_start3A_1127, %dma_start3A_1128, %dma_start3A_1129] : memref<2x128x128xf32, #tpu.memory_space<vmem>> -> memref<1x128x128xf32, #tpu.memory_space<vmem>>
      %dma_start3A_1131 = tpu.memref_squeeze %dma_start3A_1130 : memref<1x128x128xf32, #tpu.memory_space<vmem>> -> memref<128x128xf32, #tpu.memory_space<vmem>>
      %dma_start3A_1132 = arith.constant 0 : i32
      %dma_start3A_1133 = tpu.memref_slice %arg14[%dma_start3A_1126, %dma_start3A_1132] : memref<32x128xi32, #tpu.memory_space<vmem>> -> memref<1x128xi32, #tpu.memory_space<vmem>>
      %dma_start3A_1134 = tpu.memref_squeeze %dma_start3A_1133 : memref<1x128xi32, #tpu.memory_space<vmem>> -> memref<128xi32, #tpu.memory_space<vmem>>
      %dma_start3A_1135 = arith.constant 0 : i32
      %dma_start3A_1136 = arith.constant 0 : i32
      %dma_start3A_1137 = tpu.memref_slice %arg5[%dma_start3A_1135, %dma_start3A_1136] : memref<10000x128xf32, #tpu.memory_space<hbm>> -> memref<10000x128xf32, #tpu.memory_space<hbm>>
      tpu.enqueue_indirect_dma source(%dma_start3A_1137 : memref<10000x128xf32, #tpu.memory_space<hbm>>) target(%dma_start3A_1131 : memref<128x128xf32, #tpu.memory_space<vmem>>) offsets(%dma_start3A_1134 : memref<128xi32, #tpu.memory_space<vmem>>) semaphore(%arg21 : memref<!tpu.dma_semaphore, #tpu.memory_space<semaphore_mem>>)
    } else {
    }
    %while3A = arith.constant 0 : i32
    %while3A_298 = arith.constant 0 : i32
    %while3A_299 = arith.subi %shift_right_arithmetic3A_250, %while3A_298 : i32
    %while3A_300 = arith.addi %while3A_298, %while3A_299 : i32
    %while3A_301 = arith.constant 1 : i32
    %while3A_302 = arith.divsi %while3A_299, %while3A_301 : i32
    %while3A_303 = arith.muli %while3A_302, %while3A_301 : i32
    %while3A_304 = arith.addi %while3A_298, %while3A_303 : i32
    %while3A_305 = arith.constant 1 : i32
    scf.for %while3A_1126 = %while3A_298 to %while3A_304 step %while3A_305  : i32 {
      %and3A_1127 = arith.constant 1 : i32
      %and3A_1128 = arith.andi %while3A_1126, %and3A_1127 : i32
      %add3A_1129 = arith.constant 1 : i32
      %add3A_1130 = arith.addi %while3A_1126, %add3A_1129 : i32
      %lt3A_1131 = arith.cmpi slt, %add3A_1130, %shift_right_arithmetic3A_250 : i32
      %convert_element_type3A_1132 = arith.extui %lt3A_1131 : i1 to i32
      %cond3A_1133 = arith.constant 0 : i32
      %cond3A_1134 = arith.cmpi ne, %convert_element_type3A_1132, %cond3A_1133 : i32
      scf.if %cond3A_1134 {
        %sub3A_1144 = arith.constant 1 : i32
        %sub3A_1145 = arith.subi %sub3A_1144, %and3A_1128 : i32
        %eq3A_1146 = arith.constant 0 : i32
        %eq3A_1147 = arith.cmpi eq, %sub3A_1145, %eq3A_1146 : i32
        %convert_element_type3A_1148 = arith.extui %eq3A_1147 : i1 to i32
        %cond3A_1149 = arith.constant 0 : i32
        %cond3A_1150 = arith.cmpi ne, %convert_element_type3A_1148, %cond3A_1149 : i32
        scf.if %cond3A_1150 {
          %add3A_1158 = arith.constant 1 : i32
          %add3A_1159 = arith.addi %while3A_1126, %add3A_1158 : i32
          %dma_start3A_1160 = arith.constant 0 : i32
          %dma_start3A_1161 = arith.constant 0 : i32
          %dma_start3A_1162 = arith.constant 0 : i32
          %dma_start3A_1163 = tpu.memref_slice %arg17[%dma_start3A_1160, %dma_start3A_1161, %dma_start3A_1162] : memref<2x128x128xf32, #tpu.memory_space<vmem>> -> memref<1x128x128xf32, #tpu.memory_space<vmem>>
          %dma_start3A_1164 = tpu.memref_squeeze %dma_start3A_1163 : memref<1x128x128xf32, #tpu.memory_space<vmem>> -> memref<128x128xf32, #tpu.memory_space<vmem>>
          %dma_start3A_1165 = arith.constant 0 : i32
          %dma_start3A_1166 = tpu.memref_slice %arg14[%add3A_1159, %dma_start3A_1165] : memref<32x128xi32, #tpu.memory_space<vmem>> -> memref<1x128xi32, #tpu.memory_space<vmem>>
          %dma_start3A_1167 = tpu.memref_squeeze %dma_start3A_1166 : memref<1x128xi32, #tpu.memory_space<vmem>> -> memref<128xi32, #tpu.memory_space<vmem>>
          %dma_start3A_1168 = arith.constant 0 : i32
          %dma_start3A_1169 = arith.constant 0 : i32
          %dma_start3A_1170 = tpu.memref_slice %arg5[%dma_start3A_1168, %dma_start3A_1169] : memref<10000x128xf32, #tpu.memory_space<hbm>> -> memref<10000x128xf32, #tpu.memory_space<hbm>>
          tpu.enqueue_indirect_dma source(%dma_start3A_1170 : memref<10000x128xf32, #tpu.memory_space<hbm>>) target(%dma_start3A_1164 : memref<128x128xf32, #tpu.memory_space<vmem>>) offsets(%dma_start3A_1167 : memref<128xi32, #tpu.memory_space<vmem>>) semaphore(%arg21 : memref<!tpu.dma_semaphore, #tpu.memory_space<semaphore_mem>>)
        } else {
        }
        %sub3A_1151 = arith.constant 1 : i32
        %sub3A_1152 = arith.subi %sub3A_1151, %and3A_1128 : i32
        %eq3A_1153 = arith.constant 1 : i32
        %eq3A_1154 = arith.cmpi eq, %sub3A_1152, %eq3A_1153 : i32
        %convert_element_type3A_1155 = arith.extui %eq3A_1154 : i1 to i32
        %cond3A_1156 = arith.constant 0 : i32
        %cond3A_1157 = arith.cmpi ne, %convert_element_type3A_1155, %cond3A_1156 : i32
        scf.if %cond3A_1157 {
          %add3A_1158 = arith.constant 1 : i32
          %add3A_1159 = arith.addi %while3A_1126, %add3A_1158 : i32
          %dma_start3A_1160 = arith.constant 1 : i32
          %dma_start3A_1161 = arith.constant 0 : i32
          %dma_start3A_1162 = arith.constant 0 : i32
          %dma_start3A_1163 = tpu.memref_slice %arg17[%dma_start3A_1160, %dma_start3A_1161, %dma_start3A_1162] : memref<2x128x128xf32, #tpu.memory_space<vmem>> -> memref<1x128x128xf32, #tpu.memory_space<vmem>>
          %dma_start3A_1164 = tpu.memref_squeeze %dma_start3A_1163 : memref<1x128x128xf32, #tpu.memory_space<vmem>> -> memref<128x128xf32, #tpu.memory_space<vmem>>
          %dma_start3A_1165 = arith.constant 0 : i32
          %dma_start3A_1166 = tpu.memref_slice %arg14[%add3A_1159, %dma_start3A_1165] : memref<32x128xi32, #tpu.memory_space<vmem>> -> memref<1x128xi32, #tpu.memory_space<vmem>>
          %dma_start3A_1167 = tpu.memref_squeeze %dma_start3A_1166 : memref<1x128xi32, #tpu.memory_space<vmem>> -> memref<128xi32, #tpu.memory_space<vmem>>
          %dma_start3A_1168 = arith.constant 0 : i32
          %dma_start3A_1169 = arith.constant 0 : i32
          %dma_start3A_1170 = tpu.memref_slice %arg5[%dma_start3A_1168, %dma_start3A_1169] : memref<10000x128xf32, #tpu.memory_space<hbm>> -> memref<10000x128xf32, #tpu.memory_space<hbm>>
          tpu.enqueue_indirect_dma source(%dma_start3A_1170 : memref<10000x128xf32, #tpu.memory_space<hbm>>) target(%dma_start3A_1164 : memref<128x128xf32, #tpu.memory_space<vmem>>) offsets(%dma_start3A_1167 : memref<128xi32, #tpu.memory_space<vmem>>) semaphore(%arg22 : memref<!tpu.dma_semaphore, #tpu.memory_space<semaphore_mem>>)
        } else {
        }
      } else {
      }
      %eq3A = arith.constant 0 : i32
      %eq3A_1135 = arith.cmpi eq, %and3A_1128, %eq3A : i32
      %convert_element_type3A_1136 = arith.extui %eq3A_1135 : i1 to i32
      %cond3A_1137 = arith.constant 0 : i32
      %cond3A_1138 = arith.cmpi ne, %convert_element_type3A_1136, %cond3A_1137 : i32
      scf.if %cond3A_1138 {
        %dma_wait3A_1144 = arith.constant 0 : i32
        %dma_wait3A_1145 = arith.constant 0 : i32
        %dma_wait3A_1146 = arith.constant 0 : i32
        %dma_wait3A_1147 = tpu.memref_slice %arg17[%dma_wait3A_1144, %dma_wait3A_1145, %dma_wait3A_1146] : memref<2x128x128xf32, #tpu.memory_space<vmem>> -> memref<1x128x128xf32, #tpu.memory_space<vmem>>
        %dma_wait3A_1148 = tpu.memref_squeeze %dma_wait3A_1147 : memref<1x128x128xf32, #tpu.memory_space<vmem>> -> memref<128x128xf32, #tpu.memory_space<vmem>>
        %dma_wait3A_1149 = arith.constant 0 : i32
        %dma_wait3A_1150 = tpu.memref_slice %arg14[%while3A_1126, %dma_wait3A_1149] : memref<32x128xi32, #tpu.memory_space<vmem>> -> memref<1x128xi32, #tpu.memory_space<vmem>>
        %dma_wait3A_1151 = tpu.memref_squeeze %dma_wait3A_1150 : memref<1x128xi32, #tpu.memory_space<vmem>> -> memref<128xi32, #tpu.memory_space<vmem>>
        %dma_wait3A_1152 = arith.constant 0 : i32
        %dma_wait3A_1153 = arith.constant 0 : i32
        %dma_wait3A_1154 = tpu.memref_slice %arg5[%dma_wait3A_1152, %dma_wait3A_1153] : memref<10000x128xf32, #tpu.memory_space<hbm>> -> memref<10000x128xf32, #tpu.memory_space<hbm>>
        tpu.wait_indirect_dma semaphore(%arg21 : memref<!tpu.dma_semaphore, #tpu.memory_space<semaphore_mem>>) src(%dma_wait3A_1154 : memref<10000x128xf32, #tpu.memory_space<hbm>>) dst(%dma_wait3A_1148 : memref<128x128xf32, #tpu.memory_space<vmem>>)
        %run_scoped3A = arith.constant 0 : i32
        "tpu.region"() ({
          %run_scoped3A_1155 = tpu.sem_alloc : memref<!tpu.dma_semaphore, #tpu.memory_space<semaphore_mem>>
          %dma_start3A_1156 = arith.constant 0 : i32
          %dma_start3A_1157 = arith.constant 0 : i32
          %dma_start3A_1158 = tpu.memref_slice %arg17[%run_scoped3A, %dma_start3A_1156, %dma_start3A_1157] : memref<2x128x128xf32, #tpu.memory_space<vmem>> -> memref<1x128x128xf32, #tpu.memory_space<vmem>>
          %dma_start3A_1159 = tpu.memref_squeeze %dma_start3A_1158 : memref<1x128x128xf32, #tpu.memory_space<vmem>> -> memref<128x128xf32, #tpu.memory_space<vmem>>
          %dma_start3A_1160 = arith.constant 0 : i32
          %dma_start3A_1161 = tpu.memref_slice %arg15[%while3A_1126, %dma_start3A_1160] : memref<32x128xi32, #tpu.memory_space<vmem>> -> memref<1x128xi32, #tpu.memory_space<vmem>>
          %dma_start3A_1162 = tpu.memref_squeeze %dma_start3A_1161 : memref<1x128xi32, #tpu.memory_space<vmem>> -> memref<128xi32, #tpu.memory_space<vmem>>
          %dma_start3A_1163 = arith.constant 0 : i32
          %dma_start3A_1164 = arith.constant 0 : i32
          %dma_start3A_1165 = tpu.memref_slice %arg18[%dma_start3A_1163, %dma_start3A_1164] : memref<5248x128xf32, #tpu.memory_space<vmem_shared>> -> memref<5248x128xf32, #tpu.memory_space<vmem_shared>>
          tpu.enqueue_indirect_dma source(%dma_start3A_1159 : memref<128x128xf32, #tpu.memory_space<vmem>>) target(%dma_start3A_1165 : memref<5248x128xf32, #tpu.memory_space<vmem_shared>>) offsets(%dma_start3A_1162 : memref<128xi32, #tpu.memory_space<vmem>>) semaphore(%run_scoped3A_1155 : memref<!tpu.dma_semaphore, #tpu.memory_space<semaphore_mem>>) {add = true}
          %dma_wait3A_1166 = arith.constant 0 : i32
          %dma_wait3A_1167 = arith.constant 0 : i32
          %dma_wait3A_1168 = tpu.memref_slice %arg17[%run_scoped3A, %dma_wait3A_1166, %dma_wait3A_1167] : memref<2x128x128xf32, #tpu.memory_space<vmem>> -> memref<1x128x128xf32, #tpu.memory_space<vmem>>
          %dma_wait3A_1169 = tpu.memref_squeeze %dma_wait3A_1168 : memref<1x128x128xf32, #tpu.memory_space<vmem>> -> memref<128x128xf32, #tpu.memory_space<vmem>>
          %dma_wait3A_1170 = arith.constant 0 : i32
          %dma_wait3A_1171 = tpu.memref_slice %arg15[%while3A_1126, %dma_wait3A_1170] : memref<32x128xi32, #tpu.memory_space<vmem>> -> memref<1x128xi32, #tpu.memory_space<vmem>>
          %dma_wait3A_1172 = tpu.memref_squeeze %dma_wait3A_1171 : memref<1x128xi32, #tpu.memory_space<vmem>> -> memref<128xi32, #tpu.memory_space<vmem>>
          %dma_wait3A_1173 = arith.constant 0 : i32
          %dma_wait3A_1174 = arith.constant 0 : i32
          %dma_wait3A_1175 = tpu.memref_slice %arg18[%dma_wait3A_1173, %dma_wait3A_1174] : memref<5248x128xf32, #tpu.memory_space<vmem_shared>> -> memref<5248x128xf32, #tpu.memory_space<vmem_shared>>
          tpu.wait_indirect_dma semaphore(%run_scoped3A_1155 : memref<!tpu.dma_semaphore, #tpu.memory_space<semaphore_mem>>) src(%dma_wait3A_1169 : memref<128x128xf32, #tpu.memory_space<vmem>>) dst(%dma_wait3A_1175 : memref<5248x128xf32, #tpu.memory_space<vmem_shared>>)
          tpu.yield
        }) : () -> ()
      } else {
      }
      %eq3A_1139 = arith.constant 1 : i32
      %eq3A_1140 = arith.cmpi eq, %and3A_1128, %eq3A_1139 : i32
      %convert_element_type3A_1141 = arith.extui %eq3A_1140 : i1 to i32
      %cond3A_1142 = arith.constant 0 : i32
      %cond3A_1143 = arith.cmpi ne, %convert_element_type3A_1141, %cond3A_1142 : i32
      scf.if %cond3A_1143 {
        %dma_wait3A_1144 = arith.constant 1 : i32
        %dma_wait3A_1145 = arith.constant 0 : i32
        %dma_wait3A_1146 = arith.constant 0 : i32
        %dma_wait3A_1147 = tpu.memref_slice %arg17[%dma_wait3A_1144, %dma_wait3A_1145, %dma_wait3A_1146] : memref<2x128x128xf32, #tpu.memory_space<vmem>> -> memref<1x128x128xf32, #tpu.memory_space<vmem>>
        %dma_wait3A_1148 = tpu.memref_squeeze %dma_wait3A_1147 : memref<1x128x128xf32, #tpu.memory_space<vmem>> -> memref<128x128xf32, #tpu.memory_space<vmem>>
        %dma_wait3A_1149 = arith.constant 0 : i32
        %dma_wait3A_1150 = tpu.memref_slice %arg14[%while3A_1126, %dma_wait3A_1149] : memref<32x128xi32, #tpu.memory_space<vmem>> -> memref<1x128xi32, #tpu.memory_space<vmem>>
        %dma_wait3A_1151 = tpu.memref_squeeze %dma_wait3A_1150 : memref<1x128xi32, #tpu.memory_space<vmem>> -> memref<128xi32, #tpu.memory_space<vmem>>
        %dma_wait3A_1152 = arith.constant 0 : i32
        %dma_wait3A_1153 = arith.constant 0 : i32
        %dma_wait3A_1154 = tpu.memref_slice %arg5[%dma_wait3A_1152, %dma_wait3A_1153] : memref<10000x128xf32, #tpu.memory_space<hbm>> -> memref<10000x128xf32, #tpu.memory_space<hbm>>
        tpu.wait_indirect_dma semaphore(%arg22 : memref<!tpu.dma_semaphore, #tpu.memory_space<semaphore_mem>>) src(%dma_wait3A_1154 : memref<10000x128xf32, #tpu.memory_space<hbm>>) dst(%dma_wait3A_1148 : memref<128x128xf32, #tpu.memory_space<vmem>>)
        %run_scoped3A = arith.constant 1 : i32
        "tpu.region"() ({
          %run_scoped3A_1155 = tpu.sem_alloc : memref<!tpu.dma_semaphore, #tpu.memory_space<semaphore_mem>>
          %dma_start3A_1156 = arith.constant 0 : i32
          %dma_start3A_1157 = arith.constant 0 : i32
          %dma_start3A_1158 = tpu.memref_slice %arg17[%run_scoped3A, %dma_start3A_1156, %dma_start3A_1157] : memref<2x128x128xf32, #tpu.memory_space<vmem>> -> memref<1x128x128xf32, #tpu.memory_space<vmem>>
          %dma_start3A_1159 = tpu.memref_squeeze %dma_start3A_1158 : memref<1x128x128xf32, #tpu.memory_space<vmem>> -> memref<128x128xf32, #tpu.memory_space<vmem>>
          %dma_start3A_1160 = arith.constant 0 : i32
          %dma_start3A_1161 = tpu.memref_slice %arg15[%while3A_1126, %dma_start3A_1160] : memref<32x128xi32, #tpu.memory_space<vmem>> -> memref<1x128xi32, #tpu.memory_space<vmem>>
          %dma_start3A_1162 = tpu.memref_squeeze %dma_start3A_1161 : memref<1x128xi32, #tpu.memory_space<vmem>> -> memref<128xi32, #tpu.memory_space<vmem>>
          %dma_start3A_1163 = arith.constant 0 : i32
          %dma_start3A_1164 = arith.constant 0 : i32
          %dma_start3A_1165 = tpu.memref_slice %arg18[%dma_start3A_1163, %dma_start3A_1164] : memref<5248x128xf32, #tpu.memory_space<vmem_shared>> -> memref<5248x128xf32, #tpu.memory_space<vmem_shared>>
          tpu.enqueue_indirect_dma source(%dma_start3A_1159 : memref<128x128xf32, #tpu.memory_space<vmem>>) target(%dma_start3A_1165 : memref<5248x128xf32, #tpu.memory_space<vmem_shared>>) offsets(%dma_start3A_1162 : memref<128xi32, #tpu.memory_space<vmem>>) semaphore(%run_scoped3A_1155 : memref<!tpu.dma_semaphore, #tpu.memory_space<semaphore_mem>>) {add = true}
          %dma_wait3A_1166 = arith.constant 0 : i32
          %dma_wait3A_1167 = arith.constant 0 : i32
          %dma_wait3A_1168 = tpu.memref_slice %arg17[%run_scoped3A, %dma_wait3A_1166, %dma_wait3A_1167] : memref<2x128x128xf32, #tpu.memory_space<vmem>> -> memref<1x128x128xf32, #tpu.memory_space<vmem>>
          %dma_wait3A_1169 = tpu.memref_squeeze %dma_wait3A_1168 : memref<1x128x128xf32, #tpu.memory_space<vmem>> -> memref<128x128xf32, #tpu.memory_space<vmem>>
          %dma_wait3A_1170 = arith.constant 0 : i32
          %dma_wait3A_1171 = tpu.memref_slice %arg15[%while3A_1126, %dma_wait3A_1170] : memref<32x128xi32, #tpu.memory_space<vmem>> -> memref<1x128xi32, #tpu.memory_space<vmem>>
          %dma_wait3A_1172 = tpu.memref_squeeze %dma_wait3A_1171 : memref<1x128xi32, #tpu.memory_space<vmem>> -> memref<128xi32, #tpu.memory_space<vmem>>
          %dma_wait3A_1173 = arith.constant 0 : i32
          %dma_wait3A_1174 = arith.constant 0 : i32
          %dma_wait3A_1175 = tpu.memref_slice %arg18[%dma_wait3A_1173, %dma_wait3A_1174] : memref<5248x128xf32, #tpu.memory_space<vmem_shared>> -> memref<5248x128xf32, #tpu.memory_space<vmem_shared>>
          tpu.wait_indirect_dma semaphore(%run_scoped3A_1155 : memref<!tpu.dma_semaphore, #tpu.memory_space<semaphore_mem>>) src(%dma_wait3A_1169 : memref<128x128xf32, #tpu.memory_space<vmem>>) dst(%dma_wait3A_1175 : memref<5248x128xf32, #tpu.memory_space<vmem_shared>>)
          tpu.yield
        }) : () -> ()
      } else {
      }
    }
    %while3A_306 = arith.constant 1 : i32
    scf.for %while3A_1126 = %while3A_304 to %while3A_300 step %while3A_306  : i32 {
      %and3A_1127 = arith.constant 1 : i32
      %and3A_1128 = arith.andi %while3A_1126, %and3A_1127 : i32
      %add3A_1129 = arith.constant 1 : i32
      %add3A_1130 = arith.addi %while3A_1126, %add3A_1129 : i32
      %lt3A_1131 = arith.cmpi slt, %add3A_1130, %shift_right_arithmetic3A_250 : i32
      %convert_element_type3A_1132 = arith.extui %lt3A_1131 : i1 to i32
      %cond3A_1133 = arith.constant 0 : i32
      %cond3A_1134 = arith.cmpi ne, %convert_element_type3A_1132, %cond3A_1133 : i32
      scf.if %cond3A_1134 {
        %sub3A_1144 = arith.constant 1 : i32
        %sub3A_1145 = arith.subi %sub3A_1144, %and3A_1128 : i32
        %eq3A_1146 = arith.constant 0 : i32
        %eq3A_1147 = arith.cmpi eq, %sub3A_1145, %eq3A_1146 : i32
        %convert_element_type3A_1148 = arith.extui %eq3A_1147 : i1 to i32
        %cond3A_1149 = arith.constant 0 : i32
        %cond3A_1150 = arith.cmpi ne, %convert_element_type3A_1148, %cond3A_1149 : i32
        scf.if %cond3A_1150 {
          %add3A_1158 = arith.constant 1 : i32
          %add3A_1159 = arith.addi %while3A_1126, %add3A_1158 : i32
          %dma_start3A_1160 = arith.constant 0 : i32
          %dma_start3A_1161 = arith.constant 0 : i32
          %dma_start3A_1162 = arith.constant 0 : i32
          %dma_start3A_1163 = tpu.memref_slice %arg17[%dma_start3A_1160, %dma_start3A_1161, %dma_start3A_1162] : memref<2x128x128xf32, #tpu.memory_space<vmem>> -> memref<1x128x128xf32, #tpu.memory_space<vmem>>
          %dma_start3A_1164 = tpu.memref_squeeze %dma_start3A_1163 : memref<1x128x128xf32, #tpu.memory_space<vmem>> -> memref<128x128xf32, #tpu.memory_space<vmem>>
          %dma_start3A_1165 = arith.constant 0 : i32
          %dma_start3A_1166 = tpu.memref_slice %arg14[%add3A_1159, %dma_start3A_1165] : memref<32x128xi32, #tpu.memory_space<vmem>> -> memref<1x128xi32, #tpu.memory_space<vmem>>
          %dma_start3A_1167 = tpu.memref_squeeze %dma_start3A_1166 : memref<1x128xi32, #tpu.memory_space<vmem>> -> memref<128xi32, #tpu.memory_space<vmem>>
          %dma_start3A_1168 = arith.constant 0 : i32
          %dma_start3A_1169 = arith.constant 0 : i32
          %dma_start3A_1170 = tpu.memref_slice %arg5[%dma_start3A_1168, %dma_start3A_1169] : memref<10000x128xf32, #tpu.memory_space<hbm>> -> memref<10000x128xf32, #tpu.memory_space<hbm>>
          tpu.enqueue_indirect_dma source(%dma_start3A_1170 : memref<10000x128xf32, #tpu.memory_space<hbm>>) target(%dma_start3A_1164 : memref<128x128xf32, #tpu.memory_space<vmem>>) offsets(%dma_start3A_1167 : memref<128xi32, #tpu.memory_space<vmem>>) semaphore(%arg21 : memref<!tpu.dma_semaphore, #tpu.memory_space<semaphore_mem>>)
        } else {
        }
        %sub3A_1151 = arith.constant 1 : i32
        %sub3A_1152 = arith.subi %sub3A_1151, %and3A_1128 : i32
        %eq3A_1153 = arith.constant 1 : i32
        %eq3A_1154 = arith.cmpi eq, %sub3A_1152, %eq3A_1153 : i32
        %convert_element_type3A_1155 = arith.extui %eq3A_1154 : i1 to i32
        %cond3A_1156 = arith.constant 0 : i32
        %cond3A_1157 = arith.cmpi ne, %convert_element_type3A_1155, %cond3A_1156 : i32
        scf.if %cond3A_1157 {
          %add3A_1158 = arith.constant 1 : i32
          %add3A_1159 = arith.addi %while3A_1126, %add3A_1158 : i32
          %dma_start3A_1160 = arith.constant 1 : i32
          %dma_start3A_1161 = arith.constant 0 : i32
          %dma_start3A_1162 = arith.constant 0 : i32
          %dma_start3A_1163 = tpu.memref_slice %arg17[%dma_start3A_1160, %dma_start3A_1161, %dma_start3A_1162] : memref<2x128x128xf32, #tpu.memory_space<vmem>> -> memref<1x128x128xf32, #tpu.memory_space<vmem>>
          %dma_start3A_1164 = tpu.memref_squeeze %dma_start3A_1163 : memref<1x128x128xf32, #tpu.memory_space<vmem>> -> memref<128x128xf32, #tpu.memory_space<vmem>>
          %dma_start3A_1165 = arith.constant 0 : i32
          %dma_start3A_1166 = tpu.memref_slice %arg14[%add3A_1159, %dma_start3A_1165] : memref<32x128xi32, #tpu.memory_space<vmem>> -> memref<1x128xi32, #tpu.memory_space<vmem>>
          %dma_start3A_1167 = tpu.memref_squeeze %dma_start3A_1166 : memref<1x128xi32, #tpu.memory_space<vmem>> -> memref<128xi32, #tpu.memory_space<vmem>>
          %dma_start3A_1168 = arith.constant 0 : i32
          %dma_start3A_1169 = arith.constant 0 : i32
          %dma_start3A_1170 = tpu.memref_slice %arg5[%dma_start3A_1168, %dma_start3A_1169] : memref<10000x128xf32, #tpu.memory_space<hbm>> -> memref<10000x128xf32, #tpu.memory_space<hbm>>
          tpu.enqueue_indirect_dma source(%dma_start3A_1170 : memref<10000x128xf32, #tpu.memory_space<hbm>>) target(%dma_start3A_1164 : memref<128x128xf32, #tpu.memory_space<vmem>>) offsets(%dma_start3A_1167 : memref<128xi32, #tpu.memory_space<vmem>>) semaphore(%arg22 : memref<!tpu.dma_semaphore, #tpu.memory_space<semaphore_mem>>)
        } else {
        }
      } else {
      }
      %eq3A = arith.constant 0 : i32
      %eq3A_1135 = arith.cmpi eq, %and3A_1128, %eq3A : i32
      %convert_element_type3A_1136 = arith.extui %eq3A_1135 : i1 to i32
      %cond3A_1137 = arith.constant 0 : i32
      %cond3A_1138 = arith.cmpi ne, %convert_element_type3A_1136, %cond3A_1137 : i32
      scf.if %cond3A_1138 {
        %dma_wait3A_1144 = arith.constant 0 : i32
        %dma_wait3A_1145 = arith.constant 0 : i32
        %dma_wait3A_1146 = arith.constant 0 : i32
        %dma_wait3A_1147 = tpu.memref_slice %arg17[%dma_wait3A_1144, %dma_wait3A_1145, %dma_wait3A_1146] : memref<2x128x128xf32, #tpu.memory_space<vmem>> -> memref<1x128x128xf32, #tpu.memory_space<vmem>>
        %dma_wait3A_1148 = tpu.memref_squeeze %dma_wait3A_1147 : memref<1x128x128xf32, #tpu.memory_space<vmem>> -> memref<128x128xf32, #tpu.memory_space<vmem>>
        %dma_wait3A_1149 = arith.constant 0 : i32
        %dma_wait3A_1150 = tpu.memref_slice %arg14[%while3A_1126, %dma_wait3A_1149] : memref<32x128xi32, #tpu.memory_space<vmem>> -> memref<1x128xi32, #tpu.memory_space<vmem>>
        %dma_wait3A_1151 = tpu.memref_squeeze %dma_wait3A_1150 : memref<1x128xi32, #tpu.memory_space<vmem>> -> memref<128xi32, #tpu.memory_space<vmem>>
        %dma_wait3A_1152 = arith.constant 0 : i32
        %dma_wait3A_1153 = arith.constant 0 : i32
        %dma_wait3A_1154 = tpu.memref_slice %arg5[%dma_wait3A_1152, %dma_wait3A_1153] : memref<10000x128xf32, #tpu.memory_space<hbm>> -> memref<10000x128xf32, #tpu.memory_space<hbm>>
        tpu.wait_indirect_dma semaphore(%arg21 : memref<!tpu.dma_semaphore, #tpu.memory_space<semaphore_mem>>) src(%dma_wait3A_1154 : memref<10000x128xf32, #tpu.memory_space<hbm>>) dst(%dma_wait3A_1148 : memref<128x128xf32, #tpu.memory_space<vmem>>)
        %run_scoped3A = arith.constant 0 : i32
        "tpu.region"() ({
          %run_scoped3A_1155 = tpu.sem_alloc : memref<!tpu.dma_semaphore, #tpu.memory_space<semaphore_mem>>
          %dma_start3A_1156 = arith.constant 0 : i32
          %dma_start3A_1157 = arith.constant 0 : i32
          %dma_start3A_1158 = tpu.memref_slice %arg17[%run_scoped3A, %dma_start3A_1156, %dma_start3A_1157] : memref<2x128x128xf32, #tpu.memory_space<vmem>> -> memref<1x128x128xf32, #tpu.memory_space<vmem>>
          %dma_start3A_1159 = tpu.memref_squeeze %dma_start3A_1158 : memref<1x128x128xf32, #tpu.memory_space<vmem>> -> memref<128x128xf32, #tpu.memory_space<vmem>>
          %dma_start3A_1160 = arith.constant 0 : i32
          %dma_start3A_1161 = tpu.memref_slice %arg15[%while3A_1126, %dma_start3A_1160] : memref<32x128xi32, #tpu.memory_space<vmem>> -> memref<1x128xi32, #tpu.memory_space<vmem>>
          %dma_start3A_1162 = tpu.memref_squeeze %dma_start3A_1161 : memref<1x128xi32, #tpu.memory_space<vmem>> -> memref<128xi32, #tpu.memory_space<vmem>>
          %dma_start3A_1163 = arith.constant 0 : i32
          %dma_start3A_1164 = arith.constant 0 : i32
          %dma_start3A_1165 = tpu.memref_slice %arg18[%dma_start3A_1163, %dma_start3A_1164] : memref<5248x128xf32, #tpu.memory_space<vmem_shared>> -> memref<5248x128xf32, #tpu.memory_space<vmem_shared>>
          tpu.enqueue_indirect_dma source(%dma_start3A_1159 : memref<128x128xf32, #tpu.memory_space<vmem>>) target(%dma_start3A_1165 : memref<5248x128xf32, #tpu.memory_space<vmem_shared>>) offsets(%dma_start3A_1162 : memref<128xi32, #tpu.memory_space<vmem>>) semaphore(%run_scoped3A_1155 : memref<!tpu.dma_semaphore, #tpu.memory_space<semaphore_mem>>) {add = true}
          %dma_wait3A_1166 = arith.constant 0 : i32
          %dma_wait3A_1167 = arith.constant 0 : i32
          %dma_wait3A_1168 = tpu.memref_slice %arg17[%run_scoped3A, %dma_wait3A_1166, %dma_wait3A_1167] : memref<2x128x128xf32, #tpu.memory_space<vmem>> -> memref<1x128x128xf32, #tpu.memory_space<vmem>>
          %dma_wait3A_1169 = tpu.memref_squeeze %dma_wait3A_1168 : memref<1x128x128xf32, #tpu.memory_space<vmem>> -> memref<128x128xf32, #tpu.memory_space<vmem>>
          %dma_wait3A_1170 = arith.constant 0 : i32
          %dma_wait3A_1171 = tpu.memref_slice %arg15[%while3A_1126, %dma_wait3A_1170] : memref<32x128xi32, #tpu.memory_space<vmem>> -> memref<1x128xi32, #tpu.memory_space<vmem>>
          %dma_wait3A_1172 = tpu.memref_squeeze %dma_wait3A_1171 : memref<1x128xi32, #tpu.memory_space<vmem>> -> memref<128xi32, #tpu.memory_space<vmem>>
          %dma_wait3A_1173 = arith.constant 0 : i32
          %dma_wait3A_1174 = arith.constant 0 : i32
          %dma_wait3A_1175 = tpu.memref_slice %arg18[%dma_wait3A_1173, %dma_wait3A_1174] : memref<5248x128xf32, #tpu.memory_space<vmem_shared>> -> memref<5248x128xf32, #tpu.memory_space<vmem_shared>>
          tpu.wait_indirect_dma semaphore(%run_scoped3A_1155 : memref<!tpu.dma_semaphore, #tpu.memory_space<semaphore_mem>>) src(%dma_wait3A_1169 : memref<128x128xf32, #tpu.memory_space<vmem>>) dst(%dma_wait3A_1175 : memref<5248x128xf32, #tpu.memory_space<vmem_shared>>)
          tpu.yield
        }) : () -> ()
      } else {
      }
      %eq3A_1139 = arith.constant 1 : i32
      %eq3A_1140 = arith.cmpi eq, %and3A_1128, %eq3A_1139 : i32
      %convert_element_type3A_1141 = arith.extui %eq3A_1140 : i1 to i32
      %cond3A_1142 = arith.constant 0 : i32
      %cond3A_1143 = arith.cmpi ne, %convert_element_type3A_1141, %cond3A_1142 : i32
      scf.if %cond3A_1143 {
        %dma_wait3A_1144 = arith.constant 1 : i32
        %dma_wait3A_1145 = arith.constant 0 : i32
        %dma_wait3A_1146 = arith.constant 0 : i32
        %dma_wait3A_1147 = tpu.memref_slice %arg17[%dma_wait3A_1144, %dma_wait3A_1145, %dma_wait3A_1146] : memref<2x128x128xf32, #tpu.memory_space<vmem>> -> memref<1x128x128xf32, #tpu.memory_space<vmem>>
        %dma_wait3A_1148 = tpu.memref_squeeze %dma_wait3A_1147 : memref<1x128x128xf32, #tpu.memory_space<vmem>> -> memref<128x128xf32, #tpu.memory_space<vmem>>
        %dma_wait3A_1149 = arith.constant 0 : i32
        %dma_wait3A_1150 = tpu.memref_slice %arg14[%while3A_1126, %dma_wait3A_1149] : memref<32x128xi32, #tpu.memory_space<vmem>> -> memref<1x128xi32, #tpu.memory_space<vmem>>
        %dma_wait3A_1151 = tpu.memref_squeeze %dma_wait3A_1150 : memref<1x128xi32, #tpu.memory_space<vmem>> -> memref<128xi32, #tpu.memory_space<vmem>>
        %dma_wait3A_1152 = arith.constant 0 : i32
        %dma_wait3A_1153 = arith.constant 0 : i32
        %dma_wait3A_1154 = tpu.memref_slice %arg5[%dma_wait3A_1152, %dma_wait3A_1153] : memref<10000x128xf32, #tpu.memory_space<hbm>> -> memref<10000x128xf32, #tpu.memory_space<hbm>>
        tpu.wait_indirect_dma semaphore(%arg22 : memref<!tpu.dma_semaphore, #tpu.memory_space<semaphore_mem>>) src(%dma_wait3A_1154 : memref<10000x128xf32, #tpu.memory_space<hbm>>) dst(%dma_wait3A_1148 : memref<128x128xf32, #tpu.memory_space<vmem>>)
        %run_scoped3A = arith.constant 1 : i32
        "tpu.region"() ({
          %run_scoped3A_1155 = tpu.sem_alloc : memref<!tpu.dma_semaphore, #tpu.memory_space<semaphore_mem>>
          %dma_start3A_1156 = arith.constant 0 : i32
          %dma_start3A_1157 = arith.constant 0 : i32
          %dma_start3A_1158 = tpu.memref_slice %arg17[%run_scoped3A, %dma_start3A_1156, %dma_start3A_1157] : memref<2x128x128xf32, #tpu.memory_space<vmem>> -> memref<1x128x128xf32, #tpu.memory_space<vmem>>
          %dma_start3A_1159 = tpu.memref_squeeze %dma_start3A_1158 : memref<1x128x128xf32, #tpu.memory_space<vmem>> -> memref<128x128xf32, #tpu.memory_space<vmem>>
          %dma_start3A_1160 = arith.constant 0 : i32
          %dma_start3A_1161 = tpu.memref_slice %arg15[%while3A_1126, %dma_start3A_1160] : memref<32x128xi32, #tpu.memory_space<vmem>> -> memref<1x128xi32, #tpu.memory_space<vmem>>
          %dma_start3A_1162 = tpu.memref_squeeze %dma_start3A_1161 : memref<1x128xi32, #tpu.memory_space<vmem>> -> memref<128xi32, #tpu.memory_space<vmem>>
          %dma_start3A_1163 = arith.constant 0 : i32
          %dma_start3A_1164 = arith.constant 0 : i32
          %dma_start3A_1165 = tpu.memref_slice %arg18[%dma_start3A_1163, %dma_start3A_1164] : memref<5248x128xf32, #tpu.memory_space<vmem_shared>> -> memref<5248x128xf32, #tpu.memory_space<vmem_shared>>
          tpu.enqueue_indirect_dma source(%dma_start3A_1159 : memref<128x128xf32, #tpu.memory_space<vmem>>) target(%dma_start3A_1165 : memref<5248x128xf32, #tpu.memory_space<vmem_shared>>) offsets(%dma_start3A_1162 : memref<128xi32, #tpu.memory_space<vmem>>) semaphore(%run_scoped3A_1155 : memref<!tpu.dma_semaphore, #tpu.memory_space<semaphore_mem>>) {add = true}
          %dma_wait3A_1166 = arith.constant 0 : i32
          %dma_wait3A_1167 = arith.constant 0 : i32
          %dma_wait3A_1168 = tpu.memref_slice %arg17[%run_scoped3A, %dma_wait3A_1166, %dma_wait3A_1167] : memref<2x128x128xf32, #tpu.memory_space<vmem>> -> memref<1x128x128xf32, #tpu.memory_space<vmem>>
          %dma_wait3A_1169 = tpu.memref_squeeze %dma_wait3A_1168 : memref<1x128x128xf32, #tpu.memory_space<vmem>> -> memref<128x128xf32, #tpu.memory_space<vmem>>
          %dma_wait3A_1170 = arith.constant 0 : i32
          %dma_wait3A_1171 = tpu.memref_slice %arg15[%while3A_1126, %dma_wait3A_1170] : memref<32x128xi32, #tpu.memory_space<vmem>> -> memref<1x128xi32, #tpu.memory_space<vmem>>
          %dma_wait3A_1172 = tpu.memref_squeeze %dma_wait3A_1171 : memref<1x128xi32, #tpu.memory_space<vmem>> -> memref<128xi32, #tpu.memory_space<vmem>>
          %dma_wait3A_1173 = arith.constant 0 : i32
          %dma_wait3A_1174 = arith.constant 0 : i32
          %dma_wait3A_1175 = tpu.memref_slice %arg18[%dma_wait3A_1173, %dma_wait3A_1174] : memref<5248x128xf32, #tpu.memory_space<vmem_shared>> -> memref<5248x128xf32, #tpu.memory_space<vmem_shared>>
          tpu.wait_indirect_dma semaphore(%run_scoped3A_1155 : memref<!tpu.dma_semaphore, #tpu.memory_space<semaphore_mem>>) src(%dma_wait3A_1169 : memref<128x128xf32, #tpu.memory_space<vmem>>) dst(%dma_wait3A_1175 : memref<5248x128xf32, #tpu.memory_space<vmem_shared>>)
          tpu.yield
        }) : () -> ()
      } else {
      }
    }
    %add3A_307 = arith.constant 4000 : i32
    %add3A_308 = arith.addi %mul3A_50, %add3A_307 : i32
    %dma_wait3A_309 = tpu.memref_slice %arg2[%add3A_308] : memref<320000xi32, #tpu.memory_space<hbm>> -> memref<4000xi32, #tpu.memory_space<hbm>>
    %dma_wait3A_310 = tpu.memref_slice %arg2[%add3A_308] : memref<320000xi32, #tpu.memory_space<hbm>> -> memref<4000xi32, #tpu.memory_space<hbm>>
    tpu.wait_dma2 semaphore(%arg20 : memref<!tpu.dma_semaphore, #tpu.memory_space<semaphore_mem>>) src(%dma_wait3A_310 : memref<4000xi32, #tpu.memory_space<hbm>>) dst(%arg11 : memref<4000xi32, #tpu.memory_space<vmem>>)
    %add3A_311 = arith.constant 4000 : i32
    %add3A_312 = arith.addi %mul3A_50, %add3A_311 : i32
    %dma_wait3A_313 = tpu.memref_slice %arg3[%add3A_312] : memref<320000xi32, #tpu.memory_space<hbm>> -> memref<4000xi32, #tpu.memory_space<hbm>>
    %dma_wait3A_314 = tpu.memref_slice %arg3[%add3A_312] : memref<320000xi32, #tpu.memory_space<hbm>> -> memref<4000xi32, #tpu.memory_space<hbm>>
    tpu.wait_dma2 semaphore(%arg20 : memref<!tpu.dma_semaphore, #tpu.memory_space<semaphore_mem>>) src(%dma_wait3A_314 : memref<4000xi32, #tpu.memory_space<hbm>>) dst(%arg13 : memref<4000xi32, #tpu.memory_space<vmem>>)
    %add3A_315 = arith.constant 8000 : i32
    %add3A_316 = arith.addi %mul3A_50, %add3A_315 : i32
    %dma_start3A_317 = tpu.memref_slice %arg2[%add3A_316] : memref<320000xi32, #tpu.memory_space<hbm>> -> memref<4000xi32, #tpu.memory_space<hbm>>
    %dma_start3A_318 = tpu.memref_slice %arg2[%add3A_316] : memref<320000xi32, #tpu.memory_space<hbm>> -> memref<4000xi32, #tpu.memory_space<hbm>>
    tpu.enqueue_dma source(%dma_start3A_318 : memref<4000xi32, #tpu.memory_space<hbm>>) target(%arg10 : memref<4000xi32, #tpu.memory_space<vmem>>) target_semaphore(%arg19 : memref<!tpu.dma_semaphore, #tpu.memory_space<semaphore_mem>>)
    %dma_start3A_319 = tpu.memref_slice %arg3[%add3A_316] : memref<320000xi32, #tpu.memory_space<hbm>> -> memref<4000xi32, #tpu.memory_space<hbm>>
    %dma_start3A_320 = tpu.memref_slice %arg3[%add3A_316] : memref<320000xi32, #tpu.memory_space<hbm>> -> memref<4000xi32, #tpu.memory_space<hbm>>
    tpu.enqueue_dma source(%dma_start3A_320 : memref<4000xi32, #tpu.memory_space<hbm>>) target(%arg12 : memref<4000xi32, #tpu.memory_space<vmem>>) target_semaphore(%arg19 : memref<!tpu.dma_semaphore, #tpu.memory_space<semaphore_mem>>)
    %broadcast_in_dim3A_321 = arith.constant 0 : i32
    %broadcast_in_dim3A_322 = vector.broadcast %broadcast_in_dim3A_321 : i32 to vector<16xi32>
    %parallel_loop3A_323 = arith.constant 0 : i32
    %parallel_loop3A_324 = arith.constant 250 : i32
    %parallel_loop3A_325 = arith.constant 1 : i32
    %parallel_loop3A_326 = scf.for %parallel_loop3A_1126 = %parallel_loop3A_323 to %parallel_loop3A_324 step %parallel_loop3A_325 iter_args(%parallel_loop3A_1127 = %broadcast_in_dim3A_322) -> (vector<16xi32>)  : i32 {
      %parallel_loop3A_1128 = arith.constant 16 : i32
      %parallel_loop3A_1129 = arith.muli %parallel_loop3A_1126, %parallel_loop3A_1128 : i32
      %parallel_loop3A_1130 = arith.index_cast %parallel_loop3A_1129 : i32 to index
      %parallel_loop3A_1131 = tpu.vector_load %arg11[%parallel_loop3A_1130] {strides = array<i32>} : memref<4000xi32, #tpu.memory_space<vmem>>, vector<16xi32>,
      %parallel_loop3A_1132 = arith.constant 16 : i32
      %parallel_loop3A_1133 = arith.muli %parallel_loop3A_1126, %parallel_loop3A_1132 : i32
      %parallel_loop3A_1134 = arith.index_cast %parallel_loop3A_1133 : i32 to index
      %parallel_loop3A_1135 = tpu.vector_load %arg13[%parallel_loop3A_1134] {strides = array<i32>} : memref<4000xi32, #tpu.memory_space<vmem>>, vector<16xi32>,
      %parallel_loop3A_1136 = tpu.vector_load_idx %arg8[%parallel_loop3A_1135] : memref<10000xi32, #tpu.memory_space<vmem>>[vector<16xi32>], vector<16xi32>,
      %parallel_loop3A_1137 = arith.constant 5120 : i32
      %parallel_loop3A_1138 = arith.muli %arg0, %parallel_loop3A_1137 : i32
      %parallel_loop3A_1139 = vector.broadcast %parallel_loop3A_1138 : i32 to vector<16xi32>
      %parallel_loop3A_1140 = arith.subi %parallel_loop3A_1135, %parallel_loop3A_1139 : vector<16xi32>
      %parallel_loop3A_1141 = arith.constant 0 : i32
      %parallel_loop3A_1142 = vector.broadcast %parallel_loop3A_1141 : i32 to vector<16xi32>
      %parallel_loop3A_1143 = arith.cmpi sgt, %parallel_loop3A_1136, %parallel_loop3A_1142 : vector<16xi32>
      %parallel_loop3A_1144 = arith.constant 0 : i32
      %parallel_loop3A_1145 = vector.broadcast %parallel_loop3A_1144 : i32 to vector<16xi32>
      %parallel_loop3A_1146 = arith.cmpi sge, %parallel_loop3A_1140, %parallel_loop3A_1145 : vector<16xi32>
      %parallel_loop3A_1147 = arith.andi %parallel_loop3A_1143, %parallel_loop3A_1146 : vector<16xi1>
      %parallel_loop3A_1148 = arith.constant 5120 : i32
      %parallel_loop3A_1149 = vector.broadcast %parallel_loop3A_1148 : i32 to vector<16xi32>
      %parallel_loop3A_1150 = arith.cmpi slt, %parallel_loop3A_1140, %parallel_loop3A_1149 : vector<16xi32>
      %parallel_loop3A_1151 = arith.andi %parallel_loop3A_1147, %parallel_loop3A_1150 : vector<16xi1>
      %parallel_loop3A_1152 = arith.extui %parallel_loop3A_1151 : vector<16xi1> to vector<16xi32>
      %parallel_loop3A_1153 = arith.constant true
      %parallel_loop3A_1154 = vector.broadcast %parallel_loop3A_1153 : i1 to vector<16xi1>
      %parallel_loop3A_1155 = tpu.scan <sum>, %parallel_loop3A_1152 masked %parallel_loop3A_1154 : vector<16xi32>, vector<16xi1> -> vector<16xi32>
      %parallel_loop3A_1156 = arith.addi %parallel_loop3A_1127, %parallel_loop3A_1155 : vector<16xi32>
      %parallel_loop3A_1157 = arith.constant 1 : i32
      %parallel_loop3A_1158 = vector.broadcast %parallel_loop3A_1157 : i32 to vector<16xi32>
      %parallel_loop3A_1159 = arith.subi %parallel_loop3A_1156, %parallel_loop3A_1158 : vector<16xi32>
      %parallel_loop3A_1160 = arith.constant 7 : i32
      %parallel_loop3A_1161 = vector.broadcast %parallel_loop3A_1160 : i32 to vector<16xi32>
      %parallel_loop3A_1162 = arith.shrsi %parallel_loop3A_1159, %parallel_loop3A_1161 : vector<16xi32>
      %parallel_loop3A_1163 = arith.constant 127 : i32
      %parallel_loop3A_1164 = vector.broadcast %parallel_loop3A_1163 : i32 to vector<16xi32>
      %parallel_loop3A_1165 = arith.andi %parallel_loop3A_1159, %parallel_loop3A_1164 : vector<16xi32>
      tpu.vector_store_idx %arg14[%parallel_loop3A_1162, %parallel_loop3A_1165], %parallel_loop3A_1131 masked %parallel_loop3A_1151 : memref<32x128xi32, #tpu.memory_space<vmem>>[vector<16xi32>, vector<16xi32>], vector<16xi32>, vector<16xi1>
      %parallel_loop3A_1166 = arith.constant 7 : i32
      %parallel_loop3A_1167 = vector.broadcast %parallel_loop3A_1166 : i32 to vector<16xi32>
      %parallel_loop3A_1168 = arith.shrsi %parallel_loop3A_1159, %parallel_loop3A_1167 : vector<16xi32>
      %parallel_loop3A_1169 = arith.constant 127 : i32
      %parallel_loop3A_1170 = vector.broadcast %parallel_loop3A_1169 : i32 to vector<16xi32>
      %parallel_loop3A_1171 = arith.andi %parallel_loop3A_1159, %parallel_loop3A_1170 : vector<16xi32>
      tpu.vector_store_idx %arg15[%parallel_loop3A_1168, %parallel_loop3A_1171], %parallel_loop3A_1140 masked %parallel_loop3A_1151 : memref<32x128xi32, #tpu.memory_space<vmem>>[vector<16xi32>, vector<16xi32>], vector<16xi32>, vector<16xi1>
      tpu.vector_store_idx %arg16[%parallel_loop3A_1140], %broadcast_in_dim3A_2 masked %parallel_loop3A_1151 {add = true} : memref<5248xf32, #tpu.memory_space<vmem>>[vector<16xi32>], vector<16xf32>, vector<16xi1>
      %parallel_loop3A_1172 = tpu.all_reduce %parallel_loop3A_1151 {dim = 0 : i64, kind = #tpu.reduction_kind<sum>} : vector<16xi1> -> vector<16xi32>
      %parallel_loop3A_1173 = arith.addi %parallel_loop3A_1127, %parallel_loop3A_1172 : vector<16xi32>
      scf.yield %parallel_loop3A_1173 : vector<16xi32>
    } {sc.loop_unroll_factor = 4 : i64, sc.parallel_access}
    %add3A_327 = arith.constant 128 : i32
    %add3A_328 = vector.broadcast %add3A_327 : i32 to vector<16xi32>
    %add3A_329 = arith.addi %parallel_loop3A_326, %add3A_328 : vector<16xi32>
    %sub3A_330 = arith.constant 1 : i32
    %sub3A_331 = vector.broadcast %sub3A_330 : i32 to vector<16xi32>
    %sub3A_332 = arith.subi %add3A_329, %sub3A_331 : vector<16xi32>
    %and3A_333 = arith.constant -128 : i32
    %and3A_334 = vector.broadcast %and3A_333 : i32 to vector<16xi32>
    %and3A_335 = arith.andi %sub3A_332, %and3A_334 : vector<16xi32>
    %add3A_336 = arith.constant 0 : i32
    %add3A_337 = vector.broadcast %add3A_336 : i32 to vector<16xi32>
    %add3A_338 = arith.addi %parallel_loop3A_326, %add3A_337 : vector<16xi32>
    %add3A_339 = arith.addi %add3A_338, %iota3A : vector<16xi32>
    %lt3A_340 = arith.cmpi slt, %add3A_339, %and3A_335 : vector<16xi32>
    %shift_right_arithmetic3A_341 = arith.constant 7 : i32
    %shift_right_arithmetic3A_342 = vector.broadcast %shift_right_arithmetic3A_341 : i32 to vector<16xi32>
    %shift_right_arithmetic3A_343 = arith.shrsi %add3A_339, %shift_right_arithmetic3A_342 : vector<16xi32>
    %and3A_344 = arith.constant 127 : i32
    %and3A_345 = vector.broadcast %and3A_344 : i32 to vector<16xi32>
    %and3A_346 = arith.andi %add3A_339, %and3A_345 : vector<16xi32>
    %broadcast_in_dim3A_347 = arith.constant 0 : i32
    %broadcast_in_dim3A_348 = vector.broadcast %broadcast_in_dim3A_347 : i32 to vector<16xi32>
    tpu.vector_store_idx %arg14[%shift_right_arithmetic3A_343, %and3A_346], %broadcast_in_dim3A_348 masked %lt3A_340 : memref<32x128xi32, #tpu.memory_space<vmem>>[vector<16xi32>, vector<16xi32>], vector<16xi32>, vector<16xi1>
    %shift_right_arithmetic3A_349 = arith.constant 7 : i32
    %shift_right_arithmetic3A_350 = vector.broadcast %shift_right_arithmetic3A_349 : i32 to vector<16xi32>
    %shift_right_arithmetic3A_351 = arith.shrsi %add3A_339, %shift_right_arithmetic3A_350 : vector<16xi32>
    %and3A_352 = arith.constant 127 : i32
    %and3A_353 = vector.broadcast %and3A_352 : i32 to vector<16xi32>
    %and3A_354 = arith.andi %add3A_339, %and3A_353 : vector<16xi32>
    tpu.vector_store_idx %arg15[%shift_right_arithmetic3A_351, %and3A_354], %broadcast_in_dim3A_65 masked %lt3A_340 : memref<32x128xi32, #tpu.memory_space<vmem>>[vector<16xi32>, vector<16xi32>], vector<16xi32>, vector<16xi1>
    %add3A_355 = arith.constant 16 : i32
    %add3A_356 = vector.broadcast %add3A_355 : i32 to vector<16xi32>
    %add3A_357 = arith.addi %parallel_loop3A_326, %add3A_356 : vector<16xi32>
    %add3A_358 = arith.addi %add3A_357, %iota3A : vector<16xi32>
    %lt3A_359 = arith.cmpi slt, %add3A_358, %and3A_335 : vector<16xi32>
    %shift_right_arithmetic3A_360 = arith.constant 7 : i32
    %shift_right_arithmetic3A_361 = vector.broadcast %shift_right_arithmetic3A_360 : i32 to vector<16xi32>
    %shift_right_arithmetic3A_362 = arith.shrsi %add3A_358, %shift_right_arithmetic3A_361 : vector<16xi32>
    %and3A_363 = arith.constant 127 : i32
    %and3A_364 = vector.broadcast %and3A_363 : i32 to vector<16xi32>
    %and3A_365 = arith.andi %add3A_358, %and3A_364 : vector<16xi32>
    %broadcast_in_dim3A_366 = arith.constant 0 : i32
    %broadcast_in_dim3A_367 = vector.broadcast %broadcast_in_dim3A_366 : i32 to vector<16xi32>
    tpu.vector_store_idx %arg14[%shift_right_arithmetic3A_362, %and3A_365], %broadcast_in_dim3A_367 masked %lt3A_359 : memref<32x128xi32, #tpu.memory_space<vmem>>[vector<16xi32>, vector<16xi32>], vector<16xi32>, vector<16xi1>
    %shift_right_arithmetic3A_368 = arith.constant 7 : i32
    %shift_right_arithmetic3A_369 = vector.broadcast %shift_right_arithmetic3A_368 : i32 to vector<16xi32>
    %shift_right_arithmetic3A_370 = arith.shrsi %add3A_358, %shift_right_arithmetic3A_369 : vector<16xi32>
    %and3A_371 = arith.constant 127 : i32
    %and3A_372 = vector.broadcast %and3A_371 : i32 to vector<16xi32>
    %and3A_373 = arith.andi %add3A_358, %and3A_372 : vector<16xi32>
    tpu.vector_store_idx %arg15[%shift_right_arithmetic3A_370, %and3A_373], %broadcast_in_dim3A_65 masked %lt3A_359 : memref<32x128xi32, #tpu.memory_space<vmem>>[vector<16xi32>, vector<16xi32>], vector<16xi32>, vector<16xi1>
    %add3A_374 = arith.constant 32 : i32
    %add3A_375 = vector.broadcast %add3A_374 : i32 to vector<16xi32>
    %add3A_376 = arith.addi %parallel_loop3A_326, %add3A_375 : vector<16xi32>
    %add3A_377 = arith.addi %add3A_376, %iota3A : vector<16xi32>
    %lt3A_378 = arith.cmpi slt, %add3A_377, %and3A_335 : vector<16xi32>
    %shift_right_arithmetic3A_379 = arith.constant 7 : i32
    %shift_right_arithmetic3A_380 = vector.broadcast %shift_right_arithmetic3A_379 : i32 to vector<16xi32>
    %shift_right_arithmetic3A_381 = arith.shrsi %add3A_377, %shift_right_arithmetic3A_380 : vector<16xi32>
    %and3A_382 = arith.constant 127 : i32
    %and3A_383 = vector.broadcast %and3A_382 : i32 to vector<16xi32>
    %and3A_384 = arith.andi %add3A_377, %and3A_383 : vector<16xi32>
    %broadcast_in_dim3A_385 = arith.constant 0 : i32
    %broadcast_in_dim3A_386 = vector.broadcast %broadcast_in_dim3A_385 : i32 to vector<16xi32>
    tpu.vector_store_idx %arg14[%shift_right_arithmetic3A_381, %and3A_384], %broadcast_in_dim3A_386 masked %lt3A_378 : memref<32x128xi32, #tpu.memory_space<vmem>>[vector<16xi32>, vector<16xi32>], vector<16xi32>, vector<16xi1>
    %shift_right_arithmetic3A_387 = arith.constant 7 : i32
    %shift_right_arithmetic3A_388 = vector.broadcast %shift_right_arithmetic3A_387 : i32 to vector<16xi32>
    %shift_right_arithmetic3A_389 = arith.shrsi %add3A_377, %shift_right_arithmetic3A_388 : vector<16xi32>
    %and3A_390 = arith.constant 127 : i32
    %and3A_391 = vector.broadcast %and3A_390 : i32 to vector<16xi32>
    %and3A_392 = arith.andi %add3A_377, %and3A_391 : vector<16xi32>
    tpu.vector_store_idx %arg15[%shift_right_arithmetic3A_389, %and3A_392], %broadcast_in_dim3A_65 masked %lt3A_378 : memref<32x128xi32, #tpu.memory_space<vmem>>[vector<16xi32>, vector<16xi32>], vector<16xi32>, vector<16xi1>
    %add3A_393 = arith.constant 48 : i32
    %add3A_394 = vector.broadcast %add3A_393 : i32 to vector<16xi32>
    %add3A_395 = arith.addi %parallel_loop3A_326, %add3A_394 : vector<16xi32>
    %add3A_396 = arith.addi %add3A_395, %iota3A : vector<16xi32>
    %lt3A_397 = arith.cmpi slt, %add3A_396, %and3A_335 : vector<16xi32>
    %shift_right_arithmetic3A_398 = arith.constant 7 : i32
    %shift_right_arithmetic3A_399 = vector.broadcast %shift_right_arithmetic3A_398 : i32 to vector<16xi32>
    %shift_right_arithmetic3A_400 = arith.shrsi %add3A_396, %shift_right_arithmetic3A_399 : vector<16xi32>
    %and3A_401 = arith.constant 127 : i32
    %and3A_402 = vector.broadcast %and3A_401 : i32 to vector<16xi32>
    %and3A_403 = arith.andi %add3A_396, %and3A_402 : vector<16xi32>
    %broadcast_in_dim3A_404 = arith.constant 0 : i32
    %broadcast_in_dim3A_405 = vector.broadcast %broadcast_in_dim3A_404 : i32 to vector<16xi32>
    tpu.vector_store_idx %arg14[%shift_right_arithmetic3A_400, %and3A_403], %broadcast_in_dim3A_405 masked %lt3A_397 : memref<32x128xi32, #tpu.memory_space<vmem>>[vector<16xi32>, vector<16xi32>], vector<16xi32>, vector<16xi1>
    %shift_right_arithmetic3A_406 = arith.constant 7 : i32
    %shift_right_arithmetic3A_407 = vector.broadcast %shift_right_arithmetic3A_406 : i32 to vector<16xi32>
    %shift_right_arithmetic3A_408 = arith.shrsi %add3A_396, %shift_right_arithmetic3A_407 : vector<16xi32>
    %and3A_409 = arith.constant 127 : i32
    %and3A_410 = vector.broadcast %and3A_409 : i32 to vector<16xi32>
    %and3A_411 = arith.andi %add3A_396, %and3A_410 : vector<16xi32>
    tpu.vector_store_idx %arg15[%shift_right_arithmetic3A_408, %and3A_411], %broadcast_in_dim3A_65 masked %lt3A_397 : memref<32x128xi32, #tpu.memory_space<vmem>>[vector<16xi32>, vector<16xi32>], vector<16xi32>, vector<16xi1>
    %add3A_412 = arith.constant 64 : i32
    %add3A_413 = vector.broadcast %add3A_412 : i32 to vector<16xi32>
    %add3A_414 = arith.addi %parallel_loop3A_326, %add3A_413 : vector<16xi32>
    %add3A_415 = arith.addi %add3A_414, %iota3A : vector<16xi32>
    %lt3A_416 = arith.cmpi slt, %add3A_415, %and3A_335 : vector<16xi32>
    %shift_right_arithmetic3A_417 = arith.constant 7 : i32
    %shift_right_arithmetic3A_418 = vector.broadcast %shift_right_arithmetic3A_417 : i32 to vector<16xi32>
    %shift_right_arithmetic3A_419 = arith.shrsi %add3A_415, %shift_right_arithmetic3A_418 : vector<16xi32>
    %and3A_420 = arith.constant 127 : i32
    %and3A_421 = vector.broadcast %and3A_420 : i32 to vector<16xi32>
    %and3A_422 = arith.andi %add3A_415, %and3A_421 : vector<16xi32>
    %broadcast_in_dim3A_423 = arith.constant 0 : i32
    %broadcast_in_dim3A_424 = vector.broadcast %broadcast_in_dim3A_423 : i32 to vector<16xi32>
    tpu.vector_store_idx %arg14[%shift_right_arithmetic3A_419, %and3A_422], %broadcast_in_dim3A_424 masked %lt3A_416 : memref<32x128xi32, #tpu.memory_space<vmem>>[vector<16xi32>, vector<16xi32>], vector<16xi32>, vector<16xi1>
    %shift_right_arithmetic3A_425 = arith.constant 7 : i32
    %shift_right_arithmetic3A_426 = vector.broadcast %shift_right_arithmetic3A_425 : i32 to vector<16xi32>
    %shift_right_arithmetic3A_427 = arith.shrsi %add3A_415, %shift_right_arithmetic3A_426 : vector<16xi32>
    %and3A_428 = arith.constant 127 : i32
    %and3A_429 = vector.broadcast %and3A_428 : i32 to vector<16xi32>
    %and3A_430 = arith.andi %add3A_415, %and3A_429 : vector<16xi32>
    tpu.vector_store_idx %arg15[%shift_right_arithmetic3A_427, %and3A_430], %broadcast_in_dim3A_65 masked %lt3A_416 : memref<32x128xi32, #tpu.memory_space<vmem>>[vector<16xi32>, vector<16xi32>], vector<16xi32>, vector<16xi1>
    %add3A_431 = arith.constant 80 : i32
    %add3A_432 = vector.broadcast %add3A_431 : i32 to vector<16xi32>
    %add3A_433 = arith.addi %parallel_loop3A_326, %add3A_432 : vector<16xi32>
    %add3A_434 = arith.addi %add3A_433, %iota3A : vector<16xi32>
    %lt3A_435 = arith.cmpi slt, %add3A_434, %and3A_335 : vector<16xi32>
    %shift_right_arithmetic3A_436 = arith.constant 7 : i32
    %shift_right_arithmetic3A_437 = vector.broadcast %shift_right_arithmetic3A_436 : i32 to vector<16xi32>
    %shift_right_arithmetic3A_438 = arith.shrsi %add3A_434, %shift_right_arithmetic3A_437 : vector<16xi32>
    %and3A_439 = arith.constant 127 : i32
    %and3A_440 = vector.broadcast %and3A_439 : i32 to vector<16xi32>
    %and3A_441 = arith.andi %add3A_434, %and3A_440 : vector<16xi32>
    %broadcast_in_dim3A_442 = arith.constant 0 : i32
    %broadcast_in_dim3A_443 = vector.broadcast %broadcast_in_dim3A_442 : i32 to vector<16xi32>
    tpu.vector_store_idx %arg14[%shift_right_arithmetic3A_438, %and3A_441], %broadcast_in_dim3A_443 masked %lt3A_435 : memref<32x128xi32, #tpu.memory_space<vmem>>[vector<16xi32>, vector<16xi32>], vector<16xi32>, vector<16xi1>
    %shift_right_arithmetic3A_444 = arith.constant 7 : i32
    %shift_right_arithmetic3A_445 = vector.broadcast %shift_right_arithmetic3A_444 : i32 to vector<16xi32>
    %shift_right_arithmetic3A_446 = arith.shrsi %add3A_434, %shift_right_arithmetic3A_445 : vector<16xi32>
    %and3A_447 = arith.constant 127 : i32
    %and3A_448 = vector.broadcast %and3A_447 : i32 to vector<16xi32>
    %and3A_449 = arith.andi %add3A_434, %and3A_448 : vector<16xi32>
    tpu.vector_store_idx %arg15[%shift_right_arithmetic3A_446, %and3A_449], %broadcast_in_dim3A_65 masked %lt3A_435 : memref<32x128xi32, #tpu.memory_space<vmem>>[vector<16xi32>, vector<16xi32>], vector<16xi32>, vector<16xi1>
    %add3A_450 = arith.constant 96 : i32
    %add3A_451 = vector.broadcast %add3A_450 : i32 to vector<16xi32>
    %add3A_452 = arith.addi %parallel_loop3A_326, %add3A_451 : vector<16xi32>
    %add3A_453 = arith.addi %add3A_452, %iota3A : vector<16xi32>
    %lt3A_454 = arith.cmpi slt, %add3A_453, %and3A_335 : vector<16xi32>
    %shift_right_arithmetic3A_455 = arith.constant 7 : i32
    %shift_right_arithmetic3A_456 = vector.broadcast %shift_right_arithmetic3A_455 : i32 to vector<16xi32>
    %shift_right_arithmetic3A_457 = arith.shrsi %add3A_453, %shift_right_arithmetic3A_456 : vector<16xi32>
    %and3A_458 = arith.constant 127 : i32
    %and3A_459 = vector.broadcast %and3A_458 : i32 to vector<16xi32>
    %and3A_460 = arith.andi %add3A_453, %and3A_459 : vector<16xi32>
    %broadcast_in_dim3A_461 = arith.constant 0 : i32
    %broadcast_in_dim3A_462 = vector.broadcast %broadcast_in_dim3A_461 : i32 to vector<16xi32>
    tpu.vector_store_idx %arg14[%shift_right_arithmetic3A_457, %and3A_460], %broadcast_in_dim3A_462 masked %lt3A_454 : memref<32x128xi32, #tpu.memory_space<vmem>>[vector<16xi32>, vector<16xi32>], vector<16xi32>, vector<16xi1>
    %shift_right_arithmetic3A_463 = arith.constant 7 : i32
    %shift_right_arithmetic3A_464 = vector.broadcast %shift_right_arithmetic3A_463 : i32 to vector<16xi32>
    %shift_right_arithmetic3A_465 = arith.shrsi %add3A_453, %shift_right_arithmetic3A_464 : vector<16xi32>
    %and3A_466 = arith.constant 127 : i32
    %and3A_467 = vector.broadcast %and3A_466 : i32 to vector<16xi32>
    %and3A_468 = arith.andi %add3A_453, %and3A_467 : vector<16xi32>
    tpu.vector_store_idx %arg15[%shift_right_arithmetic3A_465, %and3A_468], %broadcast_in_dim3A_65 masked %lt3A_454 : memref<32x128xi32, #tpu.memory_space<vmem>>[vector<16xi32>, vector<16xi32>], vector<16xi32>, vector<16xi1>
    %add3A_469 = arith.constant 112 : i32
    %add3A_470 = vector.broadcast %add3A_469 : i32 to vector<16xi32>
    %add3A_471 = arith.addi %parallel_loop3A_326, %add3A_470 : vector<16xi32>
    %add3A_472 = arith.addi %add3A_471, %iota3A : vector<16xi32>
    %lt3A_473 = arith.cmpi slt, %add3A_472, %and3A_335 : vector<16xi32>
    %shift_right_arithmetic3A_474 = arith.constant 7 : i32
    %shift_right_arithmetic3A_475 = vector.broadcast %shift_right_arithmetic3A_474 : i32 to vector<16xi32>
    %shift_right_arithmetic3A_476 = arith.shrsi %add3A_472, %shift_right_arithmetic3A_475 : vector<16xi32>
    %and3A_477 = arith.constant 127 : i32
    %and3A_478 = vector.broadcast %and3A_477 : i32 to vector<16xi32>
    %and3A_479 = arith.andi %add3A_472, %and3A_478 : vector<16xi32>
    %broadcast_in_dim3A_480 = arith.constant 0 : i32
    %broadcast_in_dim3A_481 = vector.broadcast %broadcast_in_dim3A_480 : i32 to vector<16xi32>
    tpu.vector_store_idx %arg14[%shift_right_arithmetic3A_476, %and3A_479], %broadcast_in_dim3A_481 masked %lt3A_473 : memref<32x128xi32, #tpu.memory_space<vmem>>[vector<16xi32>, vector<16xi32>], vector<16xi32>, vector<16xi1>
    %shift_right_arithmetic3A_482 = arith.constant 7 : i32
    %shift_right_arithmetic3A_483 = vector.broadcast %shift_right_arithmetic3A_482 : i32 to vector<16xi32>
    %shift_right_arithmetic3A_484 = arith.shrsi %add3A_472, %shift_right_arithmetic3A_483 : vector<16xi32>
    %and3A_485 = arith.constant 127 : i32
    %and3A_486 = vector.broadcast %and3A_485 : i32 to vector<16xi32>
    %and3A_487 = arith.andi %add3A_472, %and3A_486 : vector<16xi32>
    tpu.vector_store_idx %arg15[%shift_right_arithmetic3A_484, %and3A_487], %broadcast_in_dim3A_65 masked %lt3A_473 : memref<32x128xi32, #tpu.memory_space<vmem>>[vector<16xi32>, vector<16xi32>], vector<16xi32>, vector<16xi1>
    %reduce_max3A_488 = arith.constant true
    %reduce_max3A_489 = vector.broadcast %reduce_max3A_488 : i1 to vector<16xi1>
    %reduce_max3A_490 = arith.constant -2147483648 : i32
    %reduce_max3A_491 = vector.broadcast %reduce_max3A_490 : i32 to vector<16xi32>
    %reduce_max3A_492 = arith.xori %and3A_335, %reduce_max3A_491 : vector<16xi32>
    %reduce_max3A_493 = tpu.scan <max>, %reduce_max3A_492 masked %reduce_max3A_489 : vector<16xi32>, vector<16xi1> -> vector<16xi32>
    %reduce_max3A_494 = arith.xori %reduce_max3A_493, %reduce_max3A_491 : vector<16xi32>
    %reduce_max3A_495 = vector.extract %reduce_max3A_494[15] : i32 from vector<16xi32>
    %shift_right_arithmetic3A_496 = arith.constant 7 : i32
    %shift_right_arithmetic3A_497 = arith.shrsi %reduce_max3A_495, %shift_right_arithmetic3A_496 : i32
    %gt3A_498 = arith.constant 0 : i32
    %gt3A_499 = arith.cmpi sgt, %shift_right_arithmetic3A_497, %gt3A_498 : i32
    %convert_element_type3A_500 = arith.extui %gt3A_499 : i1 to i32
    %cond3A_501 = arith.constant 0 : i32
    %cond3A_502 = arith.cmpi ne, %convert_element_type3A_500, %cond3A_501 : i32
    scf.if %cond3A_502 {
      %dma_start3A_1126 = arith.constant 0 : i32
      %dma_start3A_1127 = arith.constant 0 : i32
      %dma_start3A_1128 = arith.constant 0 : i32
      %dma_start3A_1129 = arith.constant 0 : i32
      %dma_start3A_1130 = tpu.memref_slice %arg17[%dma_start3A_1127, %dma_start3A_1128, %dma_start3A_1129] : memref<2x128x128xf32, #tpu.memory_space<vmem>> -> memref<1x128x128xf32, #tpu.memory_space<vmem>>
      %dma_start3A_1131 = tpu.memref_squeeze %dma_start3A_1130 : memref<1x128x128xf32, #tpu.memory_space<vmem>> -> memref<128x128xf32, #tpu.memory_space<vmem>>
      %dma_start3A_1132 = arith.constant 0 : i32
      %dma_start3A_1133 = tpu.memref_slice %arg14[%dma_start3A_1126, %dma_start3A_1132] : memref<32x128xi32, #tpu.memory_space<vmem>> -> memref<1x128xi32, #tpu.memory_space<vmem>>
      %dma_start3A_1134 = tpu.memref_squeeze %dma_start3A_1133 : memref<1x128xi32, #tpu.memory_space<vmem>> -> memref<128xi32, #tpu.memory_space<vmem>>
      %dma_start3A_1135 = arith.constant 0 : i32
      %dma_start3A_1136 = arith.constant 0 : i32
      %dma_start3A_1137 = tpu.memref_slice %arg5[%dma_start3A_1135, %dma_start3A_1136] : memref<10000x128xf32, #tpu.memory_space<hbm>> -> memref<10000x128xf32, #tpu.memory_space<hbm>>
      tpu.enqueue_indirect_dma source(%dma_start3A_1137 : memref<10000x128xf32, #tpu.memory_space<hbm>>) target(%dma_start3A_1131 : memref<128x128xf32, #tpu.memory_space<vmem>>) offsets(%dma_start3A_1134 : memref<128xi32, #tpu.memory_space<vmem>>) semaphore(%arg21 : memref<!tpu.dma_semaphore, #tpu.memory_space<semaphore_mem>>)
    } else {
    }
    %while3A_503 = arith.constant 0 : i32
    %while3A_504 = arith.constant 0 : i32
    %while3A_505 = arith.subi %shift_right_arithmetic3A_497, %while3A_504 : i32
    %while3A_506 = arith.addi %while3A_504, %while3A_505 : i32
    %while3A_507 = arith.constant 1 : i32
    %while3A_508 = arith.divsi %while3A_505, %while3A_507 : i32
    %while3A_509 = arith.muli %while3A_508, %while3A_507 : i32
    %while3A_510 = arith.addi %while3A_504, %while3A_509 : i32
    %while3A_511 = arith.constant 1 : i32
    scf.for %while3A_1126 = %while3A_504 to %while3A_510 step %while3A_511  : i32 {
      %and3A_1127 = arith.constant 1 : i32
      %and3A_1128 = arith.andi %while3A_1126, %and3A_1127 : i32
      %add3A_1129 = arith.constant 1 : i32
      %add3A_1130 = arith.addi %while3A_1126, %add3A_1129 : i32
      %lt3A_1131 = arith.cmpi slt, %add3A_1130, %shift_right_arithmetic3A_497 : i32
      %convert_element_type3A_1132 = arith.extui %lt3A_1131 : i1 to i32
      %cond3A_1133 = arith.constant 0 : i32
      %cond3A_1134 = arith.cmpi ne, %convert_element_type3A_1132, %cond3A_1133 : i32
      scf.if %cond3A_1134 {
        %sub3A_1144 = arith.constant 1 : i32
        %sub3A_1145 = arith.subi %sub3A_1144, %and3A_1128 : i32
        %eq3A_1146 = arith.constant 0 : i32
        %eq3A_1147 = arith.cmpi eq, %sub3A_1145, %eq3A_1146 : i32
        %convert_element_type3A_1148 = arith.extui %eq3A_1147 : i1 to i32
        %cond3A_1149 = arith.constant 0 : i32
        %cond3A_1150 = arith.cmpi ne, %convert_element_type3A_1148, %cond3A_1149 : i32
        scf.if %cond3A_1150 {
          %add3A_1158 = arith.constant 1 : i32
          %add3A_1159 = arith.addi %while3A_1126, %add3A_1158 : i32
          %dma_start3A_1160 = arith.constant 0 : i32
          %dma_start3A_1161 = arith.constant 0 : i32
          %dma_start3A_1162 = arith.constant 0 : i32
          %dma_start3A_1163 = tpu.memref_slice %arg17[%dma_start3A_1160, %dma_start3A_1161, %dma_start3A_1162] : memref<2x128x128xf32, #tpu.memory_space<vmem>> -> memref<1x128x128xf32, #tpu.memory_space<vmem>>
          %dma_start3A_1164 = tpu.memref_squeeze %dma_start3A_1163 : memref<1x128x128xf32, #tpu.memory_space<vmem>> -> memref<128x128xf32, #tpu.memory_space<vmem>>
          %dma_start3A_1165 = arith.constant 0 : i32
          %dma_start3A_1166 = tpu.memref_slice %arg14[%add3A_1159, %dma_start3A_1165] : memref<32x128xi32, #tpu.memory_space<vmem>> -> memref<1x128xi32, #tpu.memory_space<vmem>>
          %dma_start3A_1167 = tpu.memref_squeeze %dma_start3A_1166 : memref<1x128xi32, #tpu.memory_space<vmem>> -> memref<128xi32, #tpu.memory_space<vmem>>
          %dma_start3A_1168 = arith.constant 0 : i32
          %dma_start3A_1169 = arith.constant 0 : i32
          %dma_start3A_1170 = tpu.memref_slice %arg5[%dma_start3A_1168, %dma_start3A_1169] : memref<10000x128xf32, #tpu.memory_space<hbm>> -> memref<10000x128xf32, #tpu.memory_space<hbm>>
          tpu.enqueue_indirect_dma source(%dma_start3A_1170 : memref<10000x128xf32, #tpu.memory_space<hbm>>) target(%dma_start3A_1164 : memref<128x128xf32, #tpu.memory_space<vmem>>) offsets(%dma_start3A_1167 : memref<128xi32, #tpu.memory_space<vmem>>) semaphore(%arg21 : memref<!tpu.dma_semaphore, #tpu.memory_space<semaphore_mem>>)
        } else {
        }
        %sub3A_1151 = arith.constant 1 : i32
        %sub3A_1152 = arith.subi %sub3A_1151, %and3A_1128 : i32
        %eq3A_1153 = arith.constant 1 : i32
        %eq3A_1154 = arith.cmpi eq, %sub3A_1152, %eq3A_1153 : i32
        %convert_element_type3A_1155 = arith.extui %eq3A_1154 : i1 to i32
        %cond3A_1156 = arith.constant 0 : i32
        %cond3A_1157 = arith.cmpi ne, %convert_element_type3A_1155, %cond3A_1156 : i32
        scf.if %cond3A_1157 {
          %add3A_1158 = arith.constant 1 : i32
          %add3A_1159 = arith.addi %while3A_1126, %add3A_1158 : i32
          %dma_start3A_1160 = arith.constant 1 : i32
          %dma_start3A_1161 = arith.constant 0 : i32
          %dma_start3A_1162 = arith.constant 0 : i32
          %dma_start3A_1163 = tpu.memref_slice %arg17[%dma_start3A_1160, %dma_start3A_1161, %dma_start3A_1162] : memref<2x128x128xf32, #tpu.memory_space<vmem>> -> memref<1x128x128xf32, #tpu.memory_space<vmem>>
          %dma_start3A_1164 = tpu.memref_squeeze %dma_start3A_1163 : memref<1x128x128xf32, #tpu.memory_space<vmem>> -> memref<128x128xf32, #tpu.memory_space<vmem>>
          %dma_start3A_1165 = arith.constant 0 : i32
          %dma_start3A_1166 = tpu.memref_slice %arg14[%add3A_1159, %dma_start3A_1165] : memref<32x128xi32, #tpu.memory_space<vmem>> -> memref<1x128xi32, #tpu.memory_space<vmem>>
          %dma_start3A_1167 = tpu.memref_squeeze %dma_start3A_1166 : memref<1x128xi32, #tpu.memory_space<vmem>> -> memref<128xi32, #tpu.memory_space<vmem>>
          %dma_start3A_1168 = arith.constant 0 : i32
          %dma_start3A_1169 = arith.constant 0 : i32
          %dma_start3A_1170 = tpu.memref_slice %arg5[%dma_start3A_1168, %dma_start3A_1169] : memref<10000x128xf32, #tpu.memory_space<hbm>> -> memref<10000x128xf32, #tpu.memory_space<hbm>>
          tpu.enqueue_indirect_dma source(%dma_start3A_1170 : memref<10000x128xf32, #tpu.memory_space<hbm>>) target(%dma_start3A_1164 : memref<128x128xf32, #tpu.memory_space<vmem>>) offsets(%dma_start3A_1167 : memref<128xi32, #tpu.memory_space<vmem>>) semaphore(%arg22 : memref<!tpu.dma_semaphore, #tpu.memory_space<semaphore_mem>>)
        } else {
        }
      } else {
      }
      %eq3A = arith.constant 0 : i32
      %eq3A_1135 = arith.cmpi eq, %and3A_1128, %eq3A : i32
      %convert_element_type3A_1136 = arith.extui %eq3A_1135 : i1 to i32
      %cond3A_1137 = arith.constant 0 : i32
      %cond3A_1138 = arith.cmpi ne, %convert_element_type3A_1136, %cond3A_1137 : i32
      scf.if %cond3A_1138 {
        %dma_wait3A_1144 = arith.constant 0 : i32
        %dma_wait3A_1145 = arith.constant 0 : i32
        %dma_wait3A_1146 = arith.constant 0 : i32
        %dma_wait3A_1147 = tpu.memref_slice %arg17[%dma_wait3A_1144, %dma_wait3A_1145, %dma_wait3A_1146] : memref<2x128x128xf32, #tpu.memory_space<vmem>> -> memref<1x128x128xf32, #tpu.memory_space<vmem>>
        %dma_wait3A_1148 = tpu.memref_squeeze %dma_wait3A_1147 : memref<1x128x128xf32, #tpu.memory_space<vmem>> -> memref<128x128xf32, #tpu.memory_space<vmem>>
        %dma_wait3A_1149 = arith.constant 0 : i32
        %dma_wait3A_1150 = tpu.memref_slice %arg14[%while3A_1126, %dma_wait3A_1149] : memref<32x128xi32, #tpu.memory_space<vmem>> -> memref<1x128xi32, #tpu.memory_space<vmem>>
        %dma_wait3A_1151 = tpu.memref_squeeze %dma_wait3A_1150 : memref<1x128xi32, #tpu.memory_space<vmem>> -> memref<128xi32, #tpu.memory_space<vmem>>
        %dma_wait3A_1152 = arith.constant 0 : i32
        %dma_wait3A_1153 = arith.constant 0 : i32
        %dma_wait3A_1154 = tpu.memref_slice %arg5[%dma_wait3A_1152, %dma_wait3A_1153] : memref<10000x128xf32, #tpu.memory_space<hbm>> -> memref<10000x128xf32, #tpu.memory_space<hbm>>
        tpu.wait_indirect_dma semaphore(%arg21 : memref<!tpu.dma_semaphore, #tpu.memory_space<semaphore_mem>>) src(%dma_wait3A_1154 : memref<10000x128xf32, #tpu.memory_space<hbm>>) dst(%dma_wait3A_1148 : memref<128x128xf32, #tpu.memory_space<vmem>>)
        %run_scoped3A = arith.constant 0 : i32
        "tpu.region"() ({
          %run_scoped3A_1155 = tpu.sem_alloc : memref<!tpu.dma_semaphore, #tpu.memory_space<semaphore_mem>>
          %dma_start3A_1156 = arith.constant 0 : i32
          %dma_start3A_1157 = arith.constant 0 : i32
          %dma_start3A_1158 = tpu.memref_slice %arg17[%run_scoped3A, %dma_start3A_1156, %dma_start3A_1157] : memref<2x128x128xf32, #tpu.memory_space<vmem>> -> memref<1x128x128xf32, #tpu.memory_space<vmem>>
          %dma_start3A_1159 = tpu.memref_squeeze %dma_start3A_1158 : memref<1x128x128xf32, #tpu.memory_space<vmem>> -> memref<128x128xf32, #tpu.memory_space<vmem>>
          %dma_start3A_1160 = arith.constant 0 : i32
          %dma_start3A_1161 = tpu.memref_slice %arg15[%while3A_1126, %dma_start3A_1160] : memref<32x128xi32, #tpu.memory_space<vmem>> -> memref<1x128xi32, #tpu.memory_space<vmem>>
          %dma_start3A_1162 = tpu.memref_squeeze %dma_start3A_1161 : memref<1x128xi32, #tpu.memory_space<vmem>> -> memref<128xi32, #tpu.memory_space<vmem>>
          %dma_start3A_1163 = arith.constant 0 : i32
          %dma_start3A_1164 = arith.constant 0 : i32
          %dma_start3A_1165 = tpu.memref_slice %arg18[%dma_start3A_1163, %dma_start3A_1164] : memref<5248x128xf32, #tpu.memory_space<vmem_shared>> -> memref<5248x128xf32, #tpu.memory_space<vmem_shared>>
          tpu.enqueue_indirect_dma source(%dma_start3A_1159 : memref<128x128xf32, #tpu.memory_space<vmem>>) target(%dma_start3A_1165 : memref<5248x128xf32, #tpu.memory_space<vmem_shared>>) offsets(%dma_start3A_1162 : memref<128xi32, #tpu.memory_space<vmem>>) semaphore(%run_scoped3A_1155 : memref<!tpu.dma_semaphore, #tpu.memory_space<semaphore_mem>>) {add = true}
          %dma_wait3A_1166 = arith.constant 0 : i32
          %dma_wait3A_1167 = arith.constant 0 : i32
          %dma_wait3A_1168 = tpu.memref_slice %arg17[%run_scoped3A, %dma_wait3A_1166, %dma_wait3A_1167] : memref<2x128x128xf32, #tpu.memory_space<vmem>> -> memref<1x128x128xf32, #tpu.memory_space<vmem>>
          %dma_wait3A_1169 = tpu.memref_squeeze %dma_wait3A_1168 : memref<1x128x128xf32, #tpu.memory_space<vmem>> -> memref<128x128xf32, #tpu.memory_space<vmem>>
          %dma_wait3A_1170 = arith.constant 0 : i32
          %dma_wait3A_1171 = tpu.memref_slice %arg15[%while3A_1126, %dma_wait3A_1170] : memref<32x128xi32, #tpu.memory_space<vmem>> -> memref<1x128xi32, #tpu.memory_space<vmem>>
          %dma_wait3A_1172 = tpu.memref_squeeze %dma_wait3A_1171 : memref<1x128xi32, #tpu.memory_space<vmem>> -> memref<128xi32, #tpu.memory_space<vmem>>
          %dma_wait3A_1173 = arith.constant 0 : i32
          %dma_wait3A_1174 = arith.constant 0 : i32
          %dma_wait3A_1175 = tpu.memref_slice %arg18[%dma_wait3A_1173, %dma_wait3A_1174] : memref<5248x128xf32, #tpu.memory_space<vmem_shared>> -> memref<5248x128xf32, #tpu.memory_space<vmem_shared>>
          tpu.wait_indirect_dma semaphore(%run_scoped3A_1155 : memref<!tpu.dma_semaphore, #tpu.memory_space<semaphore_mem>>) src(%dma_wait3A_1169 : memref<128x128xf32, #tpu.memory_space<vmem>>) dst(%dma_wait3A_1175 : memref<5248x128xf32, #tpu.memory_space<vmem_shared>>)
          tpu.yield
        }) : () -> ()
      } else {
      }
      %eq3A_1139 = arith.constant 1 : i32
      %eq3A_1140 = arith.cmpi eq, %and3A_1128, %eq3A_1139 : i32
      %convert_element_type3A_1141 = arith.extui %eq3A_1140 : i1 to i32
      %cond3A_1142 = arith.constant 0 : i32
      %cond3A_1143 = arith.cmpi ne, %convert_element_type3A_1141, %cond3A_1142 : i32
      scf.if %cond3A_1143 {
        %dma_wait3A_1144 = arith.constant 1 : i32
        %dma_wait3A_1145 = arith.constant 0 : i32
        %dma_wait3A_1146 = arith.constant 0 : i32
        %dma_wait3A_1147 = tpu.memref_slice %arg17[%dma_wait3A_1144, %dma_wait3A_1145, %dma_wait3A_1146] : memref<2x128x128xf32, #tpu.memory_space<vmem>> -> memref<1x128x128xf32, #tpu.memory_space<vmem>>
        %dma_wait3A_1148 = tpu.memref_squeeze %dma_wait3A_1147 : memref<1x128x128xf32, #tpu.memory_space<vmem>> -> memref<128x128xf32, #tpu.memory_space<vmem>>
        %dma_wait3A_1149 = arith.constant 0 : i32
        %dma_wait3A_1150 = tpu.memref_slice %arg14[%while3A_1126, %dma_wait3A_1149] : memref<32x128xi32, #tpu.memory_space<vmem>> -> memref<1x128xi32, #tpu.memory_space<vmem>>
        %dma_wait3A_1151 = tpu.memref_squeeze %dma_wait3A_1150 : memref<1x128xi32, #tpu.memory_space<vmem>> -> memref<128xi32, #tpu.memory_space<vmem>>
        %dma_wait3A_1152 = arith.constant 0 : i32
        %dma_wait3A_1153 = arith.constant 0 : i32
        %dma_wait3A_1154 = tpu.memref_slice %arg5[%dma_wait3A_1152, %dma_wait3A_1153] : memref<10000x128xf32, #tpu.memory_space<hbm>> -> memref<10000x128xf32, #tpu.memory_space<hbm>>
        tpu.wait_indirect_dma semaphore(%arg22 : memref<!tpu.dma_semaphore, #tpu.memory_space<semaphore_mem>>) src(%dma_wait3A_1154 : memref<10000x128xf32, #tpu.memory_space<hbm>>) dst(%dma_wait3A_1148 : memref<128x128xf32, #tpu.memory_space<vmem>>)
        %run_scoped3A = arith.constant 1 : i32
        "tpu.region"() ({
          %run_scoped3A_1155 = tpu.sem_alloc : memref<!tpu.dma_semaphore, #tpu.memory_space<semaphore_mem>>
          %dma_start3A_1156 = arith.constant 0 : i32
          %dma_start3A_1157 = arith.constant 0 : i32
          %dma_start3A_1158 = tpu.memref_slice %arg17[%run_scoped3A, %dma_start3A_1156, %dma_start3A_1157] : memref<2x128x128xf32, #tpu.memory_space<vmem>> -> memref<1x128x128xf32, #tpu.memory_space<vmem>>
          %dma_start3A_1159 = tpu.memref_squeeze %dma_start3A_1158 : memref<1x128x128xf32, #tpu.memory_space<vmem>> -> memref<128x128xf32, #tpu.memory_space<vmem>>
          %dma_start3A_1160 = arith.constant 0 : i32
          %dma_start3A_1161 = tpu.memref_slice %arg15[%while3A_1126, %dma_start3A_1160] : memref<32x128xi32, #tpu.memory_space<vmem>> -> memref<1x128xi32, #tpu.memory_space<vmem>>
          %dma_start3A_1162 = tpu.memref_squeeze %dma_start3A_1161 : memref<1x128xi32, #tpu.memory_space<vmem>> -> memref<128xi32, #tpu.memory_space<vmem>>
          %dma_start3A_1163 = arith.constant 0 : i32
          %dma_start3A_1164 = arith.constant 0 : i32
          %dma_start3A_1165 = tpu.memref_slice %arg18[%dma_start3A_1163, %dma_start3A_1164] : memref<5248x128xf32, #tpu.memory_space<vmem_shared>> -> memref<5248x128xf32, #tpu.memory_space<vmem_shared>>
          tpu.enqueue_indirect_dma source(%dma_start3A_1159 : memref<128x128xf32, #tpu.memory_space<vmem>>) target(%dma_start3A_1165 : memref<5248x128xf32, #tpu.memory_space<vmem_shared>>) offsets(%dma_start3A_1162 : memref<128xi32, #tpu.memory_space<vmem>>) semaphore(%run_scoped3A_1155 : memref<!tpu.dma_semaphore, #tpu.memory_space<semaphore_mem>>) {add = true}
          %dma_wait3A_1166 = arith.constant 0 : i32
          %dma_wait3A_1167 = arith.constant 0 : i32
          %dma_wait3A_1168 = tpu.memref_slice %arg17[%run_scoped3A, %dma_wait3A_1166, %dma_wait3A_1167] : memref<2x128x128xf32, #tpu.memory_space<vmem>> -> memref<1x128x128xf32, #tpu.memory_space<vmem>>
          %dma_wait3A_1169 = tpu.memref_squeeze %dma_wait3A_1168 : memref<1x128x128xf32, #tpu.memory_space<vmem>> -> memref<128x128xf32, #tpu.memory_space<vmem>>
          %dma_wait3A_1170 = arith.constant 0 : i32
          %dma_wait3A_1171 = tpu.memref_slice %arg15[%while3A_1126, %dma_wait3A_1170] : memref<32x128xi32, #tpu.memory_space<vmem>> -> memref<1x128xi32, #tpu.memory_space<vmem>>
          %dma_wait3A_1172 = tpu.memref_squeeze %dma_wait3A_1171 : memref<1x128xi32, #tpu.memory_space<vmem>> -> memref<128xi32, #tpu.memory_space<vmem>>
          %dma_wait3A_1173 = arith.constant 0 : i32
          %dma_wait3A_1174 = arith.constant 0 : i32
          %dma_wait3A_1175 = tpu.memref_slice %arg18[%dma_wait3A_1173, %dma_wait3A_1174] : memref<5248x128xf32, #tpu.memory_space<vmem_shared>> -> memref<5248x128xf32, #tpu.memory_space<vmem_shared>>
          tpu.wait_indirect_dma semaphore(%run_scoped3A_1155 : memref<!tpu.dma_semaphore, #tpu.memory_space<semaphore_mem>>) src(%dma_wait3A_1169 : memref<128x128xf32, #tpu.memory_space<vmem>>) dst(%dma_wait3A_1175 : memref<5248x128xf32, #tpu.memory_space<vmem_shared>>)
          tpu.yield
        }) : () -> ()
      } else {
      }
    }
    %while3A_512 = arith.constant 1 : i32
    scf.for %while3A_1126 = %while3A_510 to %while3A_506 step %while3A_512  : i32 {
      %and3A_1127 = arith.constant 1 : i32
      %and3A_1128 = arith.andi %while3A_1126, %and3A_1127 : i32
      %add3A_1129 = arith.constant 1 : i32
      %add3A_1130 = arith.addi %while3A_1126, %add3A_1129 : i32
      %lt3A_1131 = arith.cmpi slt, %add3A_1130, %shift_right_arithmetic3A_497 : i32
      %convert_element_type3A_1132 = arith.extui %lt3A_1131 : i1 to i32
      %cond3A_1133 = arith.constant 0 : i32
      %cond3A_1134 = arith.cmpi ne, %convert_element_type3A_1132, %cond3A_1133 : i32
      scf.if %cond3A_1134 {
        %sub3A_1144 = arith.constant 1 : i32
        %sub3A_1145 = arith.subi %sub3A_1144, %and3A_1128 : i32
        %eq3A_1146 = arith.constant 0 : i32
        %eq3A_1147 = arith.cmpi eq, %sub3A_1145, %eq3A_1146 : i32
        %convert_element_type3A_1148 = arith.extui %eq3A_1147 : i1 to i32
        %cond3A_1149 = arith.constant 0 : i32
        %cond3A_1150 = arith.cmpi ne, %convert_element_type3A_1148, %cond3A_1149 : i32
        scf.if %cond3A_1150 {
          %add3A_1158 = arith.constant 1 : i32
          %add3A_1159 = arith.addi %while3A_1126, %add3A_1158 : i32
          %dma_start3A_1160 = arith.constant 0 : i32
          %dma_start3A_1161 = arith.constant 0 : i32
          %dma_start3A_1162 = arith.constant 0 : i32
          %dma_start3A_1163 = tpu.memref_slice %arg17[%dma_start3A_1160, %dma_start3A_1161, %dma_start3A_1162] : memref<2x128x128xf32, #tpu.memory_space<vmem>> -> memref<1x128x128xf32, #tpu.memory_space<vmem>>
          %dma_start3A_1164 = tpu.memref_squeeze %dma_start3A_1163 : memref<1x128x128xf32, #tpu.memory_space<vmem>> -> memref<128x128xf32, #tpu.memory_space<vmem>>
          %dma_start3A_1165 = arith.constant 0 : i32
          %dma_start3A_1166 = tpu.memref_slice %arg14[%add3A_1159, %dma_start3A_1165] : memref<32x128xi32, #tpu.memory_space<vmem>> -> memref<1x128xi32, #tpu.memory_space<vmem>>
          %dma_start3A_1167 = tpu.memref_squeeze %dma_start3A_1166 : memref<1x128xi32, #tpu.memory_space<vmem>> -> memref<128xi32, #tpu.memory_space<vmem>>
          %dma_start3A_1168 = arith.constant 0 : i32
          %dma_start3A_1169 = arith.constant 0 : i32
          %dma_start3A_1170 = tpu.memref_slice %arg5[%dma_start3A_1168, %dma_start3A_1169] : memref<10000x128xf32, #tpu.memory_space<hbm>> -> memref<10000x128xf32, #tpu.memory_space<hbm>>
          tpu.enqueue_indirect_dma source(%dma_start3A_1170 : memref<10000x128xf32, #tpu.memory_space<hbm>>) target(%dma_start3A_1164 : memref<128x128xf32, #tpu.memory_space<vmem>>) offsets(%dma_start3A_1167 : memref<128xi32, #tpu.memory_space<vmem>>) semaphore(%arg21 : memref<!tpu.dma_semaphore, #tpu.memory_space<semaphore_mem>>)
        } else {
        }
        %sub3A_1151 = arith.constant 1 : i32
        %sub3A_1152 = arith.subi %sub3A_1151, %and3A_1128 : i32
        %eq3A_1153 = arith.constant 1 : i32
        %eq3A_1154 = arith.cmpi eq, %sub3A_1152, %eq3A_1153 : i32
        %convert_element_type3A_1155 = arith.extui %eq3A_1154 : i1 to i32
        %cond3A_1156 = arith.constant 0 : i32
        %cond3A_1157 = arith.cmpi ne, %convert_element_type3A_1155, %cond3A_1156 : i32
        scf.if %cond3A_1157 {
          %add3A_1158 = arith.constant 1 : i32
          %add3A_1159 = arith.addi %while3A_1126, %add3A_1158 : i32
          %dma_start3A_1160 = arith.constant 1 : i32
          %dma_start3A_1161 = arith.constant 0 : i32
          %dma_start3A_1162 = arith.constant 0 : i32
          %dma_start3A_1163 = tpu.memref_slice %arg17[%dma_start3A_1160, %dma_start3A_1161, %dma_start3A_1162] : memref<2x128x128xf32, #tpu.memory_space<vmem>> -> memref<1x128x128xf32, #tpu.memory_space<vmem>>
          %dma_start3A_1164 = tpu.memref_squeeze %dma_start3A_1163 : memref<1x128x128xf32, #tpu.memory_space<vmem>> -> memref<128x128xf32, #tpu.memory_space<vmem>>
          %dma_start3A_1165 = arith.constant 0 : i32
          %dma_start3A_1166 = tpu.memref_slice %arg14[%add3A_1159, %dma_start3A_1165] : memref<32x128xi32, #tpu.memory_space<vmem>> -> memref<1x128xi32, #tpu.memory_space<vmem>>
          %dma_start3A_1167 = tpu.memref_squeeze %dma_start3A_1166 : memref<1x128xi32, #tpu.memory_space<vmem>> -> memref<128xi32, #tpu.memory_space<vmem>>
          %dma_start3A_1168 = arith.constant 0 : i32
          %dma_start3A_1169 = arith.constant 0 : i32
          %dma_start3A_1170 = tpu.memref_slice %arg5[%dma_start3A_1168, %dma_start3A_1169] : memref<10000x128xf32, #tpu.memory_space<hbm>> -> memref<10000x128xf32, #tpu.memory_space<hbm>>
          tpu.enqueue_indirect_dma source(%dma_start3A_1170 : memref<10000x128xf32, #tpu.memory_space<hbm>>) target(%dma_start3A_1164 : memref<128x128xf32, #tpu.memory_space<vmem>>) offsets(%dma_start3A_1167 : memref<128xi32, #tpu.memory_space<vmem>>) semaphore(%arg22 : memref<!tpu.dma_semaphore, #tpu.memory_space<semaphore_mem>>)
        } else {
        }
      } else {
      }
      %eq3A = arith.constant 0 : i32
      %eq3A_1135 = arith.cmpi eq, %and3A_1128, %eq3A : i32
      %convert_element_type3A_1136 = arith.extui %eq3A_1135 : i1 to i32
      %cond3A_1137 = arith.constant 0 : i32
      %cond3A_1138 = arith.cmpi ne, %convert_element_type3A_1136, %cond3A_1137 : i32
      scf.if %cond3A_1138 {
        %dma_wait3A_1144 = arith.constant 0 : i32
        %dma_wait3A_1145 = arith.constant 0 : i32
        %dma_wait3A_1146 = arith.constant 0 : i32
        %dma_wait3A_1147 = tpu.memref_slice %arg17[%dma_wait3A_1144, %dma_wait3A_1145, %dma_wait3A_1146] : memref<2x128x128xf32, #tpu.memory_space<vmem>> -> memref<1x128x128xf32, #tpu.memory_space<vmem>>
        %dma_wait3A_1148 = tpu.memref_squeeze %dma_wait3A_1147 : memref<1x128x128xf32, #tpu.memory_space<vmem>> -> memref<128x128xf32, #tpu.memory_space<vmem>>
        %dma_wait3A_1149 = arith.constant 0 : i32
        %dma_wait3A_1150 = tpu.memref_slice %arg14[%while3A_1126, %dma_wait3A_1149] : memref<32x128xi32, #tpu.memory_space<vmem>> -> memref<1x128xi32, #tpu.memory_space<vmem>>
        %dma_wait3A_1151 = tpu.memref_squeeze %dma_wait3A_1150 : memref<1x128xi32, #tpu.memory_space<vmem>> -> memref<128xi32, #tpu.memory_space<vmem>>
        %dma_wait3A_1152 = arith.constant 0 : i32
        %dma_wait3A_1153 = arith.constant 0 : i32
        %dma_wait3A_1154 = tpu.memref_slice %arg5[%dma_wait3A_1152, %dma_wait3A_1153] : memref<10000x128xf32, #tpu.memory_space<hbm>> -> memref<10000x128xf32, #tpu.memory_space<hbm>>
        tpu.wait_indirect_dma semaphore(%arg21 : memref<!tpu.dma_semaphore, #tpu.memory_space<semaphore_mem>>) src(%dma_wait3A_1154 : memref<10000x128xf32, #tpu.memory_space<hbm>>) dst(%dma_wait3A_1148 : memref<128x128xf32, #tpu.memory_space<vmem>>)
        %run_scoped3A = arith.constant 0 : i32
        "tpu.region"() ({
          %run_scoped3A_1155 = tpu.sem_alloc : memref<!tpu.dma_semaphore, #tpu.memory_space<semaphore_mem>>
          %dma_start3A_1156 = arith.constant 0 : i32
          %dma_start3A_1157 = arith.constant 0 : i32
          %dma_start3A_1158 = tpu.memref_slice %arg17[%run_scoped3A, %dma_start3A_1156, %dma_start3A_1157] : memref<2x128x128xf32, #tpu.memory_space<vmem>> -> memref<1x128x128xf32, #tpu.memory_space<vmem>>
          %dma_start3A_1159 = tpu.memref_squeeze %dma_start3A_1158 : memref<1x128x128xf32, #tpu.memory_space<vmem>> -> memref<128x128xf32, #tpu.memory_space<vmem>>
          %dma_start3A_1160 = arith.constant 0 : i32
          %dma_start3A_1161 = tpu.memref_slice %arg15[%while3A_1126, %dma_start3A_1160] : memref<32x128xi32, #tpu.memory_space<vmem>> -> memref<1x128xi32, #tpu.memory_space<vmem>>
          %dma_start3A_1162 = tpu.memref_squeeze %dma_start3A_1161 : memref<1x128xi32, #tpu.memory_space<vmem>> -> memref<128xi32, #tpu.memory_space<vmem>>
          %dma_start3A_1163 = arith.constant 0 : i32
          %dma_start3A_1164 = arith.constant 0 : i32
          %dma_start3A_1165 = tpu.memref_slice %arg18[%dma_start3A_1163, %dma_start3A_1164] : memref<5248x128xf32, #tpu.memory_space<vmem_shared>> -> memref<5248x128xf32, #tpu.memory_space<vmem_shared>>
          tpu.enqueue_indirect_dma source(%dma_start3A_1159 : memref<128x128xf32, #tpu.memory_space<vmem>>) target(%dma_start3A_1165 : memref<5248x128xf32, #tpu.memory_space<vmem_shared>>) offsets(%dma_start3A_1162 : memref<128xi32, #tpu.memory_space<vmem>>) semaphore(%run_scoped3A_1155 : memref<!tpu.dma_semaphore, #tpu.memory_space<semaphore_mem>>) {add = true}
          %dma_wait3A_1166 = arith.constant 0 : i32
          %dma_wait3A_1167 = arith.constant 0 : i32
          %dma_wait3A_1168 = tpu.memref_slice %arg17[%run_scoped3A, %dma_wait3A_1166, %dma_wait3A_1167] : memref<2x128x128xf32, #tpu.memory_space<vmem>> -> memref<1x128x128xf32, #tpu.memory_space<vmem>>
          %dma_wait3A_1169 = tpu.memref_squeeze %dma_wait3A_1168 : memref<1x128x128xf32, #tpu.memory_space<vmem>> -> memref<128x128xf32, #tpu.memory_space<vmem>>
          %dma_wait3A_1170 = arith.constant 0 : i32
          %dma_wait3A_1171 = tpu.memref_slice %arg15[%while3A_1126, %dma_wait3A_1170] : memref<32x128xi32, #tpu.memory_space<vmem>> -> memref<1x128xi32, #tpu.memory_space<vmem>>
          %dma_wait3A_1172 = tpu.memref_squeeze %dma_wait3A_1171 : memref<1x128xi32, #tpu.memory_space<vmem>> -> memref<128xi32, #tpu.memory_space<vmem>>
          %dma_wait3A_1173 = arith.constant 0 : i32
          %dma_wait3A_1174 = arith.constant 0 : i32
          %dma_wait3A_1175 = tpu.memref_slice %arg18[%dma_wait3A_1173, %dma_wait3A_1174] : memref<5248x128xf32, #tpu.memory_space<vmem_shared>> -> memref<5248x128xf32, #tpu.memory_space<vmem_shared>>
          tpu.wait_indirect_dma semaphore(%run_scoped3A_1155 : memref<!tpu.dma_semaphore, #tpu.memory_space<semaphore_mem>>) src(%dma_wait3A_1169 : memref<128x128xf32, #tpu.memory_space<vmem>>) dst(%dma_wait3A_1175 : memref<5248x128xf32, #tpu.memory_space<vmem_shared>>)
          tpu.yield
        }) : () -> ()
      } else {
      }
      %eq3A_1139 = arith.constant 1 : i32
      %eq3A_1140 = arith.cmpi eq, %and3A_1128, %eq3A_1139 : i32
      %convert_element_type3A_1141 = arith.extui %eq3A_1140 : i1 to i32
      %cond3A_1142 = arith.constant 0 : i32
      %cond3A_1143 = arith.cmpi ne, %convert_element_type3A_1141, %cond3A_1142 : i32
      scf.if %cond3A_1143 {
        %dma_wait3A_1144 = arith.constant 1 : i32
        %dma_wait3A_1145 = arith.constant 0 : i32
        %dma_wait3A_1146 = arith.constant 0 : i32
        %dma_wait3A_1147 = tpu.memref_slice %arg17[%dma_wait3A_1144, %dma_wait3A_1145, %dma_wait3A_1146] : memref<2x128x128xf32, #tpu.memory_space<vmem>> -> memref<1x128x128xf32, #tpu.memory_space<vmem>>
        %dma_wait3A_1148 = tpu.memref_squeeze %dma_wait3A_1147 : memref<1x128x128xf32, #tpu.memory_space<vmem>> -> memref<128x128xf32, #tpu.memory_space<vmem>>
        %dma_wait3A_1149 = arith.constant 0 : i32
        %dma_wait3A_1150 = tpu.memref_slice %arg14[%while3A_1126, %dma_wait3A_1149] : memref<32x128xi32, #tpu.memory_space<vmem>> -> memref<1x128xi32, #tpu.memory_space<vmem>>
        %dma_wait3A_1151 = tpu.memref_squeeze %dma_wait3A_1150 : memref<1x128xi32, #tpu.memory_space<vmem>> -> memref<128xi32, #tpu.memory_space<vmem>>
        %dma_wait3A_1152 = arith.constant 0 : i32
        %dma_wait3A_1153 = arith.constant 0 : i32
        %dma_wait3A_1154 = tpu.memref_slice %arg5[%dma_wait3A_1152, %dma_wait3A_1153] : memref<10000x128xf32, #tpu.memory_space<hbm>> -> memref<10000x128xf32, #tpu.memory_space<hbm>>
        tpu.wait_indirect_dma semaphore(%arg22 : memref<!tpu.dma_semaphore, #tpu.memory_space<semaphore_mem>>) src(%dma_wait3A_1154 : memref<10000x128xf32, #tpu.memory_space<hbm>>) dst(%dma_wait3A_1148 : memref<128x128xf32, #tpu.memory_space<vmem>>)
        %run_scoped3A = arith.constant 1 : i32
        "tpu.region"() ({
          %run_scoped3A_1155 = tpu.sem_alloc : memref<!tpu.dma_semaphore, #tpu.memory_space<semaphore_mem>>
          %dma_start3A_1156 = arith.constant 0 : i32
          %dma_start3A_1157 = arith.constant 0 : i32
          %dma_start3A_1158 = tpu.memref_slice %arg17[%run_scoped3A, %dma_start3A_1156, %dma_start3A_1157] : memref<2x128x128xf32, #tpu.memory_space<vmem>> -> memref<1x128x128xf32, #tpu.memory_space<vmem>>
          %dma_start3A_1159 = tpu.memref_squeeze %dma_start3A_1158 : memref<1x128x128xf32, #tpu.memory_space<vmem>> -> memref<128x128xf32, #tpu.memory_space<vmem>>
          %dma_start3A_1160 = arith.constant 0 : i32
          %dma_start3A_1161 = tpu.memref_slice %arg15[%while3A_1126, %dma_start3A_1160] : memref<32x128xi32, #tpu.memory_space<vmem>> -> memref<1x128xi32, #tpu.memory_space<vmem>>
          %dma_start3A_1162 = tpu.memref_squeeze %dma_start3A_1161 : memref<1x128xi32, #tpu.memory_space<vmem>> -> memref<128xi32, #tpu.memory_space<vmem>>
          %dma_start3A_1163 = arith.constant 0 : i32
          %dma_start3A_1164 = arith.constant 0 : i32
          %dma_start3A_1165 = tpu.memref_slice %arg18[%dma_start3A_1163, %dma_start3A_1164] : memref<5248x128xf32, #tpu.memory_space<vmem_shared>> -> memref<5248x128xf32, #tpu.memory_space<vmem_shared>>
          tpu.enqueue_indirect_dma source(%dma_start3A_1159 : memref<128x128xf32, #tpu.memory_space<vmem>>) target(%dma_start3A_1165 : memref<5248x128xf32, #tpu.memory_space<vmem_shared>>) offsets(%dma_start3A_1162 : memref<128xi32, #tpu.memory_space<vmem>>) semaphore(%run_scoped3A_1155 : memref<!tpu.dma_semaphore, #tpu.memory_space<semaphore_mem>>) {add = true}
          %dma_wait3A_1166 = arith.constant 0 : i32
          %dma_wait3A_1167 = arith.constant 0 : i32
          %dma_wait3A_1168 = tpu.memref_slice %arg17[%run_scoped3A, %dma_wait3A_1166, %dma_wait3A_1167] : memref<2x128x128xf32, #tpu.memory_space<vmem>> -> memref<1x128x128xf32, #tpu.memory_space<vmem>>
          %dma_wait3A_1169 = tpu.memref_squeeze %dma_wait3A_1168 : memref<1x128x128xf32, #tpu.memory_space<vmem>> -> memref<128x128xf32, #tpu.memory_space<vmem>>
          %dma_wait3A_1170 = arith.constant 0 : i32
          %dma_wait3A_1171 = tpu.memref_slice %arg15[%while3A_1126, %dma_wait3A_1170] : memref<32x128xi32, #tpu.memory_space<vmem>> -> memref<1x128xi32, #tpu.memory_space<vmem>>
          %dma_wait3A_1172 = tpu.memref_squeeze %dma_wait3A_1171 : memref<1x128xi32, #tpu.memory_space<vmem>> -> memref<128xi32, #tpu.memory_space<vmem>>
          %dma_wait3A_1173 = arith.constant 0 : i32
          %dma_wait3A_1174 = arith.constant 0 : i32
          %dma_wait3A_1175 = tpu.memref_slice %arg18[%dma_wait3A_1173, %dma_wait3A_1174] : memref<5248x128xf32, #tpu.memory_space<vmem_shared>> -> memref<5248x128xf32, #tpu.memory_space<vmem_shared>>
          tpu.wait_indirect_dma semaphore(%run_scoped3A_1155 : memref<!tpu.dma_semaphore, #tpu.memory_space<semaphore_mem>>) src(%dma_wait3A_1169 : memref<128x128xf32, #tpu.memory_space<vmem>>) dst(%dma_wait3A_1175 : memref<5248x128xf32, #tpu.memory_space<vmem_shared>>)
          tpu.yield
        }) : () -> ()
      } else {
      }
    }
    %add3A_513 = arith.constant 8000 : i32
    %add3A_514 = arith.addi %mul3A_50, %add3A_513 : i32
    %dma_wait3A_515 = tpu.memref_slice %arg2[%add3A_514] : memref<320000xi32, #tpu.memory_space<hbm>> -> memref<4000xi32, #tpu.memory_space<hbm>>
    %dma_wait3A_516 = tpu.memref_slice %arg2[%add3A_514] : memref<320000xi32, #tpu.memory_space<hbm>> -> memref<4000xi32, #tpu.memory_space<hbm>>
    tpu.wait_dma2 semaphore(%arg19 : memref<!tpu.dma_semaphore, #tpu.memory_space<semaphore_mem>>) src(%dma_wait3A_516 : memref<4000xi32, #tpu.memory_space<hbm>>) dst(%arg10 : memref<4000xi32, #tpu.memory_space<vmem>>)
    %add3A_517 = arith.constant 8000 : i32
    %add3A_518 = arith.addi %mul3A_50, %add3A_517 : i32
    %dma_wait3A_519 = tpu.memref_slice %arg3[%add3A_518] : memref<320000xi32, #tpu.memory_space<hbm>> -> memref<4000xi32, #tpu.memory_space<hbm>>
    %dma_wait3A_520 = tpu.memref_slice %arg3[%add3A_518] : memref<320000xi32, #tpu.memory_space<hbm>> -> memref<4000xi32, #tpu.memory_space<hbm>>
    tpu.wait_dma2 semaphore(%arg19 : memref<!tpu.dma_semaphore, #tpu.memory_space<semaphore_mem>>) src(%dma_wait3A_520 : memref<4000xi32, #tpu.memory_space<hbm>>) dst(%arg12 : memref<4000xi32, #tpu.memory_space<vmem>>)
    %add3A_521 = arith.constant 12000 : i32
    %add3A_522 = arith.addi %mul3A_50, %add3A_521 : i32
    %dma_start3A_523 = tpu.memref_slice %arg2[%add3A_522] : memref<320000xi32, #tpu.memory_space<hbm>> -> memref<4000xi32, #tpu.memory_space<hbm>>
    %dma_start3A_524 = tpu.memref_slice %arg2[%add3A_522] : memref<320000xi32, #tpu.memory_space<hbm>> -> memref<4000xi32, #tpu.memory_space<hbm>>
    tpu.enqueue_dma source(%dma_start3A_524 : memref<4000xi32, #tpu.memory_space<hbm>>) target(%arg11 : memref<4000xi32, #tpu.memory_space<vmem>>) target_semaphore(%arg20 : memref<!tpu.dma_semaphore, #tpu.memory_space<semaphore_mem>>)
    %dma_start3A_525 = tpu.memref_slice %arg3[%add3A_522] : memref<320000xi32, #tpu.memory_space<hbm>> -> memref<4000xi32, #tpu.memory_space<hbm>>
    %dma_start3A_526 = tpu.memref_slice %arg3[%add3A_522] : memref<320000xi32, #tpu.memory_space<hbm>> -> memref<4000xi32, #tpu.memory_space<hbm>>
    tpu.enqueue_dma source(%dma_start3A_526 : memref<4000xi32, #tpu.memory_space<hbm>>) target(%arg13 : memref<4000xi32, #tpu.memory_space<vmem>>) target_semaphore(%arg20 : memref<!tpu.dma_semaphore, #tpu.memory_space<semaphore_mem>>)
    %broadcast_in_dim3A_527 = arith.constant 0 : i32
    %broadcast_in_dim3A_528 = vector.broadcast %broadcast_in_dim3A_527 : i32 to vector<16xi32>
    %parallel_loop3A_529 = arith.constant 0 : i32
    %parallel_loop3A_530 = arith.constant 250 : i32
    %parallel_loop3A_531 = arith.constant 1 : i32
    %parallel_loop3A_532 = scf.for %parallel_loop3A_1126 = %parallel_loop3A_529 to %parallel_loop3A_530 step %parallel_loop3A_531 iter_args(%parallel_loop3A_1127 = %broadcast_in_dim3A_528) -> (vector<16xi32>)  : i32 {
      %parallel_loop3A_1128 = arith.constant 16 : i32
      %parallel_loop3A_1129 = arith.muli %parallel_loop3A_1126, %parallel_loop3A_1128 : i32
      %parallel_loop3A_1130 = arith.index_cast %parallel_loop3A_1129 : i32 to index
      %parallel_loop3A_1131 = tpu.vector_load %arg10[%parallel_loop3A_1130] {strides = array<i32>} : memref<4000xi32, #tpu.memory_space<vmem>>, vector<16xi32>,
      %parallel_loop3A_1132 = arith.constant 16 : i32
      %parallel_loop3A_1133 = arith.muli %parallel_loop3A_1126, %parallel_loop3A_1132 : i32
      %parallel_loop3A_1134 = arith.index_cast %parallel_loop3A_1133 : i32 to index
      %parallel_loop3A_1135 = tpu.vector_load %arg12[%parallel_loop3A_1134] {strides = array<i32>} : memref<4000xi32, #tpu.memory_space<vmem>>, vector<16xi32>,
      %parallel_loop3A_1136 = tpu.vector_load_idx %arg8[%parallel_loop3A_1135] : memref<10000xi32, #tpu.memory_space<vmem>>[vector<16xi32>], vector<16xi32>,
      %parallel_loop3A_1137 = arith.constant 5120 : i32
      %parallel_loop3A_1138 = arith.muli %arg0, %parallel_loop3A_1137 : i32
      %parallel_loop3A_1139 = vector.broadcast %parallel_loop3A_1138 : i32 to vector<16xi32>
      %parallel_loop3A_1140 = arith.subi %parallel_loop3A_1135, %parallel_loop3A_1139 : vector<16xi32>
      %parallel_loop3A_1141 = arith.constant 0 : i32
      %parallel_loop3A_1142 = vector.broadcast %parallel_loop3A_1141 : i32 to vector<16xi32>
      %parallel_loop3A_1143 = arith.cmpi sgt, %parallel_loop3A_1136, %parallel_loop3A_1142 : vector<16xi32>
      %parallel_loop3A_1144 = arith.constant 0 : i32
      %parallel_loop3A_1145 = vector.broadcast %parallel_loop3A_1144 : i32 to vector<16xi32>
      %parallel_loop3A_1146 = arith.cmpi sge, %parallel_loop3A_1140, %parallel_loop3A_1145 : vector<16xi32>
      %parallel_loop3A_1147 = arith.andi %parallel_loop3A_1143, %parallel_loop3A_1146 : vector<16xi1>
      %parallel_loop3A_1148 = arith.constant 5120 : i32
      %parallel_loop3A_1149 = vector.broadcast %parallel_loop3A_1148 : i32 to vector<16xi32>
      %parallel_loop3A_1150 = arith.cmpi slt, %parallel_loop3A_1140, %parallel_loop3A_1149 : vector<16xi32>
      %parallel_loop3A_1151 = arith.andi %parallel_loop3A_1147, %parallel_loop3A_1150 : vector<16xi1>
      %parallel_loop3A_1152 = arith.extui %parallel_loop3A_1151 : vector<16xi1> to vector<16xi32>
      %parallel_loop3A_1153 = arith.constant true
      %parallel_loop3A_1154 = vector.broadcast %parallel_loop3A_1153 : i1 to vector<16xi1>
      %parallel_loop3A_1155 = tpu.scan <sum>, %parallel_loop3A_1152 masked %parallel_loop3A_1154 : vector<16xi32>, vector<16xi1> -> vector<16xi32>
      %parallel_loop3A_1156 = arith.addi %parallel_loop3A_1127, %parallel_loop3A_1155 : vector<16xi32>
      %parallel_loop3A_1157 = arith.constant 1 : i32
      %parallel_loop3A_1158 = vector.broadcast %parallel_loop3A_1157 : i32 to vector<16xi32>
      %parallel_loop3A_1159 = arith.subi %parallel_loop3A_1156, %parallel_loop3A_1158 : vector<16xi32>
      %parallel_loop3A_1160 = arith.constant 7 : i32
      %parallel_loop3A_1161 = vector.broadcast %parallel_loop3A_1160 : i32 to vector<16xi32>
      %parallel_loop3A_1162 = arith.shrsi %parallel_loop3A_1159, %parallel_loop3A_1161 : vector<16xi32>
      %parallel_loop3A_1163 = arith.constant 127 : i32
      %parallel_loop3A_1164 = vector.broadcast %parallel_loop3A_1163 : i32 to vector<16xi32>
      %parallel_loop3A_1165 = arith.andi %parallel_loop3A_1159, %parallel_loop3A_1164 : vector<16xi32>
      tpu.vector_store_idx %arg14[%parallel_loop3A_1162, %parallel_loop3A_1165], %parallel_loop3A_1131 masked %parallel_loop3A_1151 : memref<32x128xi32, #tpu.memory_space<vmem>>[vector<16xi32>, vector<16xi32>], vector<16xi32>, vector<16xi1>
      %parallel_loop3A_1166 = arith.constant 7 : i32
      %parallel_loop3A_1167 = vector.broadcast %parallel_loop3A_1166 : i32 to vector<16xi32>
      %parallel_loop3A_1168 = arith.shrsi %parallel_loop3A_1159, %parallel_loop3A_1167 : vector<16xi32>
      %parallel_loop3A_1169 = arith.constant 127 : i32
      %parallel_loop3A_1170 = vector.broadcast %parallel_loop3A_1169 : i32 to vector<16xi32>
      %parallel_loop3A_1171 = arith.andi %parallel_loop3A_1159, %parallel_loop3A_1170 : vector<16xi32>
      tpu.vector_store_idx %arg15[%parallel_loop3A_1168, %parallel_loop3A_1171], %parallel_loop3A_1140 masked %parallel_loop3A_1151 : memref<32x128xi32, #tpu.memory_space<vmem>>[vector<16xi32>, vector<16xi32>], vector<16xi32>, vector<16xi1>
      tpu.vector_store_idx %arg16[%parallel_loop3A_1140], %broadcast_in_dim3A_2 masked %parallel_loop3A_1151 {add = true} : memref<5248xf32, #tpu.memory_space<vmem>>[vector<16xi32>], vector<16xf32>, vector<16xi1>
      %parallel_loop3A_1172 = tpu.all_reduce %parallel_loop3A_1151 {dim = 0 : i64, kind = #tpu.reduction_kind<sum>} : vector<16xi1> -> vector<16xi32>
      %parallel_loop3A_1173 = arith.addi %parallel_loop3A_1127, %parallel_loop3A_1172 : vector<16xi32>
      scf.yield %parallel_loop3A_1173 : vector<16xi32>
    } {sc.loop_unroll_factor = 4 : i64, sc.parallel_access}
    %add3A_533 = arith.constant 128 : i32
    %add3A_534 = vector.broadcast %add3A_533 : i32 to vector<16xi32>
    %add3A_535 = arith.addi %parallel_loop3A_532, %add3A_534 : vector<16xi32>
    %sub3A_536 = arith.constant 1 : i32
    %sub3A_537 = vector.broadcast %sub3A_536 : i32 to vector<16xi32>
    %sub3A_538 = arith.subi %add3A_535, %sub3A_537 : vector<16xi32>
    %and3A_539 = arith.constant -128 : i32
    %and3A_540 = vector.broadcast %and3A_539 : i32 to vector<16xi32>
    %and3A_541 = arith.andi %sub3A_538, %and3A_540 : vector<16xi32>
    %add3A_542 = arith.constant 0 : i32
    %add3A_543 = vector.broadcast %add3A_542 : i32 to vector<16xi32>
    %add3A_544 = arith.addi %parallel_loop3A_532, %add3A_543 : vector<16xi32>
    %add3A_545 = arith.addi %add3A_544, %iota3A : vector<16xi32>
    %lt3A_546 = arith.cmpi slt, %add3A_545, %and3A_541 : vector<16xi32>
    %shift_right_arithmetic3A_547 = arith.constant 7 : i32
    %shift_right_arithmetic3A_548 = vector.broadcast %shift_right_arithmetic3A_547 : i32 to vector<16xi32>
    %shift_right_arithmetic3A_549 = arith.shrsi %add3A_545, %shift_right_arithmetic3A_548 : vector<16xi32>
    %and3A_550 = arith.constant 127 : i32
    %and3A_551 = vector.broadcast %and3A_550 : i32 to vector<16xi32>
    %and3A_552 = arith.andi %add3A_545, %and3A_551 : vector<16xi32>
    %broadcast_in_dim3A_553 = arith.constant 0 : i32
    %broadcast_in_dim3A_554 = vector.broadcast %broadcast_in_dim3A_553 : i32 to vector<16xi32>
    tpu.vector_store_idx %arg14[%shift_right_arithmetic3A_549, %and3A_552], %broadcast_in_dim3A_554 masked %lt3A_546 : memref<32x128xi32, #tpu.memory_space<vmem>>[vector<16xi32>, vector<16xi32>], vector<16xi32>, vector<16xi1>
    %shift_right_arithmetic3A_555 = arith.constant 7 : i32
    %shift_right_arithmetic3A_556 = vector.broadcast %shift_right_arithmetic3A_555 : i32 to vector<16xi32>
    %shift_right_arithmetic3A_557 = arith.shrsi %add3A_545, %shift_right_arithmetic3A_556 : vector<16xi32>
    %and3A_558 = arith.constant 127 : i32
    %and3A_559 = vector.broadcast %and3A_558 : i32 to vector<16xi32>
    %and3A_560 = arith.andi %add3A_545, %and3A_559 : vector<16xi32>
    tpu.vector_store_idx %arg15[%shift_right_arithmetic3A_557, %and3A_560], %broadcast_in_dim3A_65 masked %lt3A_546 : memref<32x128xi32, #tpu.memory_space<vmem>>[vector<16xi32>, vector<16xi32>], vector<16xi32>, vector<16xi1>
    %add3A_561 = arith.constant 16 : i32
    %add3A_562 = vector.broadcast %add3A_561 : i32 to vector<16xi32>
    %add3A_563 = arith.addi %parallel_loop3A_532, %add3A_562 : vector<16xi32>
    %add3A_564 = arith.addi %add3A_563, %iota3A : vector<16xi32>
    %lt3A_565 = arith.cmpi slt, %add3A_564, %and3A_541 : vector<16xi32>
    %shift_right_arithmetic3A_566 = arith.constant 7 : i32
    %shift_right_arithmetic3A_567 = vector.broadcast %shift_right_arithmetic3A_566 : i32 to vector<16xi32>
    %shift_right_arithmetic3A_568 = arith.shrsi %add3A_564, %shift_right_arithmetic3A_567 : vector<16xi32>
    %and3A_569 = arith.constant 127 : i32
    %and3A_570 = vector.broadcast %and3A_569 : i32 to vector<16xi32>
    %and3A_571 = arith.andi %add3A_564, %and3A_570 : vector<16xi32>
    %broadcast_in_dim3A_572 = arith.constant 0 : i32
    %broadcast_in_dim3A_573 = vector.broadcast %broadcast_in_dim3A_572 : i32 to vector<16xi32>
    tpu.vector_store_idx %arg14[%shift_right_arithmetic3A_568, %and3A_571], %broadcast_in_dim3A_573 masked %lt3A_565 : memref<32x128xi32, #tpu.memory_space<vmem>>[vector<16xi32>, vector<16xi32>], vector<16xi32>, vector<16xi1>
    %shift_right_arithmetic3A_574 = arith.constant 7 : i32
    %shift_right_arithmetic3A_575 = vector.broadcast %shift_right_arithmetic3A_574 : i32 to vector<16xi32>
    %shift_right_arithmetic3A_576 = arith.shrsi %add3A_564, %shift_right_arithmetic3A_575 : vector<16xi32>
    %and3A_577 = arith.constant 127 : i32
    %and3A_578 = vector.broadcast %and3A_577 : i32 to vector<16xi32>
    %and3A_579 = arith.andi %add3A_564, %and3A_578 : vector<16xi32>
    tpu.vector_store_idx %arg15[%shift_right_arithmetic3A_576, %and3A_579], %broadcast_in_dim3A_65 masked %lt3A_565 : memref<32x128xi32, #tpu.memory_space<vmem>>[vector<16xi32>, vector<16xi32>], vector<16xi32>, vector<16xi1>
    %add3A_580 = arith.constant 32 : i32
    %add3A_581 = vector.broadcast %add3A_580 : i32 to vector<16xi32>
    %add3A_582 = arith.addi %parallel_loop3A_532, %add3A_581 : vector<16xi32>
    %add3A_583 = arith.addi %add3A_582, %iota3A : vector<16xi32>
    %lt3A_584 = arith.cmpi slt, %add3A_583, %and3A_541 : vector<16xi32>
    %shift_right_arithmetic3A_585 = arith.constant 7 : i32
    %shift_right_arithmetic3A_586 = vector.broadcast %shift_right_arithmetic3A_585 : i32 to vector<16xi32>
    %shift_right_arithmetic3A_587 = arith.shrsi %add3A_583, %shift_right_arithmetic3A_586 : vector<16xi32>
    %and3A_588 = arith.constant 127 : i32
    %and3A_589 = vector.broadcast %and3A_588 : i32 to vector<16xi32>
    %and3A_590 = arith.andi %add3A_583, %and3A_589 : vector<16xi32>
    %broadcast_in_dim3A_591 = arith.constant 0 : i32
    %broadcast_in_dim3A_592 = vector.broadcast %broadcast_in_dim3A_591 : i32 to vector<16xi32>
    tpu.vector_store_idx %arg14[%shift_right_arithmetic3A_587, %and3A_590], %broadcast_in_dim3A_592 masked %lt3A_584 : memref<32x128xi32, #tpu.memory_space<vmem>>[vector<16xi32>, vector<16xi32>], vector<16xi32>, vector<16xi1>
    %shift_right_arithmetic3A_593 = arith.constant 7 : i32
    %shift_right_arithmetic3A_594 = vector.broadcast %shift_right_arithmetic3A_593 : i32 to vector<16xi32>
    %shift_right_arithmetic3A_595 = arith.shrsi %add3A_583, %shift_right_arithmetic3A_594 : vector<16xi32>
    %and3A_596 = arith.constant 127 : i32
    %and3A_597 = vector.broadcast %and3A_596 : i32 to vector<16xi32>
    %and3A_598 = arith.andi %add3A_583, %and3A_597 : vector<16xi32>
    tpu.vector_store_idx %arg15[%shift_right_arithmetic3A_595, %and3A_598], %broadcast_in_dim3A_65 masked %lt3A_584 : memref<32x128xi32, #tpu.memory_space<vmem>>[vector<16xi32>, vector<16xi32>], vector<16xi32>, vector<16xi1>
    %add3A_599 = arith.constant 48 : i32
    %add3A_600 = vector.broadcast %add3A_599 : i32 to vector<16xi32>
    %add3A_601 = arith.addi %parallel_loop3A_532, %add3A_600 : vector<16xi32>
    %add3A_602 = arith.addi %add3A_601, %iota3A : vector<16xi32>
    %lt3A_603 = arith.cmpi slt, %add3A_602, %and3A_541 : vector<16xi32>
    %shift_right_arithmetic3A_604 = arith.constant 7 : i32
    %shift_right_arithmetic3A_605 = vector.broadcast %shift_right_arithmetic3A_604 : i32 to vector<16xi32>
    %shift_right_arithmetic3A_606 = arith.shrsi %add3A_602, %shift_right_arithmetic3A_605 : vector<16xi32>
    %and3A_607 = arith.constant 127 : i32
    %and3A_608 = vector.broadcast %and3A_607 : i32 to vector<16xi32>
    %and3A_609 = arith.andi %add3A_602, %and3A_608 : vector<16xi32>
    %broadcast_in_dim3A_610 = arith.constant 0 : i32
    %broadcast_in_dim3A_611 = vector.broadcast %broadcast_in_dim3A_610 : i32 to vector<16xi32>
    tpu.vector_store_idx %arg14[%shift_right_arithmetic3A_606, %and3A_609], %broadcast_in_dim3A_611 masked %lt3A_603 : memref<32x128xi32, #tpu.memory_space<vmem>>[vector<16xi32>, vector<16xi32>], vector<16xi32>, vector<16xi1>
    %shift_right_arithmetic3A_612 = arith.constant 7 : i32
    %shift_right_arithmetic3A_613 = vector.broadcast %shift_right_arithmetic3A_612 : i32 to vector<16xi32>
    %shift_right_arithmetic3A_614 = arith.shrsi %add3A_602, %shift_right_arithmetic3A_613 : vector<16xi32>
    %and3A_615 = arith.constant 127 : i32
    %and3A_616 = vector.broadcast %and3A_615 : i32 to vector<16xi32>
    %and3A_617 = arith.andi %add3A_602, %and3A_616 : vector<16xi32>
    tpu.vector_store_idx %arg15[%shift_right_arithmetic3A_614, %and3A_617], %broadcast_in_dim3A_65 masked %lt3A_603 : memref<32x128xi32, #tpu.memory_space<vmem>>[vector<16xi32>, vector<16xi32>], vector<16xi32>, vector<16xi1>
    %add3A_618 = arith.constant 64 : i32
    %add3A_619 = vector.broadcast %add3A_618 : i32 to vector<16xi32>
    %add3A_620 = arith.addi %parallel_loop3A_532, %add3A_619 : vector<16xi32>
    %add3A_621 = arith.addi %add3A_620, %iota3A : vector<16xi32>
    %lt3A_622 = arith.cmpi slt, %add3A_621, %and3A_541 : vector<16xi32>
    %shift_right_arithmetic3A_623 = arith.constant 7 : i32
    %shift_right_arithmetic3A_624 = vector.broadcast %shift_right_arithmetic3A_623 : i32 to vector<16xi32>
    %shift_right_arithmetic3A_625 = arith.shrsi %add3A_621, %shift_right_arithmetic3A_624 : vector<16xi32>
    %and3A_626 = arith.constant 127 : i32
    %and3A_627 = vector.broadcast %and3A_626 : i32 to vector<16xi32>
    %and3A_628 = arith.andi %add3A_621, %and3A_627 : vector<16xi32>
    %broadcast_in_dim3A_629 = arith.constant 0 : i32
    %broadcast_in_dim3A_630 = vector.broadcast %broadcast_in_dim3A_629 : i32 to vector<16xi32>
    tpu.vector_store_idx %arg14[%shift_right_arithmetic3A_625, %and3A_628], %broadcast_in_dim3A_630 masked %lt3A_622 : memref<32x128xi32, #tpu.memory_space<vmem>>[vector<16xi32>, vector<16xi32>], vector<16xi32>, vector<16xi1>
    %shift_right_arithmetic3A_631 = arith.constant 7 : i32
    %shift_right_arithmetic3A_632 = vector.broadcast %shift_right_arithmetic3A_631 : i32 to vector<16xi32>
    %shift_right_arithmetic3A_633 = arith.shrsi %add3A_621, %shift_right_arithmetic3A_632 : vector<16xi32>
    %and3A_634 = arith.constant 127 : i32
    %and3A_635 = vector.broadcast %and3A_634 : i32 to vector<16xi32>
    %and3A_636 = arith.andi %add3A_621, %and3A_635 : vector<16xi32>
    tpu.vector_store_idx %arg15[%shift_right_arithmetic3A_633, %and3A_636], %broadcast_in_dim3A_65 masked %lt3A_622 : memref<32x128xi32, #tpu.memory_space<vmem>>[vector<16xi32>, vector<16xi32>], vector<16xi32>, vector<16xi1>
    %add3A_637 = arith.constant 80 : i32
    %add3A_638 = vector.broadcast %add3A_637 : i32 to vector<16xi32>
    %add3A_639 = arith.addi %parallel_loop3A_532, %add3A_638 : vector<16xi32>
    %add3A_640 = arith.addi %add3A_639, %iota3A : vector<16xi32>
    %lt3A_641 = arith.cmpi slt, %add3A_640, %and3A_541 : vector<16xi32>
    %shift_right_arithmetic3A_642 = arith.constant 7 : i32
    %shift_right_arithmetic3A_643 = vector.broadcast %shift_right_arithmetic3A_642 : i32 to vector<16xi32>
    %shift_right_arithmetic3A_644 = arith.shrsi %add3A_640, %shift_right_arithmetic3A_643 : vector<16xi32>
    %and3A_645 = arith.constant 127 : i32
    %and3A_646 = vector.broadcast %and3A_645 : i32 to vector<16xi32>
    %and3A_647 = arith.andi %add3A_640, %and3A_646 : vector<16xi32>
    %broadcast_in_dim3A_648 = arith.constant 0 : i32
    %broadcast_in_dim3A_649 = vector.broadcast %broadcast_in_dim3A_648 : i32 to vector<16xi32>
    tpu.vector_store_idx %arg14[%shift_right_arithmetic3A_644, %and3A_647], %broadcast_in_dim3A_649 masked %lt3A_641 : memref<32x128xi32, #tpu.memory_space<vmem>>[vector<16xi32>, vector<16xi32>], vector<16xi32>, vector<16xi1>
    %shift_right_arithmetic3A_650 = arith.constant 7 : i32
    %shift_right_arithmetic3A_651 = vector.broadcast %shift_right_arithmetic3A_650 : i32 to vector<16xi32>
    %shift_right_arithmetic3A_652 = arith.shrsi %add3A_640, %shift_right_arithmetic3A_651 : vector<16xi32>
    %and3A_653 = arith.constant 127 : i32
    %and3A_654 = vector.broadcast %and3A_653 : i32 to vector<16xi32>
    %and3A_655 = arith.andi %add3A_640, %and3A_654 : vector<16xi32>
    tpu.vector_store_idx %arg15[%shift_right_arithmetic3A_652, %and3A_655], %broadcast_in_dim3A_65 masked %lt3A_641 : memref<32x128xi32, #tpu.memory_space<vmem>>[vector<16xi32>, vector<16xi32>], vector<16xi32>, vector<16xi1>
    %add3A_656 = arith.constant 96 : i32
    %add3A_657 = vector.broadcast %add3A_656 : i32 to vector<16xi32>
    %add3A_658 = arith.addi %parallel_loop3A_532, %add3A_657 : vector<16xi32>
    %add3A_659 = arith.addi %add3A_658, %iota3A : vector<16xi32>
    %lt3A_660 = arith.cmpi slt, %add3A_659, %and3A_541 : vector<16xi32>
    %shift_right_arithmetic3A_661 = arith.constant 7 : i32
    %shift_right_arithmetic3A_662 = vector.broadcast %shift_right_arithmetic3A_661 : i32 to vector<16xi32>
    %shift_right_arithmetic3A_663 = arith.shrsi %add3A_659, %shift_right_arithmetic3A_662 : vector<16xi32>
    %and3A_664 = arith.constant 127 : i32
    %and3A_665 = vector.broadcast %and3A_664 : i32 to vector<16xi32>
    %and3A_666 = arith.andi %add3A_659, %and3A_665 : vector<16xi32>
    %broadcast_in_dim3A_667 = arith.constant 0 : i32
    %broadcast_in_dim3A_668 = vector.broadcast %broadcast_in_dim3A_667 : i32 to vector<16xi32>
    tpu.vector_store_idx %arg14[%shift_right_arithmetic3A_663, %and3A_666], %broadcast_in_dim3A_668 masked %lt3A_660 : memref<32x128xi32, #tpu.memory_space<vmem>>[vector<16xi32>, vector<16xi32>], vector<16xi32>, vector<16xi1>
    %shift_right_arithmetic3A_669 = arith.constant 7 : i32
    %shift_right_arithmetic3A_670 = vector.broadcast %shift_right_arithmetic3A_669 : i32 to vector<16xi32>
    %shift_right_arithmetic3A_671 = arith.shrsi %add3A_659, %shift_right_arithmetic3A_670 : vector<16xi32>
    %and3A_672 = arith.constant 127 : i32
    %and3A_673 = vector.broadcast %and3A_672 : i32 to vector<16xi32>
    %and3A_674 = arith.andi %add3A_659, %and3A_673 : vector<16xi32>
    tpu.vector_store_idx %arg15[%shift_right_arithmetic3A_671, %and3A_674], %broadcast_in_dim3A_65 masked %lt3A_660 : memref<32x128xi32, #tpu.memory_space<vmem>>[vector<16xi32>, vector<16xi32>], vector<16xi32>, vector<16xi1>
    %add3A_675 = arith.constant 112 : i32
    %add3A_676 = vector.broadcast %add3A_675 : i32 to vector<16xi32>
    %add3A_677 = arith.addi %parallel_loop3A_532, %add3A_676 : vector<16xi32>
    %add3A_678 = arith.addi %add3A_677, %iota3A : vector<16xi32>
    %lt3A_679 = arith.cmpi slt, %add3A_678, %and3A_541 : vector<16xi32>
    %shift_right_arithmetic3A_680 = arith.constant 7 : i32
    %shift_right_arithmetic3A_681 = vector.broadcast %shift_right_arithmetic3A_680 : i32 to vector<16xi32>
    %shift_right_arithmetic3A_682 = arith.shrsi %add3A_678, %shift_right_arithmetic3A_681 : vector<16xi32>
    %and3A_683 = arith.constant 127 : i32
    %and3A_684 = vector.broadcast %and3A_683 : i32 to vector<16xi32>
    %and3A_685 = arith.andi %add3A_678, %and3A_684 : vector<16xi32>
    %broadcast_in_dim3A_686 = arith.constant 0 : i32
    %broadcast_in_dim3A_687 = vector.broadcast %broadcast_in_dim3A_686 : i32 to vector<16xi32>
    tpu.vector_store_idx %arg14[%shift_right_arithmetic3A_682, %and3A_685], %broadcast_in_dim3A_687 masked %lt3A_679 : memref<32x128xi32, #tpu.memory_space<vmem>>[vector<16xi32>, vector<16xi32>], vector<16xi32>, vector<16xi1>
    %shift_right_arithmetic3A_688 = arith.constant 7 : i32
    %shift_right_arithmetic3A_689 = vector.broadcast %shift_right_arithmetic3A_688 : i32 to vector<16xi32>
    %shift_right_arithmetic3A_690 = arith.shrsi %add3A_678, %shift_right_arithmetic3A_689 : vector<16xi32>
    %and3A_691 = arith.constant 127 : i32
    %and3A_692 = vector.broadcast %and3A_691 : i32 to vector<16xi32>
    %and3A_693 = arith.andi %add3A_678, %and3A_692 : vector<16xi32>
    tpu.vector_store_idx %arg15[%shift_right_arithmetic3A_690, %and3A_693], %broadcast_in_dim3A_65 masked %lt3A_679 : memref<32x128xi32, #tpu.memory_space<vmem>>[vector<16xi32>, vector<16xi32>], vector<16xi32>, vector<16xi1>
    %reduce_max3A_694 = arith.constant true
    %reduce_max3A_695 = vector.broadcast %reduce_max3A_694 : i1 to vector<16xi1>
    %reduce_max3A_696 = arith.constant -2147483648 : i32
    %reduce_max3A_697 = vector.broadcast %reduce_max3A_696 : i32 to vector<16xi32>
    %reduce_max3A_698 = arith.xori %and3A_541, %reduce_max3A_697 : vector<16xi32>
    %reduce_max3A_699 = tpu.scan <max>, %reduce_max3A_698 masked %reduce_max3A_695 : vector<16xi32>, vector<16xi1> -> vector<16xi32>
    %reduce_max3A_700 = arith.xori %reduce_max3A_699, %reduce_max3A_697 : vector<16xi32>
    %reduce_max3A_701 = vector.extract %reduce_max3A_700[15] : i32 from vector<16xi32>
    %shift_right_arithmetic3A_702 = arith.constant 7 : i32
    %shift_right_arithmetic3A_703 = arith.shrsi %reduce_max3A_701, %shift_right_arithmetic3A_702 : i32
    %gt3A_704 = arith.constant 0 : i32
    %gt3A_705 = arith.cmpi sgt, %shift_right_arithmetic3A_703, %gt3A_704 : i32
    %convert_element_type3A_706 = arith.extui %gt3A_705 : i1 to i32
    %cond3A_707 = arith.constant 0 : i32
    %cond3A_708 = arith.cmpi ne, %convert_element_type3A_706, %cond3A_707 : i32
    scf.if %cond3A_708 {
      %dma_start3A_1126 = arith.constant 0 : i32
      %dma_start3A_1127 = arith.constant 0 : i32
      %dma_start3A_1128 = arith.constant 0 : i32
      %dma_start3A_1129 = arith.constant 0 : i32
      %dma_start3A_1130 = tpu.memref_slice %arg17[%dma_start3A_1127, %dma_start3A_1128, %dma_start3A_1129] : memref<2x128x128xf32, #tpu.memory_space<vmem>> -> memref<1x128x128xf32, #tpu.memory_space<vmem>>
      %dma_start3A_1131 = tpu.memref_squeeze %dma_start3A_1130 : memref<1x128x128xf32, #tpu.memory_space<vmem>> -> memref<128x128xf32, #tpu.memory_space<vmem>>
      %dma_start3A_1132 = arith.constant 0 : i32
      %dma_start3A_1133 = tpu.memref_slice %arg14[%dma_start3A_1126, %dma_start3A_1132] : memref<32x128xi32, #tpu.memory_space<vmem>> -> memref<1x128xi32, #tpu.memory_space<vmem>>
      %dma_start3A_1134 = tpu.memref_squeeze %dma_start3A_1133 : memref<1x128xi32, #tpu.memory_space<vmem>> -> memref<128xi32, #tpu.memory_space<vmem>>
      %dma_start3A_1135 = arith.constant 0 : i32
      %dma_start3A_1136 = arith.constant 0 : i32
      %dma_start3A_1137 = tpu.memref_slice %arg5[%dma_start3A_1135, %dma_start3A_1136] : memref<10000x128xf32, #tpu.memory_space<hbm>> -> memref<10000x128xf32, #tpu.memory_space<hbm>>
      tpu.enqueue_indirect_dma source(%dma_start3A_1137 : memref<10000x128xf32, #tpu.memory_space<hbm>>) target(%dma_start3A_1131 : memref<128x128xf32, #tpu.memory_space<vmem>>) offsets(%dma_start3A_1134 : memref<128xi32, #tpu.memory_space<vmem>>) semaphore(%arg21 : memref<!tpu.dma_semaphore, #tpu.memory_space<semaphore_mem>>)
    } else {
    }
    %while3A_709 = arith.constant 0 : i32
    %while3A_710 = arith.constant 0 : i32
    %while3A_711 = arith.subi %shift_right_arithmetic3A_703, %while3A_710 : i32
    %while3A_712 = arith.addi %while3A_710, %while3A_711 : i32
    %while3A_713 = arith.constant 1 : i32
    %while3A_714 = arith.divsi %while3A_711, %while3A_713 : i32
    %while3A_715 = arith.muli %while3A_714, %while3A_713 : i32
    %while3A_716 = arith.addi %while3A_710, %while3A_715 : i32
    %while3A_717 = arith.constant 1 : i32
    scf.for %while3A_1126 = %while3A_710 to %while3A_716 step %while3A_717  : i32 {
      %and3A_1127 = arith.constant 1 : i32
      %and3A_1128 = arith.andi %while3A_1126, %and3A_1127 : i32
      %add3A_1129 = arith.constant 1 : i32
      %add3A_1130 = arith.addi %while3A_1126, %add3A_1129 : i32
      %lt3A_1131 = arith.cmpi slt, %add3A_1130, %shift_right_arithmetic3A_703 : i32
      %convert_element_type3A_1132 = arith.extui %lt3A_1131 : i1 to i32
      %cond3A_1133 = arith.constant 0 : i32
      %cond3A_1134 = arith.cmpi ne, %convert_element_type3A_1132, %cond3A_1133 : i32
      scf.if %cond3A_1134 {
        %sub3A_1144 = arith.constant 1 : i32
        %sub3A_1145 = arith.subi %sub3A_1144, %and3A_1128 : i32
        %eq3A_1146 = arith.constant 0 : i32
        %eq3A_1147 = arith.cmpi eq, %sub3A_1145, %eq3A_1146 : i32
        %convert_element_type3A_1148 = arith.extui %eq3A_1147 : i1 to i32
        %cond3A_1149 = arith.constant 0 : i32
        %cond3A_1150 = arith.cmpi ne, %convert_element_type3A_1148, %cond3A_1149 : i32
        scf.if %cond3A_1150 {
          %add3A_1158 = arith.constant 1 : i32
          %add3A_1159 = arith.addi %while3A_1126, %add3A_1158 : i32
          %dma_start3A_1160 = arith.constant 0 : i32
          %dma_start3A_1161 = arith.constant 0 : i32
          %dma_start3A_1162 = arith.constant 0 : i32
          %dma_start3A_1163 = tpu.memref_slice %arg17[%dma_start3A_1160, %dma_start3A_1161, %dma_start3A_1162] : memref<2x128x128xf32, #tpu.memory_space<vmem>> -> memref<1x128x128xf32, #tpu.memory_space<vmem>>
          %dma_start3A_1164 = tpu.memref_squeeze %dma_start3A_1163 : memref<1x128x128xf32, #tpu.memory_space<vmem>> -> memref<128x128xf32, #tpu.memory_space<vmem>>
          %dma_start3A_1165 = arith.constant 0 : i32
          %dma_start3A_1166 = tpu.memref_slice %arg14[%add3A_1159, %dma_start3A_1165] : memref<32x128xi32, #tpu.memory_space<vmem>> -> memref<1x128xi32, #tpu.memory_space<vmem>>
          %dma_start3A_1167 = tpu.memref_squeeze %dma_start3A_1166 : memref<1x128xi32, #tpu.memory_space<vmem>> -> memref<128xi32, #tpu.memory_space<vmem>>
          %dma_start3A_1168 = arith.constant 0 : i32
          %dma_start3A_1169 = arith.constant 0 : i32
          %dma_start3A_1170 = tpu.memref_slice %arg5[%dma_start3A_1168, %dma_start3A_1169] : memref<10000x128xf32, #tpu.memory_space<hbm>> -> memref<10000x128xf32, #tpu.memory_space<hbm>>
          tpu.enqueue_indirect_dma source(%dma_start3A_1170 : memref<10000x128xf32, #tpu.memory_space<hbm>>) target(%dma_start3A_1164 : memref<128x128xf32, #tpu.memory_space<vmem>>) offsets(%dma_start3A_1167 : memref<128xi32, #tpu.memory_space<vmem>>) semaphore(%arg21 : memref<!tpu.dma_semaphore, #tpu.memory_space<semaphore_mem>>)
        } else {
        }
        %sub3A_1151 = arith.constant 1 : i32
        %sub3A_1152 = arith.subi %sub3A_1151, %and3A_1128 : i32
        %eq3A_1153 = arith.constant 1 : i32
        %eq3A_1154 = arith.cmpi eq, %sub3A_1152, %eq3A_1153 : i32
        %convert_element_type3A_1155 = arith.extui %eq3A_1154 : i1 to i32
        %cond3A_1156 = arith.constant 0 : i32
        %cond3A_1157 = arith.cmpi ne, %convert_element_type3A_1155, %cond3A_1156 : i32
        scf.if %cond3A_1157 {
          %add3A_1158 = arith.constant 1 : i32
          %add3A_1159 = arith.addi %while3A_1126, %add3A_1158 : i32
          %dma_start3A_1160 = arith.constant 1 : i32
          %dma_start3A_1161 = arith.constant 0 : i32
          %dma_start3A_1162 = arith.constant 0 : i32
          %dma_start3A_1163 = tpu.memref_slice %arg17[%dma_start3A_1160, %dma_start3A_1161, %dma_start3A_1162] : memref<2x128x128xf32, #tpu.memory_space<vmem>> -> memref<1x128x128xf32, #tpu.memory_space<vmem>>
          %dma_start3A_1164 = tpu.memref_squeeze %dma_start3A_1163 : memref<1x128x128xf32, #tpu.memory_space<vmem>> -> memref<128x128xf32, #tpu.memory_space<vmem>>
          %dma_start3A_1165 = arith.constant 0 : i32
          %dma_start3A_1166 = tpu.memref_slice %arg14[%add3A_1159, %dma_start3A_1165] : memref<32x128xi32, #tpu.memory_space<vmem>> -> memref<1x128xi32, #tpu.memory_space<vmem>>
          %dma_start3A_1167 = tpu.memref_squeeze %dma_start3A_1166 : memref<1x128xi32, #tpu.memory_space<vmem>> -> memref<128xi32, #tpu.memory_space<vmem>>
          %dma_start3A_1168 = arith.constant 0 : i32
          %dma_start3A_1169 = arith.constant 0 : i32
          %dma_start3A_1170 = tpu.memref_slice %arg5[%dma_start3A_1168, %dma_start3A_1169] : memref<10000x128xf32, #tpu.memory_space<hbm>> -> memref<10000x128xf32, #tpu.memory_space<hbm>>
          tpu.enqueue_indirect_dma source(%dma_start3A_1170 : memref<10000x128xf32, #tpu.memory_space<hbm>>) target(%dma_start3A_1164 : memref<128x128xf32, #tpu.memory_space<vmem>>) offsets(%dma_start3A_1167 : memref<128xi32, #tpu.memory_space<vmem>>) semaphore(%arg22 : memref<!tpu.dma_semaphore, #tpu.memory_space<semaphore_mem>>)
        } else {
        }
      } else {
      }
      %eq3A = arith.constant 0 : i32
      %eq3A_1135 = arith.cmpi eq, %and3A_1128, %eq3A : i32
      %convert_element_type3A_1136 = arith.extui %eq3A_1135 : i1 to i32
      %cond3A_1137 = arith.constant 0 : i32
      %cond3A_1138 = arith.cmpi ne, %convert_element_type3A_1136, %cond3A_1137 : i32
      scf.if %cond3A_1138 {
        %dma_wait3A_1144 = arith.constant 0 : i32
        %dma_wait3A_1145 = arith.constant 0 : i32
        %dma_wait3A_1146 = arith.constant 0 : i32
        %dma_wait3A_1147 = tpu.memref_slice %arg17[%dma_wait3A_1144, %dma_wait3A_1145, %dma_wait3A_1146] : memref<2x128x128xf32, #tpu.memory_space<vmem>> -> memref<1x128x128xf32, #tpu.memory_space<vmem>>
        %dma_wait3A_1148 = tpu.memref_squeeze %dma_wait3A_1147 : memref<1x128x128xf32, #tpu.memory_space<vmem>> -> memref<128x128xf32, #tpu.memory_space<vmem>>
        %dma_wait3A_1149 = arith.constant 0 : i32
        %dma_wait3A_1150 = tpu.memref_slice %arg14[%while3A_1126, %dma_wait3A_1149] : memref<32x128xi32, #tpu.memory_space<vmem>> -> memref<1x128xi32, #tpu.memory_space<vmem>>
        %dma_wait3A_1151 = tpu.memref_squeeze %dma_wait3A_1150 : memref<1x128xi32, #tpu.memory_space<vmem>> -> memref<128xi32, #tpu.memory_space<vmem>>
        %dma_wait3A_1152 = arith.constant 0 : i32
        %dma_wait3A_1153 = arith.constant 0 : i32
        %dma_wait3A_1154 = tpu.memref_slice %arg5[%dma_wait3A_1152, %dma_wait3A_1153] : memref<10000x128xf32, #tpu.memory_space<hbm>> -> memref<10000x128xf32, #tpu.memory_space<hbm>>
        tpu.wait_indirect_dma semaphore(%arg21 : memref<!tpu.dma_semaphore, #tpu.memory_space<semaphore_mem>>) src(%dma_wait3A_1154 : memref<10000x128xf32, #tpu.memory_space<hbm>>) dst(%dma_wait3A_1148 : memref<128x128xf32, #tpu.memory_space<vmem>>)
        %run_scoped3A = arith.constant 0 : i32
        "tpu.region"() ({
          %run_scoped3A_1155 = tpu.sem_alloc : memref<!tpu.dma_semaphore, #tpu.memory_space<semaphore_mem>>
          %dma_start3A_1156 = arith.constant 0 : i32
          %dma_start3A_1157 = arith.constant 0 : i32
          %dma_start3A_1158 = tpu.memref_slice %arg17[%run_scoped3A, %dma_start3A_1156, %dma_start3A_1157] : memref<2x128x128xf32, #tpu.memory_space<vmem>> -> memref<1x128x128xf32, #tpu.memory_space<vmem>>
          %dma_start3A_1159 = tpu.memref_squeeze %dma_start3A_1158 : memref<1x128x128xf32, #tpu.memory_space<vmem>> -> memref<128x128xf32, #tpu.memory_space<vmem>>
          %dma_start3A_1160 = arith.constant 0 : i32
          %dma_start3A_1161 = tpu.memref_slice %arg15[%while3A_1126, %dma_start3A_1160] : memref<32x128xi32, #tpu.memory_space<vmem>> -> memref<1x128xi32, #tpu.memory_space<vmem>>
          %dma_start3A_1162 = tpu.memref_squeeze %dma_start3A_1161 : memref<1x128xi32, #tpu.memory_space<vmem>> -> memref<128xi32, #tpu.memory_space<vmem>>
          %dma_start3A_1163 = arith.constant 0 : i32
          %dma_start3A_1164 = arith.constant 0 : i32
          %dma_start3A_1165 = tpu.memref_slice %arg18[%dma_start3A_1163, %dma_start3A_1164] : memref<5248x128xf32, #tpu.memory_space<vmem_shared>> -> memref<5248x128xf32, #tpu.memory_space<vmem_shared>>
          tpu.enqueue_indirect_dma source(%dma_start3A_1159 : memref<128x128xf32, #tpu.memory_space<vmem>>) target(%dma_start3A_1165 : memref<5248x128xf32, #tpu.memory_space<vmem_shared>>) offsets(%dma_start3A_1162 : memref<128xi32, #tpu.memory_space<vmem>>) semaphore(%run_scoped3A_1155 : memref<!tpu.dma_semaphore, #tpu.memory_space<semaphore_mem>>) {add = true}
          %dma_wait3A_1166 = arith.constant 0 : i32
          %dma_wait3A_1167 = arith.constant 0 : i32
          %dma_wait3A_1168 = tpu.memref_slice %arg17[%run_scoped3A, %dma_wait3A_1166, %dma_wait3A_1167] : memref<2x128x128xf32, #tpu.memory_space<vmem>> -> memref<1x128x128xf32, #tpu.memory_space<vmem>>
          %dma_wait3A_1169 = tpu.memref_squeeze %dma_wait3A_1168 : memref<1x128x128xf32, #tpu.memory_space<vmem>> -> memref<128x128xf32, #tpu.memory_space<vmem>>
          %dma_wait3A_1170 = arith.constant 0 : i32
          %dma_wait3A_1171 = tpu.memref_slice %arg15[%while3A_1126, %dma_wait3A_1170] : memref<32x128xi32, #tpu.memory_space<vmem>> -> memref<1x128xi32, #tpu.memory_space<vmem>>
          %dma_wait3A_1172 = tpu.memref_squeeze %dma_wait3A_1171 : memref<1x128xi32, #tpu.memory_space<vmem>> -> memref<128xi32, #tpu.memory_space<vmem>>
          %dma_wait3A_1173 = arith.constant 0 : i32
          %dma_wait3A_1174 = arith.constant 0 : i32
          %dma_wait3A_1175 = tpu.memref_slice %arg18[%dma_wait3A_1173, %dma_wait3A_1174] : memref<5248x128xf32, #tpu.memory_space<vmem_shared>> -> memref<5248x128xf32, #tpu.memory_space<vmem_shared>>
          tpu.wait_indirect_dma semaphore(%run_scoped3A_1155 : memref<!tpu.dma_semaphore, #tpu.memory_space<semaphore_mem>>) src(%dma_wait3A_1169 : memref<128x128xf32, #tpu.memory_space<vmem>>) dst(%dma_wait3A_1175 : memref<5248x128xf32, #tpu.memory_space<vmem_shared>>)
          tpu.yield
        }) : () -> ()
      } else {
      }
      %eq3A_1139 = arith.constant 1 : i32
      %eq3A_1140 = arith.cmpi eq, %and3A_1128, %eq3A_1139 : i32
      %convert_element_type3A_1141 = arith.extui %eq3A_1140 : i1 to i32
      %cond3A_1142 = arith.constant 0 : i32
      %cond3A_1143 = arith.cmpi ne, %convert_element_type3A_1141, %cond3A_1142 : i32
      scf.if %cond3A_1143 {
        %dma_wait3A_1144 = arith.constant 1 : i32
        %dma_wait3A_1145 = arith.constant 0 : i32
        %dma_wait3A_1146 = arith.constant 0 : i32
        %dma_wait3A_1147 = tpu.memref_slice %arg17[%dma_wait3A_1144, %dma_wait3A_1145, %dma_wait3A_1146] : memref<2x128x128xf32, #tpu.memory_space<vmem>> -> memref<1x128x128xf32, #tpu.memory_space<vmem>>
        %dma_wait3A_1148 = tpu.memref_squeeze %dma_wait3A_1147 : memref<1x128x128xf32, #tpu.memory_space<vmem>> -> memref<128x128xf32, #tpu.memory_space<vmem>>
        %dma_wait3A_1149 = arith.constant 0 : i32
        %dma_wait3A_1150 = tpu.memref_slice %arg14[%while3A_1126, %dma_wait3A_1149] : memref<32x128xi32, #tpu.memory_space<vmem>> -> memref<1x128xi32, #tpu.memory_space<vmem>>
        %dma_wait3A_1151 = tpu.memref_squeeze %dma_wait3A_1150 : memref<1x128xi32, #tpu.memory_space<vmem>> -> memref<128xi32, #tpu.memory_space<vmem>>
        %dma_wait3A_1152 = arith.constant 0 : i32
        %dma_wait3A_1153 = arith.constant 0 : i32
        %dma_wait3A_1154 = tpu.memref_slice %arg5[%dma_wait3A_1152, %dma_wait3A_1153] : memref<10000x128xf32, #tpu.memory_space<hbm>> -> memref<10000x128xf32, #tpu.memory_space<hbm>>
        tpu.wait_indirect_dma semaphore(%arg22 : memref<!tpu.dma_semaphore, #tpu.memory_space<semaphore_mem>>) src(%dma_wait3A_1154 : memref<10000x128xf32, #tpu.memory_space<hbm>>) dst(%dma_wait3A_1148 : memref<128x128xf32, #tpu.memory_space<vmem>>)
        %run_scoped3A = arith.constant 1 : i32
        "tpu.region"() ({
          %run_scoped3A_1155 = tpu.sem_alloc : memref<!tpu.dma_semaphore, #tpu.memory_space<semaphore_mem>>
          %dma_start3A_1156 = arith.constant 0 : i32
          %dma_start3A_1157 = arith.constant 0 : i32
          %dma_start3A_1158 = tpu.memref_slice %arg17[%run_scoped3A, %dma_start3A_1156, %dma_start3A_1157] : memref<2x128x128xf32, #tpu.memory_space<vmem>> -> memref<1x128x128xf32, #tpu.memory_space<vmem>>
          %dma_start3A_1159 = tpu.memref_squeeze %dma_start3A_1158 : memref<1x128x128xf32, #tpu.memory_space<vmem>> -> memref<128x128xf32, #tpu.memory_space<vmem>>
          %dma_start3A_1160 = arith.constant 0 : i32
          %dma_start3A_1161 = tpu.memref_slice %arg15[%while3A_1126, %dma_start3A_1160] : memref<32x128xi32, #tpu.memory_space<vmem>> -> memref<1x128xi32, #tpu.memory_space<vmem>>
          %dma_start3A_1162 = tpu.memref_squeeze %dma_start3A_1161 : memref<1x128xi32, #tpu.memory_space<vmem>> -> memref<128xi32, #tpu.memory_space<vmem>>
          %dma_start3A_1163 = arith.constant 0 : i32
          %dma_start3A_1164 = arith.constant 0 : i32
          %dma_start3A_1165 = tpu.memref_slice %arg18[%dma_start3A_1163, %dma_start3A_1164] : memref<5248x128xf32, #tpu.memory_space<vmem_shared>> -> memref<5248x128xf32, #tpu.memory_space<vmem_shared>>
          tpu.enqueue_indirect_dma source(%dma_start3A_1159 : memref<128x128xf32, #tpu.memory_space<vmem>>) target(%dma_start3A_1165 : memref<5248x128xf32, #tpu.memory_space<vmem_shared>>) offsets(%dma_start3A_1162 : memref<128xi32, #tpu.memory_space<vmem>>) semaphore(%run_scoped3A_1155 : memref<!tpu.dma_semaphore, #tpu.memory_space<semaphore_mem>>) {add = true}
          %dma_wait3A_1166 = arith.constant 0 : i32
          %dma_wait3A_1167 = arith.constant 0 : i32
          %dma_wait3A_1168 = tpu.memref_slice %arg17[%run_scoped3A, %dma_wait3A_1166, %dma_wait3A_1167] : memref<2x128x128xf32, #tpu.memory_space<vmem>> -> memref<1x128x128xf32, #tpu.memory_space<vmem>>
          %dma_wait3A_1169 = tpu.memref_squeeze %dma_wait3A_1168 : memref<1x128x128xf32, #tpu.memory_space<vmem>> -> memref<128x128xf32, #tpu.memory_space<vmem>>
          %dma_wait3A_1170 = arith.constant 0 : i32
          %dma_wait3A_1171 = tpu.memref_slice %arg15[%while3A_1126, %dma_wait3A_1170] : memref<32x128xi32, #tpu.memory_space<vmem>> -> memref<1x128xi32, #tpu.memory_space<vmem>>
          %dma_wait3A_1172 = tpu.memref_squeeze %dma_wait3A_1171 : memref<1x128xi32, #tpu.memory_space<vmem>> -> memref<128xi32, #tpu.memory_space<vmem>>
          %dma_wait3A_1173 = arith.constant 0 : i32
          %dma_wait3A_1174 = arith.constant 0 : i32
          %dma_wait3A_1175 = tpu.memref_slice %arg18[%dma_wait3A_1173, %dma_wait3A_1174] : memref<5248x128xf32, #tpu.memory_space<vmem_shared>> -> memref<5248x128xf32, #tpu.memory_space<vmem_shared>>
          tpu.wait_indirect_dma semaphore(%run_scoped3A_1155 : memref<!tpu.dma_semaphore, #tpu.memory_space<semaphore_mem>>) src(%dma_wait3A_1169 : memref<128x128xf32, #tpu.memory_space<vmem>>) dst(%dma_wait3A_1175 : memref<5248x128xf32, #tpu.memory_space<vmem_shared>>)
          tpu.yield
        }) : () -> ()
      } else {
      }
    }
    %while3A_718 = arith.constant 1 : i32
    scf.for %while3A_1126 = %while3A_716 to %while3A_712 step %while3A_718  : i32 {
      %and3A_1127 = arith.constant 1 : i32
      %and3A_1128 = arith.andi %while3A_1126, %and3A_1127 : i32
      %add3A_1129 = arith.constant 1 : i32
      %add3A_1130 = arith.addi %while3A_1126, %add3A_1129 : i32
      %lt3A_1131 = arith.cmpi slt, %add3A_1130, %shift_right_arithmetic3A_703 : i32
      %convert_element_type3A_1132 = arith.extui %lt3A_1131 : i1 to i32
      %cond3A_1133 = arith.constant 0 : i32
      %cond3A_1134 = arith.cmpi ne, %convert_element_type3A_1132, %cond3A_1133 : i32
      scf.if %cond3A_1134 {
        %sub3A_1144 = arith.constant 1 : i32
        %sub3A_1145 = arith.subi %sub3A_1144, %and3A_1128 : i32
        %eq3A_1146 = arith.constant 0 : i32
        %eq3A_1147 = arith.cmpi eq, %sub3A_1145, %eq3A_1146 : i32
        %convert_element_type3A_1148 = arith.extui %eq3A_1147 : i1 to i32
        %cond3A_1149 = arith.constant 0 : i32
        %cond3A_1150 = arith.cmpi ne, %convert_element_type3A_1148, %cond3A_1149 : i32
        scf.if %cond3A_1150 {
          %add3A_1158 = arith.constant 1 : i32
          %add3A_1159 = arith.addi %while3A_1126, %add3A_1158 : i32
          %dma_start3A_1160 = arith.constant 0 : i32
          %dma_start3A_1161 = arith.constant 0 : i32
          %dma_start3A_1162 = arith.constant 0 : i32
          %dma_start3A_1163 = tpu.memref_slice %arg17[%dma_start3A_1160, %dma_start3A_1161, %dma_start3A_1162] : memref<2x128x128xf32, #tpu.memory_space<vmem>> -> memref<1x128x128xf32, #tpu.memory_space<vmem>>
          %dma_start3A_1164 = tpu.memref_squeeze %dma_start3A_1163 : memref<1x128x128xf32, #tpu.memory_space<vmem>> -> memref<128x128xf32, #tpu.memory_space<vmem>>
          %dma_start3A_1165 = arith.constant 0 : i32
          %dma_start3A_1166 = tpu.memref_slice %arg14[%add3A_1159, %dma_start3A_1165] : memref<32x128xi32, #tpu.memory_space<vmem>> -> memref<1x128xi32, #tpu.memory_space<vmem>>
          %dma_start3A_1167 = tpu.memref_squeeze %dma_start3A_1166 : memref<1x128xi32, #tpu.memory_space<vmem>> -> memref<128xi32, #tpu.memory_space<vmem>>
          %dma_start3A_1168 = arith.constant 0 : i32
          %dma_start3A_1169 = arith.constant 0 : i32
          %dma_start3A_1170 = tpu.memref_slice %arg5[%dma_start3A_1168, %dma_start3A_1169] : memref<10000x128xf32, #tpu.memory_space<hbm>> -> memref<10000x128xf32, #tpu.memory_space<hbm>>
          tpu.enqueue_indirect_dma source(%dma_start3A_1170 : memref<10000x128xf32, #tpu.memory_space<hbm>>) target(%dma_start3A_1164 : memref<128x128xf32, #tpu.memory_space<vmem>>) offsets(%dma_start3A_1167 : memref<128xi32, #tpu.memory_space<vmem>>) semaphore(%arg21 : memref<!tpu.dma_semaphore, #tpu.memory_space<semaphore_mem>>)
        } else {
        }
        %sub3A_1151 = arith.constant 1 : i32
        %sub3A_1152 = arith.subi %sub3A_1151, %and3A_1128 : i32
        %eq3A_1153 = arith.constant 1 : i32
        %eq3A_1154 = arith.cmpi eq, %sub3A_1152, %eq3A_1153 : i32
        %convert_element_type3A_1155 = arith.extui %eq3A_1154 : i1 to i32
        %cond3A_1156 = arith.constant 0 : i32
        %cond3A_1157 = arith.cmpi ne, %convert_element_type3A_1155, %cond3A_1156 : i32
        scf.if %cond3A_1157 {
          %add3A_1158 = arith.constant 1 : i32
          %add3A_1159 = arith.addi %while3A_1126, %add3A_1158 : i32
          %dma_start3A_1160 = arith.constant 1 : i32
          %dma_start3A_1161 = arith.constant 0 : i32
          %dma_start3A_1162 = arith.constant 0 : i32
          %dma_start3A_1163 = tpu.memref_slice %arg17[%dma_start3A_1160, %dma_start3A_1161, %dma_start3A_1162] : memref<2x128x128xf32, #tpu.memory_space<vmem>> -> memref<1x128x128xf32, #tpu.memory_space<vmem>>
          %dma_start3A_1164 = tpu.memref_squeeze %dma_start3A_1163 : memref<1x128x128xf32, #tpu.memory_space<vmem>> -> memref<128x128xf32, #tpu.memory_space<vmem>>
          %dma_start3A_1165 = arith.constant 0 : i32
          %dma_start3A_1166 = tpu.memref_slice %arg14[%add3A_1159, %dma_start3A_1165] : memref<32x128xi32, #tpu.memory_space<vmem>> -> memref<1x128xi32, #tpu.memory_space<vmem>>
          %dma_start3A_1167 = tpu.memref_squeeze %dma_start3A_1166 : memref<1x128xi32, #tpu.memory_space<vmem>> -> memref<128xi32, #tpu.memory_space<vmem>>
          %dma_start3A_1168 = arith.constant 0 : i32
          %dma_start3A_1169 = arith.constant 0 : i32
          %dma_start3A_1170 = tpu.memref_slice %arg5[%dma_start3A_1168, %dma_start3A_1169] : memref<10000x128xf32, #tpu.memory_space<hbm>> -> memref<10000x128xf32, #tpu.memory_space<hbm>>
          tpu.enqueue_indirect_dma source(%dma_start3A_1170 : memref<10000x128xf32, #tpu.memory_space<hbm>>) target(%dma_start3A_1164 : memref<128x128xf32, #tpu.memory_space<vmem>>) offsets(%dma_start3A_1167 : memref<128xi32, #tpu.memory_space<vmem>>) semaphore(%arg22 : memref<!tpu.dma_semaphore, #tpu.memory_space<semaphore_mem>>)
        } else {
        }
      } else {
      }
      %eq3A = arith.constant 0 : i32
      %eq3A_1135 = arith.cmpi eq, %and3A_1128, %eq3A : i32
      %convert_element_type3A_1136 = arith.extui %eq3A_1135 : i1 to i32
      %cond3A_1137 = arith.constant 0 : i32
      %cond3A_1138 = arith.cmpi ne, %convert_element_type3A_1136, %cond3A_1137 : i32
      scf.if %cond3A_1138 {
        %dma_wait3A_1144 = arith.constant 0 : i32
        %dma_wait3A_1145 = arith.constant 0 : i32
        %dma_wait3A_1146 = arith.constant 0 : i32
        %dma_wait3A_1147 = tpu.memref_slice %arg17[%dma_wait3A_1144, %dma_wait3A_1145, %dma_wait3A_1146] : memref<2x128x128xf32, #tpu.memory_space<vmem>> -> memref<1x128x128xf32, #tpu.memory_space<vmem>>
        %dma_wait3A_1148 = tpu.memref_squeeze %dma_wait3A_1147 : memref<1x128x128xf32, #tpu.memory_space<vmem>> -> memref<128x128xf32, #tpu.memory_space<vmem>>
        %dma_wait3A_1149 = arith.constant 0 : i32
        %dma_wait3A_1150 = tpu.memref_slice %arg14[%while3A_1126, %dma_wait3A_1149] : memref<32x128xi32, #tpu.memory_space<vmem>> -> memref<1x128xi32, #tpu.memory_space<vmem>>
        %dma_wait3A_1151 = tpu.memref_squeeze %dma_wait3A_1150 : memref<1x128xi32, #tpu.memory_space<vmem>> -> memref<128xi32, #tpu.memory_space<vmem>>
        %dma_wait3A_1152 = arith.constant 0 : i32
        %dma_wait3A_1153 = arith.constant 0 : i32
        %dma_wait3A_1154 = tpu.memref_slice %arg5[%dma_wait3A_1152, %dma_wait3A_1153] : memref<10000x128xf32, #tpu.memory_space<hbm>> -> memref<10000x128xf32, #tpu.memory_space<hbm>>
        tpu.wait_indirect_dma semaphore(%arg21 : memref<!tpu.dma_semaphore, #tpu.memory_space<semaphore_mem>>) src(%dma_wait3A_1154 : memref<10000x128xf32, #tpu.memory_space<hbm>>) dst(%dma_wait3A_1148 : memref<128x128xf32, #tpu.memory_space<vmem>>)
        %run_scoped3A = arith.constant 0 : i32
        "tpu.region"() ({
          %run_scoped3A_1155 = tpu.sem_alloc : memref<!tpu.dma_semaphore, #tpu.memory_space<semaphore_mem>>
          %dma_start3A_1156 = arith.constant 0 : i32
          %dma_start3A_1157 = arith.constant 0 : i32
          %dma_start3A_1158 = tpu.memref_slice %arg17[%run_scoped3A, %dma_start3A_1156, %dma_start3A_1157] : memref<2x128x128xf32, #tpu.memory_space<vmem>> -> memref<1x128x128xf32, #tpu.memory_space<vmem>>
          %dma_start3A_1159 = tpu.memref_squeeze %dma_start3A_1158 : memref<1x128x128xf32, #tpu.memory_space<vmem>> -> memref<128x128xf32, #tpu.memory_space<vmem>>
          %dma_start3A_1160 = arith.constant 0 : i32
          %dma_start3A_1161 = tpu.memref_slice %arg15[%while3A_1126, %dma_start3A_1160] : memref<32x128xi32, #tpu.memory_space<vmem>> -> memref<1x128xi32, #tpu.memory_space<vmem>>
          %dma_start3A_1162 = tpu.memref_squeeze %dma_start3A_1161 : memref<1x128xi32, #tpu.memory_space<vmem>> -> memref<128xi32, #tpu.memory_space<vmem>>
          %dma_start3A_1163 = arith.constant 0 : i32
          %dma_start3A_1164 = arith.constant 0 : i32
          %dma_start3A_1165 = tpu.memref_slice %arg18[%dma_start3A_1163, %dma_start3A_1164] : memref<5248x128xf32, #tpu.memory_space<vmem_shared>> -> memref<5248x128xf32, #tpu.memory_space<vmem_shared>>
          tpu.enqueue_indirect_dma source(%dma_start3A_1159 : memref<128x128xf32, #tpu.memory_space<vmem>>) target(%dma_start3A_1165 : memref<5248x128xf32, #tpu.memory_space<vmem_shared>>) offsets(%dma_start3A_1162 : memref<128xi32, #tpu.memory_space<vmem>>) semaphore(%run_scoped3A_1155 : memref<!tpu.dma_semaphore, #tpu.memory_space<semaphore_mem>>) {add = true}
          %dma_wait3A_1166 = arith.constant 0 : i32
          %dma_wait3A_1167 = arith.constant 0 : i32
          %dma_wait3A_1168 = tpu.memref_slice %arg17[%run_scoped3A, %dma_wait3A_1166, %dma_wait3A_1167] : memref<2x128x128xf32, #tpu.memory_space<vmem>> -> memref<1x128x128xf32, #tpu.memory_space<vmem>>
          %dma_wait3A_1169 = tpu.memref_squeeze %dma_wait3A_1168 : memref<1x128x128xf32, #tpu.memory_space<vmem>> -> memref<128x128xf32, #tpu.memory_space<vmem>>
          %dma_wait3A_1170 = arith.constant 0 : i32
          %dma_wait3A_1171 = tpu.memref_slice %arg15[%while3A_1126, %dma_wait3A_1170] : memref<32x128xi32, #tpu.memory_space<vmem>> -> memref<1x128xi32, #tpu.memory_space<vmem>>
          %dma_wait3A_1172 = tpu.memref_squeeze %dma_wait3A_1171 : memref<1x128xi32, #tpu.memory_space<vmem>> -> memref<128xi32, #tpu.memory_space<vmem>>
          %dma_wait3A_1173 = arith.constant 0 : i32
          %dma_wait3A_1174 = arith.constant 0 : i32
          %dma_wait3A_1175 = tpu.memref_slice %arg18[%dma_wait3A_1173, %dma_wait3A_1174] : memref<5248x128xf32, #tpu.memory_space<vmem_shared>> -> memref<5248x128xf32, #tpu.memory_space<vmem_shared>>
          tpu.wait_indirect_dma semaphore(%run_scoped3A_1155 : memref<!tpu.dma_semaphore, #tpu.memory_space<semaphore_mem>>) src(%dma_wait3A_1169 : memref<128x128xf32, #tpu.memory_space<vmem>>) dst(%dma_wait3A_1175 : memref<5248x128xf32, #tpu.memory_space<vmem_shared>>)
          tpu.yield
        }) : () -> ()
      } else {
      }
      %eq3A_1139 = arith.constant 1 : i32
      %eq3A_1140 = arith.cmpi eq, %and3A_1128, %eq3A_1139 : i32
      %convert_element_type3A_1141 = arith.extui %eq3A_1140 : i1 to i32
      %cond3A_1142 = arith.constant 0 : i32
      %cond3A_1143 = arith.cmpi ne, %convert_element_type3A_1141, %cond3A_1142 : i32
      scf.if %cond3A_1143 {
        %dma_wait3A_1144 = arith.constant 1 : i32
        %dma_wait3A_1145 = arith.constant 0 : i32
        %dma_wait3A_1146 = arith.constant 0 : i32
        %dma_wait3A_1147 = tpu.memref_slice %arg17[%dma_wait3A_1144, %dma_wait3A_1145, %dma_wait3A_1146] : memref<2x128x128xf32, #tpu.memory_space<vmem>> -> memref<1x128x128xf32, #tpu.memory_space<vmem>>
        %dma_wait3A_1148 = tpu.memref_squeeze %dma_wait3A_1147 : memref<1x128x128xf32, #tpu.memory_space<vmem>> -> memref<128x128xf32, #tpu.memory_space<vmem>>
        %dma_wait3A_1149 = arith.constant 0 : i32
        %dma_wait3A_1150 = tpu.memref_slice %arg14[%while3A_1126, %dma_wait3A_1149] : memref<32x128xi32, #tpu.memory_space<vmem>> -> memref<1x128xi32, #tpu.memory_space<vmem>>
        %dma_wait3A_1151 = tpu.memref_squeeze %dma_wait3A_1150 : memref<1x128xi32, #tpu.memory_space<vmem>> -> memref<128xi32, #tpu.memory_space<vmem>>
        %dma_wait3A_1152 = arith.constant 0 : i32
        %dma_wait3A_1153 = arith.constant 0 : i32
        %dma_wait3A_1154 = tpu.memref_slice %arg5[%dma_wait3A_1152, %dma_wait3A_1153] : memref<10000x128xf32, #tpu.memory_space<hbm>> -> memref<10000x128xf32, #tpu.memory_space<hbm>>
        tpu.wait_indirect_dma semaphore(%arg22 : memref<!tpu.dma_semaphore, #tpu.memory_space<semaphore_mem>>) src(%dma_wait3A_1154 : memref<10000x128xf32, #tpu.memory_space<hbm>>) dst(%dma_wait3A_1148 : memref<128x128xf32, #tpu.memory_space<vmem>>)
        %run_scoped3A = arith.constant 1 : i32
        "tpu.region"() ({
          %run_scoped3A_1155 = tpu.sem_alloc : memref<!tpu.dma_semaphore, #tpu.memory_space<semaphore_mem>>
          %dma_start3A_1156 = arith.constant 0 : i32
          %dma_start3A_1157 = arith.constant 0 : i32
          %dma_start3A_1158 = tpu.memref_slice %arg17[%run_scoped3A, %dma_start3A_1156, %dma_start3A_1157] : memref<2x128x128xf32, #tpu.memory_space<vmem>> -> memref<1x128x128xf32, #tpu.memory_space<vmem>>
          %dma_start3A_1159 = tpu.memref_squeeze %dma_start3A_1158 : memref<1x128x128xf32, #tpu.memory_space<vmem>> -> memref<128x128xf32, #tpu.memory_space<vmem>>
          %dma_start3A_1160 = arith.constant 0 : i32
          %dma_start3A_1161 = tpu.memref_slice %arg15[%while3A_1126, %dma_start3A_1160] : memref<32x128xi32, #tpu.memory_space<vmem>> -> memref<1x128xi32, #tpu.memory_space<vmem>>
          %dma_start3A_1162 = tpu.memref_squeeze %dma_start3A_1161 : memref<1x128xi32, #tpu.memory_space<vmem>> -> memref<128xi32, #tpu.memory_space<vmem>>
          %dma_start3A_1163 = arith.constant 0 : i32
          %dma_start3A_1164 = arith.constant 0 : i32
          %dma_start3A_1165 = tpu.memref_slice %arg18[%dma_start3A_1163, %dma_start3A_1164] : memref<5248x128xf32, #tpu.memory_space<vmem_shared>> -> memref<5248x128xf32, #tpu.memory_space<vmem_shared>>
          tpu.enqueue_indirect_dma source(%dma_start3A_1159 : memref<128x128xf32, #tpu.memory_space<vmem>>) target(%dma_start3A_1165 : memref<5248x128xf32, #tpu.memory_space<vmem_shared>>) offsets(%dma_start3A_1162 : memref<128xi32, #tpu.memory_space<vmem>>) semaphore(%run_scoped3A_1155 : memref<!tpu.dma_semaphore, #tpu.memory_space<semaphore_mem>>) {add = true}
          %dma_wait3A_1166 = arith.constant 0 : i32
          %dma_wait3A_1167 = arith.constant 0 : i32
          %dma_wait3A_1168 = tpu.memref_slice %arg17[%run_scoped3A, %dma_wait3A_1166, %dma_wait3A_1167] : memref<2x128x128xf32, #tpu.memory_space<vmem>> -> memref<1x128x128xf32, #tpu.memory_space<vmem>>
          %dma_wait3A_1169 = tpu.memref_squeeze %dma_wait3A_1168 : memref<1x128x128xf32, #tpu.memory_space<vmem>> -> memref<128x128xf32, #tpu.memory_space<vmem>>
          %dma_wait3A_1170 = arith.constant 0 : i32
          %dma_wait3A_1171 = tpu.memref_slice %arg15[%while3A_1126, %dma_wait3A_1170] : memref<32x128xi32, #tpu.memory_space<vmem>> -> memref<1x128xi32, #tpu.memory_space<vmem>>
          %dma_wait3A_1172 = tpu.memref_squeeze %dma_wait3A_1171 : memref<1x128xi32, #tpu.memory_space<vmem>> -> memref<128xi32, #tpu.memory_space<vmem>>
          %dma_wait3A_1173 = arith.constant 0 : i32
          %dma_wait3A_1174 = arith.constant 0 : i32
          %dma_wait3A_1175 = tpu.memref_slice %arg18[%dma_wait3A_1173, %dma_wait3A_1174] : memref<5248x128xf32, #tpu.memory_space<vmem_shared>> -> memref<5248x128xf32, #tpu.memory_space<vmem_shared>>
          tpu.wait_indirect_dma semaphore(%run_scoped3A_1155 : memref<!tpu.dma_semaphore, #tpu.memory_space<semaphore_mem>>) src(%dma_wait3A_1169 : memref<128x128xf32, #tpu.memory_space<vmem>>) dst(%dma_wait3A_1175 : memref<5248x128xf32, #tpu.memory_space<vmem_shared>>)
          tpu.yield
        }) : () -> ()
      } else {
      }
    }
    %add3A_719 = arith.constant 12000 : i32
    %add3A_720 = arith.addi %mul3A_50, %add3A_719 : i32
    %dma_wait3A_721 = tpu.memref_slice %arg2[%add3A_720] : memref<320000xi32, #tpu.memory_space<hbm>> -> memref<4000xi32, #tpu.memory_space<hbm>>
    %dma_wait3A_722 = tpu.memref_slice %arg2[%add3A_720] : memref<320000xi32, #tpu.memory_space<hbm>> -> memref<4000xi32, #tpu.memory_space<hbm>>
    tpu.wait_dma2 semaphore(%arg20 : memref<!tpu.dma_semaphore, #tpu.memory_space<semaphore_mem>>) src(%dma_wait3A_722 : memref<4000xi32, #tpu.memory_space<hbm>>) dst(%arg11 : memref<4000xi32, #tpu.memory_space<vmem>>)
    %add3A_723 = arith.constant 12000 : i32
    %add3A_724 = arith.addi %mul3A_50, %add3A_723 : i32
    %dma_wait3A_725 = tpu.memref_slice %arg3[%add3A_724] : memref<320000xi32, #tpu.memory_space<hbm>> -> memref<4000xi32, #tpu.memory_space<hbm>>
    %dma_wait3A_726 = tpu.memref_slice %arg3[%add3A_724] : memref<320000xi32, #tpu.memory_space<hbm>> -> memref<4000xi32, #tpu.memory_space<hbm>>
    tpu.wait_dma2 semaphore(%arg20 : memref<!tpu.dma_semaphore, #tpu.memory_space<semaphore_mem>>) src(%dma_wait3A_726 : memref<4000xi32, #tpu.memory_space<hbm>>) dst(%arg13 : memref<4000xi32, #tpu.memory_space<vmem>>)
    %add3A_727 = arith.constant 16000 : i32
    %add3A_728 = arith.addi %mul3A_50, %add3A_727 : i32
    %dma_start3A_729 = tpu.memref_slice %arg2[%add3A_728] : memref<320000xi32, #tpu.memory_space<hbm>> -> memref<4000xi32, #tpu.memory_space<hbm>>
    %dma_start3A_730 = tpu.memref_slice %arg2[%add3A_728] : memref<320000xi32, #tpu.memory_space<hbm>> -> memref<4000xi32, #tpu.memory_space<hbm>>
    tpu.enqueue_dma source(%dma_start3A_730 : memref<4000xi32, #tpu.memory_space<hbm>>) target(%arg10 : memref<4000xi32, #tpu.memory_space<vmem>>) target_semaphore(%arg19 : memref<!tpu.dma_semaphore, #tpu.memory_space<semaphore_mem>>)
    %dma_start3A_731 = tpu.memref_slice %arg3[%add3A_728] : memref<320000xi32, #tpu.memory_space<hbm>> -> memref<4000xi32, #tpu.memory_space<hbm>>
    %dma_start3A_732 = tpu.memref_slice %arg3[%add3A_728] : memref<320000xi32, #tpu.memory_space<hbm>> -> memref<4000xi32, #tpu.memory_space<hbm>>
    tpu.enqueue_dma source(%dma_start3A_732 : memref<4000xi32, #tpu.memory_space<hbm>>) target(%arg12 : memref<4000xi32, #tpu.memory_space<vmem>>) target_semaphore(%arg19 : memref<!tpu.dma_semaphore, #tpu.memory_space<semaphore_mem>>)
    %broadcast_in_dim3A_733 = arith.constant 0 : i32
    %broadcast_in_dim3A_734 = vector.broadcast %broadcast_in_dim3A_733 : i32 to vector<16xi32>
    %parallel_loop3A_735 = arith.constant 0 : i32
    %parallel_loop3A_736 = arith.constant 250 : i32
    %parallel_loop3A_737 = arith.constant 1 : i32
    %parallel_loop3A_738 = scf.for %parallel_loop3A_1126 = %parallel_loop3A_735 to %parallel_loop3A_736 step %parallel_loop3A_737 iter_args(%parallel_loop3A_1127 = %broadcast_in_dim3A_734) -> (vector<16xi32>)  : i32 {
      %parallel_loop3A_1128 = arith.constant 16 : i32
      %parallel_loop3A_1129 = arith.muli %parallel_loop3A_1126, %parallel_loop3A_1128 : i32
      %parallel_loop3A_1130 = arith.index_cast %parallel_loop3A_1129 : i32 to index
      %parallel_loop3A_1131 = tpu.vector_load %arg11[%parallel_loop3A_1130] {strides = array<i32>} : memref<4000xi32, #tpu.memory_space<vmem>>, vector<16xi32>,
      %parallel_loop3A_1132 = arith.constant 16 : i32
      %parallel_loop3A_1133 = arith.muli %parallel_loop3A_1126, %parallel_loop3A_1132 : i32
      %parallel_loop3A_1134 = arith.index_cast %parallel_loop3A_1133 : i32 to index
      %parallel_loop3A_1135 = tpu.vector_load %arg13[%parallel_loop3A_1134] {strides = array<i32>} : memref<4000xi32, #tpu.memory_space<vmem>>, vector<16xi32>,
      %parallel_loop3A_1136 = tpu.vector_load_idx %arg8[%parallel_loop3A_1135] : memref<10000xi32, #tpu.memory_space<vmem>>[vector<16xi32>], vector<16xi32>,
      %parallel_loop3A_1137 = arith.constant 5120 : i32
      %parallel_loop3A_1138 = arith.muli %arg0, %parallel_loop3A_1137 : i32
      %parallel_loop3A_1139 = vector.broadcast %parallel_loop3A_1138 : i32 to vector<16xi32>
      %parallel_loop3A_1140 = arith.subi %parallel_loop3A_1135, %parallel_loop3A_1139 : vector<16xi32>
      %parallel_loop3A_1141 = arith.constant 0 : i32
      %parallel_loop3A_1142 = vector.broadcast %parallel_loop3A_1141 : i32 to vector<16xi32>
      %parallel_loop3A_1143 = arith.cmpi sgt, %parallel_loop3A_1136, %parallel_loop3A_1142 : vector<16xi32>
      %parallel_loop3A_1144 = arith.constant 0 : i32
      %parallel_loop3A_1145 = vector.broadcast %parallel_loop3A_1144 : i32 to vector<16xi32>
      %parallel_loop3A_1146 = arith.cmpi sge, %parallel_loop3A_1140, %parallel_loop3A_1145 : vector<16xi32>
      %parallel_loop3A_1147 = arith.andi %parallel_loop3A_1143, %parallel_loop3A_1146 : vector<16xi1>
      %parallel_loop3A_1148 = arith.constant 5120 : i32
      %parallel_loop3A_1149 = vector.broadcast %parallel_loop3A_1148 : i32 to vector<16xi32>
      %parallel_loop3A_1150 = arith.cmpi slt, %parallel_loop3A_1140, %parallel_loop3A_1149 : vector<16xi32>
      %parallel_loop3A_1151 = arith.andi %parallel_loop3A_1147, %parallel_loop3A_1150 : vector<16xi1>
      %parallel_loop3A_1152 = arith.extui %parallel_loop3A_1151 : vector<16xi1> to vector<16xi32>
      %parallel_loop3A_1153 = arith.constant true
      %parallel_loop3A_1154 = vector.broadcast %parallel_loop3A_1153 : i1 to vector<16xi1>
      %parallel_loop3A_1155 = tpu.scan <sum>, %parallel_loop3A_1152 masked %parallel_loop3A_1154 : vector<16xi32>, vector<16xi1> -> vector<16xi32>
      %parallel_loop3A_1156 = arith.addi %parallel_loop3A_1127, %parallel_loop3A_1155 : vector<16xi32>
      %parallel_loop3A_1157 = arith.constant 1 : i32
      %parallel_loop3A_1158 = vector.broadcast %parallel_loop3A_1157 : i32 to vector<16xi32>
      %parallel_loop3A_1159 = arith.subi %parallel_loop3A_1156, %parallel_loop3A_1158 : vector<16xi32>
      %parallel_loop3A_1160 = arith.constant 7 : i32
      %parallel_loop3A_1161 = vector.broadcast %parallel_loop3A_1160 : i32 to vector<16xi32>
      %parallel_loop3A_1162 = arith.shrsi %parallel_loop3A_1159, %parallel_loop3A_1161 : vector<16xi32>
      %parallel_loop3A_1163 = arith.constant 127 : i32
      %parallel_loop3A_1164 = vector.broadcast %parallel_loop3A_1163 : i32 to vector<16xi32>
      %parallel_loop3A_1165 = arith.andi %parallel_loop3A_1159, %parallel_loop3A_1164 : vector<16xi32>
      tpu.vector_store_idx %arg14[%parallel_loop3A_1162, %parallel_loop3A_1165], %parallel_loop3A_1131 masked %parallel_loop3A_1151 : memref<32x128xi32, #tpu.memory_space<vmem>>[vector<16xi32>, vector<16xi32>], vector<16xi32>, vector<16xi1>
      %parallel_loop3A_1166 = arith.constant 7 : i32
      %parallel_loop3A_1167 = vector.broadcast %parallel_loop3A_1166 : i32 to vector<16xi32>
      %parallel_loop3A_1168 = arith.shrsi %parallel_loop3A_1159, %parallel_loop3A_1167 : vector<16xi32>
      %parallel_loop3A_1169 = arith.constant 127 : i32
      %parallel_loop3A_1170 = vector.broadcast %parallel_loop3A_1169 : i32 to vector<16xi32>
      %parallel_loop3A_1171 = arith.andi %parallel_loop3A_1159, %parallel_loop3A_1170 : vector<16xi32>
      tpu.vector_store_idx %arg15[%parallel_loop3A_1168, %parallel_loop3A_1171], %parallel_loop3A_1140 masked %parallel_loop3A_1151 : memref<32x128xi32, #tpu.memory_space<vmem>>[vector<16xi32>, vector<16xi32>], vector<16xi32>, vector<16xi1>
      tpu.vector_store_idx %arg16[%parallel_loop3A_1140], %broadcast_in_dim3A_2 masked %parallel_loop3A_1151 {add = true} : memref<5248xf32, #tpu.memory_space<vmem>>[vector<16xi32>], vector<16xf32>, vector<16xi1>
      %parallel_loop3A_1172 = tpu.all_reduce %parallel_loop3A_1151 {dim = 0 : i64, kind = #tpu.reduction_kind<sum>} : vector<16xi1> -> vector<16xi32>
      %parallel_loop3A_1173 = arith.addi %parallel_loop3A_1127, %parallel_loop3A_1172 : vector<16xi32>
      scf.yield %parallel_loop3A_1173 : vector<16xi32>
    } {sc.loop_unroll_factor = 4 : i64, sc.parallel_access}
    %add3A_739 = arith.constant 128 : i32
    %add3A_740 = vector.broadcast %add3A_739 : i32 to vector<16xi32>
    %add3A_741 = arith.addi %parallel_loop3A_738, %add3A_740 : vector<16xi32>
    %sub3A_742 = arith.constant 1 : i32
    %sub3A_743 = vector.broadcast %sub3A_742 : i32 to vector<16xi32>
    %sub3A_744 = arith.subi %add3A_741, %sub3A_743 : vector<16xi32>
    %and3A_745 = arith.constant -128 : i32
    %and3A_746 = vector.broadcast %and3A_745 : i32 to vector<16xi32>
    %and3A_747 = arith.andi %sub3A_744, %and3A_746 : vector<16xi32>
    %add3A_748 = arith.constant 0 : i32
    %add3A_749 = vector.broadcast %add3A_748 : i32 to vector<16xi32>
    %add3A_750 = arith.addi %parallel_loop3A_738, %add3A_749 : vector<16xi32>
    %add3A_751 = arith.addi %add3A_750, %iota3A : vector<16xi32>
    %lt3A_752 = arith.cmpi slt, %add3A_751, %and3A_747 : vector<16xi32>
    %shift_right_arithmetic3A_753 = arith.constant 7 : i32
    %shift_right_arithmetic3A_754 = vector.broadcast %shift_right_arithmetic3A_753 : i32 to vector<16xi32>
    %shift_right_arithmetic3A_755 = arith.shrsi %add3A_751, %shift_right_arithmetic3A_754 : vector<16xi32>
    %and3A_756 = arith.constant 127 : i32
    %and3A_757 = vector.broadcast %and3A_756 : i32 to vector<16xi32>
    %and3A_758 = arith.andi %add3A_751, %and3A_757 : vector<16xi32>
    %broadcast_in_dim3A_759 = arith.constant 0 : i32
    %broadcast_in_dim3A_760 = vector.broadcast %broadcast_in_dim3A_759 : i32 to vector<16xi32>
    tpu.vector_store_idx %arg14[%shift_right_arithmetic3A_755, %and3A_758], %broadcast_in_dim3A_760 masked %lt3A_752 : memref<32x128xi32, #tpu.memory_space<vmem>>[vector<16xi32>, vector<16xi32>], vector<16xi32>, vector<16xi1>
    %shift_right_arithmetic3A_761 = arith.constant 7 : i32
    %shift_right_arithmetic3A_762 = vector.broadcast %shift_right_arithmetic3A_761 : i32 to vector<16xi32>
    %shift_right_arithmetic3A_763 = arith.shrsi %add3A_751, %shift_right_arithmetic3A_762 : vector<16xi32>
    %and3A_764 = arith.constant 127 : i32
    %and3A_765 = vector.broadcast %and3A_764 : i32 to vector<16xi32>
    %and3A_766 = arith.andi %add3A_751, %and3A_765 : vector<16xi32>
    tpu.vector_store_idx %arg15[%shift_right_arithmetic3A_763, %and3A_766], %broadcast_in_dim3A_65 masked %lt3A_752 : memref<32x128xi32, #tpu.memory_space<vmem>>[vector<16xi32>, vector<16xi32>], vector<16xi32>, vector<16xi1>
    %add3A_767 = arith.constant 16 : i32
    %add3A_768 = vector.broadcast %add3A_767 : i32 to vector<16xi32>
    %add3A_769 = arith.addi %parallel_loop3A_738, %add3A_768 : vector<16xi32>
    %add3A_770 = arith.addi %add3A_769, %iota3A : vector<16xi32>
    %lt3A_771 = arith.cmpi slt, %add3A_770, %and3A_747 : vector<16xi32>
    %shift_right_arithmetic3A_772 = arith.constant 7 : i32
    %shift_right_arithmetic3A_773 = vector.broadcast %shift_right_arithmetic3A_772 : i32 to vector<16xi32>
    %shift_right_arithmetic3A_774 = arith.shrsi %add3A_770, %shift_right_arithmetic3A_773 : vector<16xi32>
    %and3A_775 = arith.constant 127 : i32
    %and3A_776 = vector.broadcast %and3A_775 : i32 to vector<16xi32>
    %and3A_777 = arith.andi %add3A_770, %and3A_776 : vector<16xi32>
    %broadcast_in_dim3A_778 = arith.constant 0 : i32
    %broadcast_in_dim3A_779 = vector.broadcast %broadcast_in_dim3A_778 : i32 to vector<16xi32>
    tpu.vector_store_idx %arg14[%shift_right_arithmetic3A_774, %and3A_777], %broadcast_in_dim3A_779 masked %lt3A_771 : memref<32x128xi32, #tpu.memory_space<vmem>>[vector<16xi32>, vector<16xi32>], vector<16xi32>, vector<16xi1>
    %shift_right_arithmetic3A_780 = arith.constant 7 : i32
    %shift_right_arithmetic3A_781 = vector.broadcast %shift_right_arithmetic3A_780 : i32 to vector<16xi32>
    %shift_right_arithmetic3A_782 = arith.shrsi %add3A_770, %shift_right_arithmetic3A_781 : vector<16xi32>
    %and3A_783 = arith.constant 127 : i32
    %and3A_784 = vector.broadcast %and3A_783 : i32 to vector<16xi32>
    %and3A_785 = arith.andi %add3A_770, %and3A_784 : vector<16xi32>
    tpu.vector_store_idx %arg15[%shift_right_arithmetic3A_782, %and3A_785], %broadcast_in_dim3A_65 masked %lt3A_771 : memref<32x128xi32, #tpu.memory_space<vmem>>[vector<16xi32>, vector<16xi32>], vector<16xi32>, vector<16xi1>
    %add3A_786 = arith.constant 32 : i32
    %add3A_787 = vector.broadcast %add3A_786 : i32 to vector<16xi32>
    %add3A_788 = arith.addi %parallel_loop3A_738, %add3A_787 : vector<16xi32>
    %add3A_789 = arith.addi %add3A_788, %iota3A : vector<16xi32>
    %lt3A_790 = arith.cmpi slt, %add3A_789, %and3A_747 : vector<16xi32>
    %shift_right_arithmetic3A_791 = arith.constant 7 : i32
    %shift_right_arithmetic3A_792 = vector.broadcast %shift_right_arithmetic3A_791 : i32 to vector<16xi32>
    %shift_right_arithmetic3A_793 = arith.shrsi %add3A_789, %shift_right_arithmetic3A_792 : vector<16xi32>
    %and3A_794 = arith.constant 127 : i32
    %and3A_795 = vector.broadcast %and3A_794 : i32 to vector<16xi32>
    %and3A_796 = arith.andi %add3A_789, %and3A_795 : vector<16xi32>
    %broadcast_in_dim3A_797 = arith.constant 0 : i32
    %broadcast_in_dim3A_798 = vector.broadcast %broadcast_in_dim3A_797 : i32 to vector<16xi32>
    tpu.vector_store_idx %arg14[%shift_right_arithmetic3A_793, %and3A_796], %broadcast_in_dim3A_798 masked %lt3A_790 : memref<32x128xi32, #tpu.memory_space<vmem>>[vector<16xi32>, vector<16xi32>], vector<16xi32>, vector<16xi1>
    %shift_right_arithmetic3A_799 = arith.constant 7 : i32
    %shift_right_arithmetic3A_800 = vector.broadcast %shift_right_arithmetic3A_799 : i32 to vector<16xi32>
    %shift_right_arithmetic3A_801 = arith.shrsi %add3A_789, %shift_right_arithmetic3A_800 : vector<16xi32>
    %and3A_802 = arith.constant 127 : i32
    %and3A_803 = vector.broadcast %and3A_802 : i32 to vector<16xi32>
    %and3A_804 = arith.andi %add3A_789, %and3A_803 : vector<16xi32>
    tpu.vector_store_idx %arg15[%shift_right_arithmetic3A_801, %and3A_804], %broadcast_in_dim3A_65 masked %lt3A_790 : memref<32x128xi32, #tpu.memory_space<vmem>>[vector<16xi32>, vector<16xi32>], vector<16xi32>, vector<16xi1>
    %add3A_805 = arith.constant 48 : i32
    %add3A_806 = vector.broadcast %add3A_805 : i32 to vector<16xi32>
    %add3A_807 = arith.addi %parallel_loop3A_738, %add3A_806 : vector<16xi32>
    %add3A_808 = arith.addi %add3A_807, %iota3A : vector<16xi32>
    %lt3A_809 = arith.cmpi slt, %add3A_808, %and3A_747 : vector<16xi32>
    %shift_right_arithmetic3A_810 = arith.constant 7 : i32
    %shift_right_arithmetic3A_811 = vector.broadcast %shift_right_arithmetic3A_810 : i32 to vector<16xi32>
    %shift_right_arithmetic3A_812 = arith.shrsi %add3A_808, %shift_right_arithmetic3A_811 : vector<16xi32>
    %and3A_813 = arith.constant 127 : i32
    %and3A_814 = vector.broadcast %and3A_813 : i32 to vector<16xi32>
    %and3A_815 = arith.andi %add3A_808, %and3A_814 : vector<16xi32>
    %broadcast_in_dim3A_816 = arith.constant 0 : i32
    %broadcast_in_dim3A_817 = vector.broadcast %broadcast_in_dim3A_816 : i32 to vector<16xi32>
    tpu.vector_store_idx %arg14[%shift_right_arithmetic3A_812, %and3A_815], %broadcast_in_dim3A_817 masked %lt3A_809 : memref<32x128xi32, #tpu.memory_space<vmem>>[vector<16xi32>, vector<16xi32>], vector<16xi32>, vector<16xi1>
    %shift_right_arithmetic3A_818 = arith.constant 7 : i32
    %shift_right_arithmetic3A_819 = vector.broadcast %shift_right_arithmetic3A_818 : i32 to vector<16xi32>
    %shift_right_arithmetic3A_820 = arith.shrsi %add3A_808, %shift_right_arithmetic3A_819 : vector<16xi32>
    %and3A_821 = arith.constant 127 : i32
    %and3A_822 = vector.broadcast %and3A_821 : i32 to vector<16xi32>
    %and3A_823 = arith.andi %add3A_808, %and3A_822 : vector<16xi32>
    tpu.vector_store_idx %arg15[%shift_right_arithmetic3A_820, %and3A_823], %broadcast_in_dim3A_65 masked %lt3A_809 : memref<32x128xi32, #tpu.memory_space<vmem>>[vector<16xi32>, vector<16xi32>], vector<16xi32>, vector<16xi1>
    %add3A_824 = arith.constant 64 : i32
    %add3A_825 = vector.broadcast %add3A_824 : i32 to vector<16xi32>
    %add3A_826 = arith.addi %parallel_loop3A_738, %add3A_825 : vector<16xi32>
    %add3A_827 = arith.addi %add3A_826, %iota3A : vector<16xi32>
    %lt3A_828 = arith.cmpi slt, %add3A_827, %and3A_747 : vector<16xi32>
    %shift_right_arithmetic3A_829 = arith.constant 7 : i32
    %shift_right_arithmetic3A_830 = vector.broadcast %shift_right_arithmetic3A_829 : i32 to vector<16xi32>
    %shift_right_arithmetic3A_831 = arith.shrsi %add3A_827, %shift_right_arithmetic3A_830 : vector<16xi32>
    %and3A_832 = arith.constant 127 : i32
    %and3A_833 = vector.broadcast %and3A_832 : i32 to vector<16xi32>
    %and3A_834 = arith.andi %add3A_827, %and3A_833 : vector<16xi32>
    %broadcast_in_dim3A_835 = arith.constant 0 : i32
    %broadcast_in_dim3A_836 = vector.broadcast %broadcast_in_dim3A_835 : i32 to vector<16xi32>
    tpu.vector_store_idx %arg14[%shift_right_arithmetic3A_831, %and3A_834], %broadcast_in_dim3A_836 masked %lt3A_828 : memref<32x128xi32, #tpu.memory_space<vmem>>[vector<16xi32>, vector<16xi32>], vector<16xi32>, vector<16xi1>
    %shift_right_arithmetic3A_837 = arith.constant 7 : i32
    %shift_right_arithmetic3A_838 = vector.broadcast %shift_right_arithmetic3A_837 : i32 to vector<16xi32>
    %shift_right_arithmetic3A_839 = arith.shrsi %add3A_827, %shift_right_arithmetic3A_838 : vector<16xi32>
    %and3A_840 = arith.constant 127 : i32
    %and3A_841 = vector.broadcast %and3A_840 : i32 to vector<16xi32>
    %and3A_842 = arith.andi %add3A_827, %and3A_841 : vector<16xi32>
    tpu.vector_store_idx %arg15[%shift_right_arithmetic3A_839, %and3A_842], %broadcast_in_dim3A_65 masked %lt3A_828 : memref<32x128xi32, #tpu.memory_space<vmem>>[vector<16xi32>, vector<16xi32>], vector<16xi32>, vector<16xi1>
    %add3A_843 = arith.constant 80 : i32
    %add3A_844 = vector.broadcast %add3A_843 : i32 to vector<16xi32>
    %add3A_845 = arith.addi %parallel_loop3A_738, %add3A_844 : vector<16xi32>
    %add3A_846 = arith.addi %add3A_845, %iota3A : vector<16xi32>
    %lt3A_847 = arith.cmpi slt, %add3A_846, %and3A_747 : vector<16xi32>
    %shift_right_arithmetic3A_848 = arith.constant 7 : i32
    %shift_right_arithmetic3A_849 = vector.broadcast %shift_right_arithmetic3A_848 : i32 to vector<16xi32>
    %shift_right_arithmetic3A_850 = arith.shrsi %add3A_846, %shift_right_arithmetic3A_849 : vector<16xi32>
    %and3A_851 = arith.constant 127 : i32
    %and3A_852 = vector.broadcast %and3A_851 : i32 to vector<16xi32>
    %and3A_853 = arith.andi %add3A_846, %and3A_852 : vector<16xi32>
    %broadcast_in_dim3A_854 = arith.constant 0 : i32
    %broadcast_in_dim3A_855 = vector.broadcast %broadcast_in_dim3A_854 : i32 to vector<16xi32>
    tpu.vector_store_idx %arg14[%shift_right_arithmetic3A_850, %and3A_853], %broadcast_in_dim3A_855 masked %lt3A_847 : memref<32x128xi32, #tpu.memory_space<vmem>>[vector<16xi32>, vector<16xi32>], vector<16xi32>, vector<16xi1>
    %shift_right_arithmetic3A_856 = arith.constant 7 : i32
    %shift_right_arithmetic3A_857 = vector.broadcast %shift_right_arithmetic3A_856 : i32 to vector<16xi32>
    %shift_right_arithmetic3A_858 = arith.shrsi %add3A_846, %shift_right_arithmetic3A_857 : vector<16xi32>
    %and3A_859 = arith.constant 127 : i32
    %and3A_860 = vector.broadcast %and3A_859 : i32 to vector<16xi32>
    %and3A_861 = arith.andi %add3A_846, %and3A_860 : vector<16xi32>
    tpu.vector_store_idx %arg15[%shift_right_arithmetic3A_858, %and3A_861], %broadcast_in_dim3A_65 masked %lt3A_847 : memref<32x128xi32, #tpu.memory_space<vmem>>[vector<16xi32>, vector<16xi32>], vector<16xi32>, vector<16xi1>
    %add3A_862 = arith.constant 96 : i32
    %add3A_863 = vector.broadcast %add3A_862 : i32 to vector<16xi32>
    %add3A_864 = arith.addi %parallel_loop3A_738, %add3A_863 : vector<16xi32>
    %add3A_865 = arith.addi %add3A_864, %iota3A : vector<16xi32>
    %lt3A_866 = arith.cmpi slt, %add3A_865, %and3A_747 : vector<16xi32>
    %shift_right_arithmetic3A_867 = arith.constant 7 : i32
    %shift_right_arithmetic3A_868 = vector.broadcast %shift_right_arithmetic3A_867 : i32 to vector<16xi32>
    %shift_right_arithmetic3A_869 = arith.shrsi %add3A_865, %shift_right_arithmetic3A_868 : vector<16xi32>
    %and3A_870 = arith.constant 127 : i32
    %and3A_871 = vector.broadcast %and3A_870 : i32 to vector<16xi32>
    %and3A_872 = arith.andi %add3A_865, %and3A_871 : vector<16xi32>
    %broadcast_in_dim3A_873 = arith.constant 0 : i32
    %broadcast_in_dim3A_874 = vector.broadcast %broadcast_in_dim3A_873 : i32 to vector<16xi32>
    tpu.vector_store_idx %arg14[%shift_right_arithmetic3A_869, %and3A_872], %broadcast_in_dim3A_874 masked %lt3A_866 : memref<32x128xi32, #tpu.memory_space<vmem>>[vector<16xi32>, vector<16xi32>], vector<16xi32>, vector<16xi1>
    %shift_right_arithmetic3A_875 = arith.constant 7 : i32
    %shift_right_arithmetic3A_876 = vector.broadcast %shift_right_arithmetic3A_875 : i32 to vector<16xi32>
    %shift_right_arithmetic3A_877 = arith.shrsi %add3A_865, %shift_right_arithmetic3A_876 : vector<16xi32>
    %and3A_878 = arith.constant 127 : i32
    %and3A_879 = vector.broadcast %and3A_878 : i32 to vector<16xi32>
    %and3A_880 = arith.andi %add3A_865, %and3A_879 : vector<16xi32>
    tpu.vector_store_idx %arg15[%shift_right_arithmetic3A_877, %and3A_880], %broadcast_in_dim3A_65 masked %lt3A_866 : memref<32x128xi32, #tpu.memory_space<vmem>>[vector<16xi32>, vector<16xi32>], vector<16xi32>, vector<16xi1>
    %add3A_881 = arith.constant 112 : i32
    %add3A_882 = vector.broadcast %add3A_881 : i32 to vector<16xi32>
    %add3A_883 = arith.addi %parallel_loop3A_738, %add3A_882 : vector<16xi32>
    %add3A_884 = arith.addi %add3A_883, %iota3A : vector<16xi32>
    %lt3A_885 = arith.cmpi slt, %add3A_884, %and3A_747 : vector<16xi32>
    %shift_right_arithmetic3A_886 = arith.constant 7 : i32
    %shift_right_arithmetic3A_887 = vector.broadcast %shift_right_arithmetic3A_886 : i32 to vector<16xi32>
    %shift_right_arithmetic3A_888 = arith.shrsi %add3A_884, %shift_right_arithmetic3A_887 : vector<16xi32>
    %and3A_889 = arith.constant 127 : i32
    %and3A_890 = vector.broadcast %and3A_889 : i32 to vector<16xi32>
    %and3A_891 = arith.andi %add3A_884, %and3A_890 : vector<16xi32>
    %broadcast_in_dim3A_892 = arith.constant 0 : i32
    %broadcast_in_dim3A_893 = vector.broadcast %broadcast_in_dim3A_892 : i32 to vector<16xi32>
    tpu.vector_store_idx %arg14[%shift_right_arithmetic3A_888, %and3A_891], %broadcast_in_dim3A_893 masked %lt3A_885 : memref<32x128xi32, #tpu.memory_space<vmem>>[vector<16xi32>, vector<16xi32>], vector<16xi32>, vector<16xi1>
    %shift_right_arithmetic3A_894 = arith.constant 7 : i32
    %shift_right_arithmetic3A_895 = vector.broadcast %shift_right_arithmetic3A_894 : i32 to vector<16xi32>
    %shift_right_arithmetic3A_896 = arith.shrsi %add3A_884, %shift_right_arithmetic3A_895 : vector<16xi32>
    %and3A_897 = arith.constant 127 : i32
    %and3A_898 = vector.broadcast %and3A_897 : i32 to vector<16xi32>
    %and3A_899 = arith.andi %add3A_884, %and3A_898 : vector<16xi32>
    tpu.vector_store_idx %arg15[%shift_right_arithmetic3A_896, %and3A_899], %broadcast_in_dim3A_65 masked %lt3A_885 : memref<32x128xi32, #tpu.memory_space<vmem>>[vector<16xi32>, vector<16xi32>], vector<16xi32>, vector<16xi1>
    %reduce_max3A_900 = arith.constant true
    %reduce_max3A_901 = vector.broadcast %reduce_max3A_900 : i1 to vector<16xi1>
    %reduce_max3A_902 = arith.constant -2147483648 : i32
    %reduce_max3A_903 = vector.broadcast %reduce_max3A_902 : i32 to vector<16xi32>
    %reduce_max3A_904 = arith.xori %and3A_747, %reduce_max3A_903 : vector<16xi32>
    %reduce_max3A_905 = tpu.scan <max>, %reduce_max3A_904 masked %reduce_max3A_901 : vector<16xi32>, vector<16xi1> -> vector<16xi32>
    %reduce_max3A_906 = arith.xori %reduce_max3A_905, %reduce_max3A_903 : vector<16xi32>
    %reduce_max3A_907 = vector.extract %reduce_max3A_906[15] : i32 from vector<16xi32>
    %shift_right_arithmetic3A_908 = arith.constant 7 : i32
    %shift_right_arithmetic3A_909 = arith.shrsi %reduce_max3A_907, %shift_right_arithmetic3A_908 : i32
    %gt3A_910 = arith.constant 0 : i32
    %gt3A_911 = arith.cmpi sgt, %shift_right_arithmetic3A_909, %gt3A_910 : i32
    %convert_element_type3A_912 = arith.extui %gt3A_911 : i1 to i32
    %cond3A_913 = arith.constant 0 : i32
    %cond3A_914 = arith.cmpi ne, %convert_element_type3A_912, %cond3A_913 : i32
    scf.if %cond3A_914 {
      %dma_start3A_1126 = arith.constant 0 : i32
      %dma_start3A_1127 = arith.constant 0 : i32
      %dma_start3A_1128 = arith.constant 0 : i32
      %dma_start3A_1129 = arith.constant 0 : i32
      %dma_start3A_1130 = tpu.memref_slice %arg17[%dma_start3A_1127, %dma_start3A_1128, %dma_start3A_1129] : memref<2x128x128xf32, #tpu.memory_space<vmem>> -> memref<1x128x128xf32, #tpu.memory_space<vmem>>
      %dma_start3A_1131 = tpu.memref_squeeze %dma_start3A_1130 : memref<1x128x128xf32, #tpu.memory_space<vmem>> -> memref<128x128xf32, #tpu.memory_space<vmem>>
      %dma_start3A_1132 = arith.constant 0 : i32
      %dma_start3A_1133 = tpu.memref_slice %arg14[%dma_start3A_1126, %dma_start3A_1132] : memref<32x128xi32, #tpu.memory_space<vmem>> -> memref<1x128xi32, #tpu.memory_space<vmem>>
      %dma_start3A_1134 = tpu.memref_squeeze %dma_start3A_1133 : memref<1x128xi32, #tpu.memory_space<vmem>> -> memref<128xi32, #tpu.memory_space<vmem>>
      %dma_start3A_1135 = arith.constant 0 : i32
      %dma_start3A_1136 = arith.constant 0 : i32
      %dma_start3A_1137 = tpu.memref_slice %arg5[%dma_start3A_1135, %dma_start3A_1136] : memref<10000x128xf32, #tpu.memory_space<hbm>> -> memref<10000x128xf32, #tpu.memory_space<hbm>>
      tpu.enqueue_indirect_dma source(%dma_start3A_1137 : memref<10000x128xf32, #tpu.memory_space<hbm>>) target(%dma_start3A_1131 : memref<128x128xf32, #tpu.memory_space<vmem>>) offsets(%dma_start3A_1134 : memref<128xi32, #tpu.memory_space<vmem>>) semaphore(%arg21 : memref<!tpu.dma_semaphore, #tpu.memory_space<semaphore_mem>>)
    } else {
    }
    %while3A_915 = arith.constant 0 : i32
    %while3A_916 = arith.constant 0 : i32
    %while3A_917 = arith.subi %shift_right_arithmetic3A_909, %while3A_916 : i32
    %while3A_918 = arith.addi %while3A_916, %while3A_917 : i32
    %while3A_919 = arith.constant 1 : i32
    %while3A_920 = arith.divsi %while3A_917, %while3A_919 : i32
    %while3A_921 = arith.muli %while3A_920, %while3A_919 : i32
    %while3A_922 = arith.addi %while3A_916, %while3A_921 : i32
    %while3A_923 = arith.constant 1 : i32
    scf.for %while3A_1126 = %while3A_916 to %while3A_922 step %while3A_923  : i32 {
      %and3A_1127 = arith.constant 1 : i32
      %and3A_1128 = arith.andi %while3A_1126, %and3A_1127 : i32
      %add3A_1129 = arith.constant 1 : i32
      %add3A_1130 = arith.addi %while3A_1126, %add3A_1129 : i32
      %lt3A_1131 = arith.cmpi slt, %add3A_1130, %shift_right_arithmetic3A_909 : i32
      %convert_element_type3A_1132 = arith.extui %lt3A_1131 : i1 to i32
      %cond3A_1133 = arith.constant 0 : i32
      %cond3A_1134 = arith.cmpi ne, %convert_element_type3A_1132, %cond3A_1133 : i32
      scf.if %cond3A_1134 {
        %sub3A_1144 = arith.constant 1 : i32
        %sub3A_1145 = arith.subi %sub3A_1144, %and3A_1128 : i32
        %eq3A_1146 = arith.constant 0 : i32
        %eq3A_1147 = arith.cmpi eq, %sub3A_1145, %eq3A_1146 : i32
        %convert_element_type3A_1148 = arith.extui %eq3A_1147 : i1 to i32
        %cond3A_1149 = arith.constant 0 : i32
        %cond3A_1150 = arith.cmpi ne, %convert_element_type3A_1148, %cond3A_1149 : i32
        scf.if %cond3A_1150 {
          %add3A_1158 = arith.constant 1 : i32
          %add3A_1159 = arith.addi %while3A_1126, %add3A_1158 : i32
          %dma_start3A_1160 = arith.constant 0 : i32
          %dma_start3A_1161 = arith.constant 0 : i32
          %dma_start3A_1162 = arith.constant 0 : i32
          %dma_start3A_1163 = tpu.memref_slice %arg17[%dma_start3A_1160, %dma_start3A_1161, %dma_start3A_1162] : memref<2x128x128xf32, #tpu.memory_space<vmem>> -> memref<1x128x128xf32, #tpu.memory_space<vmem>>
          %dma_start3A_1164 = tpu.memref_squeeze %dma_start3A_1163 : memref<1x128x128xf32, #tpu.memory_space<vmem>> -> memref<128x128xf32, #tpu.memory_space<vmem>>
          %dma_start3A_1165 = arith.constant 0 : i32
          %dma_start3A_1166 = tpu.memref_slice %arg14[%add3A_1159, %dma_start3A_1165] : memref<32x128xi32, #tpu.memory_space<vmem>> -> memref<1x128xi32, #tpu.memory_space<vmem>>
          %dma_start3A_1167 = tpu.memref_squeeze %dma_start3A_1166 : memref<1x128xi32, #tpu.memory_space<vmem>> -> memref<128xi32, #tpu.memory_space<vmem>>
          %dma_start3A_1168 = arith.constant 0 : i32
          %dma_start3A_1169 = arith.constant 0 : i32
          %dma_start3A_1170 = tpu.memref_slice %arg5[%dma_start3A_1168, %dma_start3A_1169] : memref<10000x128xf32, #tpu.memory_space<hbm>> -> memref<10000x128xf32, #tpu.memory_space<hbm>>
          tpu.enqueue_indirect_dma source(%dma_start3A_1170 : memref<10000x128xf32, #tpu.memory_space<hbm>>) target(%dma_start3A_1164 : memref<128x128xf32, #tpu.memory_space<vmem>>) offsets(%dma_start3A_1167 : memref<128xi32, #tpu.memory_space<vmem>>) semaphore(%arg21 : memref<!tpu.dma_semaphore, #tpu.memory_space<semaphore_mem>>)
        } else {
        }
        %sub3A_1151 = arith.constant 1 : i32
        %sub3A_1152 = arith.subi %sub3A_1151, %and3A_1128 : i32
        %eq3A_1153 = arith.constant 1 : i32
        %eq3A_1154 = arith.cmpi eq, %sub3A_1152, %eq3A_1153 : i32
        %convert_element_type3A_1155 = arith.extui %eq3A_1154 : i1 to i32
        %cond3A_1156 = arith.constant 0 : i32
        %cond3A_1157 = arith.cmpi ne, %convert_element_type3A_1155, %cond3A_1156 : i32
        scf.if %cond3A_1157 {
          %add3A_1158 = arith.constant 1 : i32
          %add3A_1159 = arith.addi %while3A_1126, %add3A_1158 : i32
          %dma_start3A_1160 = arith.constant 1 : i32
          %dma_start3A_1161 = arith.constant 0 : i32
          %dma_start3A_1162 = arith.constant 0 : i32
          %dma_start3A_1163 = tpu.memref_slice %arg17[%dma_start3A_1160, %dma_start3A_1161, %dma_start3A_1162] : memref<2x128x128xf32, #tpu.memory_space<vmem>> -> memref<1x128x128xf32, #tpu.memory_space<vmem>>
          %dma_start3A_1164 = tpu.memref_squeeze %dma_start3A_1163 : memref<1x128x128xf32, #tpu.memory_space<vmem>> -> memref<128x128xf32, #tpu.memory_space<vmem>>
          %dma_start3A_1165 = arith.constant 0 : i32
          %dma_start3A_1166 = tpu.memref_slice %arg14[%add3A_1159, %dma_start3A_1165] : memref<32x128xi32, #tpu.memory_space<vmem>> -> memref<1x128xi32, #tpu.memory_space<vmem>>
          %dma_start3A_1167 = tpu.memref_squeeze %dma_start3A_1166 : memref<1x128xi32, #tpu.memory_space<vmem>> -> memref<128xi32, #tpu.memory_space<vmem>>
          %dma_start3A_1168 = arith.constant 0 : i32
          %dma_start3A_1169 = arith.constant 0 : i32
          %dma_start3A_1170 = tpu.memref_slice %arg5[%dma_start3A_1168, %dma_start3A_1169] : memref<10000x128xf32, #tpu.memory_space<hbm>> -> memref<10000x128xf32, #tpu.memory_space<hbm>>
          tpu.enqueue_indirect_dma source(%dma_start3A_1170 : memref<10000x128xf32, #tpu.memory_space<hbm>>) target(%dma_start3A_1164 : memref<128x128xf32, #tpu.memory_space<vmem>>) offsets(%dma_start3A_1167 : memref<128xi32, #tpu.memory_space<vmem>>) semaphore(%arg22 : memref<!tpu.dma_semaphore, #tpu.memory_space<semaphore_mem>>)
        } else {
        }
      } else {
      }
      %eq3A = arith.constant 0 : i32
      %eq3A_1135 = arith.cmpi eq, %and3A_1128, %eq3A : i32
      %convert_element_type3A_1136 = arith.extui %eq3A_1135 : i1 to i32
      %cond3A_1137 = arith.constant 0 : i32
      %cond3A_1138 = arith.cmpi ne, %convert_element_type3A_1136, %cond3A_1137 : i32
      scf.if %cond3A_1138 {
        %dma_wait3A_1144 = arith.constant 0 : i32
        %dma_wait3A_1145 = arith.constant 0 : i32
        %dma_wait3A_1146 = arith.constant 0 : i32
        %dma_wait3A_1147 = tpu.memref_slice %arg17[%dma_wait3A_1144, %dma_wait3A_1145, %dma_wait3A_1146] : memref<2x128x128xf32, #tpu.memory_space<vmem>> -> memref<1x128x128xf32, #tpu.memory_space<vmem>>
        %dma_wait3A_1148 = tpu.memref_squeeze %dma_wait3A_1147 : memref<1x128x128xf32, #tpu.memory_space<vmem>> -> memref<128x128xf32, #tpu.memory_space<vmem>>
        %dma_wait3A_1149 = arith.constant 0 : i32
        %dma_wait3A_1150 = tpu.memref_slice %arg14[%while3A_1126, %dma_wait3A_1149] : memref<32x128xi32, #tpu.memory_space<vmem>> -> memref<1x128xi32, #tpu.memory_space<vmem>>
        %dma_wait3A_1151 = tpu.memref_squeeze %dma_wait3A_1150 : memref<1x128xi32, #tpu.memory_space<vmem>> -> memref<128xi32, #tpu.memory_space<vmem>>
        %dma_wait3A_1152 = arith.constant 0 : i32
        %dma_wait3A_1153 = arith.constant 0 : i32
        %dma_wait3A_1154 = tpu.memref_slice %arg5[%dma_wait3A_1152, %dma_wait3A_1153] : memref<10000x128xf32, #tpu.memory_space<hbm>> -> memref<10000x128xf32, #tpu.memory_space<hbm>>
        tpu.wait_indirect_dma semaphore(%arg21 : memref<!tpu.dma_semaphore, #tpu.memory_space<semaphore_mem>>) src(%dma_wait3A_1154 : memref<10000x128xf32, #tpu.memory_space<hbm>>) dst(%dma_wait3A_1148 : memref<128x128xf32, #tpu.memory_space<vmem>>)
        %run_scoped3A = arith.constant 0 : i32
        "tpu.region"() ({
          %run_scoped3A_1155 = tpu.sem_alloc : memref<!tpu.dma_semaphore, #tpu.memory_space<semaphore_mem>>
          %dma_start3A_1156 = arith.constant 0 : i32
          %dma_start3A_1157 = arith.constant 0 : i32
          %dma_start3A_1158 = tpu.memref_slice %arg17[%run_scoped3A, %dma_start3A_1156, %dma_start3A_1157] : memref<2x128x128xf32, #tpu.memory_space<vmem>> -> memref<1x128x128xf32, #tpu.memory_space<vmem>>
          %dma_start3A_1159 = tpu.memref_squeeze %dma_start3A_1158 : memref<1x128x128xf32, #tpu.memory_space<vmem>> -> memref<128x128xf32, #tpu.memory_space<vmem>>
          %dma_start3A_1160 = arith.constant 0 : i32
          %dma_start3A_1161 = tpu.memref_slice %arg15[%while3A_1126, %dma_start3A_1160] : memref<32x128xi32, #tpu.memory_space<vmem>> -> memref<1x128xi32, #tpu.memory_space<vmem>>
          %dma_start3A_1162 = tpu.memref_squeeze %dma_start3A_1161 : memref<1x128xi32, #tpu.memory_space<vmem>> -> memref<128xi32, #tpu.memory_space<vmem>>
          %dma_start3A_1163 = arith.constant 0 : i32
          %dma_start3A_1164 = arith.constant 0 : i32
          %dma_start3A_1165 = tpu.memref_slice %arg18[%dma_start3A_1163, %dma_start3A_1164] : memref<5248x128xf32, #tpu.memory_space<vmem_shared>> -> memref<5248x128xf32, #tpu.memory_space<vmem_shared>>
          tpu.enqueue_indirect_dma source(%dma_start3A_1159 : memref<128x128xf32, #tpu.memory_space<vmem>>) target(%dma_start3A_1165 : memref<5248x128xf32, #tpu.memory_space<vmem_shared>>) offsets(%dma_start3A_1162 : memref<128xi32, #tpu.memory_space<vmem>>) semaphore(%run_scoped3A_1155 : memref<!tpu.dma_semaphore, #tpu.memory_space<semaphore_mem>>) {add = true}
          %dma_wait3A_1166 = arith.constant 0 : i32
          %dma_wait3A_1167 = arith.constant 0 : i32
          %dma_wait3A_1168 = tpu.memref_slice %arg17[%run_scoped3A, %dma_wait3A_1166, %dma_wait3A_1167] : memref<2x128x128xf32, #tpu.memory_space<vmem>> -> memref<1x128x128xf32, #tpu.memory_space<vmem>>
          %dma_wait3A_1169 = tpu.memref_squeeze %dma_wait3A_1168 : memref<1x128x128xf32, #tpu.memory_space<vmem>> -> memref<128x128xf32, #tpu.memory_space<vmem>>
          %dma_wait3A_1170 = arith.constant 0 : i32
          %dma_wait3A_1171 = tpu.memref_slice %arg15[%while3A_1126, %dma_wait3A_1170] : memref<32x128xi32, #tpu.memory_space<vmem>> -> memref<1x128xi32, #tpu.memory_space<vmem>>
          %dma_wait3A_1172 = tpu.memref_squeeze %dma_wait3A_1171 : memref<1x128xi32, #tpu.memory_space<vmem>> -> memref<128xi32, #tpu.memory_space<vmem>>
          %dma_wait3A_1173 = arith.constant 0 : i32
          %dma_wait3A_1174 = arith.constant 0 : i32
          %dma_wait3A_1175 = tpu.memref_slice %arg18[%dma_wait3A_1173, %dma_wait3A_1174] : memref<5248x128xf32, #tpu.memory_space<vmem_shared>> -> memref<5248x128xf32, #tpu.memory_space<vmem_shared>>
          tpu.wait_indirect_dma semaphore(%run_scoped3A_1155 : memref<!tpu.dma_semaphore, #tpu.memory_space<semaphore_mem>>) src(%dma_wait3A_1169 : memref<128x128xf32, #tpu.memory_space<vmem>>) dst(%dma_wait3A_1175 : memref<5248x128xf32, #tpu.memory_space<vmem_shared>>)
          tpu.yield
        }) : () -> ()
      } else {
      }
      %eq3A_1139 = arith.constant 1 : i32
      %eq3A_1140 = arith.cmpi eq, %and3A_1128, %eq3A_1139 : i32
      %convert_element_type3A_1141 = arith.extui %eq3A_1140 : i1 to i32
      %cond3A_1142 = arith.constant 0 : i32
      %cond3A_1143 = arith.cmpi ne, %convert_element_type3A_1141, %cond3A_1142 : i32
      scf.if %cond3A_1143 {
        %dma_wait3A_1144 = arith.constant 1 : i32
        %dma_wait3A_1145 = arith.constant 0 : i32
        %dma_wait3A_1146 = arith.constant 0 : i32
        %dma_wait3A_1147 = tpu.memref_slice %arg17[%dma_wait3A_1144, %dma_wait3A_1145, %dma_wait3A_1146] : memref<2x128x128xf32, #tpu.memory_space<vmem>> -> memref<1x128x128xf32, #tpu.memory_space<vmem>>
        %dma_wait3A_1148 = tpu.memref_squeeze %dma_wait3A_1147 : memref<1x128x128xf32, #tpu.memory_space<vmem>> -> memref<128x128xf32, #tpu.memory_space<vmem>>
        %dma_wait3A_1149 = arith.constant 0 : i32
        %dma_wait3A_1150 = tpu.memref_slice %arg14[%while3A_1126, %dma_wait3A_1149] : memref<32x128xi32, #tpu.memory_space<vmem>> -> memref<1x128xi32, #tpu.memory_space<vmem>>
        %dma_wait3A_1151 = tpu.memref_squeeze %dma_wait3A_1150 : memref<1x128xi32, #tpu.memory_space<vmem>> -> memref<128xi32, #tpu.memory_space<vmem>>
        %dma_wait3A_1152 = arith.constant 0 : i32
        %dma_wait3A_1153 = arith.constant 0 : i32
        %dma_wait3A_1154 = tpu.memref_slice %arg5[%dma_wait3A_1152, %dma_wait3A_1153] : memref<10000x128xf32, #tpu.memory_space<hbm>> -> memref<10000x128xf32, #tpu.memory_space<hbm>>
        tpu.wait_indirect_dma semaphore(%arg22 : memref<!tpu.dma_semaphore, #tpu.memory_space<semaphore_mem>>) src(%dma_wait3A_1154 : memref<10000x128xf32, #tpu.memory_space<hbm>>) dst(%dma_wait3A_1148 : memref<128x128xf32, #tpu.memory_space<vmem>>)
        %run_scoped3A = arith.constant 1 : i32
        "tpu.region"() ({
          %run_scoped3A_1155 = tpu.sem_alloc : memref<!tpu.dma_semaphore, #tpu.memory_space<semaphore_mem>>
          %dma_start3A_1156 = arith.constant 0 : i32
          %dma_start3A_1157 = arith.constant 0 : i32
          %dma_start3A_1158 = tpu.memref_slice %arg17[%run_scoped3A, %dma_start3A_1156, %dma_start3A_1157] : memref<2x128x128xf32, #tpu.memory_space<vmem>> -> memref<1x128x128xf32, #tpu.memory_space<vmem>>
          %dma_start3A_1159 = tpu.memref_squeeze %dma_start3A_1158 : memref<1x128x128xf32, #tpu.memory_space<vmem>> -> memref<128x128xf32, #tpu.memory_space<vmem>>
          %dma_start3A_1160 = arith.constant 0 : i32
          %dma_start3A_1161 = tpu.memref_slice %arg15[%while3A_1126, %dma_start3A_1160] : memref<32x128xi32, #tpu.memory_space<vmem>> -> memref<1x128xi32, #tpu.memory_space<vmem>>
          %dma_start3A_1162 = tpu.memref_squeeze %dma_start3A_1161 : memref<1x128xi32, #tpu.memory_space<vmem>> -> memref<128xi32, #tpu.memory_space<vmem>>
          %dma_start3A_1163 = arith.constant 0 : i32
          %dma_start3A_1164 = arith.constant 0 : i32
          %dma_start3A_1165 = tpu.memref_slice %arg18[%dma_start3A_1163, %dma_start3A_1164] : memref<5248x128xf32, #tpu.memory_space<vmem_shared>> -> memref<5248x128xf32, #tpu.memory_space<vmem_shared>>
          tpu.enqueue_indirect_dma source(%dma_start3A_1159 : memref<128x128xf32, #tpu.memory_space<vmem>>) target(%dma_start3A_1165 : memref<5248x128xf32, #tpu.memory_space<vmem_shared>>) offsets(%dma_start3A_1162 : memref<128xi32, #tpu.memory_space<vmem>>) semaphore(%run_scoped3A_1155 : memref<!tpu.dma_semaphore, #tpu.memory_space<semaphore_mem>>) {add = true}
          %dma_wait3A_1166 = arith.constant 0 : i32
          %dma_wait3A_1167 = arith.constant 0 : i32
          %dma_wait3A_1168 = tpu.memref_slice %arg17[%run_scoped3A, %dma_wait3A_1166, %dma_wait3A_1167] : memref<2x128x128xf32, #tpu.memory_space<vmem>> -> memref<1x128x128xf32, #tpu.memory_space<vmem>>
          %dma_wait3A_1169 = tpu.memref_squeeze %dma_wait3A_1168 : memref<1x128x128xf32, #tpu.memory_space<vmem>> -> memref<128x128xf32, #tpu.memory_space<vmem>>
          %dma_wait3A_1170 = arith.constant 0 : i32
          %dma_wait3A_1171 = tpu.memref_slice %arg15[%while3A_1126, %dma_wait3A_1170] : memref<32x128xi32, #tpu.memory_space<vmem>> -> memref<1x128xi32, #tpu.memory_space<vmem>>
          %dma_wait3A_1172 = tpu.memref_squeeze %dma_wait3A_1171 : memref<1x128xi32, #tpu.memory_space<vmem>> -> memref<128xi32, #tpu.memory_space<vmem>>
          %dma_wait3A_1173 = arith.constant 0 : i32
          %dma_wait3A_1174 = arith.constant 0 : i32
          %dma_wait3A_1175 = tpu.memref_slice %arg18[%dma_wait3A_1173, %dma_wait3A_1174] : memref<5248x128xf32, #tpu.memory_space<vmem_shared>> -> memref<5248x128xf32, #tpu.memory_space<vmem_shared>>
          tpu.wait_indirect_dma semaphore(%run_scoped3A_1155 : memref<!tpu.dma_semaphore, #tpu.memory_space<semaphore_mem>>) src(%dma_wait3A_1169 : memref<128x128xf32, #tpu.memory_space<vmem>>) dst(%dma_wait3A_1175 : memref<5248x128xf32, #tpu.memory_space<vmem_shared>>)
          tpu.yield
        }) : () -> ()
      } else {
      }
    }
    %while3A_924 = arith.constant 1 : i32
    scf.for %while3A_1126 = %while3A_922 to %while3A_918 step %while3A_924  : i32 {
      %and3A_1127 = arith.constant 1 : i32
      %and3A_1128 = arith.andi %while3A_1126, %and3A_1127 : i32
      %add3A_1129 = arith.constant 1 : i32
      %add3A_1130 = arith.addi %while3A_1126, %add3A_1129 : i32
      %lt3A_1131 = arith.cmpi slt, %add3A_1130, %shift_right_arithmetic3A_909 : i32
      %convert_element_type3A_1132 = arith.extui %lt3A_1131 : i1 to i32
      %cond3A_1133 = arith.constant 0 : i32
      %cond3A_1134 = arith.cmpi ne, %convert_element_type3A_1132, %cond3A_1133 : i32
      scf.if %cond3A_1134 {
        %sub3A_1144 = arith.constant 1 : i32
        %sub3A_1145 = arith.subi %sub3A_1144, %and3A_1128 : i32
        %eq3A_1146 = arith.constant 0 : i32
        %eq3A_1147 = arith.cmpi eq, %sub3A_1145, %eq3A_1146 : i32
        %convert_element_type3A_1148 = arith.extui %eq3A_1147 : i1 to i32
        %cond3A_1149 = arith.constant 0 : i32
        %cond3A_1150 = arith.cmpi ne, %convert_element_type3A_1148, %cond3A_1149 : i32
        scf.if %cond3A_1150 {
          %add3A_1158 = arith.constant 1 : i32
          %add3A_1159 = arith.addi %while3A_1126, %add3A_1158 : i32
          %dma_start3A_1160 = arith.constant 0 : i32
          %dma_start3A_1161 = arith.constant 0 : i32
          %dma_start3A_1162 = arith.constant 0 : i32
          %dma_start3A_1163 = tpu.memref_slice %arg17[%dma_start3A_1160, %dma_start3A_1161, %dma_start3A_1162] : memref<2x128x128xf32, #tpu.memory_space<vmem>> -> memref<1x128x128xf32, #tpu.memory_space<vmem>>
          %dma_start3A_1164 = tpu.memref_squeeze %dma_start3A_1163 : memref<1x128x128xf32, #tpu.memory_space<vmem>> -> memref<128x128xf32, #tpu.memory_space<vmem>>
          %dma_start3A_1165 = arith.constant 0 : i32
          %dma_start3A_1166 = tpu.memref_slice %arg14[%add3A_1159, %dma_start3A_1165] : memref<32x128xi32, #tpu.memory_space<vmem>> -> memref<1x128xi32, #tpu.memory_space<vmem>>
          %dma_start3A_1167 = tpu.memref_squeeze %dma_start3A_1166 : memref<1x128xi32, #tpu.memory_space<vmem>> -> memref<128xi32, #tpu.memory_space<vmem>>
          %dma_start3A_1168 = arith.constant 0 : i32
          %dma_start3A_1169 = arith.constant 0 : i32
          %dma_start3A_1170 = tpu.memref_slice %arg5[%dma_start3A_1168, %dma_start3A_1169] : memref<10000x128xf32, #tpu.memory_space<hbm>> -> memref<10000x128xf32, #tpu.memory_space<hbm>>
          tpu.enqueue_indirect_dma source(%dma_start3A_1170 : memref<10000x128xf32, #tpu.memory_space<hbm>>) target(%dma_start3A_1164 : memref<128x128xf32, #tpu.memory_space<vmem>>) offsets(%dma_start3A_1167 : memref<128xi32, #tpu.memory_space<vmem>>) semaphore(%arg21 : memref<!tpu.dma_semaphore, #tpu.memory_space<semaphore_mem>>)
        } else {
        }
        %sub3A_1151 = arith.constant 1 : i32
        %sub3A_1152 = arith.subi %sub3A_1151, %and3A_1128 : i32
        %eq3A_1153 = arith.constant 1 : i32
        %eq3A_1154 = arith.cmpi eq, %sub3A_1152, %eq3A_1153 : i32
        %convert_element_type3A_1155 = arith.extui %eq3A_1154 : i1 to i32
        %cond3A_1156 = arith.constant 0 : i32
        %cond3A_1157 = arith.cmpi ne, %convert_element_type3A_1155, %cond3A_1156 : i32
        scf.if %cond3A_1157 {
          %add3A_1158 = arith.constant 1 : i32
          %add3A_1159 = arith.addi %while3A_1126, %add3A_1158 : i32
          %dma_start3A_1160 = arith.constant 1 : i32
          %dma_start3A_1161 = arith.constant 0 : i32
          %dma_start3A_1162 = arith.constant 0 : i32
          %dma_start3A_1163 = tpu.memref_slice %arg17[%dma_start3A_1160, %dma_start3A_1161, %dma_start3A_1162] : memref<2x128x128xf32, #tpu.memory_space<vmem>> -> memref<1x128x128xf32, #tpu.memory_space<vmem>>
          %dma_start3A_1164 = tpu.memref_squeeze %dma_start3A_1163 : memref<1x128x128xf32, #tpu.memory_space<vmem>> -> memref<128x128xf32, #tpu.memory_space<vmem>>
          %dma_start3A_1165 = arith.constant 0 : i32
          %dma_start3A_1166 = tpu.memref_slice %arg14[%add3A_1159, %dma_start3A_1165] : memref<32x128xi32, #tpu.memory_space<vmem>> -> memref<1x128xi32, #tpu.memory_space<vmem>>
          %dma_start3A_1167 = tpu.memref_squeeze %dma_start3A_1166 : memref<1x128xi32, #tpu.memory_space<vmem>> -> memref<128xi32, #tpu.memory_space<vmem>>
          %dma_start3A_1168 = arith.constant 0 : i32
          %dma_start3A_1169 = arith.constant 0 : i32
          %dma_start3A_1170 = tpu.memref_slice %arg5[%dma_start3A_1168, %dma_start3A_1169] : memref<10000x128xf32, #tpu.memory_space<hbm>> -> memref<10000x128xf32, #tpu.memory_space<hbm>>
          tpu.enqueue_indirect_dma source(%dma_start3A_1170 : memref<10000x128xf32, #tpu.memory_space<hbm>>) target(%dma_start3A_1164 : memref<128x128xf32, #tpu.memory_space<vmem>>) offsets(%dma_start3A_1167 : memref<128xi32, #tpu.memory_space<vmem>>) semaphore(%arg22 : memref<!tpu.dma_semaphore, #tpu.memory_space<semaphore_mem>>)
        } else {
        }
      } else {
      }
      %eq3A = arith.constant 0 : i32
      %eq3A_1135 = arith.cmpi eq, %and3A_1128, %eq3A : i32
      %convert_element_type3A_1136 = arith.extui %eq3A_1135 : i1 to i32
      %cond3A_1137 = arith.constant 0 : i32
      %cond3A_1138 = arith.cmpi ne, %convert_element_type3A_1136, %cond3A_1137 : i32
      scf.if %cond3A_1138 {
        %dma_wait3A_1144 = arith.constant 0 : i32
        %dma_wait3A_1145 = arith.constant 0 : i32
        %dma_wait3A_1146 = arith.constant 0 : i32
        %dma_wait3A_1147 = tpu.memref_slice %arg17[%dma_wait3A_1144, %dma_wait3A_1145, %dma_wait3A_1146] : memref<2x128x128xf32, #tpu.memory_space<vmem>> -> memref<1x128x128xf32, #tpu.memory_space<vmem>>
        %dma_wait3A_1148 = tpu.memref_squeeze %dma_wait3A_1147 : memref<1x128x128xf32, #tpu.memory_space<vmem>> -> memref<128x128xf32, #tpu.memory_space<vmem>>
        %dma_wait3A_1149 = arith.constant 0 : i32
        %dma_wait3A_1150 = tpu.memref_slice %arg14[%while3A_1126, %dma_wait3A_1149] : memref<32x128xi32, #tpu.memory_space<vmem>> -> memref<1x128xi32, #tpu.memory_space<vmem>>
        %dma_wait3A_1151 = tpu.memref_squeeze %dma_wait3A_1150 : memref<1x128xi32, #tpu.memory_space<vmem>> -> memref<128xi32, #tpu.memory_space<vmem>>
        %dma_wait3A_1152 = arith.constant 0 : i32
        %dma_wait3A_1153 = arith.constant 0 : i32
        %dma_wait3A_1154 = tpu.memref_slice %arg5[%dma_wait3A_1152, %dma_wait3A_1153] : memref<10000x128xf32, #tpu.memory_space<hbm>> -> memref<10000x128xf32, #tpu.memory_space<hbm>>
        tpu.wait_indirect_dma semaphore(%arg21 : memref<!tpu.dma_semaphore, #tpu.memory_space<semaphore_mem>>) src(%dma_wait3A_1154 : memref<10000x128xf32, #tpu.memory_space<hbm>>) dst(%dma_wait3A_1148 : memref<128x128xf32, #tpu.memory_space<vmem>>)
        %run_scoped3A = arith.constant 0 : i32
        "tpu.region"() ({
          %run_scoped3A_1155 = tpu.sem_alloc : memref<!tpu.dma_semaphore, #tpu.memory_space<semaphore_mem>>
          %dma_start3A_1156 = arith.constant 0 : i32
          %dma_start3A_1157 = arith.constant 0 : i32
          %dma_start3A_1158 = tpu.memref_slice %arg17[%run_scoped3A, %dma_start3A_1156, %dma_start3A_1157] : memref<2x128x128xf32, #tpu.memory_space<vmem>> -> memref<1x128x128xf32, #tpu.memory_space<vmem>>
          %dma_start3A_1159 = tpu.memref_squeeze %dma_start3A_1158 : memref<1x128x128xf32, #tpu.memory_space<vmem>> -> memref<128x128xf32, #tpu.memory_space<vmem>>
          %dma_start3A_1160 = arith.constant 0 : i32
          %dma_start3A_1161 = tpu.memref_slice %arg15[%while3A_1126, %dma_start3A_1160] : memref<32x128xi32, #tpu.memory_space<vmem>> -> memref<1x128xi32, #tpu.memory_space<vmem>>
          %dma_start3A_1162 = tpu.memref_squeeze %dma_start3A_1161 : memref<1x128xi32, #tpu.memory_space<vmem>> -> memref<128xi32, #tpu.memory_space<vmem>>
          %dma_start3A_1163 = arith.constant 0 : i32
          %dma_start3A_1164 = arith.constant 0 : i32
          %dma_start3A_1165 = tpu.memref_slice %arg18[%dma_start3A_1163, %dma_start3A_1164] : memref<5248x128xf32, #tpu.memory_space<vmem_shared>> -> memref<5248x128xf32, #tpu.memory_space<vmem_shared>>
          tpu.enqueue_indirect_dma source(%dma_start3A_1159 : memref<128x128xf32, #tpu.memory_space<vmem>>) target(%dma_start3A_1165 : memref<5248x128xf32, #tpu.memory_space<vmem_shared>>) offsets(%dma_start3A_1162 : memref<128xi32, #tpu.memory_space<vmem>>) semaphore(%run_scoped3A_1155 : memref<!tpu.dma_semaphore, #tpu.memory_space<semaphore_mem>>) {add = true}
          %dma_wait3A_1166 = arith.constant 0 : i32
          %dma_wait3A_1167 = arith.constant 0 : i32
          %dma_wait3A_1168 = tpu.memref_slice %arg17[%run_scoped3A, %dma_wait3A_1166, %dma_wait3A_1167] : memref<2x128x128xf32, #tpu.memory_space<vmem>> -> memref<1x128x128xf32, #tpu.memory_space<vmem>>
          %dma_wait3A_1169 = tpu.memref_squeeze %dma_wait3A_1168 : memref<1x128x128xf32, #tpu.memory_space<vmem>> -> memref<128x128xf32, #tpu.memory_space<vmem>>
          %dma_wait3A_1170 = arith.constant 0 : i32
          %dma_wait3A_1171 = tpu.memref_slice %arg15[%while3A_1126, %dma_wait3A_1170] : memref<32x128xi32, #tpu.memory_space<vmem>> -> memref<1x128xi32, #tpu.memory_space<vmem>>
          %dma_wait3A_1172 = tpu.memref_squeeze %dma_wait3A_1171 : memref<1x128xi32, #tpu.memory_space<vmem>> -> memref<128xi32, #tpu.memory_space<vmem>>
          %dma_wait3A_1173 = arith.constant 0 : i32
          %dma_wait3A_1174 = arith.constant 0 : i32
          %dma_wait3A_1175 = tpu.memref_slice %arg18[%dma_wait3A_1173, %dma_wait3A_1174] : memref<5248x128xf32, #tpu.memory_space<vmem_shared>> -> memref<5248x128xf32, #tpu.memory_space<vmem_shared>>
          tpu.wait_indirect_dma semaphore(%run_scoped3A_1155 : memref<!tpu.dma_semaphore, #tpu.memory_space<semaphore_mem>>) src(%dma_wait3A_1169 : memref<128x128xf32, #tpu.memory_space<vmem>>) dst(%dma_wait3A_1175 : memref<5248x128xf32, #tpu.memory_space<vmem_shared>>)
          tpu.yield
        }) : () -> ()
      } else {
      }
      %eq3A_1139 = arith.constant 1 : i32
      %eq3A_1140 = arith.cmpi eq, %and3A_1128, %eq3A_1139 : i32
      %convert_element_type3A_1141 = arith.extui %eq3A_1140 : i1 to i32
      %cond3A_1142 = arith.constant 0 : i32
      %cond3A_1143 = arith.cmpi ne, %convert_element_type3A_1141, %cond3A_1142 : i32
      scf.if %cond3A_1143 {
        %dma_wait3A_1144 = arith.constant 1 : i32
        %dma_wait3A_1145 = arith.constant 0 : i32
        %dma_wait3A_1146 = arith.constant 0 : i32
        %dma_wait3A_1147 = tpu.memref_slice %arg17[%dma_wait3A_1144, %dma_wait3A_1145, %dma_wait3A_1146] : memref<2x128x128xf32, #tpu.memory_space<vmem>> -> memref<1x128x128xf32, #tpu.memory_space<vmem>>
        %dma_wait3A_1148 = tpu.memref_squeeze %dma_wait3A_1147 : memref<1x128x128xf32, #tpu.memory_space<vmem>> -> memref<128x128xf32, #tpu.memory_space<vmem>>
        %dma_wait3A_1149 = arith.constant 0 : i32
        %dma_wait3A_1150 = tpu.memref_slice %arg14[%while3A_1126, %dma_wait3A_1149] : memref<32x128xi32, #tpu.memory_space<vmem>> -> memref<1x128xi32, #tpu.memory_space<vmem>>
        %dma_wait3A_1151 = tpu.memref_squeeze %dma_wait3A_1150 : memref<1x128xi32, #tpu.memory_space<vmem>> -> memref<128xi32, #tpu.memory_space<vmem>>
        %dma_wait3A_1152 = arith.constant 0 : i32
        %dma_wait3A_1153 = arith.constant 0 : i32
        %dma_wait3A_1154 = tpu.memref_slice %arg5[%dma_wait3A_1152, %dma_wait3A_1153] : memref<10000x128xf32, #tpu.memory_space<hbm>> -> memref<10000x128xf32, #tpu.memory_space<hbm>>
        tpu.wait_indirect_dma semaphore(%arg22 : memref<!tpu.dma_semaphore, #tpu.memory_space<semaphore_mem>>) src(%dma_wait3A_1154 : memref<10000x128xf32, #tpu.memory_space<hbm>>) dst(%dma_wait3A_1148 : memref<128x128xf32, #tpu.memory_space<vmem>>)
        %run_scoped3A = arith.constant 1 : i32
        "tpu.region"() ({
          %run_scoped3A_1155 = tpu.sem_alloc : memref<!tpu.dma_semaphore, #tpu.memory_space<semaphore_mem>>
          %dma_start3A_1156 = arith.constant 0 : i32
          %dma_start3A_1157 = arith.constant 0 : i32
          %dma_start3A_1158 = tpu.memref_slice %arg17[%run_scoped3A, %dma_start3A_1156, %dma_start3A_1157] : memref<2x128x128xf32, #tpu.memory_space<vmem>> -> memref<1x128x128xf32, #tpu.memory_space<vmem>>
          %dma_start3A_1159 = tpu.memref_squeeze %dma_start3A_1158 : memref<1x128x128xf32, #tpu.memory_space<vmem>> -> memref<128x128xf32, #tpu.memory_space<vmem>>
          %dma_start3A_1160 = arith.constant 0 : i32
          %dma_start3A_1161 = tpu.memref_slice %arg15[%while3A_1126, %dma_start3A_1160] : memref<32x128xi32, #tpu.memory_space<vmem>> -> memref<1x128xi32, #tpu.memory_space<vmem>>
          %dma_start3A_1162 = tpu.memref_squeeze %dma_start3A_1161 : memref<1x128xi32, #tpu.memory_space<vmem>> -> memref<128xi32, #tpu.memory_space<vmem>>
          %dma_start3A_1163 = arith.constant 0 : i32
          %dma_start3A_1164 = arith.constant 0 : i32
          %dma_start3A_1165 = tpu.memref_slice %arg18[%dma_start3A_1163, %dma_start3A_1164] : memref<5248x128xf32, #tpu.memory_space<vmem_shared>> -> memref<5248x128xf32, #tpu.memory_space<vmem_shared>>
          tpu.enqueue_indirect_dma source(%dma_start3A_1159 : memref<128x128xf32, #tpu.memory_space<vmem>>) target(%dma_start3A_1165 : memref<5248x128xf32, #tpu.memory_space<vmem_shared>>) offsets(%dma_start3A_1162 : memref<128xi32, #tpu.memory_space<vmem>>) semaphore(%run_scoped3A_1155 : memref<!tpu.dma_semaphore, #tpu.memory_space<semaphore_mem>>) {add = true}
          %dma_wait3A_1166 = arith.constant 0 : i32
          %dma_wait3A_1167 = arith.constant 0 : i32
          %dma_wait3A_1168 = tpu.memref_slice %arg17[%run_scoped3A, %dma_wait3A_1166, %dma_wait3A_1167] : memref<2x128x128xf32, #tpu.memory_space<vmem>> -> memref<1x128x128xf32, #tpu.memory_space<vmem>>
          %dma_wait3A_1169 = tpu.memref_squeeze %dma_wait3A_1168 : memref<1x128x128xf32, #tpu.memory_space<vmem>> -> memref<128x128xf32, #tpu.memory_space<vmem>>
          %dma_wait3A_1170 = arith.constant 0 : i32
          %dma_wait3A_1171 = tpu.memref_slice %arg15[%while3A_1126, %dma_wait3A_1170] : memref<32x128xi32, #tpu.memory_space<vmem>> -> memref<1x128xi32, #tpu.memory_space<vmem>>
          %dma_wait3A_1172 = tpu.memref_squeeze %dma_wait3A_1171 : memref<1x128xi32, #tpu.memory_space<vmem>> -> memref<128xi32, #tpu.memory_space<vmem>>
          %dma_wait3A_1173 = arith.constant 0 : i32
          %dma_wait3A_1174 = arith.constant 0 : i32
          %dma_wait3A_1175 = tpu.memref_slice %arg18[%dma_wait3A_1173, %dma_wait3A_1174] : memref<5248x128xf32, #tpu.memory_space<vmem_shared>> -> memref<5248x128xf32, #tpu.memory_space<vmem_shared>>
          tpu.wait_indirect_dma semaphore(%run_scoped3A_1155 : memref<!tpu.dma_semaphore, #tpu.memory_space<semaphore_mem>>) src(%dma_wait3A_1169 : memref<128x128xf32, #tpu.memory_space<vmem>>) dst(%dma_wait3A_1175 : memref<5248x128xf32, #tpu.memory_space<vmem_shared>>)
          tpu.yield
        }) : () -> ()
      } else {
      }
    }
    %add3A_925 = arith.constant 16000 : i32
    %add3A_926 = arith.addi %mul3A_50, %add3A_925 : i32
    %dma_wait3A_927 = tpu.memref_slice %arg2[%add3A_926] : memref<320000xi32, #tpu.memory_space<hbm>> -> memref<4000xi32, #tpu.memory_space<hbm>>
    %dma_wait3A_928 = tpu.memref_slice %arg2[%add3A_926] : memref<320000xi32, #tpu.memory_space<hbm>> -> memref<4000xi32, #tpu.memory_space<hbm>>
    tpu.wait_dma2 semaphore(%arg19 : memref<!tpu.dma_semaphore, #tpu.memory_space<semaphore_mem>>) src(%dma_wait3A_928 : memref<4000xi32, #tpu.memory_space<hbm>>) dst(%arg10 : memref<4000xi32, #tpu.memory_space<vmem>>)
    %add3A_929 = arith.constant 16000 : i32
    %add3A_930 = arith.addi %mul3A_50, %add3A_929 : i32
    %dma_wait3A_931 = tpu.memref_slice %arg3[%add3A_930] : memref<320000xi32, #tpu.memory_space<hbm>> -> memref<4000xi32, #tpu.memory_space<hbm>>
    %dma_wait3A_932 = tpu.memref_slice %arg3[%add3A_930] : memref<320000xi32, #tpu.memory_space<hbm>> -> memref<4000xi32, #tpu.memory_space<hbm>>
    tpu.wait_dma2 semaphore(%arg19 : memref<!tpu.dma_semaphore, #tpu.memory_space<semaphore_mem>>) src(%dma_wait3A_932 : memref<4000xi32, #tpu.memory_space<hbm>>) dst(%arg12 : memref<4000xi32, #tpu.memory_space<vmem>>)
    %broadcast_in_dim3A_933 = arith.constant 0 : i32
    %broadcast_in_dim3A_934 = vector.broadcast %broadcast_in_dim3A_933 : i32 to vector<16xi32>
    %parallel_loop3A_935 = arith.constant 0 : i32
    %parallel_loop3A_936 = arith.constant 250 : i32
    %parallel_loop3A_937 = arith.constant 1 : i32
    %parallel_loop3A_938 = scf.for %parallel_loop3A_1126 = %parallel_loop3A_935 to %parallel_loop3A_936 step %parallel_loop3A_937 iter_args(%parallel_loop3A_1127 = %broadcast_in_dim3A_934) -> (vector<16xi32>)  : i32 {
      %parallel_loop3A_1128 = arith.constant 16 : i32
      %parallel_loop3A_1129 = arith.muli %parallel_loop3A_1126, %parallel_loop3A_1128 : i32
      %parallel_loop3A_1130 = arith.index_cast %parallel_loop3A_1129 : i32 to index
      %parallel_loop3A_1131 = tpu.vector_load %arg10[%parallel_loop3A_1130] {strides = array<i32>} : memref<4000xi32, #tpu.memory_space<vmem>>, vector<16xi32>,
      %parallel_loop3A_1132 = arith.constant 16 : i32
      %parallel_loop3A_1133 = arith.muli %parallel_loop3A_1126, %parallel_loop3A_1132 : i32
      %parallel_loop3A_1134 = arith.index_cast %parallel_loop3A_1133 : i32 to index
      %parallel_loop3A_1135 = tpu.vector_load %arg12[%parallel_loop3A_1134] {strides = array<i32>} : memref<4000xi32, #tpu.memory_space<vmem>>, vector<16xi32>,
      %parallel_loop3A_1136 = tpu.vector_load_idx %arg8[%parallel_loop3A_1135] : memref<10000xi32, #tpu.memory_space<vmem>>[vector<16xi32>], vector<16xi32>,
      %parallel_loop3A_1137 = arith.constant 5120 : i32
      %parallel_loop3A_1138 = arith.muli %arg0, %parallel_loop3A_1137 : i32
      %parallel_loop3A_1139 = vector.broadcast %parallel_loop3A_1138 : i32 to vector<16xi32>
      %parallel_loop3A_1140 = arith.subi %parallel_loop3A_1135, %parallel_loop3A_1139 : vector<16xi32>
      %parallel_loop3A_1141 = arith.constant 0 : i32
      %parallel_loop3A_1142 = vector.broadcast %parallel_loop3A_1141 : i32 to vector<16xi32>
      %parallel_loop3A_1143 = arith.cmpi sgt, %parallel_loop3A_1136, %parallel_loop3A_1142 : vector<16xi32>
      %parallel_loop3A_1144 = arith.constant 0 : i32
      %parallel_loop3A_1145 = vector.broadcast %parallel_loop3A_1144 : i32 to vector<16xi32>
      %parallel_loop3A_1146 = arith.cmpi sge, %parallel_loop3A_1140, %parallel_loop3A_1145 : vector<16xi32>
      %parallel_loop3A_1147 = arith.andi %parallel_loop3A_1143, %parallel_loop3A_1146 : vector<16xi1>
      %parallel_loop3A_1148 = arith.constant 5120 : i32
      %parallel_loop3A_1149 = vector.broadcast %parallel_loop3A_1148 : i32 to vector<16xi32>
      %parallel_loop3A_1150 = arith.cmpi slt, %parallel_loop3A_1140, %parallel_loop3A_1149 : vector<16xi32>
      %parallel_loop3A_1151 = arith.andi %parallel_loop3A_1147, %parallel_loop3A_1150 : vector<16xi1>
      %parallel_loop3A_1152 = arith.extui %parallel_loop3A_1151 : vector<16xi1> to vector<16xi32>
      %parallel_loop3A_1153 = arith.constant true
      %parallel_loop3A_1154 = vector.broadcast %parallel_loop3A_1153 : i1 to vector<16xi1>
      %parallel_loop3A_1155 = tpu.scan <sum>, %parallel_loop3A_1152 masked %parallel_loop3A_1154 : vector<16xi32>, vector<16xi1> -> vector<16xi32>
      %parallel_loop3A_1156 = arith.addi %parallel_loop3A_1127, %parallel_loop3A_1155 : vector<16xi32>
      %parallel_loop3A_1157 = arith.constant 1 : i32
      %parallel_loop3A_1158 = vector.broadcast %parallel_loop3A_1157 : i32 to vector<16xi32>
      %parallel_loop3A_1159 = arith.subi %parallel_loop3A_1156, %parallel_loop3A_1158 : vector<16xi32>
      %parallel_loop3A_1160 = arith.constant 7 : i32
      %parallel_loop3A_1161 = vector.broadcast %parallel_loop3A_1160 : i32 to vector<16xi32>
      %parallel_loop3A_1162 = arith.shrsi %parallel_loop3A_1159, %parallel_loop3A_1161 : vector<16xi32>
      %parallel_loop3A_1163 = arith.constant 127 : i32
      %parallel_loop3A_1164 = vector.broadcast %parallel_loop3A_1163 : i32 to vector<16xi32>
      %parallel_loop3A_1165 = arith.andi %parallel_loop3A_1159, %parallel_loop3A_1164 : vector<16xi32>
      tpu.vector_store_idx %arg14[%parallel_loop3A_1162, %parallel_loop3A_1165], %parallel_loop3A_1131 masked %parallel_loop3A_1151 : memref<32x128xi32, #tpu.memory_space<vmem>>[vector<16xi32>, vector<16xi32>], vector<16xi32>, vector<16xi1>
      %parallel_loop3A_1166 = arith.constant 7 : i32
      %parallel_loop3A_1167 = vector.broadcast %parallel_loop3A_1166 : i32 to vector<16xi32>
      %parallel_loop3A_1168 = arith.shrsi %parallel_loop3A_1159, %parallel_loop3A_1167 : vector<16xi32>
      %parallel_loop3A_1169 = arith.constant 127 : i32
      %parallel_loop3A_1170 = vector.broadcast %parallel_loop3A_1169 : i32 to vector<16xi32>
      %parallel_loop3A_1171 = arith.andi %parallel_loop3A_1159, %parallel_loop3A_1170 : vector<16xi32>
      tpu.vector_store_idx %arg15[%parallel_loop3A_1168, %parallel_loop3A_1171], %parallel_loop3A_1140 masked %parallel_loop3A_1151 : memref<32x128xi32, #tpu.memory_space<vmem>>[vector<16xi32>, vector<16xi32>], vector<16xi32>, vector<16xi1>
      tpu.vector_store_idx %arg16[%parallel_loop3A_1140], %broadcast_in_dim3A_2 masked %parallel_loop3A_1151 {add = true} : memref<5248xf32, #tpu.memory_space<vmem>>[vector<16xi32>], vector<16xf32>, vector<16xi1>
      %parallel_loop3A_1172 = tpu.all_reduce %parallel_loop3A_1151 {dim = 0 : i64, kind = #tpu.reduction_kind<sum>} : vector<16xi1> -> vector<16xi32>
      %parallel_loop3A_1173 = arith.addi %parallel_loop3A_1127, %parallel_loop3A_1172 : vector<16xi32>
      scf.yield %parallel_loop3A_1173 : vector<16xi32>
    } {sc.loop_unroll_factor = 4 : i64, sc.parallel_access}
    %add3A_939 = arith.constant 128 : i32
    %add3A_940 = vector.broadcast %add3A_939 : i32 to vector<16xi32>
    %add3A_941 = arith.addi %parallel_loop3A_938, %add3A_940 : vector<16xi32>
    %sub3A_942 = arith.constant 1 : i32
    %sub3A_943 = vector.broadcast %sub3A_942 : i32 to vector<16xi32>
    %sub3A_944 = arith.subi %add3A_941, %sub3A_943 : vector<16xi32>
    %and3A_945 = arith.constant -128 : i32
    %and3A_946 = vector.broadcast %and3A_945 : i32 to vector<16xi32>
    %and3A_947 = arith.andi %sub3A_944, %and3A_946 : vector<16xi32>
    %add3A_948 = arith.constant 0 : i32
    %add3A_949 = vector.broadcast %add3A_948 : i32 to vector<16xi32>
    %add3A_950 = arith.addi %parallel_loop3A_938, %add3A_949 : vector<16xi32>
    %add3A_951 = arith.addi %add3A_950, %iota3A : vector<16xi32>
    %lt3A_952 = arith.cmpi slt, %add3A_951, %and3A_947 : vector<16xi32>
    %shift_right_arithmetic3A_953 = arith.constant 7 : i32
    %shift_right_arithmetic3A_954 = vector.broadcast %shift_right_arithmetic3A_953 : i32 to vector<16xi32>
    %shift_right_arithmetic3A_955 = arith.shrsi %add3A_951, %shift_right_arithmetic3A_954 : vector<16xi32>
    %and3A_956 = arith.constant 127 : i32
    %and3A_957 = vector.broadcast %and3A_956 : i32 to vector<16xi32>
    %and3A_958 = arith.andi %add3A_951, %and3A_957 : vector<16xi32>
    %broadcast_in_dim3A_959 = arith.constant 0 : i32
    %broadcast_in_dim3A_960 = vector.broadcast %broadcast_in_dim3A_959 : i32 to vector<16xi32>
    tpu.vector_store_idx %arg14[%shift_right_arithmetic3A_955, %and3A_958], %broadcast_in_dim3A_960 masked %lt3A_952 : memref<32x128xi32, #tpu.memory_space<vmem>>[vector<16xi32>, vector<16xi32>], vector<16xi32>, vector<16xi1>
    %shift_right_arithmetic3A_961 = arith.constant 7 : i32
    %shift_right_arithmetic3A_962 = vector.broadcast %shift_right_arithmetic3A_961 : i32 to vector<16xi32>
    %shift_right_arithmetic3A_963 = arith.shrsi %add3A_951, %shift_right_arithmetic3A_962 : vector<16xi32>
    %and3A_964 = arith.constant 127 : i32
    %and3A_965 = vector.broadcast %and3A_964 : i32 to vector<16xi32>
    %and3A_966 = arith.andi %add3A_951, %and3A_965 : vector<16xi32>
    tpu.vector_store_idx %arg15[%shift_right_arithmetic3A_963, %and3A_966], %broadcast_in_dim3A_65 masked %lt3A_952 : memref<32x128xi32, #tpu.memory_space<vmem>>[vector<16xi32>, vector<16xi32>], vector<16xi32>, vector<16xi1>
    %add3A_967 = arith.constant 16 : i32
    %add3A_968 = vector.broadcast %add3A_967 : i32 to vector<16xi32>
    %add3A_969 = arith.addi %parallel_loop3A_938, %add3A_968 : vector<16xi32>
    %add3A_970 = arith.addi %add3A_969, %iota3A : vector<16xi32>
    %lt3A_971 = arith.cmpi slt, %add3A_970, %and3A_947 : vector<16xi32>
    %shift_right_arithmetic3A_972 = arith.constant 7 : i32
    %shift_right_arithmetic3A_973 = vector.broadcast %shift_right_arithmetic3A_972 : i32 to vector<16xi32>
    %shift_right_arithmetic3A_974 = arith.shrsi %add3A_970, %shift_right_arithmetic3A_973 : vector<16xi32>
    %and3A_975 = arith.constant 127 : i32
    %and3A_976 = vector.broadcast %and3A_975 : i32 to vector<16xi32>
    %and3A_977 = arith.andi %add3A_970, %and3A_976 : vector<16xi32>
    %broadcast_in_dim3A_978 = arith.constant 0 : i32
    %broadcast_in_dim3A_979 = vector.broadcast %broadcast_in_dim3A_978 : i32 to vector<16xi32>
    tpu.vector_store_idx %arg14[%shift_right_arithmetic3A_974, %and3A_977], %broadcast_in_dim3A_979 masked %lt3A_971 : memref<32x128xi32, #tpu.memory_space<vmem>>[vector<16xi32>, vector<16xi32>], vector<16xi32>, vector<16xi1>
    %shift_right_arithmetic3A_980 = arith.constant 7 : i32
    %shift_right_arithmetic3A_981 = vector.broadcast %shift_right_arithmetic3A_980 : i32 to vector<16xi32>
    %shift_right_arithmetic3A_982 = arith.shrsi %add3A_970, %shift_right_arithmetic3A_981 : vector<16xi32>
    %and3A_983 = arith.constant 127 : i32
    %and3A_984 = vector.broadcast %and3A_983 : i32 to vector<16xi32>
    %and3A_985 = arith.andi %add3A_970, %and3A_984 : vector<16xi32>
    tpu.vector_store_idx %arg15[%shift_right_arithmetic3A_982, %and3A_985], %broadcast_in_dim3A_65 masked %lt3A_971 : memref<32x128xi32, #tpu.memory_space<vmem>>[vector<16xi32>, vector<16xi32>], vector<16xi32>, vector<16xi1>
    %add3A_986 = arith.constant 32 : i32
    %add3A_987 = vector.broadcast %add3A_986 : i32 to vector<16xi32>
    %add3A_988 = arith.addi %parallel_loop3A_938, %add3A_987 : vector<16xi32>
    %add3A_989 = arith.addi %add3A_988, %iota3A : vector<16xi32>
    %lt3A_990 = arith.cmpi slt, %add3A_989, %and3A_947 : vector<16xi32>
    %shift_right_arithmetic3A_991 = arith.constant 7 : i32
    %shift_right_arithmetic3A_992 = vector.broadcast %shift_right_arithmetic3A_991 : i32 to vector<16xi32>
    %shift_right_arithmetic3A_993 = arith.shrsi %add3A_989, %shift_right_arithmetic3A_992 : vector<16xi32>
    %and3A_994 = arith.constant 127 : i32
    %and3A_995 = vector.broadcast %and3A_994 : i32 to vector<16xi32>
    %and3A_996 = arith.andi %add3A_989, %and3A_995 : vector<16xi32>
    %broadcast_in_dim3A_997 = arith.constant 0 : i32
    %broadcast_in_dim3A_998 = vector.broadcast %broadcast_in_dim3A_997 : i32 to vector<16xi32>
    tpu.vector_store_idx %arg14[%shift_right_arithmetic3A_993, %and3A_996], %broadcast_in_dim3A_998 masked %lt3A_990 : memref<32x128xi32, #tpu.memory_space<vmem>>[vector<16xi32>, vector<16xi32>], vector<16xi32>, vector<16xi1>
    %shift_right_arithmetic3A_999 = arith.constant 7 : i32
    %shift_right_arithmetic3A_1000 = vector.broadcast %shift_right_arithmetic3A_999 : i32 to vector<16xi32>
    %shift_right_arithmetic3A_1001 = arith.shrsi %add3A_989, %shift_right_arithmetic3A_1000 : vector<16xi32>
    %and3A_1002 = arith.constant 127 : i32
    %and3A_1003 = vector.broadcast %and3A_1002 : i32 to vector<16xi32>
    %and3A_1004 = arith.andi %add3A_989, %and3A_1003 : vector<16xi32>
    tpu.vector_store_idx %arg15[%shift_right_arithmetic3A_1001, %and3A_1004], %broadcast_in_dim3A_65 masked %lt3A_990 : memref<32x128xi32, #tpu.memory_space<vmem>>[vector<16xi32>, vector<16xi32>], vector<16xi32>, vector<16xi1>
    %add3A_1005 = arith.constant 48 : i32
    %add3A_1006 = vector.broadcast %add3A_1005 : i32 to vector<16xi32>
    %add3A_1007 = arith.addi %parallel_loop3A_938, %add3A_1006 : vector<16xi32>
    %add3A_1008 = arith.addi %add3A_1007, %iota3A : vector<16xi32>
    %lt3A_1009 = arith.cmpi slt, %add3A_1008, %and3A_947 : vector<16xi32>
    %shift_right_arithmetic3A_1010 = arith.constant 7 : i32
    %shift_right_arithmetic3A_1011 = vector.broadcast %shift_right_arithmetic3A_1010 : i32 to vector<16xi32>
    %shift_right_arithmetic3A_1012 = arith.shrsi %add3A_1008, %shift_right_arithmetic3A_1011 : vector<16xi32>
    %and3A_1013 = arith.constant 127 : i32
    %and3A_1014 = vector.broadcast %and3A_1013 : i32 to vector<16xi32>
    %and3A_1015 = arith.andi %add3A_1008, %and3A_1014 : vector<16xi32>
    %broadcast_in_dim3A_1016 = arith.constant 0 : i32
    %broadcast_in_dim3A_1017 = vector.broadcast %broadcast_in_dim3A_1016 : i32 to vector<16xi32>
    tpu.vector_store_idx %arg14[%shift_right_arithmetic3A_1012, %and3A_1015], %broadcast_in_dim3A_1017 masked %lt3A_1009 : memref<32x128xi32, #tpu.memory_space<vmem>>[vector<16xi32>, vector<16xi32>], vector<16xi32>, vector<16xi1>
    %shift_right_arithmetic3A_1018 = arith.constant 7 : i32
    %shift_right_arithmetic3A_1019 = vector.broadcast %shift_right_arithmetic3A_1018 : i32 to vector<16xi32>
    %shift_right_arithmetic3A_1020 = arith.shrsi %add3A_1008, %shift_right_arithmetic3A_1019 : vector<16xi32>
    %and3A_1021 = arith.constant 127 : i32
    %and3A_1022 = vector.broadcast %and3A_1021 : i32 to vector<16xi32>
    %and3A_1023 = arith.andi %add3A_1008, %and3A_1022 : vector<16xi32>
    tpu.vector_store_idx %arg15[%shift_right_arithmetic3A_1020, %and3A_1023], %broadcast_in_dim3A_65 masked %lt3A_1009 : memref<32x128xi32, #tpu.memory_space<vmem>>[vector<16xi32>, vector<16xi32>], vector<16xi32>, vector<16xi1>
    %add3A_1024 = arith.constant 64 : i32
    %add3A_1025 = vector.broadcast %add3A_1024 : i32 to vector<16xi32>
    %add3A_1026 = arith.addi %parallel_loop3A_938, %add3A_1025 : vector<16xi32>
    %add3A_1027 = arith.addi %add3A_1026, %iota3A : vector<16xi32>
    %lt3A_1028 = arith.cmpi slt, %add3A_1027, %and3A_947 : vector<16xi32>
    %shift_right_arithmetic3A_1029 = arith.constant 7 : i32
    %shift_right_arithmetic3A_1030 = vector.broadcast %shift_right_arithmetic3A_1029 : i32 to vector<16xi32>
    %shift_right_arithmetic3A_1031 = arith.shrsi %add3A_1027, %shift_right_arithmetic3A_1030 : vector<16xi32>
    %and3A_1032 = arith.constant 127 : i32
    %and3A_1033 = vector.broadcast %and3A_1032 : i32 to vector<16xi32>
    %and3A_1034 = arith.andi %add3A_1027, %and3A_1033 : vector<16xi32>
    %broadcast_in_dim3A_1035 = arith.constant 0 : i32
    %broadcast_in_dim3A_1036 = vector.broadcast %broadcast_in_dim3A_1035 : i32 to vector<16xi32>
    tpu.vector_store_idx %arg14[%shift_right_arithmetic3A_1031, %and3A_1034], %broadcast_in_dim3A_1036 masked %lt3A_1028 : memref<32x128xi32, #tpu.memory_space<vmem>>[vector<16xi32>, vector<16xi32>], vector<16xi32>, vector<16xi1>
    %shift_right_arithmetic3A_1037 = arith.constant 7 : i32
    %shift_right_arithmetic3A_1038 = vector.broadcast %shift_right_arithmetic3A_1037 : i32 to vector<16xi32>
    %shift_right_arithmetic3A_1039 = arith.shrsi %add3A_1027, %shift_right_arithmetic3A_1038 : vector<16xi32>
    %and3A_1040 = arith.constant 127 : i32
    %and3A_1041 = vector.broadcast %and3A_1040 : i32 to vector<16xi32>
    %and3A_1042 = arith.andi %add3A_1027, %and3A_1041 : vector<16xi32>
    tpu.vector_store_idx %arg15[%shift_right_arithmetic3A_1039, %and3A_1042], %broadcast_in_dim3A_65 masked %lt3A_1028 : memref<32x128xi32, #tpu.memory_space<vmem>>[vector<16xi32>, vector<16xi32>], vector<16xi32>, vector<16xi1>
    %add3A_1043 = arith.constant 80 : i32
    %add3A_1044 = vector.broadcast %add3A_1043 : i32 to vector<16xi32>
    %add3A_1045 = arith.addi %parallel_loop3A_938, %add3A_1044 : vector<16xi32>
    %add3A_1046 = arith.addi %add3A_1045, %iota3A : vector<16xi32>
    %lt3A_1047 = arith.cmpi slt, %add3A_1046, %and3A_947 : vector<16xi32>
    %shift_right_arithmetic3A_1048 = arith.constant 7 : i32
    %shift_right_arithmetic3A_1049 = vector.broadcast %shift_right_arithmetic3A_1048 : i32 to vector<16xi32>
    %shift_right_arithmetic3A_1050 = arith.shrsi %add3A_1046, %shift_right_arithmetic3A_1049 : vector<16xi32>
    %and3A_1051 = arith.constant 127 : i32
    %and3A_1052 = vector.broadcast %and3A_1051 : i32 to vector<16xi32>
    %and3A_1053 = arith.andi %add3A_1046, %and3A_1052 : vector<16xi32>
    %broadcast_in_dim3A_1054 = arith.constant 0 : i32
    %broadcast_in_dim3A_1055 = vector.broadcast %broadcast_in_dim3A_1054 : i32 to vector<16xi32>
    tpu.vector_store_idx %arg14[%shift_right_arithmetic3A_1050, %and3A_1053], %broadcast_in_dim3A_1055 masked %lt3A_1047 : memref<32x128xi32, #tpu.memory_space<vmem>>[vector<16xi32>, vector<16xi32>], vector<16xi32>, vector<16xi1>
    %shift_right_arithmetic3A_1056 = arith.constant 7 : i32
    %shift_right_arithmetic3A_1057 = vector.broadcast %shift_right_arithmetic3A_1056 : i32 to vector<16xi32>
    %shift_right_arithmetic3A_1058 = arith.shrsi %add3A_1046, %shift_right_arithmetic3A_1057 : vector<16xi32>
    %and3A_1059 = arith.constant 127 : i32
    %and3A_1060 = vector.broadcast %and3A_1059 : i32 to vector<16xi32>
    %and3A_1061 = arith.andi %add3A_1046, %and3A_1060 : vector<16xi32>
    tpu.vector_store_idx %arg15[%shift_right_arithmetic3A_1058, %and3A_1061], %broadcast_in_dim3A_65 masked %lt3A_1047 : memref<32x128xi32, #tpu.memory_space<vmem>>[vector<16xi32>, vector<16xi32>], vector<16xi32>, vector<16xi1>
    %add3A_1062 = arith.constant 96 : i32
    %add3A_1063 = vector.broadcast %add3A_1062 : i32 to vector<16xi32>
    %add3A_1064 = arith.addi %parallel_loop3A_938, %add3A_1063 : vector<16xi32>
    %add3A_1065 = arith.addi %add3A_1064, %iota3A : vector<16xi32>
    %lt3A_1066 = arith.cmpi slt, %add3A_1065, %and3A_947 : vector<16xi32>
    %shift_right_arithmetic3A_1067 = arith.constant 7 : i32
    %shift_right_arithmetic3A_1068 = vector.broadcast %shift_right_arithmetic3A_1067 : i32 to vector<16xi32>
    %shift_right_arithmetic3A_1069 = arith.shrsi %add3A_1065, %shift_right_arithmetic3A_1068 : vector<16xi32>
    %and3A_1070 = arith.constant 127 : i32
    %and3A_1071 = vector.broadcast %and3A_1070 : i32 to vector<16xi32>
    %and3A_1072 = arith.andi %add3A_1065, %and3A_1071 : vector<16xi32>
    %broadcast_in_dim3A_1073 = arith.constant 0 : i32
    %broadcast_in_dim3A_1074 = vector.broadcast %broadcast_in_dim3A_1073 : i32 to vector<16xi32>
    tpu.vector_store_idx %arg14[%shift_right_arithmetic3A_1069, %and3A_1072], %broadcast_in_dim3A_1074 masked %lt3A_1066 : memref<32x128xi32, #tpu.memory_space<vmem>>[vector<16xi32>, vector<16xi32>], vector<16xi32>, vector<16xi1>
    %shift_right_arithmetic3A_1075 = arith.constant 7 : i32
    %shift_right_arithmetic3A_1076 = vector.broadcast %shift_right_arithmetic3A_1075 : i32 to vector<16xi32>
    %shift_right_arithmetic3A_1077 = arith.shrsi %add3A_1065, %shift_right_arithmetic3A_1076 : vector<16xi32>
    %and3A_1078 = arith.constant 127 : i32
    %and3A_1079 = vector.broadcast %and3A_1078 : i32 to vector<16xi32>
    %and3A_1080 = arith.andi %add3A_1065, %and3A_1079 : vector<16xi32>
    tpu.vector_store_idx %arg15[%shift_right_arithmetic3A_1077, %and3A_1080], %broadcast_in_dim3A_65 masked %lt3A_1066 : memref<32x128xi32, #tpu.memory_space<vmem>>[vector<16xi32>, vector<16xi32>], vector<16xi32>, vector<16xi1>
    %add3A_1081 = arith.constant 112 : i32
    %add3A_1082 = vector.broadcast %add3A_1081 : i32 to vector<16xi32>
    %add3A_1083 = arith.addi %parallel_loop3A_938, %add3A_1082 : vector<16xi32>
    %add3A_1084 = arith.addi %add3A_1083, %iota3A : vector<16xi32>
    %lt3A_1085 = arith.cmpi slt, %add3A_1084, %and3A_947 : vector<16xi32>
    %shift_right_arithmetic3A_1086 = arith.constant 7 : i32
    %shift_right_arithmetic3A_1087 = vector.broadcast %shift_right_arithmetic3A_1086 : i32 to vector<16xi32>
    %shift_right_arithmetic3A_1088 = arith.shrsi %add3A_1084, %shift_right_arithmetic3A_1087 : vector<16xi32>
    %and3A_1089 = arith.constant 127 : i32
    %and3A_1090 = vector.broadcast %and3A_1089 : i32 to vector<16xi32>
    %and3A_1091 = arith.andi %add3A_1084, %and3A_1090 : vector<16xi32>
    %broadcast_in_dim3A_1092 = arith.constant 0 : i32
    %broadcast_in_dim3A_1093 = vector.broadcast %broadcast_in_dim3A_1092 : i32 to vector<16xi32>
    tpu.vector_store_idx %arg14[%shift_right_arithmetic3A_1088, %and3A_1091], %broadcast_in_dim3A_1093 masked %lt3A_1085 : memref<32x128xi32, #tpu.memory_space<vmem>>[vector<16xi32>, vector<16xi32>], vector<16xi32>, vector<16xi1>
    %shift_right_arithmetic3A_1094 = arith.constant 7 : i32
    %shift_right_arithmetic3A_1095 = vector.broadcast %shift_right_arithmetic3A_1094 : i32 to vector<16xi32>
    %shift_right_arithmetic3A_1096 = arith.shrsi %add3A_1084, %shift_right_arithmetic3A_1095 : vector<16xi32>
    %and3A_1097 = arith.constant 127 : i32
    %and3A_1098 = vector.broadcast %and3A_1097 : i32 to vector<16xi32>
    %and3A_1099 = arith.andi %add3A_1084, %and3A_1098 : vector<16xi32>
    tpu.vector_store_idx %arg15[%shift_right_arithmetic3A_1096, %and3A_1099], %broadcast_in_dim3A_65 masked %lt3A_1085 : memref<32x128xi32, #tpu.memory_space<vmem>>[vector<16xi32>, vector<16xi32>], vector<16xi32>, vector<16xi1>
    %reduce_max3A_1100 = arith.constant true
    %reduce_max3A_1101 = vector.broadcast %reduce_max3A_1100 : i1 to vector<16xi1>
    %reduce_max3A_1102 = arith.constant -2147483648 : i32
    %reduce_max3A_1103 = vector.broadcast %reduce_max3A_1102 : i32 to vector<16xi32>
    %reduce_max3A_1104 = arith.xori %and3A_947, %reduce_max3A_1103 : vector<16xi32>
    %reduce_max3A_1105 = tpu.scan <max>, %reduce_max3A_1104 masked %reduce_max3A_1101 : vector<16xi32>, vector<16xi1> -> vector<16xi32>
    %reduce_max3A_1106 = arith.xori %reduce_max3A_1105, %reduce_max3A_1103 : vector<16xi32>
    %reduce_max3A_1107 = vector.extract %reduce_max3A_1106[15] : i32 from vector<16xi32>
    %shift_right_arithmetic3A_1108 = arith.constant 7 : i32
    %shift_right_arithmetic3A_1109 = arith.shrsi %reduce_max3A_1107, %shift_right_arithmetic3A_1108 : i32
    %gt3A_1110 = arith.constant 0 : i32
    %gt3A_1111 = arith.cmpi sgt, %shift_right_arithmetic3A_1109, %gt3A_1110 : i32
    %convert_element_type3A_1112 = arith.extui %gt3A_1111 : i1 to i32
    %cond3A_1113 = arith.constant 0 : i32
    %cond3A_1114 = arith.cmpi ne, %convert_element_type3A_1112, %cond3A_1113 : i32
    scf.if %cond3A_1114 {
      %dma_start3A_1126 = arith.constant 0 : i32
      %dma_start3A_1127 = arith.constant 0 : i32
      %dma_start3A_1128 = arith.constant 0 : i32
      %dma_start3A_1129 = arith.constant 0 : i32
      %dma_start3A_1130 = tpu.memref_slice %arg17[%dma_start3A_1127, %dma_start3A_1128, %dma_start3A_1129] : memref<2x128x128xf32, #tpu.memory_space<vmem>> -> memref<1x128x128xf32, #tpu.memory_space<vmem>>
      %dma_start3A_1131 = tpu.memref_squeeze %dma_start3A_1130 : memref<1x128x128xf32, #tpu.memory_space<vmem>> -> memref<128x128xf32, #tpu.memory_space<vmem>>
      %dma_start3A_1132 = arith.constant 0 : i32
      %dma_start3A_1133 = tpu.memref_slice %arg14[%dma_start3A_1126, %dma_start3A_1132] : memref<32x128xi32, #tpu.memory_space<vmem>> -> memref<1x128xi32, #tpu.memory_space<vmem>>
      %dma_start3A_1134 = tpu.memref_squeeze %dma_start3A_1133 : memref<1x128xi32, #tpu.memory_space<vmem>> -> memref<128xi32, #tpu.memory_space<vmem>>
      %dma_start3A_1135 = arith.constant 0 : i32
      %dma_start3A_1136 = arith.constant 0 : i32
      %dma_start3A_1137 = tpu.memref_slice %arg5[%dma_start3A_1135, %dma_start3A_1136] : memref<10000x128xf32, #tpu.memory_space<hbm>> -> memref<10000x128xf32, #tpu.memory_space<hbm>>
      tpu.enqueue_indirect_dma source(%dma_start3A_1137 : memref<10000x128xf32, #tpu.memory_space<hbm>>) target(%dma_start3A_1131 : memref<128x128xf32, #tpu.memory_space<vmem>>) offsets(%dma_start3A_1134 : memref<128xi32, #tpu.memory_space<vmem>>) semaphore(%arg21 : memref<!tpu.dma_semaphore, #tpu.memory_space<semaphore_mem>>)
    } else {
    }
    %while3A_1115 = arith.constant 0 : i32
    %while3A_1116 = arith.constant 0 : i32
    %while3A_1117 = arith.subi %shift_right_arithmetic3A_1109, %while3A_1116 : i32
    %while3A_1118 = arith.addi %while3A_1116, %while3A_1117 : i32
    %while3A_1119 = arith.constant 1 : i32
    %while3A_1120 = arith.divsi %while3A_1117, %while3A_1119 : i32
    %while3A_1121 = arith.muli %while3A_1120, %while3A_1119 : i32
    %while3A_1122 = arith.addi %while3A_1116, %while3A_1121 : i32
    %while3A_1123 = arith.constant 1 : i32
    scf.for %while3A_1126 = %while3A_1116 to %while3A_1122 step %while3A_1123  : i32 {
      %and3A_1127 = arith.constant 1 : i32
      %and3A_1128 = arith.andi %while3A_1126, %and3A_1127 : i32
      %add3A_1129 = arith.constant 1 : i32
      %add3A_1130 = arith.addi %while3A_1126, %add3A_1129 : i32
      %lt3A_1131 = arith.cmpi slt, %add3A_1130, %shift_right_arithmetic3A_1109 : i32
      %convert_element_type3A_1132 = arith.extui %lt3A_1131 : i1 to i32
      %cond3A_1133 = arith.constant 0 : i32
      %cond3A_1134 = arith.cmpi ne, %convert_element_type3A_1132, %cond3A_1133 : i32
      scf.if %cond3A_1134 {
        %sub3A_1144 = arith.constant 1 : i32
        %sub3A_1145 = arith.subi %sub3A_1144, %and3A_1128 : i32
        %eq3A_1146 = arith.constant 0 : i32
        %eq3A_1147 = arith.cmpi eq, %sub3A_1145, %eq3A_1146 : i32
        %convert_element_type3A_1148 = arith.extui %eq3A_1147 : i1 to i32
        %cond3A_1149 = arith.constant 0 : i32
        %cond3A_1150 = arith.cmpi ne, %convert_element_type3A_1148, %cond3A_1149 : i32
        scf.if %cond3A_1150 {
          %add3A_1158 = arith.constant 1 : i32
          %add3A_1159 = arith.addi %while3A_1126, %add3A_1158 : i32
          %dma_start3A_1160 = arith.constant 0 : i32
          %dma_start3A_1161 = arith.constant 0 : i32
          %dma_start3A_1162 = arith.constant 0 : i32
          %dma_start3A_1163 = tpu.memref_slice %arg17[%dma_start3A_1160, %dma_start3A_1161, %dma_start3A_1162] : memref<2x128x128xf32, #tpu.memory_space<vmem>> -> memref<1x128x128xf32, #tpu.memory_space<vmem>>
          %dma_start3A_1164 = tpu.memref_squeeze %dma_start3A_1163 : memref<1x128x128xf32, #tpu.memory_space<vmem>> -> memref<128x128xf32, #tpu.memory_space<vmem>>
          %dma_start3A_1165 = arith.constant 0 : i32
          %dma_start3A_1166 = tpu.memref_slice %arg14[%add3A_1159, %dma_start3A_1165] : memref<32x128xi32, #tpu.memory_space<vmem>> -> memref<1x128xi32, #tpu.memory_space<vmem>>
          %dma_start3A_1167 = tpu.memref_squeeze %dma_start3A_1166 : memref<1x128xi32, #tpu.memory_space<vmem>> -> memref<128xi32, #tpu.memory_space<vmem>>
          %dma_start3A_1168 = arith.constant 0 : i32
          %dma_start3A_1169 = arith.constant 0 : i32
          %dma_start3A_1170 = tpu.memref_slice %arg5[%dma_start3A_1168, %dma_start3A_1169] : memref<10000x128xf32, #tpu.memory_space<hbm>> -> memref<10000x128xf32, #tpu.memory_space<hbm>>
          tpu.enqueue_indirect_dma source(%dma_start3A_1170 : memref<10000x128xf32, #tpu.memory_space<hbm>>) target(%dma_start3A_1164 : memref<128x128xf32, #tpu.memory_space<vmem>>) offsets(%dma_start3A_1167 : memref<128xi32, #tpu.memory_space<vmem>>) semaphore(%arg21 : memref<!tpu.dma_semaphore, #tpu.memory_space<semaphore_mem>>)
        } else {
        }
        %sub3A_1151 = arith.constant 1 : i32
        %sub3A_1152 = arith.subi %sub3A_1151, %and3A_1128 : i32
        %eq3A_1153 = arith.constant 1 : i32
        %eq3A_1154 = arith.cmpi eq, %sub3A_1152, %eq3A_1153 : i32
        %convert_element_type3A_1155 = arith.extui %eq3A_1154 : i1 to i32
        %cond3A_1156 = arith.constant 0 : i32
        %cond3A_1157 = arith.cmpi ne, %convert_element_type3A_1155, %cond3A_1156 : i32
        scf.if %cond3A_1157 {
          %add3A_1158 = arith.constant 1 : i32
          %add3A_1159 = arith.addi %while3A_1126, %add3A_1158 : i32
          %dma_start3A_1160 = arith.constant 1 : i32
          %dma_start3A_1161 = arith.constant 0 : i32
          %dma_start3A_1162 = arith.constant 0 : i32
          %dma_start3A_1163 = tpu.memref_slice %arg17[%dma_start3A_1160, %dma_start3A_1161, %dma_start3A_1162] : memref<2x128x128xf32, #tpu.memory_space<vmem>> -> memref<1x128x128xf32, #tpu.memory_space<vmem>>
          %dma_start3A_1164 = tpu.memref_squeeze %dma_start3A_1163 : memref<1x128x128xf32, #tpu.memory_space<vmem>> -> memref<128x128xf32, #tpu.memory_space<vmem>>
          %dma_start3A_1165 = arith.constant 0 : i32
          %dma_start3A_1166 = tpu.memref_slice %arg14[%add3A_1159, %dma_start3A_1165] : memref<32x128xi32, #tpu.memory_space<vmem>> -> memref<1x128xi32, #tpu.memory_space<vmem>>
          %dma_start3A_1167 = tpu.memref_squeeze %dma_start3A_1166 : memref<1x128xi32, #tpu.memory_space<vmem>> -> memref<128xi32, #tpu.memory_space<vmem>>
          %dma_start3A_1168 = arith.constant 0 : i32
          %dma_start3A_1169 = arith.constant 0 : i32
          %dma_start3A_1170 = tpu.memref_slice %arg5[%dma_start3A_1168, %dma_start3A_1169] : memref<10000x128xf32, #tpu.memory_space<hbm>> -> memref<10000x128xf32, #tpu.memory_space<hbm>>
          tpu.enqueue_indirect_dma source(%dma_start3A_1170 : memref<10000x128xf32, #tpu.memory_space<hbm>>) target(%dma_start3A_1164 : memref<128x128xf32, #tpu.memory_space<vmem>>) offsets(%dma_start3A_1167 : memref<128xi32, #tpu.memory_space<vmem>>) semaphore(%arg22 : memref<!tpu.dma_semaphore, #tpu.memory_space<semaphore_mem>>)
        } else {
        }
      } else {
      }
      %eq3A = arith.constant 0 : i32
      %eq3A_1135 = arith.cmpi eq, %and3A_1128, %eq3A : i32
      %convert_element_type3A_1136 = arith.extui %eq3A_1135 : i1 to i32
      %cond3A_1137 = arith.constant 0 : i32
      %cond3A_1138 = arith.cmpi ne, %convert_element_type3A_1136, %cond3A_1137 : i32
      scf.if %cond3A_1138 {
        %dma_wait3A_1144 = arith.constant 0 : i32
        %dma_wait3A_1145 = arith.constant 0 : i32
        %dma_wait3A_1146 = arith.constant 0 : i32
        %dma_wait3A_1147 = tpu.memref_slice %arg17[%dma_wait3A_1144, %dma_wait3A_1145, %dma_wait3A_1146] : memref<2x128x128xf32, #tpu.memory_space<vmem>> -> memref<1x128x128xf32, #tpu.memory_space<vmem>>
        %dma_wait3A_1148 = tpu.memref_squeeze %dma_wait3A_1147 : memref<1x128x128xf32, #tpu.memory_space<vmem>> -> memref<128x128xf32, #tpu.memory_space<vmem>>
        %dma_wait3A_1149 = arith.constant 0 : i32
        %dma_wait3A_1150 = tpu.memref_slice %arg14[%while3A_1126, %dma_wait3A_1149] : memref<32x128xi32, #tpu.memory_space<vmem>> -> memref<1x128xi32, #tpu.memory_space<vmem>>
        %dma_wait3A_1151 = tpu.memref_squeeze %dma_wait3A_1150 : memref<1x128xi32, #tpu.memory_space<vmem>> -> memref<128xi32, #tpu.memory_space<vmem>>
        %dma_wait3A_1152 = arith.constant 0 : i32
        %dma_wait3A_1153 = arith.constant 0 : i32
        %dma_wait3A_1154 = tpu.memref_slice %arg5[%dma_wait3A_1152, %dma_wait3A_1153] : memref<10000x128xf32, #tpu.memory_space<hbm>> -> memref<10000x128xf32, #tpu.memory_space<hbm>>
        tpu.wait_indirect_dma semaphore(%arg21 : memref<!tpu.dma_semaphore, #tpu.memory_space<semaphore_mem>>) src(%dma_wait3A_1154 : memref<10000x128xf32, #tpu.memory_space<hbm>>) dst(%dma_wait3A_1148 : memref<128x128xf32, #tpu.memory_space<vmem>>)
        %run_scoped3A = arith.constant 0 : i32
        "tpu.region"() ({
          %run_scoped3A_1155 = tpu.sem_alloc : memref<!tpu.dma_semaphore, #tpu.memory_space<semaphore_mem>>
          %dma_start3A_1156 = arith.constant 0 : i32
          %dma_start3A_1157 = arith.constant 0 : i32
          %dma_start3A_1158 = tpu.memref_slice %arg17[%run_scoped3A, %dma_start3A_1156, %dma_start3A_1157] : memref<2x128x128xf32, #tpu.memory_space<vmem>> -> memref<1x128x128xf32, #tpu.memory_space<vmem>>
          %dma_start3A_1159 = tpu.memref_squeeze %dma_start3A_1158 : memref<1x128x128xf32, #tpu.memory_space<vmem>> -> memref<128x128xf32, #tpu.memory_space<vmem>>
          %dma_start3A_1160 = arith.constant 0 : i32
          %dma_start3A_1161 = tpu.memref_slice %arg15[%while3A_1126, %dma_start3A_1160] : memref<32x128xi32, #tpu.memory_space<vmem>> -> memref<1x128xi32, #tpu.memory_space<vmem>>
          %dma_start3A_1162 = tpu.memref_squeeze %dma_start3A_1161 : memref<1x128xi32, #tpu.memory_space<vmem>> -> memref<128xi32, #tpu.memory_space<vmem>>
          %dma_start3A_1163 = arith.constant 0 : i32
          %dma_start3A_1164 = arith.constant 0 : i32
          %dma_start3A_1165 = tpu.memref_slice %arg18[%dma_start3A_1163, %dma_start3A_1164] : memref<5248x128xf32, #tpu.memory_space<vmem_shared>> -> memref<5248x128xf32, #tpu.memory_space<vmem_shared>>
          tpu.enqueue_indirect_dma source(%dma_start3A_1159 : memref<128x128xf32, #tpu.memory_space<vmem>>) target(%dma_start3A_1165 : memref<5248x128xf32, #tpu.memory_space<vmem_shared>>) offsets(%dma_start3A_1162 : memref<128xi32, #tpu.memory_space<vmem>>) semaphore(%run_scoped3A_1155 : memref<!tpu.dma_semaphore, #tpu.memory_space<semaphore_mem>>) {add = true}
          %dma_wait3A_1166 = arith.constant 0 : i32
          %dma_wait3A_1167 = arith.constant 0 : i32
          %dma_wait3A_1168 = tpu.memref_slice %arg17[%run_scoped3A, %dma_wait3A_1166, %dma_wait3A_1167] : memref<2x128x128xf32, #tpu.memory_space<vmem>> -> memref<1x128x128xf32, #tpu.memory_space<vmem>>
          %dma_wait3A_1169 = tpu.memref_squeeze %dma_wait3A_1168 : memref<1x128x128xf32, #tpu.memory_space<vmem>> -> memref<128x128xf32, #tpu.memory_space<vmem>>
          %dma_wait3A_1170 = arith.constant 0 : i32
          %dma_wait3A_1171 = tpu.memref_slice %arg15[%while3A_1126, %dma_wait3A_1170] : memref<32x128xi32, #tpu.memory_space<vmem>> -> memref<1x128xi32, #tpu.memory_space<vmem>>
          %dma_wait3A_1172 = tpu.memref_squeeze %dma_wait3A_1171 : memref<1x128xi32, #tpu.memory_space<vmem>> -> memref<128xi32, #tpu.memory_space<vmem>>
          %dma_wait3A_1173 = arith.constant 0 : i32
          %dma_wait3A_1174 = arith.constant 0 : i32
          %dma_wait3A_1175 = tpu.memref_slice %arg18[%dma_wait3A_1173, %dma_wait3A_1174] : memref<5248x128xf32, #tpu.memory_space<vmem_shared>> -> memref<5248x128xf32, #tpu.memory_space<vmem_shared>>
          tpu.wait_indirect_dma semaphore(%run_scoped3A_1155 : memref<!tpu.dma_semaphore, #tpu.memory_space<semaphore_mem>>) src(%dma_wait3A_1169 : memref<128x128xf32, #tpu.memory_space<vmem>>) dst(%dma_wait3A_1175 : memref<5248x128xf32, #tpu.memory_space<vmem_shared>>)
          tpu.yield
        }) : () -> ()
      } else {
      }
      %eq3A_1139 = arith.constant 1 : i32
      %eq3A_1140 = arith.cmpi eq, %and3A_1128, %eq3A_1139 : i32
      %convert_element_type3A_1141 = arith.extui %eq3A_1140 : i1 to i32
      %cond3A_1142 = arith.constant 0 : i32
      %cond3A_1143 = arith.cmpi ne, %convert_element_type3A_1141, %cond3A_1142 : i32
      scf.if %cond3A_1143 {
        %dma_wait3A_1144 = arith.constant 1 : i32
        %dma_wait3A_1145 = arith.constant 0 : i32
        %dma_wait3A_1146 = arith.constant 0 : i32
        %dma_wait3A_1147 = tpu.memref_slice %arg17[%dma_wait3A_1144, %dma_wait3A_1145, %dma_wait3A_1146] : memref<2x128x128xf32, #tpu.memory_space<vmem>> -> memref<1x128x128xf32, #tpu.memory_space<vmem>>
        %dma_wait3A_1148 = tpu.memref_squeeze %dma_wait3A_1147 : memref<1x128x128xf32, #tpu.memory_space<vmem>> -> memref<128x128xf32, #tpu.memory_space<vmem>>
        %dma_wait3A_1149 = arith.constant 0 : i32
        %dma_wait3A_1150 = tpu.memref_slice %arg14[%while3A_1126, %dma_wait3A_1149] : memref<32x128xi32, #tpu.memory_space<vmem>> -> memref<1x128xi32, #tpu.memory_space<vmem>>
        %dma_wait3A_1151 = tpu.memref_squeeze %dma_wait3A_1150 : memref<1x128xi32, #tpu.memory_space<vmem>> -> memref<128xi32, #tpu.memory_space<vmem>>
        %dma_wait3A_1152 = arith.constant 0 : i32
        %dma_wait3A_1153 = arith.constant 0 : i32
        %dma_wait3A_1154 = tpu.memref_slice %arg5[%dma_wait3A_1152, %dma_wait3A_1153] : memref<10000x128xf32, #tpu.memory_space<hbm>> -> memref<10000x128xf32, #tpu.memory_space<hbm>>
        tpu.wait_indirect_dma semaphore(%arg22 : memref<!tpu.dma_semaphore, #tpu.memory_space<semaphore_mem>>) src(%dma_wait3A_1154 : memref<10000x128xf32, #tpu.memory_space<hbm>>) dst(%dma_wait3A_1148 : memref<128x128xf32, #tpu.memory_space<vmem>>)
        %run_scoped3A = arith.constant 1 : i32
        "tpu.region"() ({
          %run_scoped3A_1155 = tpu.sem_alloc : memref<!tpu.dma_semaphore, #tpu.memory_space<semaphore_mem>>
          %dma_start3A_1156 = arith.constant 0 : i32
          %dma_start3A_1157 = arith.constant 0 : i32
          %dma_start3A_1158 = tpu.memref_slice %arg17[%run_scoped3A, %dma_start3A_1156, %dma_start3A_1157] : memref<2x128x128xf32, #tpu.memory_space<vmem>> -> memref<1x128x128xf32, #tpu.memory_space<vmem>>
          %dma_start3A_1159 = tpu.memref_squeeze %dma_start3A_1158 : memref<1x128x128xf32, #tpu.memory_space<vmem>> -> memref<128x128xf32, #tpu.memory_space<vmem>>
          %dma_start3A_1160 = arith.constant 0 : i32
          %dma_start3A_1161 = tpu.memref_slice %arg15[%while3A_1126, %dma_start3A_1160] : memref<32x128xi32, #tpu.memory_space<vmem>> -> memref<1x128xi32, #tpu.memory_space<vmem>>
          %dma_start3A_1162 = tpu.memref_squeeze %dma_start3A_1161 : memref<1x128xi32, #tpu.memory_space<vmem>> -> memref<128xi32, #tpu.memory_space<vmem>>
          %dma_start3A_1163 = arith.constant 0 : i32
          %dma_start3A_1164 = arith.constant 0 : i32
          %dma_start3A_1165 = tpu.memref_slice %arg18[%dma_start3A_1163, %dma_start3A_1164] : memref<5248x128xf32, #tpu.memory_space<vmem_shared>> -> memref<5248x128xf32, #tpu.memory_space<vmem_shared>>
          tpu.enqueue_indirect_dma source(%dma_start3A_1159 : memref<128x128xf32, #tpu.memory_space<vmem>>) target(%dma_start3A_1165 : memref<5248x128xf32, #tpu.memory_space<vmem_shared>>) offsets(%dma_start3A_1162 : memref<128xi32, #tpu.memory_space<vmem>>) semaphore(%run_scoped3A_1155 : memref<!tpu.dma_semaphore, #tpu.memory_space<semaphore_mem>>) {add = true}
          %dma_wait3A_1166 = arith.constant 0 : i32
          %dma_wait3A_1167 = arith.constant 0 : i32
          %dma_wait3A_1168 = tpu.memref_slice %arg17[%run_scoped3A, %dma_wait3A_1166, %dma_wait3A_1167] : memref<2x128x128xf32, #tpu.memory_space<vmem>> -> memref<1x128x128xf32, #tpu.memory_space<vmem>>
          %dma_wait3A_1169 = tpu.memref_squeeze %dma_wait3A_1168 : memref<1x128x128xf32, #tpu.memory_space<vmem>> -> memref<128x128xf32, #tpu.memory_space<vmem>>
          %dma_wait3A_1170 = arith.constant 0 : i32
          %dma_wait3A_1171 = tpu.memref_slice %arg15[%while3A_1126, %dma_wait3A_1170] : memref<32x128xi32, #tpu.memory_space<vmem>> -> memref<1x128xi32, #tpu.memory_space<vmem>>
          %dma_wait3A_1172 = tpu.memref_squeeze %dma_wait3A_1171 : memref<1x128xi32, #tpu.memory_space<vmem>> -> memref<128xi32, #tpu.memory_space<vmem>>
          %dma_wait3A_1173 = arith.constant 0 : i32
          %dma_wait3A_1174 = arith.constant 0 : i32
          %dma_wait3A_1175 = tpu.memref_slice %arg18[%dma_wait3A_1173, %dma_wait3A_1174] : memref<5248x128xf32, #tpu.memory_space<vmem_shared>> -> memref<5248x128xf32, #tpu.memory_space<vmem_shared>>
          tpu.wait_indirect_dma semaphore(%run_scoped3A_1155 : memref<!tpu.dma_semaphore, #tpu.memory_space<semaphore_mem>>) src(%dma_wait3A_1169 : memref<128x128xf32, #tpu.memory_space<vmem>>) dst(%dma_wait3A_1175 : memref<5248x128xf32, #tpu.memory_space<vmem_shared>>)
          tpu.yield
        }) : () -> ()
      } else {
      }
    }
    %while3A_1124 = arith.constant 1 : i32
    scf.for %while3A_1126 = %while3A_1122 to %while3A_1118 step %while3A_1124  : i32 {
      %and3A_1127 = arith.constant 1 : i32
      %and3A_1128 = arith.andi %while3A_1126, %and3A_1127 : i32
      %add3A_1129 = arith.constant 1 : i32
      %add3A_1130 = arith.addi %while3A_1126, %add3A_1129 : i32
      %lt3A_1131 = arith.cmpi slt, %add3A_1130, %shift_right_arithmetic3A_1109 : i32
      %convert_element_type3A_1132 = arith.extui %lt3A_1131 : i1 to i32
      %cond3A_1133 = arith.constant 0 : i32
      %cond3A_1134 = arith.cmpi ne, %convert_element_type3A_1132, %cond3A_1133 : i32
      scf.if %cond3A_1134 {
        %sub3A_1144 = arith.constant 1 : i32
        %sub3A_1145 = arith.subi %sub3A_1144, %and3A_1128 : i32
        %eq3A_1146 = arith.constant 0 : i32
        %eq3A_1147 = arith.cmpi eq, %sub3A_1145, %eq3A_1146 : i32
        %convert_element_type3A_1148 = arith.extui %eq3A_1147 : i1 to i32
        %cond3A_1149 = arith.constant 0 : i32
        %cond3A_1150 = arith.cmpi ne, %convert_element_type3A_1148, %cond3A_1149 : i32
        scf.if %cond3A_1150 {
          %add3A_1158 = arith.constant 1 : i32
          %add3A_1159 = arith.addi %while3A_1126, %add3A_1158 : i32
          %dma_start3A_1160 = arith.constant 0 : i32
          %dma_start3A_1161 = arith.constant 0 : i32
          %dma_start3A_1162 = arith.constant 0 : i32
          %dma_start3A_1163 = tpu.memref_slice %arg17[%dma_start3A_1160, %dma_start3A_1161, %dma_start3A_1162] : memref<2x128x128xf32, #tpu.memory_space<vmem>> -> memref<1x128x128xf32, #tpu.memory_space<vmem>>
          %dma_start3A_1164 = tpu.memref_squeeze %dma_start3A_1163 : memref<1x128x128xf32, #tpu.memory_space<vmem>> -> memref<128x128xf32, #tpu.memory_space<vmem>>
          %dma_start3A_1165 = arith.constant 0 : i32
          %dma_start3A_1166 = tpu.memref_slice %arg14[%add3A_1159, %dma_start3A_1165] : memref<32x128xi32, #tpu.memory_space<vmem>> -> memref<1x128xi32, #tpu.memory_space<vmem>>
          %dma_start3A_1167 = tpu.memref_squeeze %dma_start3A_1166 : memref<1x128xi32, #tpu.memory_space<vmem>> -> memref<128xi32, #tpu.memory_space<vmem>>
          %dma_start3A_1168 = arith.constant 0 : i32
          %dma_start3A_1169 = arith.constant 0 : i32
          %dma_start3A_1170 = tpu.memref_slice %arg5[%dma_start3A_1168, %dma_start3A_1169] : memref<10000x128xf32, #tpu.memory_space<hbm>> -> memref<10000x128xf32, #tpu.memory_space<hbm>>
          tpu.enqueue_indirect_dma source(%dma_start3A_1170 : memref<10000x128xf32, #tpu.memory_space<hbm>>) target(%dma_start3A_1164 : memref<128x128xf32, #tpu.memory_space<vmem>>) offsets(%dma_start3A_1167 : memref<128xi32, #tpu.memory_space<vmem>>) semaphore(%arg21 : memref<!tpu.dma_semaphore, #tpu.memory_space<semaphore_mem>>)
        } else {
        }
        %sub3A_1151 = arith.constant 1 : i32
        %sub3A_1152 = arith.subi %sub3A_1151, %and3A_1128 : i32
        %eq3A_1153 = arith.constant 1 : i32
        %eq3A_1154 = arith.cmpi eq, %sub3A_1152, %eq3A_1153 : i32
        %convert_element_type3A_1155 = arith.extui %eq3A_1154 : i1 to i32
        %cond3A_1156 = arith.constant 0 : i32
        %cond3A_1157 = arith.cmpi ne, %convert_element_type3A_1155, %cond3A_1156 : i32
        scf.if %cond3A_1157 {
          %add3A_1158 = arith.constant 1 : i32
          %add3A_1159 = arith.addi %while3A_1126, %add3A_1158 : i32
          %dma_start3A_1160 = arith.constant 1 : i32
          %dma_start3A_1161 = arith.constant 0 : i32
          %dma_start3A_1162 = arith.constant 0 : i32
          %dma_start3A_1163 = tpu.memref_slice %arg17[%dma_start3A_1160, %dma_start3A_1161, %dma_start3A_1162] : memref<2x128x128xf32, #tpu.memory_space<vmem>> -> memref<1x128x128xf32, #tpu.memory_space<vmem>>
          %dma_start3A_1164 = tpu.memref_squeeze %dma_start3A_1163 : memref<1x128x128xf32, #tpu.memory_space<vmem>> -> memref<128x128xf32, #tpu.memory_space<vmem>>
          %dma_start3A_1165 = arith.constant 0 : i32
          %dma_start3A_1166 = tpu.memref_slice %arg14[%add3A_1159, %dma_start3A_1165] : memref<32x128xi32, #tpu.memory_space<vmem>> -> memref<1x128xi32, #tpu.memory_space<vmem>>
          %dma_start3A_1167 = tpu.memref_squeeze %dma_start3A_1166 : memref<1x128xi32, #tpu.memory_space<vmem>> -> memref<128xi32, #tpu.memory_space<vmem>>
          %dma_start3A_1168 = arith.constant 0 : i32
          %dma_start3A_1169 = arith.constant 0 : i32
          %dma_start3A_1170 = tpu.memref_slice %arg5[%dma_start3A_1168, %dma_start3A_1169] : memref<10000x128xf32, #tpu.memory_space<hbm>> -> memref<10000x128xf32, #tpu.memory_space<hbm>>
          tpu.enqueue_indirect_dma source(%dma_start3A_1170 : memref<10000x128xf32, #tpu.memory_space<hbm>>) target(%dma_start3A_1164 : memref<128x128xf32, #tpu.memory_space<vmem>>) offsets(%dma_start3A_1167 : memref<128xi32, #tpu.memory_space<vmem>>) semaphore(%arg22 : memref<!tpu.dma_semaphore, #tpu.memory_space<semaphore_mem>>)
        } else {
        }
      } else {
      }
      %eq3A = arith.constant 0 : i32
      %eq3A_1135 = arith.cmpi eq, %and3A_1128, %eq3A : i32
      %convert_element_type3A_1136 = arith.extui %eq3A_1135 : i1 to i32
      %cond3A_1137 = arith.constant 0 : i32
      %cond3A_1138 = arith.cmpi ne, %convert_element_type3A_1136, %cond3A_1137 : i32
      scf.if %cond3A_1138 {
        %dma_wait3A_1144 = arith.constant 0 : i32
        %dma_wait3A_1145 = arith.constant 0 : i32
        %dma_wait3A_1146 = arith.constant 0 : i32
        %dma_wait3A_1147 = tpu.memref_slice %arg17[%dma_wait3A_1144, %dma_wait3A_1145, %dma_wait3A_1146] : memref<2x128x128xf32, #tpu.memory_space<vmem>> -> memref<1x128x128xf32, #tpu.memory_space<vmem>>
        %dma_wait3A_1148 = tpu.memref_squeeze %dma_wait3A_1147 : memref<1x128x128xf32, #tpu.memory_space<vmem>> -> memref<128x128xf32, #tpu.memory_space<vmem>>
        %dma_wait3A_1149 = arith.constant 0 : i32
        %dma_wait3A_1150 = tpu.memref_slice %arg14[%while3A_1126, %dma_wait3A_1149] : memref<32x128xi32, #tpu.memory_space<vmem>> -> memref<1x128xi32, #tpu.memory_space<vmem>>
        %dma_wait3A_1151 = tpu.memref_squeeze %dma_wait3A_1150 : memref<1x128xi32, #tpu.memory_space<vmem>> -> memref<128xi32, #tpu.memory_space<vmem>>
        %dma_wait3A_1152 = arith.constant 0 : i32
        %dma_wait3A_1153 = arith.constant 0 : i32
        %dma_wait3A_1154 = tpu.memref_slice %arg5[%dma_wait3A_1152, %dma_wait3A_1153] : memref<10000x128xf32, #tpu.memory_space<hbm>> -> memref<10000x128xf32, #tpu.memory_space<hbm>>
        tpu.wait_indirect_dma semaphore(%arg21 : memref<!tpu.dma_semaphore, #tpu.memory_space<semaphore_mem>>) src(%dma_wait3A_1154 : memref<10000x128xf32, #tpu.memory_space<hbm>>) dst(%dma_wait3A_1148 : memref<128x128xf32, #tpu.memory_space<vmem>>)
        %run_scoped3A = arith.constant 0 : i32
        "tpu.region"() ({
          %run_scoped3A_1155 = tpu.sem_alloc : memref<!tpu.dma_semaphore, #tpu.memory_space<semaphore_mem>>
          %dma_start3A_1156 = arith.constant 0 : i32
          %dma_start3A_1157 = arith.constant 0 : i32
          %dma_start3A_1158 = tpu.memref_slice %arg17[%run_scoped3A, %dma_start3A_1156, %dma_start3A_1157] : memref<2x128x128xf32, #tpu.memory_space<vmem>> -> memref<1x128x128xf32, #tpu.memory_space<vmem>>
          %dma_start3A_1159 = tpu.memref_squeeze %dma_start3A_1158 : memref<1x128x128xf32, #tpu.memory_space<vmem>> -> memref<128x128xf32, #tpu.memory_space<vmem>>
          %dma_start3A_1160 = arith.constant 0 : i32
          %dma_start3A_1161 = tpu.memref_slice %arg15[%while3A_1126, %dma_start3A_1160] : memref<32x128xi32, #tpu.memory_space<vmem>> -> memref<1x128xi32, #tpu.memory_space<vmem>>
          %dma_start3A_1162 = tpu.memref_squeeze %dma_start3A_1161 : memref<1x128xi32, #tpu.memory_space<vmem>> -> memref<128xi32, #tpu.memory_space<vmem>>
          %dma_start3A_1163 = arith.constant 0 : i32
          %dma_start3A_1164 = arith.constant 0 : i32
          %dma_start3A_1165 = tpu.memref_slice %arg18[%dma_start3A_1163, %dma_start3A_1164] : memref<5248x128xf32, #tpu.memory_space<vmem_shared>> -> memref<5248x128xf32, #tpu.memory_space<vmem_shared>>
          tpu.enqueue_indirect_dma source(%dma_start3A_1159 : memref<128x128xf32, #tpu.memory_space<vmem>>) target(%dma_start3A_1165 : memref<5248x128xf32, #tpu.memory_space<vmem_shared>>) offsets(%dma_start3A_1162 : memref<128xi32, #tpu.memory_space<vmem>>) semaphore(%run_scoped3A_1155 : memref<!tpu.dma_semaphore, #tpu.memory_space<semaphore_mem>>) {add = true}
          %dma_wait3A_1166 = arith.constant 0 : i32
          %dma_wait3A_1167 = arith.constant 0 : i32
          %dma_wait3A_1168 = tpu.memref_slice %arg17[%run_scoped3A, %dma_wait3A_1166, %dma_wait3A_1167] : memref<2x128x128xf32, #tpu.memory_space<vmem>> -> memref<1x128x128xf32, #tpu.memory_space<vmem>>
          %dma_wait3A_1169 = tpu.memref_squeeze %dma_wait3A_1168 : memref<1x128x128xf32, #tpu.memory_space<vmem>> -> memref<128x128xf32, #tpu.memory_space<vmem>>
          %dma_wait3A_1170 = arith.constant 0 : i32
          %dma_wait3A_1171 = tpu.memref_slice %arg15[%while3A_1126, %dma_wait3A_1170] : memref<32x128xi32, #tpu.memory_space<vmem>> -> memref<1x128xi32, #tpu.memory_space<vmem>>
          %dma_wait3A_1172 = tpu.memref_squeeze %dma_wait3A_1171 : memref<1x128xi32, #tpu.memory_space<vmem>> -> memref<128xi32, #tpu.memory_space<vmem>>
          %dma_wait3A_1173 = arith.constant 0 : i32
          %dma_wait3A_1174 = arith.constant 0 : i32
          %dma_wait3A_1175 = tpu.memref_slice %arg18[%dma_wait3A_1173, %dma_wait3A_1174] : memref<5248x128xf32, #tpu.memory_space<vmem_shared>> -> memref<5248x128xf32, #tpu.memory_space<vmem_shared>>
          tpu.wait_indirect_dma semaphore(%run_scoped3A_1155 : memref<!tpu.dma_semaphore, #tpu.memory_space<semaphore_mem>>) src(%dma_wait3A_1169 : memref<128x128xf32, #tpu.memory_space<vmem>>) dst(%dma_wait3A_1175 : memref<5248x128xf32, #tpu.memory_space<vmem_shared>>)
          tpu.yield
        }) : () -> ()
      } else {
      }
      %eq3A_1139 = arith.constant 1 : i32
      %eq3A_1140 = arith.cmpi eq, %and3A_1128, %eq3A_1139 : i32
      %convert_element_type3A_1141 = arith.extui %eq3A_1140 : i1 to i32
      %cond3A_1142 = arith.constant 0 : i32
      %cond3A_1143 = arith.cmpi ne, %convert_element_type3A_1141, %cond3A_1142 : i32
      scf.if %cond3A_1143 {
        %dma_wait3A_1144 = arith.constant 1 : i32
        %dma_wait3A_1145 = arith.constant 0 : i32
        %dma_wait3A_1146 = arith.constant 0 : i32
        %dma_wait3A_1147 = tpu.memref_slice %arg17[%dma_wait3A_1144, %dma_wait3A_1145, %dma_wait3A_1146] : memref<2x128x128xf32, #tpu.memory_space<vmem>> -> memref<1x128x128xf32, #tpu.memory_space<vmem>>
        %dma_wait3A_1148 = tpu.memref_squeeze %dma_wait3A_1147 : memref<1x128x128xf32, #tpu.memory_space<vmem>> -> memref<128x128xf32, #tpu.memory_space<vmem>>
        %dma_wait3A_1149 = arith.constant 0 : i32
        %dma_wait3A_1150 = tpu.memref_slice %arg14[%while3A_1126, %dma_wait3A_1149] : memref<32x128xi32, #tpu.memory_space<vmem>> -> memref<1x128xi32, #tpu.memory_space<vmem>>
        %dma_wait3A_1151 = tpu.memref_squeeze %dma_wait3A_1150 : memref<1x128xi32, #tpu.memory_space<vmem>> -> memref<128xi32, #tpu.memory_space<vmem>>
        %dma_wait3A_1152 = arith.constant 0 : i32
        %dma_wait3A_1153 = arith.constant 0 : i32
        %dma_wait3A_1154 = tpu.memref_slice %arg5[%dma_wait3A_1152, %dma_wait3A_1153] : memref<10000x128xf32, #tpu.memory_space<hbm>> -> memref<10000x128xf32, #tpu.memory_space<hbm>>
        tpu.wait_indirect_dma semaphore(%arg22 : memref<!tpu.dma_semaphore, #tpu.memory_space<semaphore_mem>>) src(%dma_wait3A_1154 : memref<10000x128xf32, #tpu.memory_space<hbm>>) dst(%dma_wait3A_1148 : memref<128x128xf32, #tpu.memory_space<vmem>>)
        %run_scoped3A = arith.constant 1 : i32
        "tpu.region"() ({
          %run_scoped3A_1155 = tpu.sem_alloc : memref<!tpu.dma_semaphore, #tpu.memory_space<semaphore_mem>>
          %dma_start3A_1156 = arith.constant 0 : i32
          %dma_start3A_1157 = arith.constant 0 : i32
          %dma_start3A_1158 = tpu.memref_slice %arg17[%run_scoped3A, %dma_start3A_1156, %dma_start3A_1157] : memref<2x128x128xf32, #tpu.memory_space<vmem>> -> memref<1x128x128xf32, #tpu.memory_space<vmem>>
          %dma_start3A_1159 = tpu.memref_squeeze %dma_start3A_1158 : memref<1x128x128xf32, #tpu.memory_space<vmem>> -> memref<128x128xf32, #tpu.memory_space<vmem>>
          %dma_start3A_1160 = arith.constant 0 : i32
          %dma_start3A_1161 = tpu.memref_slice %arg15[%while3A_1126, %dma_start3A_1160] : memref<32x128xi32, #tpu.memory_space<vmem>> -> memref<1x128xi32, #tpu.memory_space<vmem>>
          %dma_start3A_1162 = tpu.memref_squeeze %dma_start3A_1161 : memref<1x128xi32, #tpu.memory_space<vmem>> -> memref<128xi32, #tpu.memory_space<vmem>>
          %dma_start3A_1163 = arith.constant 0 : i32
          %dma_start3A_1164 = arith.constant 0 : i32
          %dma_start3A_1165 = tpu.memref_slice %arg18[%dma_start3A_1163, %dma_start3A_1164] : memref<5248x128xf32, #tpu.memory_space<vmem_shared>> -> memref<5248x128xf32, #tpu.memory_space<vmem_shared>>
          tpu.enqueue_indirect_dma source(%dma_start3A_1159 : memref<128x128xf32, #tpu.memory_space<vmem>>) target(%dma_start3A_1165 : memref<5248x128xf32, #tpu.memory_space<vmem_shared>>) offsets(%dma_start3A_1162 : memref<128xi32, #tpu.memory_space<vmem>>) semaphore(%run_scoped3A_1155 : memref<!tpu.dma_semaphore, #tpu.memory_space<semaphore_mem>>) {add = true}
          %dma_wait3A_1166 = arith.constant 0 : i32
          %dma_wait3A_1167 = arith.constant 0 : i32
          %dma_wait3A_1168 = tpu.memref_slice %arg17[%run_scoped3A, %dma_wait3A_1166, %dma_wait3A_1167] : memref<2x128x128xf32, #tpu.memory_space<vmem>> -> memref<1x128x128xf32, #tpu.memory_space<vmem>>
          %dma_wait3A_1169 = tpu.memref_squeeze %dma_wait3A_1168 : memref<1x128x128xf32, #tpu.memory_space<vmem>> -> memref<128x128xf32, #tpu.memory_space<vmem>>
          %dma_wait3A_1170 = arith.constant 0 : i32
          %dma_wait3A_1171 = tpu.memref_slice %arg15[%while3A_1126, %dma_wait3A_1170] : memref<32x128xi32, #tpu.memory_space<vmem>> -> memref<1x128xi32, #tpu.memory_space<vmem>>
          %dma_wait3A_1172 = tpu.memref_squeeze %dma_wait3A_1171 : memref<1x128xi32, #tpu.memory_space<vmem>> -> memref<128xi32, #tpu.memory_space<vmem>>
          %dma_wait3A_1173 = arith.constant 0 : i32
          %dma_wait3A_1174 = arith.constant 0 : i32
          %dma_wait3A_1175 = tpu.memref_slice %arg18[%dma_wait3A_1173, %dma_wait3A_1174] : memref<5248x128xf32, #tpu.memory_space<vmem_shared>> -> memref<5248x128xf32, #tpu.memory_space<vmem_shared>>
          tpu.wait_indirect_dma semaphore(%run_scoped3A_1155 : memref<!tpu.dma_semaphore, #tpu.memory_space<semaphore_mem>>) src(%dma_wait3A_1169 : memref<128x128xf32, #tpu.memory_space<vmem>>) dst(%dma_wait3A_1175 : memref<5248x128xf32, #tpu.memory_space<vmem_shared>>)
          tpu.yield
        }) : () -> ()
      } else {
      }
    }
    "tpu.region"() ({
      %run_scoped3A = tpu.sem_alloc : memref<!tpu.dma_semaphore, #tpu.memory_space<semaphore_mem>>
      %dma_start3A_1126 = arith.constant 0 : i32
      %dma_start3A_1127 = tpu.memref_slice %arg7[%arg0, %arg1, %dma_start3A_1126] : memref<2x16x5248xf32, #tpu.memory_space<hbm>> -> memref<1x1x5248xf32, #tpu.memory_space<hbm>>
      %dma_start3A_1128 = tpu.memref_squeeze %dma_start3A_1127 : memref<1x1x5248xf32, #tpu.memory_space<hbm>> -> memref<5248xf32, #tpu.memory_space<hbm>>
      %dma_start3A_1129 = arith.constant 0 : i32
      %dma_start3A_1130 = tpu.memref_slice %arg7[%arg0, %arg1, %dma_start3A_1129] : memref<2x16x5248xf32, #tpu.memory_space<hbm>> -> memref<1x1x5248xf32, #tpu.memory_space<hbm>>
      %dma_start3A_1131 = tpu.memref_squeeze %dma_start3A_1130 : memref<1x1x5248xf32, #tpu.memory_space<hbm>> -> memref<5248xf32, #tpu.memory_space<hbm>>
      tpu.enqueue_dma source(%arg16 : memref<5248xf32, #tpu.memory_space<vmem>>) target(%dma_start3A_1131 : memref<5248xf32, #tpu.memory_space<hbm>>) target_semaphore(%run_scoped3A : memref<!tpu.dma_semaphore, #tpu.memory_space<semaphore_mem>>)
      %dma_wait3A_1132 = arith.constant 0 : i32
      %dma_wait3A_1133 = tpu.memref_slice %arg7[%arg0, %arg1, %dma_wait3A_1132] : memref<2x16x5248xf32, #tpu.memory_space<hbm>> -> memref<1x1x5248xf32, #tpu.memory_space<hbm>>
      %dma_wait3A_1134 = tpu.memref_squeeze %dma_wait3A_1133 : memref<1x1x5248xf32, #tpu.memory_space<hbm>> -> memref<5248xf32, #tpu.memory_space<hbm>>
      %dma_wait3A_1135 = arith.constant 0 : i32
      %dma_wait3A_1136 = tpu.memref_slice %arg7[%arg0, %arg1, %dma_wait3A_1135] : memref<2x16x5248xf32, #tpu.memory_space<hbm>> -> memref<1x1x5248xf32, #tpu.memory_space<hbm>>
      %dma_wait3A_1137 = tpu.memref_squeeze %dma_wait3A_1136 : memref<1x1x5248xf32, #tpu.memory_space<hbm>> -> memref<5248xf32, #tpu.memory_space<hbm>>
      tpu.wait_dma2 semaphore(%run_scoped3A : memref<!tpu.dma_semaphore, #tpu.memory_space<semaphore_mem>>) src(%arg16 : memref<5248xf32, #tpu.memory_space<vmem>>) dst(%dma_wait3A_1137 : memref<5248xf32, #tpu.memory_space<hbm>>)
      tpu.yield
    }) : () -> ()
    %barrier3A_1125 = arith.constant 0 : index
    tpu.barrier barrier_id(%barrier3A_1125)
    "tpu.region"() ({
      %run_scoped3A = tpu.sem_alloc : memref<!tpu.dma_semaphore, #tpu.memory_space<semaphore_mem>>
      %dma_start3A_1126 = arith.constant 0 : i32
      %dma_start3A_1127 = tpu.memref_slice %arg6[%arg0, %mul3A_5, %dma_start3A_1126] : memref<2x5248x128xf32, #tpu.memory_space<hbm>> -> memref<1x328x128xf32, #tpu.memory_space<hbm>>
      %dma_start3A_1128 = tpu.memref_squeeze %dma_start3A_1127 : memref<1x328x128xf32, #tpu.memory_space<hbm>> -> memref<328x128xf32, #tpu.memory_space<hbm>>
      %dma_start3A_1129 = arith.constant 0 : i32
      %dma_start3A_1130 = tpu.memref_slice %arg18[%mul3A_5, %dma_start3A_1129] : memref<5248x128xf32, #tpu.memory_space<vmem_shared>> -> memref<328x128xf32, #tpu.memory_space<vmem_shared>>
      tpu.enqueue_dma source(%dma_start3A_1130 : memref<328x128xf32, #tpu.memory_space<vmem_shared>>) target(%dma_start3A_1128 : memref<328x128xf32, #tpu.memory_space<hbm>>) target_semaphore(%run_scoped3A : memref<!tpu.dma_semaphore, #tpu.memory_space<semaphore_mem>>)
      %dma_wait3A_1131 = arith.constant 0 : i32
      %dma_wait3A_1132 = tpu.memref_slice %arg6[%arg0, %mul3A_5, %dma_wait3A_1131] : memref<2x5248x128xf32, #tpu.memory_space<hbm>> -> memref<1x328x128xf32, #tpu.memory_space<hbm>>
      %dma_wait3A_1133 = tpu.memref_squeeze %dma_wait3A_1132 : memref<1x328x128xf32, #tpu.memory_space<hbm>> -> memref<328x128xf32, #tpu.memory_space<hbm>>
      %dma_wait3A_1134 = arith.constant 0 : i32
      %dma_wait3A_1135 = tpu.memref_slice %arg18[%mul3A_5, %dma_wait3A_1134] : memref<5248x128xf32, #tpu.memory_space<vmem_shared>> -> memref<328x128xf32, #tpu.memory_space<vmem_shared>>
      tpu.wait_dma2 semaphore(%run_scoped3A : memref<!tpu.dma_semaphore, #tpu.memory_space<semaphore_mem>>) src(%dma_wait3A_1135 : memref<328x128xf32, #tpu.memory_space<vmem_shared>>) dst(%dma_wait3A_1133 : memref<328x128xf32, #tpu.memory_space<hbm>>)
      tpu.yield
    }) : () -> ()
    return
  }
}

module attributes {stable_mosaic.version = 14 : i64} {
  func.func @_tc_dense_body(%arg0: i32, %arg1: memref<1x1024x128xf32, #tpu.memory_space<vmem>>, %arg2: memref<1x1024x16xf32, #tpu.memory_space<vmem>>, %arg3: memref<128x128xf32, #tpu.memory_space<vmem>>, %arg4: memref<128xf32, #tpu.memory_space<vmem>>, %arg5: memref<128x16xf32, #tpu.memory_space<vmem>>, %arg6: memref<16xf32, #tpu.memory_space<vmem>>, %arg7: memref<1024x128xf32, #tpu.memory_space<vmem>>) attributes {dimension_semantics = [#tpu.dimension_semantics<arbitrary>], iteration_bounds = array<i64: 10>, scalar_prefetch = 0 : i64, scratch_operands = 0 : i64, tpu.core_type = #tpu.core_type<tc>, window_params = [{transform_indices = @transform_0, window_bounds = array<i64: 1, 1024, 128>}, {transform_indices = @transform_1, window_bounds = array<i64: 1, 1024, 16>}, {pipeline_mode = #tpu.pipeline_mode<synchronous>, transform_indices = @transform_2, window_bounds = array<i64: 128, 128>}, {pipeline_mode = #tpu.pipeline_mode<synchronous>, transform_indices = @transform_3, window_bounds = array<i64: 128>}, {pipeline_mode = #tpu.pipeline_mode<synchronous>, transform_indices = @transform_4, window_bounds = array<i64: 128, 16>}, {pipeline_mode = #tpu.pipeline_mode<synchronous>, transform_indices = @transform_5, window_bounds = array<i64: 16>}, {transform_indices = @transform_6, window_bounds = array<i64: 1024, 128>}]} {
    %get3A = arith.constant 0 : index
    %get3A_0 = arith.constant 0 : index
    %get3A_1 = arith.constant 0 : index
    %get3A_2 = vector.load %arg1[%get3A, %get3A_0, %get3A_1] : memref<1x1024x128xf32, #tpu.memory_space<vmem>>, vector<1x1024x128xf32>
    %get3A_3 = vector.shape_cast %get3A_2 : vector<1x1024x128xf32> to vector<1024x128xf32>
    %get3A_4 = arith.constant 0 : index
    %get3A_5 = arith.constant 0 : index
    %get3A_6 = arith.constant 0 : index
    %get3A_7 = vector.load %arg2[%get3A_4, %get3A_5, %get3A_6] : memref<1x1024x16xf32, #tpu.memory_space<vmem>>, vector<1x1024x16xf32>
    %get3A_8 = vector.shape_cast %get3A_7 : vector<1x1024x16xf32> to vector<1024x16xf32>
    %reduce_sum3A = arith.constant dense<0.000000e+00> : vector<1024xf32>
    %reduce_sum3A_9 = vector.multi_reduction <add>, %get3A_8, %reduce_sum3A [1] : vector<1024x16xf32> to vector<1024xf32>
    %broadcast_in_dim3A = vector.shape_cast %reduce_sum3A_9 : vector<1024xf32> to vector<1024x1xf32>
    %max3A = arith.constant 1.000000e+00 : f32
    %max3A_10 = vector.broadcast %max3A : f32 to vector<1024x1xf32>
    %max3A_11 = arith.maximumf %broadcast_in_dim3A, %max3A_10 : vector<1024x1xf32>
    %div3A = vector.broadcast %max3A_11 : vector<1024x1xf32> to vector<1024x128xf32>
    %div3A_12 = arith.divf %get3A_3, %div3A : vector<1024x128xf32>
    %get3A_13 = arith.constant 0 : index
    %get3A_14 = arith.constant 0 : index
    %get3A_15 = vector.load %arg3[%get3A_13, %get3A_14] : memref<128x128xf32, #tpu.memory_space<vmem>>, vector<128x128xf32>
    %dot_general3A = arith.constant dense<0.000000e+00> : vector<1024x128xf32>
    %dot_general3A_16 = tpu.matmul %div3A_12, %get3A_15, %dot_general3A {dimension_numbers = #tpu.dot_dimension_numbers<[1], [0], [0], [1], [0, 0, 1, 1], [], []>, transpose_lhs_hint = false} : vector<1024x128xf32>, vector<128x128xf32>, vector<1024x128xf32> -> vector<1024x128xf32>
    %get3A_17 = arith.constant 0 : index
    %get3A_18 = vector.load %arg4[%get3A_17] : memref<128xf32, #tpu.memory_space<vmem>>, vector<128xf32>
    %broadcast_in_dim3A_19 = vector.shape_cast %get3A_18 : vector<128xf32> to vector<1x128xf32>
    %add3A = vector.broadcast %broadcast_in_dim3A_19 : vector<1x128xf32> to vector<1024x128xf32>
    %add3A_20 = arith.addf %dot_general3A_16, %add3A : vector<1024x128xf32>
    %max3A_21 = arith.constant 0.000000e+00 : f32
    %max3A_22 = vector.broadcast %max3A_21 : f32 to vector<1024x128xf32>
    %max3A_23 = arith.maximumf %add3A_20, %max3A_22 : vector<1024x128xf32>
    %get3A_24 = arith.constant 0 : index
    %get3A_25 = arith.constant 0 : index
    %get3A_26 = vector.load %arg5[%get3A_24, %get3A_25] : memref<128x16xf32, #tpu.memory_space<vmem>>, vector<128x16xf32>
    %dot_general3A_27 = arith.constant dense<0.000000e+00> : vector<1024x16xf32>
    %dot_general3A_28 = tpu.matmul %max3A_23, %get3A_26, %dot_general3A_27 {dimension_numbers = #tpu.dot_dimension_numbers<[1], [0], [0], [1], [0, 0, 1, 1], [], []>, transpose_lhs_hint = false} : vector<1024x128xf32>, vector<128x16xf32>, vector<1024x16xf32> -> vector<1024x16xf32>
    %get3A_29 = arith.constant 0 : index
    %get3A_30 = vector.load %arg6[%get3A_29] : memref<16xf32, #tpu.memory_space<vmem>>, vector<16xf32>
    %broadcast_in_dim3A_31 = vector.shape_cast %get3A_30 : vector<16xf32> to vector<1x16xf32>
    %add3A_32 = vector.broadcast %broadcast_in_dim3A_31 : vector<1x16xf32> to vector<1024x16xf32>
    %add3A_33 = arith.addf %dot_general3A_28, %add3A_32 : vector<1024x16xf32>
    %broadcast_in_dim3A_34 = arith.constant 0.000000e+00 : f32
    %broadcast_in_dim3A_35 = vector.broadcast %broadcast_in_dim3A_34 : f32 to vector<1024x112xf32>
    %concatenate3A = tpu.concatenate %add3A_33, %broadcast_in_dim3A_35 in 1 : vector<1024x16xf32>, vector<1024x112xf32> -> vector<1024x128xf32>
    %swap3A = arith.constant 0 : index
    %swap3A_36 = arith.constant 0 : index
    %swap3A_37 = vector.load %arg7[%swap3A, %swap3A_36] : memref<1024x128xf32, #tpu.memory_space<vmem>>, vector<1024x128xf32>
    tpu.vector_store %arg7[%swap3A, %swap3A_36], %concatenate3A {strides = array<i32>} : memref<1024x128xf32, #tpu.memory_space<vmem>>, vector<1024x128xf32>,
    return
  }
  func.func @transform_0(%arg0: i32) -> (i32, i32, i32) {
    %jit3A = arith.constant 5 : i32
    %div3A = arith.divsi %arg0, %jit3A : i32
    %sign3A = arith.constant 0 : i32
    %sign3A_0 = arith.cmpi sgt, %arg0, %sign3A : i32
    %sign3A_1 = arith.extui %sign3A_0 : i1 to i32
    %sign3A_2 = arith.constant 0 : i32
    %sign3A_3 = arith.cmpi slt, %arg0, %sign3A_2 : i32
    %sign3A_4 = arith.extui %sign3A_3 : i1 to i32
    %sign3A_5 = arith.subi %sign3A_1, %sign3A_4 : i32
    %sign3A_6 = arith.constant 0 : i32
    %sign3A_7 = arith.cmpi sgt, %jit3A, %sign3A_6 : i32
    %sign3A_8 = arith.extui %sign3A_7 : i1 to i32
    %sign3A_9 = arith.constant 0 : i32
    %sign3A_10 = arith.cmpi slt, %jit3A, %sign3A_9 : i32
    %sign3A_11 = arith.extui %sign3A_10 : i1 to i32
    %sign3A_12 = arith.subi %sign3A_8, %sign3A_11 : i32
    %ne3A = arith.cmpi ne, %sign3A_5, %sign3A_12 : i32
    %rem3A = arith.remsi %arg0, %jit3A : i32
    %ne3A_13 = arith.constant 0 : i32
    %ne3A_14 = arith.cmpi ne, %rem3A, %ne3A_13 : i32
    %and3A = arith.andi %ne3A, %ne3A_14 : i1
    %sub3A = arith.constant 1 : i32
    %sub3A_15 = arith.subi %div3A, %sub3A : i32
    %select_n3A = arith.select %and3A, %sub3A_15, %div3A : i32
    %jit3A_16 = arith.constant 5 : i32
    %eq3A = arith.constant 0 : i32
    %eq3A_17 = arith.cmpi eq, %jit3A_16, %eq3A : i32
    %jit3A_18 = arith.constant 1 : i32
    %select_n3A_19 = arith.select %eq3A_17, %jit3A_18, %jit3A_16 : i32
    %rem3A_20 = arith.remsi %arg0, %select_n3A_19 : i32
    %ne3A_21 = arith.constant 0 : i32
    %ne3A_22 = arith.cmpi ne, %rem3A_20, %ne3A_21 : i32
    %lt3A = arith.constant 0 : i32
    %lt3A_23 = arith.cmpi slt, %rem3A_20, %lt3A : i32
    %lt3A_24 = arith.constant 0 : i32
    %lt3A_25 = arith.cmpi slt, %select_n3A_19, %lt3A_24 : i32
    %ne3A_26 = arith.xori %lt3A_23, %lt3A_25 : i1
    %and3A_27 = arith.andi %ne3A_26, %ne3A_22 : i1
    %add3A = arith.addi %rem3A_20, %select_n3A_19 : i32
    %select_n3A_28 = arith.select %and3A_27, %add3A, %rem3A_20 : i32
    %c0_i32 = arith.constant 0 : i32
    %c0_i32_29 = arith.constant 0 : i32
    return %select_n3A, %select_n3A_28, %c0_i32 : i32, i32, i32
  }
  func.func @transform_1(%arg0: i32) -> (i32, i32, i32) {
    %jit3A = arith.constant 5 : i32
    %div3A = arith.divsi %arg0, %jit3A : i32
    %sign3A = arith.constant 0 : i32
    %sign3A_0 = arith.cmpi sgt, %arg0, %sign3A : i32
    %sign3A_1 = arith.extui %sign3A_0 : i1 to i32
    %sign3A_2 = arith.constant 0 : i32
    %sign3A_3 = arith.cmpi slt, %arg0, %sign3A_2 : i32
    %sign3A_4 = arith.extui %sign3A_3 : i1 to i32
    %sign3A_5 = arith.subi %sign3A_1, %sign3A_4 : i32
    %sign3A_6 = arith.constant 0 : i32
    %sign3A_7 = arith.cmpi sgt, %jit3A, %sign3A_6 : i32
    %sign3A_8 = arith.extui %sign3A_7 : i1 to i32
    %sign3A_9 = arith.constant 0 : i32
    %sign3A_10 = arith.cmpi slt, %jit3A, %sign3A_9 : i32
    %sign3A_11 = arith.extui %sign3A_10 : i1 to i32
    %sign3A_12 = arith.subi %sign3A_8, %sign3A_11 : i32
    %ne3A = arith.cmpi ne, %sign3A_5, %sign3A_12 : i32
    %rem3A = arith.remsi %arg0, %jit3A : i32
    %ne3A_13 = arith.constant 0 : i32
    %ne3A_14 = arith.cmpi ne, %rem3A, %ne3A_13 : i32
    %and3A = arith.andi %ne3A, %ne3A_14 : i1
    %sub3A = arith.constant 1 : i32
    %sub3A_15 = arith.subi %div3A, %sub3A : i32
    %select_n3A = arith.select %and3A, %sub3A_15, %div3A : i32
    %jit3A_16 = arith.constant 5 : i32
    %eq3A = arith.constant 0 : i32
    %eq3A_17 = arith.cmpi eq, %jit3A_16, %eq3A : i32
    %jit3A_18 = arith.constant 1 : i32
    %select_n3A_19 = arith.select %eq3A_17, %jit3A_18, %jit3A_16 : i32
    %rem3A_20 = arith.remsi %arg0, %select_n3A_19 : i32
    %ne3A_21 = arith.constant 0 : i32
    %ne3A_22 = arith.cmpi ne, %rem3A_20, %ne3A_21 : i32
    %lt3A = arith.constant 0 : i32
    %lt3A_23 = arith.cmpi slt, %rem3A_20, %lt3A : i32
    %lt3A_24 = arith.constant 0 : i32
    %lt3A_25 = arith.cmpi slt, %select_n3A_19, %lt3A_24 : i32
    %ne3A_26 = arith.xori %lt3A_23, %lt3A_25 : i1
    %and3A_27 = arith.andi %ne3A_26, %ne3A_22 : i1
    %add3A = arith.addi %rem3A_20, %select_n3A_19 : i32
    %select_n3A_28 = arith.select %and3A_27, %add3A, %rem3A_20 : i32
    %c0_i32 = arith.constant 0 : i32
    %c0_i32_29 = arith.constant 0 : i32
    return %select_n3A, %select_n3A_28, %c0_i32 : i32, i32, i32
  }
  func.func @transform_2(%arg0: i32) -> (i32, i32) {
    %c0_i32 = arith.constant 0 : i32
    %c0_i32_0 = arith.constant 0 : i32
    %c0_i32_1 = arith.constant 0 : i32
    return %c0_i32, %c0_i32_0 : i32, i32
  }
  func.func @transform_3(%arg0: i32) -> i32 {
    %c0_i32 = arith.constant 0 : i32
    %c0_i32_0 = arith.constant 0 : i32
    return %c0_i32 : i32
  }
  func.func @transform_4(%arg0: i32) -> (i32, i32) {
    %c0_i32 = arith.constant 0 : i32
    %c0_i32_0 = arith.constant 0 : i32
    %c0_i32_1 = arith.constant 0 : i32
    return %c0_i32, %c0_i32_0 : i32, i32
  }
  func.func @transform_5(%arg0: i32) -> i32 {
    %c0_i32 = arith.constant 0 : i32
    %c0_i32_0 = arith.constant 0 : i32
    return %c0_i32 : i32
  }
  func.func @transform_6(%arg0: i32) -> (i32, i32) {
    %c0_i32 = arith.constant 0 : i32
    %c0_i32_0 = arith.constant 0 : i32
    return %arg0, %c0_i32 : i32, i32
  }
}

</mosaic_0001>

<sc_bundles>
// kernel: kernel.5.cloned.1.call-start
scs
__scs_entry_jumppad:
0x0: {  	(pc) =	sbr.rel $0x88, $3  }
0x1: {  	(tag) =	ssettag $0x0;
	lr =	simm.s32 $0x1  }
0x2: {  	[smem:$0x3F9A] =	sst lr;
	_ =	strace $0xD0000000  }
0x3: {  	_ = 	snop  }
0x4: {  	_ = 	snop  }
0x5: {  	_ = 	snop  }
0x6: {  	_ = 	snop  }
0x7: {  	_ = 	snop  }
__scs_overlays_trampoline_lowered:
0x8: {  	[smem:$0x3FA9] =	sst s0  }
0x9: {  	[smem:$0x3FAA] =	sst s1  }
0xa: {  	[smem:$0x3FAB] =	sst s2  }
0xb: {  	[smem:$0x3FAC] =	sst s3  }
0xc: {  	[smem:$0x3FAD] =	sst s4  }
0xd: {  	[smem:$0x3FAE] =	sst s5  }
0xe: {  	[smem:$0x3FAF] =	sst s6  }
0xf: {  	[smem:$0x3FB0] =	sst s7  }
0x10: {  	[smem:$0x3FB1] =	sst s8  }
0x11: {  	[smem:$0x3FB2] =	sst s9;
	s0 =	simm.s32 @!p0 $0x0  }
0x12: {  	s1 =	sld [smem:$0x3F98];
	s0 =	simm.s32 @p0 $0x1  }
0x13: {  	[smem:$0x3FB3] =	sst s0;
	s0 =	simm.s32 @!p1 $0x0  }
0x14: {  	s2 =	sld [smem:$0x3F97];
	s0 =	simm.s32 @p1 $0x1  }
0x15: {  	[smem:$0x3FB4] =	sst s0;
	s0 =	simm.s32 @!p2 $0x0  }
0x16: {  	s3 =	sld [smem:$0x3FDB];
	s0 =	simm.s32 @p2 $0x1  }
0x17: {  	s4 =	simm.s32 $0x1BF5;
	[smem:$0x3FB6] =	sst s0  }
0x18: {  	s0 =	sld [smem:$0x3F99];
	_ =	swait.ge [sflag:s4], $0x0  }
0x19: {  	s7 =	sld [smem:$0x3F9A]  }
0x1a: {  	s8 =	sadd.s32 $0xFFFFE003, lr  }
0x1b: {  	s9 =	sadd.s32 $0xFFFFFEF7, lr;
	s5 =	simm.s32 $0xFFFFFFFF;
	p2 =	slt.u32 s8, $0xFFFFF086  }
0x1c: {  	p1 =	slt.u32 s9, $0xF7A;
	s5 =	simm.s32 @!p2 $0x0  }
0x1d: {  	s5 =	simm.s32 @p1 $0x1;
	p0 =	seq.s32 s7, s2  }
0x1e: {  	s7 =	smul.u32 @!p0 $0xF7A, s2;
	p2 =	seq.s32 @!p0 s5, $0x0  }
0x1f: {  	s9 =	smul.u32 $0xF7A, s1;
	s8 =	simm.s32 @!p0 $0x1BF5;
	p2 =	por !p2, p0  }
0x20: {  	[sflag:s8] =	ssyncset.s32 @!p0 $0xFFFFF086;
	s6 =	sadd.s32 @!p0 s3, s7;
	s7 =	simm.s32 @!p0 $0x108  }
0x21: {  	s3 =	sadd.s32 s3, s9;
	s6 =	sadd.s32 @!p0 $0x88, s6;
	s7 =	simm.s32 @p2 $0x1082  }
0x22: {  	[simem:s7], [sflag:s8] =	dma.local @!p0 [hbm:s6], $0xF7A  }
0x23: {  	s9 =	sor.u32 $0xD0000000, s2;
	s6 =	simm.s32 $0x108;
	_ =	swait.ge @!p0 [sflag:s8], $0x0  }
0x24: {  	s3 =	sadd.s32 $0x88, s3;
	s6 =	simm.s32 @!p1 $0x1082;
	[sflag:s4] =	ssyncset.s32 $0xFFFFF086  }
0x25: {  	[simem:s6], [sflag:s4] =	dma.local [hbm:s3], $0xF7A  }
0x26: {  	[smem:$0x3F9A] =	sst s1;
	(tag) =	ssettag s2;
	_ =	strace s9  }
0x27: {  	s1 =	sld [smem:$0x3FAA]  }
0x28: {  	s2 =	sld [smem:$0x3FAB]  }
0x29: {  	s4 =	sld [smem:$0x3FAD]  }
0x2a: {  	p0 =	seq.s32 s5, $0x0;
	s5 =	sld [smem:$0x3FAE]  }
0x2b: {  	s6 =	sld [smem:$0x3FAF]  }
0x2c: {  	s7 =	sld [smem:$0x3FB0]  }
0x2d: {  	s3 =	simm.s32 $0x108;
	s8 =	sld [smem:$0x3FB1]  }
0x2e: {  	s3 =	simm.s32 @!p0 $0x1082;
	s9 =	sld [smem:$0x3FB2]  }
0x2f: {  	lr =	sadd.s32 s0, s3;
	s0 =	sld [smem:$0x3FA9]  }
0x30: {  	s3 =	sld [smem:$0x3FAC]  }
0x31: {  	[smem:$0x3FB5] =	sst s10  }
0x32: {  	s10 =	sld [smem:$0x3FB3];
	_ =	sdelay $0x3  }
0x33: {  	p0 =	seq.s32 s10, $0x1;
	s10 =	sld [smem:$0x3FB5];
	_ =	sdelay $0x3  }
0x34: {  	[smem:$0x3FB5] =	sst s10  }
0x35: {  	s10 =	sld [smem:$0x3FB4];
	_ =	sdelay $0x3  }
0x36: {  	p1 =	seq.s32 s10, $0x1;
	s10 =	sld [smem:$0x3FB5];
	_ =	sdelay $0x3  }
0x37: {  	[smem:$0x3FB5] =	sst s10  }
0x38: {  	s10 =	sld [smem:$0x3FB6]  }
0x39: {  	_ = 	snop;
	(pc) =	sbr.ind lr, $3  }
0x3a: {  	_ = 	snop  }
0x3b: {  	_ = 	snop  }
0x3c: {  	p2 =	seq.s32 s10, $0x1;
	s10 =	sld [smem:$0x3FB5]  }
0x3d: {  	_ =	shalt  }
0x3e: {  	_ =	shalt  }
0x3f: {  	_ =	shalt  }
0x40: {  	_ =	shalt  }
0x41: {  	_ =	shalt  }
0x42: {  	_ =	shalt  }
0x43: {  	_ =	shalt  }
0x44: {  	_ =	shalt  }
0x45: {  	_ =	shalt  }
0x46: {  	_ =	shalt  }
0x47: {  	_ =	shalt  }
0x48: {  	_ =	shalt  }
0x49: {  	_ =	shalt  }
0x4a: {  	_ =	shalt  }
0x4b: {  	_ =	shalt  }
0x4c: {  	_ =	shalt  }
0x4d: {  	_ =	shalt  }
0x4e: {  	_ =	shalt  }
0x4f: {  	_ =	shalt  }
0x50: {  	_ =	shalt  }
0x51: {  	_ =	shalt  }
0x52: {  	_ =	shalt  }
0x53: {  	_ =	shalt  }
0x54: {  	_ =	shalt  }
0x55: {  	_ =	shalt  }
0x56: {  	_ =	shalt  }
0x57: {  	_ =	shalt  }
0x58: {  	_ =	shalt  }
0x59: {  	_ =	shalt  }
0x5a: {  	_ =	shalt  }
0x5b: {  	_ =	shalt  }
0x5c: {  	_ =	shalt  }
0x5d: {  	_ =	shalt  }
0x5e: {  	_ =	shalt  }
0x5f: {  	_ =	shalt  }
0x60: {  	_ =	shalt  }
0x61: {  	_ =	shalt  }
0x62: {  	_ =	shalt  }
0x63: {  	_ =	shalt  }
0x64: {  	_ =	shalt  }
0x65: {  	_ =	shalt  }
0x66: {  	_ =	shalt  }
0x67: {  	_ =	shalt  }
0x68: {  	_ =	shalt  }
0x69: {  	_ =	shalt  }
0x6a: {  	_ =	shalt  }
0x6b: {  	_ =	shalt  }
0x6c: {  	_ =	shalt  }
0x6d: {  	_ =	shalt  }
0x6e: {  	_ =	shalt  }
0x6f: {  	_ =	shalt  }
0x70: {  	_ =	shalt  }
0x71: {  	_ =	shalt  }
0x72: {  	_ =	shalt  }
0x73: {  	_ =	shalt  }
0x74: {  	_ =	shalt  }
0x75: {  	_ =	shalt  }
0x76: {  	_ =	shalt  }
0x77: {  	_ =	shalt  }
0x78: {  	_ =	shalt  }
0x79: {  	_ =	shalt  }
0x7a: {  	_ =	shalt  }
0x7b: {  	_ =	shalt  }
0x7c: {  	_ =	shalt  }
0x7d: {  	_ =	shalt  }
0x7e: {  	_ =	shalt  }
0x7f: {  	_ =	shalt  }
0x80: {  	_ =	shalt  }
0x81: {  	_ =	shalt  }
0x82: {  	_ =	shalt  }
0x83: {  	_ =	shalt  }
0x84: {  	_ =	shalt  }
0x85: {  	_ =	shalt  }
0x86: {  	_ =	shalt  }
0x87: {  	_ =	shalt  }
.Lfunc_end0:
.L_simem_size_0:
called_computation_lowered:
.L_overlay_start_0:
0x88: {  	s2 =	sld [smem:$0x3FD9]  }
0x89: {  	s3 =	sld [smem:$0x3FFE];
	_ =	sdelay $0x1  }
0x8a: {  	s1 =	srdreg.scid  }
0x8b: {  	s0 =	sand.u32 $0x1, s1  }
0x8c: {  	s17 =	sshll.u32 s0, $0xA;
	s2 =	sadd.s32 s3, s2  }
0x8d: {  	s2 =	sadd.s32 s2, s17  }
0x8e: {  	[smem:$0x3FC1] =	sst s2  }
0x8f: {  	_ = 	snop  }
0x90: {  	s2 =	sld [smem:$0x3FC9]  }
0x91: {  	s18 =	sld [smem:$0x3FC7];
	(tm) =	ssettm $0x1  }
0x92: {  	s4 =	sld [smem:$0x3FFB];
	_ =	sdelay $0x3  }
0x93: {  	_ =	strace s4  }
0x94: {  	s4 =	sld [smem:$0x3FFC];
	_ =	sdelay $0x3  }
0x95: {  	_ =	strace s4  }
0x96: {  	s4 =	sld [smem:$0x3FFD];
	_ =	sdelay $0x3  }
0x97: {  	_ =	strace s4  }
0x98: {  	_ =	strace $0x8FFFFFFF  }
0x99: {  	s19 =	sld [smem:$0x3FDB];
	_ =	sdelay $0x1  }
0x9a: {  	s5 =	simm.s32 $_scs_section_size  }
0x9b: {  	s6 =	simm.s32 $_size__tile_overlayer_lowered;
	s7 =	simm.s32 $_tile_overlayer_lowered  }
0x9c: {  	s22 =	simm.s32 $0x1BFF;
	s21 =	sshll.u32 s7, $0x1;
	s4 =	sadd.s32 s5, s19  }
0x9d: {  	s8 =	simm.s32 $0x0;
	s20 =	sshll.u32 s6, $0x1;
	s6 =	sadd.s32 s21, s4  }
0x9e: {  	[timem:s8], [sflag:s22] =	dma.local [hbm:s6], s20  }
0x9f: {  	_ =	swait.ge [sflag:s22], s20  }
0xa0: {  	s5 =	ssub.s32 $0x0, s20;
	[sflag:s22] =	ssyncset.done $0x0  }
0xa1: {  	[sflag:s22] =	ssyncadd.s32 s5;
	_ =	sdelay $0x1  }
0xa2: {  	s23 =	simm.s32 $0x1B8B  }
0xa3: {  	_ =	swait.ge [sflag:s23], $0x1  }
0xa4: {  	[sflag:s23] =	ssyncset.done $0x0  }
0xa5: {  	s25 =	simm.s32 $0x1B8E;
	s24 =	sld [smem:$0x3FFE];
	[sflag:s23] =	ssyncadd.s32 $0xFFFFFFFF  }
0xa6: {  	s26 =	simm.s32 $execute0_lowered;
	[smem:$0x3FD2] =	sst s25  }
0xa7: {  	s6 =	sshll.u32 s26, $0x1;
	_ =	strace $0x80000046;
	[dreg:$0x1] =	wrdreg $0xFFFFFFFF  }
0xa8: {  	s28 =	simm.s32 $_size_execute0_lowered;
	s4 =	sadd.s32 s4, s6;
	[dreg:$0x0] =	wrdreg $0x0  }
0xa9: {  	s6 =	sshll.u32 s28, $0x1;
	[dreg:$0x2] =	wrdreg s4  }
0xaa: {  	[dreg:$0x3] =	wrdreg s6  }
0xab: {  	[dreg:$0x4] =	wrdreg $0xC0  }
0xac: {  	_ =	task [dreg:s8], $0x5FFFF  }
0xad: {  	[dreg:$0x1] =	wrdreg $0xFFFFFFFF  }
0xae: {  	[dreg:$0x0] =	wrdreg $0x60  }
0xaf: {  	[dreg:$0x2] =	wrdreg s24  }
0xb0: {  	[dreg:$0x3] =	wrdreg s18  }
0xb1: {  	[dreg:$0x4] =	wrdreg s2  }
0xb2: {  	[dreg:$0x5] =	wrdreg $0x120000  }
0xb3: {  	[dreg:$0x6] =	wrdreg $0x9  }
0xb4: {  	_ =	task.clear_ibuf [dreg:s8], $0x7FFFF;
	_ =	strace $0x90000046  }
0xb5: {  	s29 =	simm.s32 $0x9;
	_ =	strace $0x80000048  }
0xb6: {  	_ =	swait.ge [sflag:s29], $0x1  }
0xb7: {  	[sflag:s29] =	ssyncadd.s32 $0xFFFFFFFF  }
0xb8: {  	_ =	strace $0x90000048  }
0xb9: {  	_ =	sfence  }
0xba: {  	s30 =	sld [smem:$0x0];
	_ =	sdelay $0x2  }
0xbb: {  	s31 =	sshll.u32 s1, $0xD;
	s1 =	sshrl.u32 s1, $0x2  }
0xbc: {  	s3 =	sand.u32 $0x4000, s31;
	s1 =	sadd.s32 s1, s30  }
0xbd: {  	s0 =	sor.u32 s3, s0;
	s1 =	sshll.u32 s1, $0x11  }
0xbe: {  	s0 =	sor.u32 s1, s0  }
0xbf: {  	s0 =	sadd.s32 $0x8F2B, s0  }
0xc0: {  	[sflag:s0] =	ssyncadd.remote.s32 $0x1  }
0xc1: {  	_ =	sfence.sel $0xFFFF  }
0xc2: {  	[dreg:$0x0] =	wrdreg $0xFFFFFFFF;
	(pc) =	sbr.abs _section_cstart, $3  }
0xc3: {  	[dreg:$0x1] =	wrdreg $0xFFFFFFFF  }
0xc4: {  	_ =	task.clear_ibuf [dreg:s8], $0x2FFFF;
	_ =	strace $0x9FFFFFFF  }
0xc5: {  	(tm) =	ssettm $0x7FFFFFFF  }
tec
execute0_lowered:
.L_overlay_start_1:
0x0: {  	(tag) =	ssettag $0x1  }
0x1: {  	s0 =	rddreg [dreg:$0x0]  }
0x2: {  	s3 =	rddreg [dreg:$0x2]  }
0x3: {  	s1 =	srdreg.scid;
	s11 =	stileid.u32  }
0x4: {  	s4 =	rddreg [dreg:$0x3];
	s5 =	simm.s32 $0x0;
	s6 =	smul.u32 $0xA400, s11  }
0x5: {  	s28 =	simm.s32 $0x1;
	s1 =	sand.u32 $0x1, s1;
	s13 =	smul.u32 $0x29000, s11  }
0x6: {  	s8 =	sshrl.u32 s11, $0x3;
	s10 =	sshll.u32 s11, $0x7;
	s11 =	smul.u32 $0x4E20, s11  }
0x7: {  	s31 =	simm.s32 $0x6B80;
	s29 =	simm.s32 $0x2;
	s2 =	smul.u32 $0xA4000, s1  }
0x8: {  	s30 =	simm.s32 $0x0;
	[smem:$0x7FF] =	sst s5;
	s7 =	smul.u32 $0x14800, s1  }
0x9: {  	s9 =	sadd.s32 $0xAE00, s0;
	s8 =	smul.u32 $0xA400, s8;
	_ =	strace $0x80000047  }
0xa: {  	s12 =	sand.u32 $0x380, s10;
	s14 =	ssub.s32 $0x2, s1;
	s23 =	smul.u32 $0x1400, s1  }
0xb: {  	s1 =	smul.u32 $0xFFFFEC00, s1;
	s17 =	sshrl.u32 s11, $0x3;
	s2 =	sadd.s32 s6, s2  }
0xc: {  	s8 =	sadd.s32 s7, s8;
	s7 =	sshrl.u32 s13, $0x2;
	s19 =	sadd.s32 s9, s17  }
0xd: {  	s20 =	sadd.s32 $0x1F4, s17;
	s24 =	sadd.s32 $0x3E8, s17;
	s25 =	sadd.s32 $0x5DC, s17  }
0xe: {  	s10 =	sadd.s32 $0x7D0, s17;
	v0 =	vmov s23;
	v1 =	vmov s1;
	s23 =	simm.s32 $0x2B80;
	s1 =	simm.s32 $0x7B80  }
0xf: {  	s2 =	sshrl.u32 s2, $0x3;
	s6 =	sor.u32 s12, s8;
	s8 =	sadd.s32 $0x1000, s0  }
0x10: {  	s12 =	sshrl.u32 s14, $0x1;
	[dreg:$0x7] =	wrdreg s19;
	s22 =	sadd.s32 s9, s20  }
0x11: {  	s13 =	sadd.s32 s9, s24;
	s26 =	sadd.s32 s9, s25;
	s2 =	sadd.s32 s2, s0  }
0x12: {  	s6 =	sshrl.u32 s6, $0x3;
	s15 =	ssub.s32 s14, s12;
	[dreg:$0x9] =	wrdreg s22  }
0x13: {  	s21 =	sadd.s32 s8, s17;
	s11 =	sadd.s32 s8, s20;
	[dreg:$0xb] =	wrdreg s13  }
0x14: {  	[dreg:$0xd] =	wrdreg s26;
	s17 =	sadd.s32 s9, s10;
	s22 =	simm.s32 $0xA000  }
0x15: {  	s26 =	simm.s32 $0x6;
	s0 =	sadd.s32 s6, s0;
	[dreg:$0x8] =	wrdreg s21  }
0x16: {  	s6 =	sadd.s32 s7, s4;
	[dreg:$0xa] =	wrdreg s11;
	s11 =	sadd.s32 s8, s24  }
.Ltmp0:
0x17: {  	v2 =	vimm.f32 $0.0e+00;
	s20 =	sadd.s32 $0x19E00, s2;
	s21 =	smax.u32 s15, $0x1;
	(pc) =	sbr.rel .LBB2_1-.Ltmp0, $4  }
0x18: {  	v3 =	vimm.s32 $0x0;
	v4 =	vimm.s32 $0x1;
	v5 =	vlaneseq.u32;
	s24 =	simm.s32 $0x4B80;
	s16 =	sadd.s32 $0x4000, s6;
	[dreg:$0xc] =	wrdreg s11  }
0x19: {  	v6 =	vimm.f32 $1.000000000e+00;
	v7 =	vimm.s32 $0x1400;
	v8 =	vor.u32 $0x10, v5;
	s2 =	simm.s32 $0x80;
	s18 =	sadd.s32 $0x8000, s6;
	[dreg:$0x5] =	wrdreg s16  }
0x1a: {  	v9 =	vor.u32 $0x20, v5;
	v10 =	vor.u32 $0x30, v5;
	v11 =	vor.u32 $0x40, v5;
	s19 =	sadd.s32 $0x14C00, s0;
	s0 =	simm.s32 $0x8B80;
	[dreg:$0x6] =	wrdreg s18  }
0x1b: {  	v12 =	vor.u32 $0x50, v5;
	v13 =	vor.u32 $0x60, v5;
	v14 =	vor.u32 $0x70, v5;
	s16 =	sadd.s32 s8, s25;
	s18 =	sadd.s32 s8, s10;
	s25 =	simm.s32 $0x5  }
.LBB2_48:
0x1c: {  	_ =	swait.ge @p0 [sflag:s12], $0x4000  }
0x1d: {  	s8 =	simm.s32 @!p0 $0x3;
	[sflag:s12] =	ssyncset.done @p0 $0x0  }
0x1e: {  	s10 =	simm.s32 @p0 $0xE000;
	s11 =	simm.s32 @p0 $0x80;
	[sflag:s12] =	ssyncadd.s32 @p0 $0xFFFFC000  }
0x1f: {  	[spmem:s4] =	stream.indirect.scatter.add.f32 @p0 [tilespmem:s10], [sflag:$0x6], $0x80, s7, s11, $0xb8;
	[tilespmem:$0x1C400] =	vst v63  }
0x20: {  	_ =	swait.ge @!p0 [sflag:s8], $0x4000  }
0x21: {  	s9 =	simm.s32 @p0 $0x6;
	[sflag:s8] =	ssyncset.done @!p0 $0x0  }
0x22: {  	s10 =	simm.s32 @!p0 $0xA000;
	s11 =	simm.s32 @!p0 $0x80;
	[sflag:s8] =	ssyncadd.s32 @!p0 $0xFFFFC000  }
0x23: {  	[spmem:s4] =	stream.indirect.scatter.add.f32 @!p0 [tilespmem:s10], [sflag:$0x7], $0x80, s7, s11, $0xb8;
	[tilespmem:$0x1C400] =	vst v63  }
0x24: {  	_ =	swait.ge [sflag:s9], $0x4000  }
0x25: {  	[sflag:s9] =	ssyncset.done $0x0  }
0x26: {  	[sflag:s9] =	ssyncadd.s32 $0xFFFFC000  }
.LBB2_49:
0x27: {  	s7 =	simm.s32 $0x400  }
0x28: {  	[hbm4b:s19+s2] =	stream.strided.scatter [tilespmem:s0], [sflag:$0x6], $0x1480, s7, s2, $0x38;
	[tilespmem:$0x1C400] =	vst v63  }
0x29: {  	s15 =	stileid.u32;
	_ =	swait.ge [sflag:s26], $0x1480  }
0x2a: {  	s8 =	sshrl.u32 s6, $0x3;
	s30 =	sadd.s32 $0x1, s30;
	[sflag:s26] =	ssyncset.done $0x0  }
0x2b: {  	s7 =	sshll.u32 s15, $0x6;
	p0 =	sne.s32 s30, s21;
	[sflag:s26] =	ssyncadd.s32 $0xFFFFEB80  }
.Ltmp1:
0x2c: {  	s7 =	sor.u32 $0x1C06, s7;
	[bflag:$0x0] =	sbarrier.arrive $0xFFFF;
	(pc) =	sbr.rel @!p0 .LBB2_50-.Ltmp1, $4  }
0x2d: {  	[hbm:s20], [sflag:s7] =	dma.local [spmem:s8], $0x1480  }
0x2e: {  	_ =	swait.ge [sflag:s26], $0x1480  }
0x2f: {  	[sflag:s26] =	ssyncset.done $0x0  }
0x30: {  	[sflag:s26] =	ssyncadd.s32 $0xFFFFEB80  }
.LBB2_1:
0x31: {  	s7 =	simm.s32 $0xA100  }
0x32: {  	[tilespmem:s7+$0xFFFFFF00] =	vst v2  }
0x33: {  	[tilespmem:s7+$0xF0] =	vst v2  }
0x34: {  	[tilespmem:s7+$0xE0] =	vst v2  }
0x35: {  	[tilespmem:s7+$0xD0] =	vst v2  }
0x36: {  	[tilespmem:s7+$0xC0] =	vst v2  }
0x37: {  	[tilespmem:s7+$0xB0] =	vst v2  }
0x38: {  	[tilespmem:s7+$0xA0] =	vst v2  }
0x39: {  	[tilespmem:s7+$0x90] =	vst v2  }
0x3a: {  	[tilespmem:s7+$0x80] =	vst v2  }
0x3b: {  	[tilespmem:s7+$0x70] =	vst v2  }
0x3c: {  	[tilespmem:s7+$0x60] =	vst v2  }
0x3d: {  	[tilespmem:s7+$0x50] =	vst v2  }
0x3e: {  	[tilespmem:s7+$0x40] =	vst v2  }
0x3f: {  	[tilespmem:s7+$0x30] =	vst v2  }
0x40: {  	[tilespmem:s7+$0x20] =	vst v2  }
0x41: {  	[tilespmem:s7+$0x10] =	vst v2  }
0x42: {  	[tilespmem:s7+$0x0] =	vst v2  }
0x43: {  	[tilespmem:s7+$0xFFFFFFF0] =	vst v2  }
0x44: {  	[tilespmem:s7+$0xFFFFFFE0] =	vst v2  }
0x45: {  	[tilespmem:s7+$0xFFFFFFD0] =	vst v2  }
0x46: {  	[tilespmem:s7+$0xFFFFFFC0] =	vst v2  }
0x47: {  	[tilespmem:s7+$0xFFFFFFB0] =	vst v2  }
0x48: {  	[tilespmem:s7+$0xFFFFFFA0] =	vst v2  }
0x49: {  	[tilespmem:s7+$0xFFFFFF90] =	vst v2  }
0x4a: {  	[tilespmem:s7+$0xFFFFFF80] =	vst v2  }
0x4b: {  	[tilespmem:s7+$0xFFFFFF70] =	vst v2  }
0x4c: {  	[tilespmem:s7+$0xFFFFFF60] =	vst v2  }
0x4d: {  	[tilespmem:s7+$0xFFFFFF50] =	vst v2  }
0x4e: {  	[tilespmem:s7+$0xFFFFFF40] =	vst v2  }
0x4f: {  	[tilespmem:s7+$0xFFFFFF30] =	vst v2  }
0x50: {  	s8 =	simm.s32 $0x0;
	[tilespmem:s7+$0xFFFFFF20] =	vst v2  }
.LBB2_2:
0x51: {  	s8 =	sadd.s32 $0x4, s8;
	[tilespmem:s7+$0xFFFFFF10] =	vst v2;
	s7 =	sadd.s32 $0x200, s7  }
0x52: {  	[tilespmem:s7+$0xFFFFFF00] =	vst v2;
	p0 =	slt.u32 s8, $0x7C  }
0x53: {  	[tilespmem:s7+$0xF0] =	vst v2  }
0x54: {  	[tilespmem:s7+$0xE0] =	vst v2  }
0x55: {  	[tilespmem:s7+$0xD0] =	vst v2  }
0x56: {  	[tilespmem:s7+$0xC0] =	vst v2  }
0x57: {  	[tilespmem:s7+$0xB0] =	vst v2  }
0x58: {  	[tilespmem:s7+$0xA0] =	vst v2  }
0x59: {  	[tilespmem:s7+$0x90] =	vst v2  }
0x5a: {  	[tilespmem:s7+$0x80] =	vst v2  }
0x5b: {  	[tilespmem:s7+$0x70] =	vst v2  }
0x5c: {  	[tilespmem:s7+$0x60] =	vst v2  }
0x5d: {  	[tilespmem:s7+$0x50] =	vst v2  }
0x5e: {  	[tilespmem:s7+$0x40] =	vst v2  }
0x5f: {  	[tilespmem:s7+$0x30] =	vst v2  }
0x60: {  	[tilespmem:s7+$0x20] =	vst v2  }
0x61: {  	[tilespmem:s7+$0x10] =	vst v2  }
0x62: {  	[tilespmem:s7+$0x0] =	vst v2  }
0x63: {  	[tilespmem:s7+$0xFFFFFFF0] =	vst v2  }
0x64: {  	[tilespmem:s7+$0xFFFFFFE0] =	vst v2  }
0x65: {  	[tilespmem:s7+$0xFFFFFFD0] =	vst v2  }
0x66: {  	[tilespmem:s7+$0xFFFFFFC0] =	vst v2  }
0x67: {  	[tilespmem:s7+$0xFFFFFFB0] =	vst v2  }
0x68: {  	[tilespmem:s7+$0xFFFFFFA0] =	vst v2  }
0x69: {  	[tilespmem:s7+$0xFFFFFF90] =	vst v2  }
0x6a: {  	[tilespmem:s7+$0xFFFFFF80] =	vst v2  }
0x6b: {  	[tilespmem:s7+$0xFFFFFF70] =	vst v2  }
.Ltmp2:
0x6c: {  	[tilespmem:s7+$0xFFFFFF60] =	vst v2;
	(pc) =	sbr.rel @p0 .LBB2_2-.Ltmp2, $4  }
0x6d: {  	[tilespmem:s7+$0xFFFFFF50] =	vst v2  }
0x6e: {  	[tilespmem:s7+$0xFFFFFF40] =	vst v2  }
0x6f: {  	[tilespmem:s7+$0xFFFFFF30] =	vst v2  }
0x70: {  	[tilespmem:s7+$0xFFFFFF20] =	vst v2  }
0x71: {  	[tilespmem:s7+$0xFFFFFF10] =	vst v2  }
0x72: {  	[spmem:s6] =	stream.linear.scatter [tilespmem:s22], [sflag:$0x5], $0x4000, $0x38;
	[tilespmem:$0x1C400] =	vst v63  }
0x73: {  	s7 =	rddreg [dreg:$0x5]  }
0x74: {  	[spmem:s7] =	stream.linear.scatter [tilespmem:s22], [sflag:$0x5], $0x4000, $0x38;
	[tilespmem:$0x1C400] =	vst v63  }
0x75: {  	s13 =	rddreg [dreg:$0x6]  }
0x76: {  	[spmem:s13] =	stream.linear.scatter [tilespmem:s22], [sflag:$0x5], $0x2400, $0x38;
	[tilespmem:$0x1C400] =	vst v63  }
0x77: {  	s14 =	rddreg [dreg:$0x7]  }
0x78: {  	[tilespmem:s23], [sflag:$0x1] =	stream.linear.gather [hbm4b:s14+s5], $0xFA0, $0x38;
	[tilespmem:$0x1C400] =	vst v63  }
0x79: {  	s8 =	simm.s32 $0x8BA0;
	s15 =	rddreg [dreg:$0x8]  }
0x7a: {  	[tilespmem:s24], [sflag:$0x1] =	stream.linear.gather [hbm4b:s15+s5], $0xFA0, $0x38;
	[tilespmem:$0x1C400] =	vst v63  }
0x7b: {  	[tilespmem:s8+$0xFFFFFFE0] =	vst v2  }
0x7c: {  	[tilespmem:s8+$0x10] =	vst v2  }
0x7d: {  	s9 =	simm.s32 $0x0;
	[tilespmem:s8+$0x0] =	vst v2  }
.LBB2_4:
0x7e: {  	s9 =	sadd.s32 $0x4, s9  }
0x7f: {  	[tilespmem:s8+$0xFFFFFFF0] =	vst v2;
	s8 =	sadd.s32 $0x40, s8;
	s7 =	simm.s32 $0x20;
	p0 =	slt.u32 s9, $0x144  }
.Ltmp3:
0x80: {  	[tilespmem:s8+$0xFFFFFFE0] =	vst v2;
	(pc) =	sbr.rel @p0 .LBB2_4-.Ltmp3, $3  }
0x81: {  	_ =	sdelay $0x1  }
0x82: {  	[tilespmem:s8+$0x10] =	vst v2  }
0x83: {  	[tilespmem:s8+$0x0] =	vst v2  }
0x84: {  	[tilespmem:s8+$0xFFFFFFF0] =	vst v2  }
0x85: {  	[tilespmem:s7+$0xFFFFFFE0] =	vst v3  }
0x86: {  	[tilespmem:s7+$0x10] =	vst v3  }
0x87: {  	s8 =	simm.s32 $0x0;
	[tilespmem:s7+$0x0] =	vst v3  }
.LBB2_6:
0x88: {  	s8 =	sadd.s32 $0x4, s8  }
0x89: {  	[tilespmem:s7+$0xFFFFFFF0] =	vst v3;
	s7 =	sadd.s32 $0x40, s7;
	p0 =	slt.u32 s8, $0x26C  }
.Ltmp4:
0x8a: {  	[tilespmem:s7+$0xFFFFFFE0] =	vst v3;
	(pc) =	sbr.rel @p0 .LBB2_6-.Ltmp4, $3  }
0x8b: {  	_ =	sdelay $0x1  }
0x8c: {  	[tilespmem:s7+$0x10] =	vst v3  }
0x8d: {  	[tilespmem:s7+$0x0] =	vst v3  }
0x8e: {  	[tilespmem:s7+$0xFFFFFFF0] =	vst v3  }
0x8f: {  	s14 =	rddreg [dreg:$0x1];
	s8 =	simm.s32 $0x2780;
	[tilespmem:$0x2700] =	vst v3  }
0x90: {  	[tilespmem:s8], [sflag:$0x6] =	stream.linear.gather [hbm4b:s14+s5], $0x400, $0x38;
	[tilespmem:$0x1C400] =	vst v63  }
0x91: {  	_ =	swait.ge [sflag:s26], $0x400  }
0x92: {  	[sflag:s26] =	ssyncset.done $0x0  }
0x93: {  	s15 =	simm.s32 $0x27A0;
	[sflag:s26] =	ssyncadd.s32 $0xFFFFFC00  }
0x94: {  	v15 =	vld [tilespmem:s15+$0x10]  }
0x95: {  	v16 =	vld [tilespmem:s15+$0xFFFFFFF0]  }
0x96: {  	v17 =	vld [tilespmem:s15+$0x0]  }
0x97: {  	v18 =	vld [tilespmem:s15+$0xFFFFFFE0];
	_ =	sdelay $0x3  }
0x98: {  	s7 =	simm.s32 $0x0;
	s8 =	simm.s32 $0x27E0  }
.LBB2_8:
0x99: {  	s7 =	sadd.s32 $0x4, s7;
	[tilespmem:v15+s5+$0x0] =	vst.idx.msk $0xffff, v4;
	v15 =	vld [tilespmem:s8+$0x10]  }
0x9a: {  	p0 =	slt.u32 s7, $0x3C;
	[tilespmem:v16+s5+$0x0] =	vst.idx.msk $0xffff, v4;
	v16 =	vld [tilespmem:s8+$0xFFFFFFF0]  }
0x9b: {  	[tilespmem:v17+s5+$0x0] =	vst.idx.msk $0xffff, v4;
	v17 =	vld [tilespmem:s8+$0x0]  }
.Ltmp5:
0x9c: {  	[tilespmem:v18+s5+$0x0] =	vst.idx.msk $0xffff, v4;
	v18 =	vld [tilespmem:s8+$0xFFFFFFE0];
	(pc) =	sbr.rel @p0 .LBB2_8-.Ltmp5, $2  }
0x9d: {  	_ =	sdelay $0x2  }
0x9e: {  	s8 =	sadd.s32 $0x40, s8  }
0x9f: {  	_ =	sdelay $0x3  }
0xa0: {  	[tilespmem:v15+s5+$0x0] =	vst.idx.msk $0xffff, v4  }
0xa1: {  	[tilespmem:v16+s5+$0x0] =	vst.idx.msk $0xffff, v4  }
0xa2: {  	[tilespmem:v17+s5+$0x0] =	vst.idx.msk $0xffff, v4  }
0xa3: {  	[tilespmem:v18+s5+$0x0] =	vst.idx.msk $0xffff, v4  }
0xa4: {  	_ =	swait.ge [sflag:s28], $0xFA0  }
0xa5: {  	[sflag:s28] =	ssyncset.done $0x0  }
0xa6: {  	[sflag:s28] =	ssyncadd.s32 $0xFFFFF060  }
0xa7: {  	_ =	swait.ge [sflag:s28], $0xFA0  }
0xa8: {  	[sflag:s28] =	ssyncset.done $0x0  }
0xa9: {  	s8 =	simm.s32 $0x3B80;
	s7 =	rddreg [dreg:$0x9];
	[sflag:s28] =	ssyncadd.s32 $0xFFFFF060  }
0xaa: {  	[tilespmem:s8], [sflag:$0x2] =	stream.linear.gather [hbm4b:s7+s5], $0xFA0, $0x38;
	[tilespmem:$0x1C400] =	vst v63  }
0xab: {  	s12 =	simm.s32 $0x5B80;
	s13 =	simm.s32 $0x4BA0;
	s11 =	rddreg [dreg:$0xa]  }
0xac: {  	[tilespmem:s12], [sflag:$0x2] =	stream.linear.gather [hbm4b:s11+s5], $0xFA0, $0x38;
	[tilespmem:$0x1C400] =	vst v63  }
0xad: {  	v22 =	vld [tilespmem:s13+$0xFFFFFFF0]  }
0xae: {  	v23 =	vld [tilespmem:s13+$0x0]  }
0xaf: {  	v24 =	vld [tilespmem:s13+$0xFFFFFFE0];
	_ =	sdelay $0x2  }
0xb0: {  	v26 =	vld [tilespmem:s13+$0x10];
	_ =	sdelay $0x1  }
0xb1: {  	s7 =	simm.s32 $0x0  }
0xb2: {  	v15 =	vld.idx.msk [tilespmem:v22+s7+$0x0], $0xffff  }
0xb3: {  	v18 =	vld.idx.msk [tilespmem:v23+s7+$0x0], $0xffff  }
0xb4: {  	v19 =	vld.idx.msk [tilespmem:v24+s7+$0x0], $0xffff  }
0xb5: {  	v25 =	vimm.s32 $0x0;
	v17 =	vsub.s32 v24, v0  }
0xb6: {  	v16 =	vsub.s32 v23, v0;
	v32 =	vsub.s32 v22, v0;
	v20 =	vsub.s32 v26, v0  }
0xb7: {  	v35 =	vand.u32 $0x7F, v22;
	vm2 =	vlt.u32 v32, $0x1400;
	v21 =	vld.idx.msk [tilespmem:v26+s7+$0x0], $0xffff;
	vm0 =	vgt.s32 v15, $0x0  }
0xb8: {  	vm1 =	vlt.u32 v17, $0x1400;
	vm4 =	vlt.u32 v16, $0x1400;
	vm5 =	vmand vm0, vm2  }
0xb9: {  	s14 =	simm.s32 $0x4BE0;
	vm3 =	vgt.s32 v18, $0x0;
	vm2 =	vgt.s32 v19, $0x0;
	v15 =	vsel vm5, $0x1, v3  }
0xba: {  	v30 =	vand.u32 $0xFFFFFF80, v32;
	v18 =	vld [tilespmem:s14+$0x0];
	vm0 =	vmand vm3, vm4;
	vm1 =	vmand vm2, vm1;
	(xrf0) =	vadd.scan.msk.s32 $0xffff, v15  }
0xbb: {  	v31 =	vand.u32 $0xFFFFFF80, v16;
	v19 =	vld [tilespmem:s14+$0xFFFFFFF0];
	vm0 =	vmmov vm0;
	v15 =	vsel vm1, $0x1, v3  }
0xbc: {  	vm3 =	vlt.u32 v20, $0x1400;
	vm2 =	vgt.s32 v21, $0x0;
	v21 =	vsel vm0, $0x1, v3;
	(xrf0) =	vadd.scan.msk.s32 $0xffff, v15;
	v15 =	vld [tilespmem:s14+$0xFFFFFFE0]  }
0xbd: {  	v33 =	vand.u32 $0xFFFFFF80, v20;
	v24 =	vand.u32 $0x7F, v24;
	vm2 =	vmand vm2, vm3;
	(xrf0) =	vadd.scan.msk.s32 $0xffff, v21;
	v21 =	vld [tilespmem:s14+$0x10]  }
0xbe: {  	v23 =	vand.u32 $0x7F, v23;
	v27 =	vmpcnt.ones.xlane vm1;
	v29 =	vsel vm2, $0x1, v3  }
0xbf: {  	s15 =	simm.s32 $0x2BA0;
	v26 =	vand.u32 $0x7F, v26;
	v28 =	vmpcnt.ones.xlane vm5;
	vm4 =	vmmov vm5;
	(xrf0) =	vadd.scan.msk.s32 $0xffff, v29  }
0xc0: {  	v39 =	vld [tilespmem:s15+$0xFFFFFFE0];
	vm3 =	vmmov vm1;
	v36 =	vmpcnt.ones.xlane vm2;
	v22 =	vadd.s32 v25, v27;
	v34, _, _ =	vpop (xrf0)  }
0xc1: {  	v37 =	vld [tilespmem:s15+$0xFFFFFFF0];
	v27 =	vmpcnt.ones.xlane vm0;
	v29 =	vand.u32 $0xFFFFFF80, v17;
	v34 =	vadd.s32 v34, v22  }
0xc2: {  	v28 =	vadd.s32 v22, v28;
	v41 =	vld.idx.msk [tilespmem:v18+s7+$0x0], $0xffff;
	v38, _, _ =	vpop (xrf0);
	v22 =	vor.u32 v24, v29;
	v40 =	vadd.s32 $0xFFFFFFFF, v34  }
0xc3: {  	v42 =	vld.idx.msk [tilespmem:v19+s7+$0x0], $0xffff;
	v24 =	vadd.s32 v28, v27;
	v27 =	vadd.s32 v38, v25;
	v25 =	vor.u32 v23, v31  }
0xc4: {  	v23 =	vadd.s32 v24, v36;
	v31, _, _ =	vpop (xrf0);
	v34 =	vor.u32 v26, v33;
	v29 =	vadd.s32 $0xFFFFFFFF, v27;
	v38 =	vld.idx.msk [tilespmem:v15+s7+$0x0], $0xffff  }
0xc5: {  	v26 =	vsub.s32 v15, v0;
	v33 =	vor.u32 v35, v30;
	v27 =	vadd.s32 v31, v28;
	v31, _, _ =	vpop (xrf0);
	v36 =	vld.idx.msk [tilespmem:v21+s7+$0x0], $0xffff  }
0xc6: {  	v30 =	vsub.s32 v21, v0;
	v28 =	vadd.s32 $0xFFFFFFFF, v27;
	v24 =	vadd.s32 v31, v24;
	v31 =	vld [tilespmem:s15+$0x0]  }
0xc7: {  	vm6 =	vlt.u32 v26, $0x1400;
	v27 =	vsub.s32 v18, v0;
	v35 =	vadd.s32 $0xFFFFFFFF, v24;
	[tilespmem:v40+s31+$0x0] =	vst.idx.msk vm5, v37;
	v37 =	vld [tilespmem:s15+$0x10]  }
0xc8: {  	s8 =	simm.s32 $0x2BE0;
	vm8 =	vgt.s32 v41, $0x0;
	v24 =	vsub.s32 v19, v0;
	vm9 =	vlt.u32 v27, $0x1400;
	[tilespmem:v40+s1+$0x0] =	vst.idx.msk vm5, v32  }
0xc9: {  	s9 =	simm.s32 $0x4;
	s10 =	simm.s32 $0x4C20;
	vm7 =	vlt.u32 v24, $0x1400;
	vm9 =	vmand vm8, vm9;
	vm5 =	vgt.s32 v42, $0x0;
	v32 =	vld [tilespmem:s8+$0x0];
	[tilespmem:v29+s31+$0x0] =	vst.idx.msk vm1, v39  }
.LBB2_10:
0xca: {  	vm10 =	vgt.s32 v38, $0x0;
	vm8 =	vmand vm5, vm7;
	vm11 =	vlt.u32 v30, $0x1400  }
0xcb: {  	v39 =	vld [tilespmem:s10+$0x0];
	s9 =	sadd.s32 $0x4, s9;
	[tilespmem:v28+s31+$0x0] =	vst.idx.msk vm0, v31;
	vm5 =	vmmov vm1;
	vm7 =	vmmov vm0;
	vm0 =	vmmov vm9  }
0xcc: {  	v38 =	vld [tilespmem:s10+$0xFFFFFFE0];
	p0 =	slt.u32 s9, $0xF4;
	vm1 =	vmand vm10, vm6;
	v31 =	vsel vm8, $0x1, v3;
	vm6 =	vgt.s32 v36, $0x0;
	[tilespmem:v35+s31+$0x0] =	vst.idx.msk vm2, v37  }
0xcd: {  	v36 =	vld [tilespmem:s10+$0xFFFFFFF0];
	v37 =	vsel vm1, $0x1, v3;
	v40 =	vmpcnt.ones.xlane vm1;
	(xrf0) =	vadd.scan.msk.s32 $0xffff, v31;
	[tilespmem:v35+s1+$0x0] =	vst.idx.msk vm2, v20;
	v20 =	vmovc v30  }
0xce: {  	v30 =	vmpcnt.ones.xlane vm8;
	(xrf0) =	vadd.scan.msk.s32 $0xffff, v37;
	[tilespmem:v34+s0+$0x0] =	vst.idx.add.f32.msk vm2, v6;
	vm2 =	vmand vm6, vm11  }
0xcf: {  	v35 =	vand.u32 $0xFFFFFF80, v24;
	v34 =	vsel vm0, $0x1, v3;
	v37 =	vsel vm2, $0x1, v3;
	[tilespmem:v33+s0+$0x0] =	vst.idx.add.f32.msk vm4, v6;
	v31 =	vmovc v32  }
0xd0: {  	v41 =	vand.u32 $0xFFFFFF80, v20;
	v33 =	vand.u32 $0xFFFFFF80, v27;
	v32 =	vld [tilespmem:s10+$0x10];
	(xrf0) =	vadd.scan.msk.s32 $0xffff, v34;
	[tilespmem:v29+s1+$0x0] =	vst.idx.msk vm3, v17;
	v17 =	vmovc v26  }
0xd1: {  	vm4 =	vmmov vm8;
	vm3 =	vmmov vm1;
	v42 =	vld [tilespmem:s8+$0xFFFFFFE0];
	(xrf0) =	vadd.scan.msk.s32 $0xffff, v37;
	[tilespmem:v28+s1+$0x0] =	vst.idx.msk vm7, v16;
	v16 =	vmovc v27  }
0xd2: {  	v26 =	vand.u32 $0xFFFFFF80, v17;
	v27 =	vand.u32 $0x7F, v15;
	v37 =	vand.u32 $0x7F, v19;
	v15 =	vmovc v38;
	[tilespmem:v25+s0+$0x0] =	vst.idx.add.f32.msk vm7, v6;
	v19 =	vmovc v36  }
0xd3: {  	v45 =	vmpcnt.ones.xlane vm0;
	v43 =	vadd.s32 v23, v40;
	v28 =	vand.u32 $0x7F, v18;
	v29, _, _ =	vpop (xrf0);
	[tilespmem:v22+s0+$0x0] =	vst.idx.add.f32.msk vm5, v6  }
0xd4: {  	v30 =	vadd.s32 v43, v30;
	v34 =	vmpcnt.ones.xlane vm2;
	v40 =	vld [tilespmem:s8+$0xFFFFFFF0];
	v29 =	vadd.s32 v29, v43;
	v25, _, _ =	vpop (xrf0)  }
0xd5: {  	v18 =	vmovc v39;
	v22 =	vor.u32 v27, v26;
	v26 =	vadd.s32 v30, v45;
	v43 =	vld.idx.msk [tilespmem:v39+s7+$0x0], $0xffff;
	v44 =	vadd.s32 $0xFFFFFFFF, v29  }
0xd6: {  	v27 =	vadd.s32 v25, v23;
	v25 =	vor.u32 v28, v33;
	v23 =	vadd.s32 v26, v34;
	v39 =	vld.idx.msk [tilespmem:v36+s7+$0x0], $0xffff;
	v28, _, _ =	vpop (xrf0)  }
0xd7: {  	v33 =	vand.u32 $0x7F, v21;
	v29 =	vadd.s32 $0xFFFFFFFF, v27;
	v38 =	vld.idx.msk [tilespmem:v38+s7+$0x0], $0xffff;
	v27 =	vadd.s32 v28, v30;
	v30, _, _ =	vpop (xrf0)  }
.Ltmp6:
0xd8: {  	v21 =	vmovc v32;
	v34 =	vor.u32 v33, v41;
	v36 =	vld.idx.msk [tilespmem:v32+s7+$0x0], $0xffff;
	v28 =	vadd.s32 $0xFFFFFFFF, v27;
	v27 =	vadd.s32 v30, v26;
	(pc) =	sbr.rel @p0 .LBB2_10-.Ltmp6, $4  }
0xd9: {  	v33 =	vor.u32 v37, v35;
	v26 =	vsub.s32 v15, v0;
	v37 =	vld [tilespmem:s8+$0x10];
	v35 =	vadd.s32 $0xFFFFFFFF, v27  }
0xda: {  	v30 =	vsub.s32 v21, v0;
	vm6 =	vlt.u32 v26, $0x1400;
	v27 =	vsub.s32 v18, v0;
	[tilespmem:v44+s31+$0x0] =	vst.idx.msk vm4, v40  }
0xdb: {  	s8 =	sadd.s32 $0x40, s8;
	vm8 =	vgt.s32 v43, $0x0;
	vm9 =	vlt.u32 v27, $0x1400;
	[tilespmem:v44+s1+$0x0] =	vst.idx.msk vm4, v24;
	v24 =	vsub.s32 v19, v0  }
0xdc: {  	s10 =	sadd.s32 $0x40, s10;
	vm5 =	vgt.s32 v39, $0x0;
	vm9 =	vmand vm8, vm9;
	vm7 =	vlt.u32 v24, $0x1400;
	v32 =	vld [tilespmem:s8+$0x0];
	[tilespmem:v29+s31+$0x0] =	vst.idx.msk vm1, v42  }
0xdd: {  	vm8 =	vmand vm5, vm7  }
0xde: {  	vm13 =	vgt.s32 v38, $0x0;
	v43 =	vsel vm8, $0x1, v3  }
0xdf: {  	vm6 =	vmand vm13, vm6;
	(xrf0) =	vadd.scan.msk.s32 $0xffff, v43  }
0xe0: {  	vm7 =	vmmov vm9;
	v44 =	vsel vm6, $0x1, v3  }
0xe1: {  	v45 =	vsel vm7, $0x1, v3;
	(xrf0) =	vadd.scan.msk.s32 $0xffff, v44  }
0xe2: {  	vm14 =	vlt.u32 v30, $0x1400;
	vm15 =	vgt.s32 v36, $0x0;
	vm12 =	vmmov vm0;
	(xrf0) =	vadd.scan.msk.s32 $0xffff, v45  }
0xe3: {  	[tilespmem:v28+s31+$0x0] =	vst.idx.msk vm0, v31;
	vm5 =	vmand vm15, vm14;
	v47 =	vmpcnt.ones.xlane vm6  }
0xe4: {  	vm1 =	vmmov vm1;
	[tilespmem:v33+s0+$0x0] =	vst.idx.add.f32.msk vm4, v6;
	v46 =	vsel vm5, $0x1, v3  }
0xe5: {  	[tilespmem:v29+s1+$0x0] =	vst.idx.msk vm3, v17;
	v48 =	vadd.s32 v23, v47;
	(xrf0) =	vadd.scan.msk.s32 $0xffff, v46;
	v49, _, _ =	vpop (xrf0)  }
0xe6: {  	[tilespmem:v35+s31+$0x0] =	vst.idx.msk vm2, v37;
	v50 =	vmpcnt.ones.xlane vm8;
	v31 =	vadd.s32 v49, v48  }
0xe7: {  	v51 =	vld [tilespmem:s8+$0xFFFFFFF0];
	v17 =	vmpcnt.ones.xlane vm7;
	[tilespmem:v35+s1+$0x0] =	vst.idx.msk vm2, v20;
	v52, _, _ =	vpop (xrf0);
	v31 =	vadd.s32 $0xFFFFFFFF, v31  }
0xe8: {  	v53 =	vld [tilespmem:s8+$0xFFFFFFE0];
	[tilespmem:v28+s1+$0x0] =	vst.idx.msk vm12, v16;
	v16 =	vadd.s32 v48, v50;
	v54 =	vadd.s32 v52, v23;
	v55, _, _ =	vpop (xrf0)  }
0xe9: {  	[tilespmem:v34+s0+$0x0] =	vst.idx.add.f32.msk vm2, v6;
	v17 =	vadd.s32 v16, v17;
	v20 =	vadd.s32 $0xFFFFFFFF, v54;
	v16 =	vadd.s32 v55, v16  }
0xea: {  	v60 =	vand.u32 $0xFFFFFF80, v24;
	v19 =	vand.u32 $0x7F, v19;
	[tilespmem:v22+s0+$0x0] =	vst.idx.add.f32.msk vm1, v6;
	v16 =	vadd.s32 $0xFFFFFFFF, v16  }
0xeb: {  	v19 =	vor.u32 v19, v60;
	[tilespmem:v25+s0+$0x0] =	vst.idx.add.f32.msk vm12, v6;
	v56, _, _ =	vpop (xrf0)  }
0xec: {  	v57 =	vadd.s32 v56, v17;
	[tilespmem:v31+s31+$0x0] =	vst.idx.msk vm8, v51  }
0xed: {  	v58 =	vld [tilespmem:s8+$0x10];
	v22 =	vadd.s32 $0xFFFFFFFF, v57;
	[tilespmem:v31+s1+$0x0] =	vst.idx.msk vm8, v24  }
0xee: {  	v62 =	vand.u32 $0xFFFFFF80, v26;
	v15 =	vand.u32 $0x7F, v15;
	[tilespmem:v20+s31+$0x0] =	vst.idx.msk vm6, v53  }
0xef: {  	v63 =	vor.u32 v15, v62;
	[tilespmem:v16+s31+$0x0] =	vst.idx.msk vm7, v32  }
0xf0: {  	v61 =	vand.u32 $0xFFFFFF80, v27;
	v18 =	vand.u32 $0x7F, v18;
	[tilespmem:v19+s0+$0x0] =	vst.idx.add.f32.msk vm8, v6  }
0xf1: {  	v59 =	vand.u32 $0xFFFFFF80, v30;
	v21 =	vand.u32 $0x7F, v21;
	v18 =	vor.u32 v18, v61;
	[tilespmem:v20+s1+$0x0] =	vst.idx.msk vm6, v26  }
0xf2: {  	v21 =	vor.u32 v21, v59;
	[tilespmem:v22+s31+$0x0] =	vst.idx.msk vm5, v58  }
0xf3: {  	[tilespmem:v16+s1+$0x0] =	vst.idx.msk vm7, v27  }
0xf4: {  	[tilespmem:v63+s0+$0x0] =	vst.idx.add.f32.msk vm6, v6  }
0xf5: {  	v15 =	vmpcnt.ones.xlane vm5;
	[tilespmem:v22+s1+$0x0] =	vst.idx.msk vm5, v30  }
0xf6: {  	vm13 =	vmmov vm8;
	[tilespmem:v18+s0+$0x0] =	vst.idx.add.f32.msk vm7, v6  }
0xf7: {  	vm15 =	vmmov vm7;
	vm14 =	vmmov vm6;
	v15 =	vadd.s32 v17, v15;
	[tilespmem:v21+s0+$0x0] =	vst.idx.add.f32.msk vm5, v6  }
.LBB2_12:
0xf8: {  	s8 =	sshra.s32 s7, $0x2  }
0xf9: {  	v16 =	vld [tilespmem:s8+$0x5B00];
	_ =	sdelay $0x7  }
0xfa: {  	v17 =	vld.idx.msk [tilespmem:v16+s5+$0x0], $0xffff;
	_ =	sdelay $0x3  }
0xfb: {  	v16 =	vadd.s32 v1, v16  }
0xfc: {  	vm1 =	vlt.u32 v16, $0x1400;
	vm0 =	vgt.s32 v17, $0x0  }
0xfd: {  	vm0 =	vmand vm0, vm1  }
0xfe: {  	v17 =	vsel vm0, $0x1, v3  }
0xff: {  	(xrf0) =	vadd.scan.msk.s32 $0xffff, v17;
	_ =	sdelay $0x5  }
0x100: {  	v17, _, _ =	vpop (xrf0)  }
0x101: {  	v17 =	vadd.s32 v17, v15  }
0x102: {  	v18 =	vld [tilespmem:s8+$0x3B00];
	v17 =	vadd.s32 $0xFFFFFFFF, v17;
	_ =	sdelay $0x1  }
0x103: {  	p0 =	sne.s32 s7, $0x40  }
.Ltmp7:
0x104: {  	_ = 	snop;
	(pc) =	sbr.rel @p0 .LBB2_12-.Ltmp7, $4  }
0x105: {  	_ = 	snop  }
0x106: {  	v63 =	vmpcnt.ones.xlane vm0;
	[tilespmem:v17+s31+$0x0] =	vst.idx.msk vm0, v18  }
0x107: {  	[tilespmem:v17+s1+$0x0] =	vst.idx.msk vm0, v16  }
0x108: {  	s7 =	sadd.s32 $0x40, s7;
	v15 =	vadd.s32 v15, v63;
	[tilespmem:v16+s0+$0x0] =	vst.idx.add.f32.msk vm0, v6  }
0x109: {  	v16 =	vadd.s32 $0x7F, v15  }
0x10a: {  	v16 =	vand.u32 $0xFFFFFF80, v16  }
0x10b: {  	v17 =	vxor.u32 $0x80000000, v16  }
0x10c: {  	v18 =	vadd.s32 v5, v15;
	(xrf0) =	vmax.scan.msk.u32 $0xffff, v17  }
0x10d: {  	vm0 =	vlt.s32 v18, v16  }
0x10e: {  	v60 =	vadd.s32 v8, v15  }
0x10f: {  	vm1 =	vlt.s32 v60, v16  }
0x110: {  	v19 =	vadd.s32 v9, v15  }
0x111: {  	vm2 =	vlt.s32 v19, v16  }
0x112: {  	v20 =	vadd.s32 v10, v15;
	v21, _, _ =	vpop (xrf0)  }
0x113: {  	vm3 =	vlt.s32 v20, v16;
	[tilespmem:v18+s31+$0x0] =	vst.idx.msk vm0, v3;
	(v2sf) =	vpush v21, $0xF  }
0x114: {  	v61 =	vadd.s32 v11, v15;
	[tilespmem:v18+s1+$0x0] =	vst.idx.msk vm0, v7  }
0x115: {  	vm12 =	vlt.s32 v61, v16;
	[tilespmem:v60+s31+$0x0] =	vst.idx.msk vm1, v3  }
0x116: {  	v62 =	vadd.s32 v12, v15;
	[tilespmem:v60+s1+$0x0] =	vst.idx.msk vm1, v7  }
0x117: {  	vm13 =	vlt.s32 v62, v16;
	[tilespmem:v19+s31+$0x0] =	vst.idx.msk vm2, v3  }
0x118: {  	v63 =	vadd.s32 v13, v15;
	[tilespmem:v19+s1+$0x0] =	vst.idx.msk vm2, v7  }
0x119: {  	vm14 =	vlt.s32 v63, v16;
	[tilespmem:v20+s31+$0x0] =	vst.idx.msk vm3, v3  }
0x11a: {  	v15 =	vadd.s32 v14, v15;
	[tilespmem:v20+s1+$0x0] =	vst.idx.msk vm3, v7  }
0x11b: {  	vm15 =	vlt.s32 v15, v16;
	[tilespmem:v61+s31+$0x0] =	vst.idx.msk vm12, v3  }
0x11c: {  	[tilespmem:v61+s1+$0x0] =	vst.idx.msk vm12, v7  }
0x11d: {  	[tilespmem:v62+s31+$0x0] =	vst.idx.msk vm13, v3  }
0x11e: {  	[tilespmem:v62+s1+$0x0] =	vst.idx.msk vm13, v7  }
0x11f: {  	[tilespmem:v63+s31+$0x0] =	vst.idx.msk vm14, v3  }
0x120: {  	[tilespmem:v63+s1+$0x0] =	vst.idx.msk vm14, v7  }
0x121: {  	[tilespmem:v15+s31+$0x0] =	vst.idx.msk vm15, v3  }
0x122: {  	[tilespmem:v15+s1+$0x0] =	vst.idx.msk vm15, v7;
	s7 =	spop (v2sf)  }
0x123: {  	_ =	swait.ge [sflag:s25], $0x4000  }
0x124: {  	[sflag:s25] =	ssyncset.done $0x0  }
0x125: {  	[sflag:s25] =	ssyncadd.s32 $0xFFFFC000  }
0x126: {  	s7 =	sshra.s32 s7, $0x7;
	_ =	swait.ge [sflag:s25], $0x4000  }
0x127: {  	s8 =	sxor.u32 $0xFF000000, s7;
	[sflag:s25] =	ssyncset.done $0x0  }
0x128: {  	p0 =	slt.s32 s8, $0x1;
	[sflag:s25] =	ssyncadd.s32 $0xFFFFC000  }
.Ltmp8:
0x129: {  	_ =	swait.ge [sflag:s25], $0x2400;
	(pc) =	sbr.rel @p0 .LBB2_17-.Ltmp8, $3  }
0x12a: {  	[sflag:s25] =	ssyncset.done $0x0  }
0x12b: {  	[sflag:s25] =	ssyncadd.s32 $0xFFFFDC00  }
0x12c: {  	[bflag:$0x0] =	sbarrier.arrive $0xFFFF;
	_ =	sdelay $0x1  }
0x12d: {  	[tilespmem:s22], [sflag:$0x3] =	stream.indirect.gather [hbm4b:s3+s2], $0x80, s31, s2, $0xb8;
	[tilespmem:$0x1C400] =	vst v63  }
0x12e: {  	s9 =	simm.s32 $0x0;
	p0 =	sle.s32 s8, $0x1  }
0x12f: {  	s7 =	sand.u32 @!p0 $0x1, s9  }
0x130: {  	p1 =	seq.s32 @!p0 s7, $0x0  }
0x131: {  	s10 =	simm.s32 $0x6C00;
	p2 =	por !p1, p0;
	p0 =	por p1, p0  }
0x132: {  	p1 =	sne.s32 s8, $0x1;
	s11 =	simm.s32 @!p2 $0xE000;
	s12 =	simm.s32 @!p2 $0x80  }
0x133: {  	[tilespmem:s11], [sflag:$0x4] =	stream.indirect.gather @!p2 [hbm4b:s3+s12], $0x80, s10, s12, $0xb8;
	[tilespmem:$0x1C400] =	vst v63  }
.Ltmp9:
0x134: {  	_ = 	snop;
	(pc) =	sbr.rel @!p1 .LBB2_16-.Ltmp9, $4  }
0x135: {  	s9 =	sand.u32 $0x1, s9;
	s11 =	simm.s32 @!p0 $0x80;
	s12 =	simm.s32 @!p0 $0xA000  }
0x136: {  	[tilespmem:s12], [sflag:$0x3] =	stream.indirect.gather @!p0 [hbm4b:s3+s11], $0x80, s10, s11, $0xb8;
	[tilespmem:$0x1C400] =	vst v63  }
0x137: {  	s7 =	simm.s32 $0x7B80;
	s10 =	simm.s32 $0x1;
	p0 =	sne.s32 s9, $0x0  }
0x138: {  	s11 =	simm.s32 $0x6C80;
	s12 =	simm.s32 @p0 $0x4;
	s9 =	simm.s32 @!p0 $0x7  }
.LBB2_15:
0x139: {  	_ =	swait.ge @p0 [sflag:s12], $0x4000  }
0x13a: {  	s13 =	simm.s32 @!p0 $0x3;
	s9 =	simm.s32 @p0 $0x6;
	s14 =	smov.u32 s10  }
0x13b: {  	s10 =	sadd.s32 $0x1, s10;
	s15 =	simm.s32 @p0 $0xE000;
	[sflag:s12] =	ssyncset.done @p0 $0x0  }
0x13c: {  	p1 =	sge.s32 s10, s8;
	[sflag:s12] =	ssyncadd.s32 @p0 $0xFFFFC000;
	s12 =	simm.s32 @p0 $0x80  }
0x13d: {  	[spmem:s4] =	stream.indirect.scatter.add.f32 @p0 [tilespmem:s15], [sflag:$0x6], $0x80, s7, s12, $0xb8;
	[tilespmem:$0x1C400] =	vst v63  }
0x13e: {  	s12 =	sand.u32 @!p1 $0x1, s14;
	s15 =	simm.s32 @!p0 $0xA000;
	_ =	swait.ge @!p0 [sflag:s13], $0x4000  }
0x13f: {  	p2 =	seq.s32 @!p1 s12, $0x0;
	s12 =	simm.s32 @!p0 $0x80;
	[sflag:s13] =	ssyncset.done @!p0 $0x0  }
0x140: {  	p3 =	por !p2, p1;
	p2 =	por p2, p1;
	[sflag:s13] =	ssyncadd.s32 @!p0 $0xFFFFC000  }
0x141: {  	[spmem:s4] =	stream.indirect.scatter.add.f32 @!p0 [tilespmem:s15], [sflag:$0x7], $0x80, s7, s12, $0xb8;
	[tilespmem:$0x1C400] =	vst v63  }
0x142: {  	p1 =	sne.s32 s8, s10;
	s7 =	sadd.s32 $0x80, s7;
	_ =	swait.ge [sflag:s9], $0x4000  }
0x143: {  	s13 =	simm.s32 @!p3 $0xE000;
	s12 =	sand.u32 $0x1, s14;
	[sflag:s9] =	ssyncset.done $0x0  }
.Ltmp10:
0x144: {  	s14 =	simm.s32 @!p3 $0x80;
	[sflag:s9] =	ssyncadd.s32 $0xFFFFC000;
	(pc) =	sbr.rel @p1 .LBB2_15-.Ltmp10, $4  }
0x145: {  	[tilespmem:s13], [sflag:$0x4] =	stream.indirect.gather @!p3 [hbm4b:s3+s14], $0x80, s11, s14, $0xb8;
	[tilespmem:$0x1C400] =	vst v63  }
0x146: {  	p0 =	sne.s32 s12, $0x0;
	s9 =	simm.s32 @!p2 $0x80;
	s13 =	simm.s32 @!p2 $0xA000  }
0x147: {  	[tilespmem:s13], [sflag:$0x3] =	stream.indirect.gather @!p2 [hbm4b:s3+s9], $0x80, s11, s9, $0xb8;
	[tilespmem:$0x1C400] =	vst v63  }
0x148: {  	s12 =	simm.s32 @p0 $0x4;
	s9 =	simm.s32 @!p0 $0x7;
	s11 =	sadd.s32 $0x80, s11  }
.LBB2_16:
0x149: {  	_ =	swait.ge @p0 [sflag:s12], $0x4000  }
0x14a: {  	s8 =	simm.s32 @!p0 $0x3;
	[sflag:s12] =	ssyncset.done @p0 $0x0  }
0x14b: {  	s10 =	simm.s32 @p0 $0xE000;
	s11 =	simm.s32 @p0 $0x80;
	[sflag:s12] =	ssyncadd.s32 @p0 $0xFFFFC000  }
0x14c: {  	[spmem:s4] =	stream.indirect.scatter.add.f32 @p0 [tilespmem:s10], [sflag:$0x6], $0x80, s7, s11, $0xb8;
	[tilespmem:$0x1C400] =	vst v63  }
0x14d: {  	_ =	swait.ge @!p0 [sflag:s8], $0x4000  }
0x14e: {  	s9 =	simm.s32 @p0 $0x6;
	[sflag:s8] =	ssyncset.done @!p0 $0x0  }
0x14f: {  	s10 =	simm.s32 @!p0 $0xA000;
	s11 =	simm.s32 @!p0 $0x80;
	[sflag:s8] =	ssyncadd.s32 @!p0 $0xFFFFC000  }
0x150: {  	[spmem:s4] =	stream.indirect.scatter.add.f32 @!p0 [tilespmem:s10], [sflag:$0x7], $0x80, s7, s11, $0xb8;
	[tilespmem:$0x1C400] =	vst v63  }
0x151: {  	_ =	swait.ge [sflag:s9], $0x4000  }
0x152: {  	[sflag:s9] =	ssyncset.done $0x0  }
0x153: {  	[sflag:s9] =	ssyncadd.s32 $0xFFFFC000  }
.LBB2_17:
0x154: {  	_ =	swait.ge [sflag:s29], $0xFA0  }
0x155: {  	[sflag:s29] =	ssyncset.done $0x0  }
0x156: {  	[sflag:s29] =	ssyncadd.s32 $0xFFFFF060  }
0x157: {  	_ =	swait.ge [sflag:s29], $0xFA0  }
0x158: {  	[sflag:s29] =	ssyncset.done $0x0  }
0x159: {  	s7 =	rddreg [dreg:$0xb];
	[sflag:s29] =	ssyncadd.s32 $0xFFFFF060  }
0x15a: {  	[tilespmem:s23], [sflag:$0x1] =	stream.linear.gather [hbm4b:s7+s5], $0xFA0, $0x38;
	[tilespmem:$0x1C400] =	vst v63  }
0x15b: {  	s14 =	simm.s32 $0x5BA0;
	s13 =	rddreg [dreg:$0xc]  }
0x15c: {  	[tilespmem:s24], [sflag:$0x1] =	stream.linear.gather [hbm4b:s13+s5], $0xFA0, $0x38;
	[tilespmem:$0x1C400] =	vst v63  }
0x15d: {  	v22 =	vld [tilespmem:s14+$0xFFFFFFF0]  }
0x15e: {  	v23 =	vld [tilespmem:s14+$0x0]  }
0x15f: {  	v24 =	vld [tilespmem:s14+$0xFFFFFFE0];
	_ =	sdelay $0x2  }
0x160: {  	v26 =	vld [tilespmem:s14+$0x10];
	_ =	sdelay $0x1  }
0x161: {  	s7 =	simm.s32 $0x0  }
0x162: {  	v15 =	vld.idx.msk [tilespmem:v22+s7+$0x0], $0xffff  }
0x163: {  	v18 =	vld.idx.msk [tilespmem:v23+s7+$0x0], $0xffff  }
0x164: {  	v19 =	vld.idx.msk [tilespmem:v24+s7+$0x0], $0xffff  }
0x165: {  	v25 =	vimm.s32 $0x0;
	v17 =	vsub.s32 v24, v0  }
0x166: {  	v16 =	vsub.s32 v23, v0;
	v32 =	vsub.s32 v22, v0;
	v20 =	vsub.s32 v26, v0  }
0x167: {  	v35 =	vand.u32 $0x7F, v22;
	vm2 =	vlt.u32 v32, $0x1400;
	v21 =	vld.idx.msk [tilespmem:v26+s7+$0x0], $0xffff;
	vm0 =	vgt.s32 v15, $0x0  }
0x168: {  	vm1 =	vlt.u32 v17, $0x1400;
	vm4 =	vlt.u32 v16, $0x1400;
	vm5 =	vmand vm0, vm2  }
0x169: {  	s8 =	simm.s32 $0x5BE0;
	vm3 =	vgt.s32 v18, $0x0;
	vm2 =	vgt.s32 v19, $0x0;
	v15 =	vsel vm5, $0x1, v3  }
0x16a: {  	v30 =	vand.u32 $0xFFFFFF80, v32;
	v18 =	vld [tilespmem:s8+$0x0];
	vm0 =	vmand vm3, vm4;
	vm1 =	vmand vm2, vm1;
	(xrf0) =	vadd.scan.msk.s32 $0xffff, v15  }
0x16b: {  	v31 =	vand.u32 $0xFFFFFF80, v16;
	v19 =	vld [tilespmem:s8+$0xFFFFFFF0];
	vm0 =	vmmov vm0;
	v15 =	vsel vm1, $0x1, v3  }
0x16c: {  	vm3 =	vlt.u32 v20, $0x1400;
	vm2 =	vgt.s32 v21, $0x0;
	v21 =	vsel vm0, $0x1, v3;
	(xrf0) =	vadd.scan.msk.s32 $0xffff, v15;
	v15 =	vld [tilespmem:s8+$0xFFFFFFE0]  }
0x16d: {  	v33 =	vand.u32 $0xFFFFFF80, v20;
	v24 =	vand.u32 $0x7F, v24;
	vm2 =	vmand vm2, vm3;
	(xrf0) =	vadd.scan.msk.s32 $0xffff, v21;
	v21 =	vld [tilespmem:s8+$0x10]  }
0x16e: {  	v23 =	vand.u32 $0x7F, v23;
	v27 =	vmpcnt.ones.xlane vm1;
	v29 =	vsel vm2, $0x1, v3  }
0x16f: {  	s15 =	simm.s32 $0x3BA0;
	v26 =	vand.u32 $0x7F, v26;
	v28 =	vmpcnt.ones.xlane vm5;
	vm4 =	vmmov vm5;
	(xrf0) =	vadd.scan.msk.s32 $0xffff, v29  }
0x170: {  	v39 =	vld [tilespmem:s15+$0xFFFFFFE0];
	vm3 =	vmmov vm1;
	v36 =	vmpcnt.ones.xlane vm2;
	v22 =	vadd.s32 v25, v27;
	v34, _, _ =	vpop (xrf0)  }
0x171: {  	v37 =	vld [tilespmem:s15+$0xFFFFFFF0];
	v27 =	vmpcnt.ones.xlane vm0;
	v29 =	vand.u32 $0xFFFFFF80, v17;
	v34 =	vadd.s32 v34, v22  }
0x172: {  	v28 =	vadd.s32 v22, v28;
	v41 =	vld.idx.msk [tilespmem:v18+s7+$0x0], $0xffff;
	v38, _, _ =	vpop (xrf0);
	v22 =	vor.u32 v24, v29;
	v40 =	vadd.s32 $0xFFFFFFFF, v34  }
0x173: {  	v42 =	vld.idx.msk [tilespmem:v19+s7+$0x0], $0xffff;
	v24 =	vadd.s32 v28, v27;
	v27 =	vadd.s32 v38, v25;
	v25 =	vor.u32 v23, v31  }
0x174: {  	v23 =	vadd.s32 v24, v36;
	v31, _, _ =	vpop (xrf0);
	v34 =	vor.u32 v26, v33;
	v29 =	vadd.s32 $0xFFFFFFFF, v27;
	v38 =	vld.idx.msk [tilespmem:v15+s7+$0x0], $0xffff  }
0x175: {  	v26 =	vsub.s32 v15, v0;
	v33 =	vor.u32 v35, v30;
	v27 =	vadd.s32 v31, v28;
	v31, _, _ =	vpop (xrf0);
	v36 =	vld.idx.msk [tilespmem:v21+s7+$0x0], $0xffff  }
0x176: {  	v30 =	vsub.s32 v21, v0;
	v28 =	vadd.s32 $0xFFFFFFFF, v27;
	v24 =	vadd.s32 v31, v24;
	v31 =	vld [tilespmem:s15+$0x0]  }
0x177: {  	vm6 =	vlt.u32 v26, $0x1400;
	v27 =	vsub.s32 v18, v0;
	v35 =	vadd.s32 $0xFFFFFFFF, v24;
	[tilespmem:v40+s31+$0x0] =	vst.idx.msk vm5, v37;
	v37 =	vld [tilespmem:s15+$0x10]  }
0x178: {  	s8 =	simm.s32 $0x3BE0;
	vm8 =	vgt.s32 v41, $0x0;
	v24 =	vsub.s32 v19, v0;
	vm9 =	vlt.u32 v27, $0x1400;
	[tilespmem:v40+s1+$0x0] =	vst.idx.msk vm5, v32  }
0x179: {  	s9 =	simm.s32 $0x4;
	s10 =	simm.s32 $0x5C20;
	vm7 =	vlt.u32 v24, $0x1400;
	vm9 =	vmand vm8, vm9;
	vm5 =	vgt.s32 v42, $0x0;
	v32 =	vld [tilespmem:s8+$0x0];
	[tilespmem:v29+s31+$0x0] =	vst.idx.msk vm1, v39  }
.LBB2_18:
0x17a: {  	vm10 =	vgt.s32 v38, $0x0;
	vm8 =	vmand vm5, vm7;
	vm11 =	vlt.u32 v30, $0x1400  }
0x17b: {  	v39 =	vld [tilespmem:s10+$0x0];
	s9 =	sadd.s32 $0x4, s9;
	[tilespmem:v28+s31+$0x0] =	vst.idx.msk vm0, v31;
	vm5 =	vmmov vm1;
	vm7 =	vmmov vm0;
	vm0 =	vmmov vm9  }
0x17c: {  	v38 =	vld [tilespmem:s10+$0xFFFFFFE0];
	p0 =	slt.u32 s9, $0xF4;
	vm1 =	vmand vm10, vm6;
	v31 =	vsel vm8, $0x1, v3;
	vm6 =	vgt.s32 v36, $0x0;
	[tilespmem:v35+s31+$0x0] =	vst.idx.msk vm2, v37  }
0x17d: {  	v36 =	vld [tilespmem:s10+$0xFFFFFFF0];
	v37 =	vsel vm1, $0x1, v3;
	v40 =	vmpcnt.ones.xlane vm1;
	(xrf0) =	vadd.scan.msk.s32 $0xffff, v31;
	[tilespmem:v35+s1+$0x0] =	vst.idx.msk vm2, v20;
	v20 =	vmovc v30  }
0x17e: {  	v30 =	vmpcnt.ones.xlane vm8;
	(xrf0) =	vadd.scan.msk.s32 $0xffff, v37;
	[tilespmem:v34+s0+$0x0] =	vst.idx.add.f32.msk vm2, v6;
	vm2 =	vmand vm6, vm11  }
0x17f: {  	v35 =	vand.u32 $0xFFFFFF80, v24;
	v34 =	vsel vm0, $0x1, v3;
	v37 =	vsel vm2, $0x1, v3;
	[tilespmem:v33+s0+$0x0] =	vst.idx.add.f32.msk vm4, v6;
	v31 =	vmovc v32  }
0x180: {  	v41 =	vand.u32 $0xFFFFFF80, v20;
	v33 =	vand.u32 $0xFFFFFF80, v27;
	v32 =	vld [tilespmem:s10+$0x10];
	(xrf0) =	vadd.scan.msk.s32 $0xffff, v34;
	[tilespmem:v29+s1+$0x0] =	vst.idx.msk vm3, v17;
	v17 =	vmovc v26  }
0x181: {  	vm4 =	vmmov vm8;
	vm3 =	vmmov vm1;
	v42 =	vld [tilespmem:s8+$0xFFFFFFE0];
	(xrf0) =	vadd.scan.msk.s32 $0xffff, v37;
	[tilespmem:v28+s1+$0x0] =	vst.idx.msk vm7, v16;
	v16 =	vmovc v27  }
0x182: {  	v26 =	vand.u32 $0xFFFFFF80, v17;
	v27 =	vand.u32 $0x7F, v15;
	v37 =	vand.u32 $0x7F, v19;
	v15 =	vmovc v38;
	[tilespmem:v25+s0+$0x0] =	vst.idx.add.f32.msk vm7, v6;
	v19 =	vmovc v36  }
0x183: {  	v45 =	vmpcnt.ones.xlane vm0;
	v43 =	vadd.s32 v23, v40;
	v28 =	vand.u32 $0x7F, v18;
	v29, _, _ =	vpop (xrf0);
	[tilespmem:v22+s0+$0x0] =	vst.idx.add.f32.msk vm5, v6  }
0x184: {  	v30 =	vadd.s32 v43, v30;
	v34 =	vmpcnt.ones.xlane vm2;
	v40 =	vld [tilespmem:s8+$0xFFFFFFF0];
	v29 =	vadd.s32 v29, v43;
	v25, _, _ =	vpop (xrf0)  }
0x185: {  	v18 =	vmovc v39;
	v22 =	vor.u32 v27, v26;
	v26 =	vadd.s32 v30, v45;
	v43 =	vld.idx.msk [tilespmem:v39+s7+$0x0], $0xffff;
	v44 =	vadd.s32 $0xFFFFFFFF, v29  }
0x186: {  	v27 =	vadd.s32 v25, v23;
	v25 =	vor.u32 v28, v33;
	v23 =	vadd.s32 v26, v34;
	v39 =	vld.idx.msk [tilespmem:v36+s7+$0x0], $0xffff;
	v28, _, _ =	vpop (xrf0)  }
0x187: {  	v33 =	vand.u32 $0x7F, v21;
	v29 =	vadd.s32 $0xFFFFFFFF, v27;
	v38 =	vld.idx.msk [tilespmem:v38+s7+$0x0], $0xffff;
	v27 =	vadd.s32 v28, v30;
	v30, _, _ =	vpop (xrf0)  }
.Ltmp11:
0x188: {  	v21 =	vmovc v32;
	v34 =	vor.u32 v33, v41;
	v36 =	vld.idx.msk [tilespmem:v32+s7+$0x0], $0xffff;
	v28 =	vadd.s32 $0xFFFFFFFF, v27;
	v27 =	vadd.s32 v30, v26;
	(pc) =	sbr.rel @p0 .LBB2_18-.Ltmp11, $4  }
0x189: {  	v33 =	vor.u32 v37, v35;
	v26 =	vsub.s32 v15, v0;
	v37 =	vld [tilespmem:s8+$0x10];
	v35 =	vadd.s32 $0xFFFFFFFF, v27  }
0x18a: {  	v30 =	vsub.s32 v21, v0;
	vm6 =	vlt.u32 v26, $0x1400;
	v27 =	vsub.s32 v18, v0;
	[tilespmem:v44+s31+$0x0] =	vst.idx.msk vm4, v40  }
0x18b: {  	s8 =	sadd.s32 $0x40, s8;
	vm8 =	vgt.s32 v43, $0x0;
	vm9 =	vlt.u32 v27, $0x1400;
	[tilespmem:v44+s1+$0x0] =	vst.idx.msk vm4, v24;
	v24 =	vsub.s32 v19, v0  }
0x18c: {  	s10 =	sadd.s32 $0x40, s10;
	vm5 =	vgt.s32 v39, $0x0;
	vm9 =	vmand vm8, vm9;
	vm7 =	vlt.u32 v24, $0x1400;
	v32 =	vld [tilespmem:s8+$0x0];
	[tilespmem:v29+s31+$0x0] =	vst.idx.msk vm1, v42  }
0x18d: {  	vm8 =	vmand vm5, vm7  }
0x18e: {  	vm13 =	vgt.s32 v38, $0x0;
	v43 =	vsel vm8, $0x1, v3  }
0x18f: {  	vm6 =	vmand vm13, vm6;
	(xrf0) =	vadd.scan.msk.s32 $0xffff, v43  }
0x190: {  	vm7 =	vmmov vm9;
	v44 =	vsel vm6, $0x1, v3  }
0x191: {  	v45 =	vsel vm7, $0x1, v3;
	(xrf0) =	vadd.scan.msk.s32 $0xffff, v44  }
0x192: {  	vm14 =	vlt.u32 v30, $0x1400;
	vm15 =	vgt.s32 v36, $0x0;
	vm12 =	vmmov vm0;
	(xrf0) =	vadd.scan.msk.s32 $0xffff, v45  }
0x193: {  	[tilespmem:v28+s31+$0x0] =	vst.idx.msk vm0, v31;
	vm5 =	vmand vm15, vm14;
	v47 =	vmpcnt.ones.xlane vm6  }
0x194: {  	vm1 =	vmmov vm1;
	[tilespmem:v33+s0+$0x0] =	vst.idx.add.f32.msk vm4, v6;
	v46 =	vsel vm5, $0x1, v3  }
0x195: {  	[tilespmem:v29+s1+$0x0] =	vst.idx.msk vm3, v17;
	v48 =	vadd.s32 v23, v47;
	(xrf0) =	vadd.scan.msk.s32 $0xffff, v46;
	v49, _, _ =	vpop (xrf0)  }
0x196: {  	[tilespmem:v35+s31+$0x0] =	vst.idx.msk vm2, v37;
	v50 =	vmpcnt.ones.xlane vm8;
	v31 =	vadd.s32 v49, v48  }
0x197: {  	v51 =	vld [tilespmem:s8+$0xFFFFFFF0];
	v17 =	vmpcnt.ones.xlane vm7;
	[tilespmem:v35+s1+$0x0] =	vst.idx.msk vm2, v20;
	v52, _, _ =	vpop (xrf0);
	v31 =	vadd.s32 $0xFFFFFFFF, v31  }
0x198: {  	v53 =	vld [tilespmem:s8+$0xFFFFFFE0];
	[tilespmem:v28+s1+$0x0] =	vst.idx.msk vm12, v16;
	v16 =	vadd.s32 v48, v50;
	v54 =	vadd.s32 v52, v23;
	v55, _, _ =	vpop (xrf0)  }
0x199: {  	[tilespmem:v34+s0+$0x0] =	vst.idx.add.f32.msk vm2, v6;
	v17 =	vadd.s32 v16, v17;
	v20 =	vadd.s32 $0xFFFFFFFF, v54;
	v16 =	vadd.s32 v55, v16  }
0x19a: {  	v60 =	vand.u32 $0xFFFFFF80, v24;
	v19 =	vand.u32 $0x7F, v19;
	[tilespmem:v22+s0+$0x0] =	vst.idx.add.f32.msk vm1, v6;
	v16 =	vadd.s32 $0xFFFFFFFF, v16  }
0x19b: {  	v19 =	vor.u32 v19, v60;
	[tilespmem:v25+s0+$0x0] =	vst.idx.add.f32.msk vm12, v6;
	v56, _, _ =	vpop (xrf0)  }
0x19c: {  	v57 =	vadd.s32 v56, v17;
	[tilespmem:v31+s31+$0x0] =	vst.idx.msk vm8, v51  }
0x19d: {  	v58 =	vld [tilespmem:s8+$0x10];
	v22 =	vadd.s32 $0xFFFFFFFF, v57;
	[tilespmem:v31+s1+$0x0] =	vst.idx.msk vm8, v24  }
0x19e: {  	v62 =	vand.u32 $0xFFFFFF80, v26;
	v15 =	vand.u32 $0x7F, v15;
	[tilespmem:v20+s31+$0x0] =	vst.idx.msk vm6, v53  }
0x19f: {  	v63 =	vor.u32 v15, v62;
	[tilespmem:v16+s31+$0x0] =	vst.idx.msk vm7, v32  }
0x1a0: {  	v61 =	vand.u32 $0xFFFFFF80, v27;
	v18 =	vand.u32 $0x7F, v18;
	[tilespmem:v19+s0+$0x0] =	vst.idx.add.f32.msk vm8, v6  }
0x1a1: {  	v59 =	vand.u32 $0xFFFFFF80, v30;
	v21 =	vand.u32 $0x7F, v21;
	v18 =	vor.u32 v18, v61;
	[tilespmem:v20+s1+$0x0] =	vst.idx.msk vm6, v26  }
0x1a2: {  	v21 =	vor.u32 v21, v59;
	[tilespmem:v22+s31+$0x0] =	vst.idx.msk vm5, v58  }
0x1a3: {  	[tilespmem:v16+s1+$0x0] =	vst.idx.msk vm7, v27  }
0x1a4: {  	[tilespmem:v63+s0+$0x0] =	vst.idx.add.f32.msk vm6, v6  }
0x1a5: {  	v15 =	vmpcnt.ones.xlane vm5;
	[tilespmem:v22+s1+$0x0] =	vst.idx.msk vm5, v30  }
0x1a6: {  	vm13 =	vmmov vm8;
	[tilespmem:v18+s0+$0x0] =	vst.idx.add.f32.msk vm7, v6  }
0x1a7: {  	vm15 =	vmmov vm7;
	vm14 =	vmmov vm6;
	v15 =	vadd.s32 v17, v15;
	[tilespmem:v21+s0+$0x0] =	vst.idx.add.f32.msk vm5, v6  }
.LBB2_20:
0x1a8: {  	s8 =	sshra.s32 s7, $0x2  }
0x1a9: {  	v16 =	vld [tilespmem:s8+$0x6B00];
	_ =	sdelay $0x7  }
0x1aa: {  	v17 =	vld.idx.msk [tilespmem:v16+s5+$0x0], $0xffff;
	_ =	sdelay $0x3  }
0x1ab: {  	v16 =	vadd.s32 v1, v16  }
0x1ac: {  	vm1 =	vlt.u32 v16, $0x1400;
	vm0 =	vgt.s32 v17, $0x0  }
0x1ad: {  	vm0 =	vmand vm0, vm1  }
0x1ae: {  	v17 =	vsel vm0, $0x1, v3  }
0x1af: {  	(xrf0) =	vadd.scan.msk.s32 $0xffff, v17;
	_ =	sdelay $0x5  }
0x1b0: {  	v17, _, _ =	vpop (xrf0)  }
0x1b1: {  	v17 =	vadd.s32 v17, v15  }
0x1b2: {  	v18 =	vld [tilespmem:s8+$0x4B00];
	v17 =	vadd.s32 $0xFFFFFFFF, v17;
	_ =	sdelay $0x1  }
0x1b3: {  	p0 =	sne.s32 s7, $0x40  }
.Ltmp12:
0x1b4: {  	_ = 	snop;
	(pc) =	sbr.rel @p0 .LBB2_20-.Ltmp12, $4  }
0x1b5: {  	_ = 	snop  }
0x1b6: {  	v63 =	vmpcnt.ones.xlane vm0;
	[tilespmem:v17+s31+$0x0] =	vst.idx.msk vm0, v18  }
0x1b7: {  	[tilespmem:v17+s1+$0x0] =	vst.idx.msk vm0, v16  }
0x1b8: {  	s7 =	sadd.s32 $0x40, s7;
	v15 =	vadd.s32 v15, v63;
	[tilespmem:v16+s0+$0x0] =	vst.idx.add.f32.msk vm0, v6  }
0x1b9: {  	v16 =	vadd.s32 $0x7F, v15  }
0x1ba: {  	v16 =	vand.u32 $0xFFFFFF80, v16  }
0x1bb: {  	v17 =	vxor.u32 $0x80000000, v16  }
0x1bc: {  	(xrf0) =	vmax.scan.msk.u32 $0xffff, v17;
	_ =	sdelay $0x5  }
0x1bd: {  	v19, _, _ =	vpop (xrf0)  }
0x1be: {  	(v2sf) =	vpush v19, $0xF  }
0x1bf: {  	v59 =	vadd.s32 v5, v15  }
0x1c0: {  	vm0 =	vlt.s32 v59, v16  }
0x1c1: {  	v18 =	vadd.s32 v8, v15  }
0x1c2: {  	vm1 =	vlt.s32 v18, v16  }
0x1c3: {  	v60 =	vadd.s32 v9, v15  }
0x1c4: {  	vm2 =	vlt.s32 v60, v16  }
0x1c5: {  	v20 =	vadd.s32 v10, v15  }
0x1c6: {  	vm3 =	vlt.s32 v20, v16;
	[tilespmem:v59+s31+$0x0] =	vst.idx.msk vm0, v3  }
0x1c7: {  	v61 =	vadd.s32 v11, v15;
	[tilespmem:v59+s1+$0x0] =	vst.idx.msk vm0, v7  }
0x1c8: {  	vm12 =	vlt.s32 v61, v16;
	[tilespmem:v18+s31+$0x0] =	vst.idx.msk vm1, v3  }
0x1c9: {  	v62 =	vadd.s32 v12, v15;
	[tilespmem:v18+s1+$0x0] =	vst.idx.msk vm1, v7  }
0x1ca: {  	vm13 =	vlt.s32 v62, v16;
	[tilespmem:v60+s31+$0x0] =	vst.idx.msk vm2, v3  }
0x1cb: {  	v63 =	vadd.s32 v13, v15;
	[tilespmem:v60+s1+$0x0] =	vst.idx.msk vm2, v7  }
0x1cc: {  	vm14 =	vlt.s32 v63, v16;
	[tilespmem:v20+s31+$0x0] =	vst.idx.msk vm3, v3  }
0x1cd: {  	v15 =	vadd.s32 v14, v15;
	[tilespmem:v20+s1+$0x0] =	vst.idx.msk vm3, v7;
	s7 =	spop (v2sf)  }
0x1ce: {  	vm15 =	vlt.s32 v15, v16;
	[tilespmem:v61+s31+$0x0] =	vst.idx.msk vm12, v3;
	s7 =	sshra.s32 s7, $0x7  }
0x1cf: {  	[tilespmem:v61+s1+$0x0] =	vst.idx.msk vm12, v7;
	s8 =	sxor.u32 $0xFF000000, s7  }
0x1d0: {  	[tilespmem:v62+s31+$0x0] =	vst.idx.msk vm13, v3;
	p0 =	slt.s32 s8, $0x1  }
.Ltmp13:
0x1d1: {  	[tilespmem:v62+s1+$0x0] =	vst.idx.msk vm13, v7;
	(pc) =	sbr.rel @p0 .LBB2_25-.Ltmp13, $4  }
0x1d2: {  	[tilespmem:v63+s31+$0x0] =	vst.idx.msk vm14, v3  }
0x1d3: {  	[tilespmem:v63+s1+$0x0] =	vst.idx.msk vm14, v7  }
0x1d4: {  	[tilespmem:v15+s31+$0x0] =	vst.idx.msk vm15, v3  }
0x1d5: {  	[tilespmem:v15+s1+$0x0] =	vst.idx.msk vm15, v7  }
0x1d6: {  	[tilespmem:s22], [sflag:$0x3] =	stream.indirect.gather [hbm4b:s3+s2], $0x80, s31, s2, $0xb8;
	[tilespmem:$0x1C400] =	vst v63  }
0x1d7: {  	s9 =	simm.s32 $0x0;
	p0 =	sle.s32 s8, $0x1  }
0x1d8: {  	s7 =	sand.u32 @!p0 $0x1, s9  }
0x1d9: {  	p1 =	seq.s32 @!p0 s7, $0x0  }
0x1da: {  	s10 =	simm.s32 $0x6C00;
	p2 =	por !p1, p0;
	p0 =	por p1, p0  }
0x1db: {  	p1 =	sne.s32 s8, $0x1;
	s11 =	simm.s32 @!p2 $0xE000;
	s12 =	simm.s32 @!p2 $0x80  }
0x1dc: {  	[tilespmem:s11], [sflag:$0x4] =	stream.indirect.gather @!p2 [hbm4b:s3+s12], $0x80, s10, s12, $0xb8;
	[tilespmem:$0x1C400] =	vst v63  }
.Ltmp14:
0x1dd: {  	_ = 	snop;
	(pc) =	sbr.rel @!p1 .LBB2_24-.Ltmp14, $4  }
0x1de: {  	s9 =	sand.u32 $0x1, s9;
	s11 =	simm.s32 @!p0 $0x80;
	s12 =	simm.s32 @!p0 $0xA000  }
0x1df: {  	[tilespmem:s12], [sflag:$0x3] =	stream.indirect.gather @!p0 [hbm4b:s3+s11], $0x80, s10, s11, $0xb8;
	[tilespmem:$0x1C400] =	vst v63  }
0x1e0: {  	s7 =	simm.s32 $0x7B80;
	s10 =	simm.s32 $0x1;
	p0 =	sne.s32 s9, $0x0  }
0x1e1: {  	s11 =	simm.s32 $0x6C80;
	s12 =	simm.s32 @p0 $0x4;
	s9 =	simm.s32 @!p0 $0x7  }
.LBB2_23:
0x1e2: {  	_ =	swait.ge @p0 [sflag:s12], $0x4000  }
0x1e3: {  	s13 =	simm.s32 @!p0 $0x3;
	s9 =	simm.s32 @p0 $0x6;
	s14 =	smov.u32 s10  }
0x1e4: {  	s10 =	sadd.s32 $0x1, s10;
	s15 =	simm.s32 @p0 $0xE000;
	[sflag:s12] =	ssyncset.done @p0 $0x0  }
0x1e5: {  	p1 =	sge.s32 s10, s8;
	[sflag:s12] =	ssyncadd.s32 @p0 $0xFFFFC000;
	s12 =	simm.s32 @p0 $0x80  }
0x1e6: {  	[spmem:s4] =	stream.indirect.scatter.add.f32 @p0 [tilespmem:s15], [sflag:$0x6], $0x80, s7, s12, $0xb8;
	[tilespmem:$0x1C400] =	vst v63  }
0x1e7: {  	s12 =	sand.u32 @!p1 $0x1, s14;
	s15 =	simm.s32 @!p0 $0xA000;
	_ =	swait.ge @!p0 [sflag:s13], $0x4000  }
0x1e8: {  	p2 =	seq.s32 @!p1 s12, $0x0;
	s12 =	simm.s32 @!p0 $0x80;
	[sflag:s13] =	ssyncset.done @!p0 $0x0  }
0x1e9: {  	p3 =	por !p2, p1;
	p2 =	por p2, p1;
	[sflag:s13] =	ssyncadd.s32 @!p0 $0xFFFFC000  }
0x1ea: {  	[spmem:s4] =	stream.indirect.scatter.add.f32 @!p0 [tilespmem:s15], [sflag:$0x7], $0x80, s7, s12, $0xb8;
	[tilespmem:$0x1C400] =	vst v63  }
0x1eb: {  	p1 =	sne.s32 s8, s10;
	s7 =	sadd.s32 $0x80, s7;
	_ =	swait.ge [sflag:s9], $0x4000  }
0x1ec: {  	s13 =	simm.s32 @!p3 $0xE000;
	s12 =	sand.u32 $0x1, s14;
	[sflag:s9] =	ssyncset.done $0x0  }
.Ltmp15:
0x1ed: {  	s14 =	simm.s32 @!p3 $0x80;
	[sflag:s9] =	ssyncadd.s32 $0xFFFFC000;
	(pc) =	sbr.rel @p1 .LBB2_23-.Ltmp15, $4  }
0x1ee: {  	[tilespmem:s13], [sflag:$0x4] =	stream.indirect.gather @!p3 [hbm4b:s3+s14], $0x80, s11, s14, $0xb8;
	[tilespmem:$0x1C400] =	vst v63  }
0x1ef: {  	p0 =	sne.s32 s12, $0x0;
	s9 =	simm.s32 @!p2 $0x80;
	s13 =	simm.s32 @!p2 $0xA000  }
0x1f0: {  	[tilespmem:s13], [sflag:$0x3] =	stream.indirect.gather @!p2 [hbm4b:s3+s9], $0x80, s11, s9, $0xb8;
	[tilespmem:$0x1C400] =	vst v63  }
0x1f1: {  	s12 =	simm.s32 @p0 $0x4;
	s9 =	simm.s32 @!p0 $0x7;
	s11 =	sadd.s32 $0x80, s11  }
.LBB2_24:
0x1f2: {  	_ =	swait.ge @p0 [sflag:s12], $0x4000  }
0x1f3: {  	s8 =	simm.s32 @!p0 $0x3;
	[sflag:s12] =	ssyncset.done @p0 $0x0  }
0x1f4: {  	s10 =	simm.s32 @p0 $0xE000;
	s11 =	simm.s32 @p0 $0x80;
	[sflag:s12] =	ssyncadd.s32 @p0 $0xFFFFC000  }
0x1f5: {  	[spmem:s4] =	stream.indirect.scatter.add.f32 @p0 [tilespmem:s10], [sflag:$0x6], $0x80, s7, s11, $0xb8;
	[tilespmem:$0x1C400] =	vst v63  }
0x1f6: {  	_ =	swait.ge @!p0 [sflag:s8], $0x4000  }
0x1f7: {  	s9 =	simm.s32 @p0 $0x6;
	[sflag:s8] =	ssyncset.done @!p0 $0x0  }
0x1f8: {  	s10 =	simm.s32 @!p0 $0xA000;
	s11 =	simm.s32 @!p0 $0x80;
	[sflag:s8] =	ssyncadd.s32 @!p0 $0xFFFFC000  }
0x1f9: {  	[spmem:s4] =	stream.indirect.scatter.add.f32 @!p0 [tilespmem:s10], [sflag:$0x7], $0x80, s7, s11, $0xb8;
	[tilespmem:$0x1C400] =	vst v63  }
0x1fa: {  	_ =	swait.ge [sflag:s9], $0x4000  }
0x1fb: {  	[sflag:s9] =	ssyncset.done $0x0  }
0x1fc: {  	[sflag:s9] =	ssyncadd.s32 $0xFFFFC000  }
.LBB2_25:
0x1fd: {  	_ =	swait.ge [sflag:s28], $0xFA0  }
0x1fe: {  	[sflag:s28] =	ssyncset.done $0x0  }
0x1ff: {  	[sflag:s28] =	ssyncadd.s32 $0xFFFFF060  }
0x200: {  	_ =	swait.ge [sflag:s28], $0xFA0  }
0x201: {  	[sflag:s28] =	ssyncset.done $0x0  }
0x202: {  	s8 =	simm.s32 $0x3B80;
	s7 =	rddreg [dreg:$0xd];
	[sflag:s28] =	ssyncadd.s32 $0xFFFFF060  }
0x203: {  	[tilespmem:s8], [sflag:$0x2] =	stream.linear.gather [hbm4b:s7+s5], $0xFA0, $0x38;
	[tilespmem:$0x1C400] =	vst v63  }
0x204: {  	s12 =	simm.s32 $0x5B80;
	s13 =	simm.s32 $0x4BA0  }
0x205: {  	[tilespmem:s12], [sflag:$0x2] =	stream.linear.gather [hbm4b:s16+s5], $0xFA0, $0x38;
	[tilespmem:$0x1C400] =	vst v63  }
0x206: {  	v22 =	vld [tilespmem:s13+$0xFFFFFFF0]  }
0x207: {  	v23 =	vld [tilespmem:s13+$0x0]  }
0x208: {  	v24 =	vld [tilespmem:s13+$0xFFFFFFE0];
	_ =	sdelay $0x2  }
0x209: {  	v26 =	vld [tilespmem:s13+$0x10];
	_ =	sdelay $0x1  }
0x20a: {  	s7 =	simm.s32 $0x0  }
0x20b: {  	v15 =	vld.idx.msk [tilespmem:v22+s7+$0x0], $0xffff  }
0x20c: {  	v18 =	vld.idx.msk [tilespmem:v23+s7+$0x0], $0xffff  }
0x20d: {  	v19 =	vld.idx.msk [tilespmem:v24+s7+$0x0], $0xffff  }
0x20e: {  	v25 =	vimm.s32 $0x0;
	v17 =	vsub.s32 v24, v0  }
0x20f: {  	v16 =	vsub.s32 v23, v0;
	v32 =	vsub.s32 v22, v0;
	v20 =	vsub.s32 v26, v0  }
0x210: {  	v35 =	vand.u32 $0x7F, v22;
	vm2 =	vlt.u32 v32, $0x1400;
	v21 =	vld.idx.msk [tilespmem:v26+s7+$0x0], $0xffff;
	vm0 =	vgt.s32 v15, $0x0  }
0x211: {  	vm1 =	vlt.u32 v17, $0x1400;
	vm4 =	vlt.u32 v16, $0x1400;
	vm5 =	vmand vm0, vm2  }
0x212: {  	s14 =	simm.s32 $0x4BE0;
	vm3 =	vgt.s32 v18, $0x0;
	vm2 =	vgt.s32 v19, $0x0;
	v15 =	vsel vm5, $0x1, v3  }
0x213: {  	v30 =	vand.u32 $0xFFFFFF80, v32;
	v18 =	vld [tilespmem:s14+$0x0];
	vm0 =	vmand vm3, vm4;
	vm1 =	vmand vm2, vm1;
	(xrf0) =	vadd.scan.msk.s32 $0xffff, v15  }
0x214: {  	v31 =	vand.u32 $0xFFFFFF80, v16;
	v19 =	vld [tilespmem:s14+$0xFFFFFFF0];
	vm0 =	vmmov vm0;
	v15 =	vsel vm1, $0x1, v3  }
0x215: {  	vm3 =	vlt.u32 v20, $0x1400;
	vm2 =	vgt.s32 v21, $0x0;
	v21 =	vsel vm0, $0x1, v3;
	(xrf0) =	vadd.scan.msk.s32 $0xffff, v15;
	v15 =	vld [tilespmem:s14+$0xFFFFFFE0]  }
0x216: {  	v33 =	vand.u32 $0xFFFFFF80, v20;
	v24 =	vand.u32 $0x7F, v24;
	vm2 =	vmand vm2, vm3;
	(xrf0) =	vadd.scan.msk.s32 $0xffff, v21;
	v21 =	vld [tilespmem:s14+$0x10]  }
0x217: {  	v23 =	vand.u32 $0x7F, v23;
	v27 =	vmpcnt.ones.xlane vm1;
	v29 =	vsel vm2, $0x1, v3  }
0x218: {  	s15 =	simm.s32 $0x2BA0;
	v26 =	vand.u32 $0x7F, v26;
	v28 =	vmpcnt.ones.xlane vm5;
	vm4 =	vmmov vm5;
	(xrf0) =	vadd.scan.msk.s32 $0xffff, v29  }
0x219: {  	v39 =	vld [tilespmem:s15+$0xFFFFFFE0];
	vm3 =	vmmov vm1;
	v36 =	vmpcnt.ones.xlane vm2;
	v22 =	vadd.s32 v25, v27;
	v34, _, _ =	vpop (xrf0)  }
0x21a: {  	v37 =	vld [tilespmem:s15+$0xFFFFFFF0];
	v27 =	vmpcnt.ones.xlane vm0;
	v29 =	vand.u32 $0xFFFFFF80, v17;
	v34 =	vadd.s32 v34, v22  }
0x21b: {  	v28 =	vadd.s32 v22, v28;
	v41 =	vld.idx.msk [tilespmem:v18+s7+$0x0], $0xffff;
	v38, _, _ =	vpop (xrf0);
	v22 =	vor.u32 v24, v29;
	v40 =	vadd.s32 $0xFFFFFFFF, v34  }
0x21c: {  	v42 =	vld.idx.msk [tilespmem:v19+s7+$0x0], $0xffff;
	v24 =	vadd.s32 v28, v27;
	v27 =	vadd.s32 v38, v25;
	v25 =	vor.u32 v23, v31  }
0x21d: {  	v23 =	vadd.s32 v24, v36;
	v31, _, _ =	vpop (xrf0);
	v34 =	vor.u32 v26, v33;
	v29 =	vadd.s32 $0xFFFFFFFF, v27;
	v38 =	vld.idx.msk [tilespmem:v15+s7+$0x0], $0xffff  }
0x21e: {  	v26 =	vsub.s32 v15, v0;
	v33 =	vor.u32 v35, v30;
	v27 =	vadd.s32 v31, v28;
	v31, _, _ =	vpop (xrf0);
	v36 =	vld.idx.msk [tilespmem:v21+s7+$0x0], $0xffff  }
0x21f: {  	v30 =	vsub.s32 v21, v0;
	v28 =	vadd.s32 $0xFFFFFFFF, v27;
	v24 =	vadd.s32 v31, v24;
	v31 =	vld [tilespmem:s15+$0x0]  }
0x220: {  	vm6 =	vlt.u32 v26, $0x1400;
	v27 =	vsub.s32 v18, v0;
	v35 =	vadd.s32 $0xFFFFFFFF, v24;
	[tilespmem:v40+s31+$0x0] =	vst.idx.msk vm5, v37;
	v37 =	vld [tilespmem:s15+$0x10]  }
0x221: {  	s8 =	simm.s32 $0x2BE0;
	vm8 =	vgt.s32 v41, $0x0;
	v24 =	vsub.s32 v19, v0;
	vm9 =	vlt.u32 v27, $0x1400;
	[tilespmem:v40+s1+$0x0] =	vst.idx.msk vm5, v32  }
0x222: {  	s9 =	simm.s32 $0x4;
	s10 =	simm.s32 $0x4C20;
	vm7 =	vlt.u32 v24, $0x1400;
	vm9 =	vmand vm8, vm9;
	vm5 =	vgt.s32 v42, $0x0;
	v32 =	vld [tilespmem:s8+$0x0];
	[tilespmem:v29+s31+$0x0] =	vst.idx.msk vm1, v39  }
.LBB2_26:
0x223: {  	vm10 =	vgt.s32 v38, $0x0;
	vm8 =	vmand vm5, vm7;
	vm11 =	vlt.u32 v30, $0x1400  }
0x224: {  	v39 =	vld [tilespmem:s10+$0x0];
	s9 =	sadd.s32 $0x4, s9;
	[tilespmem:v28+s31+$0x0] =	vst.idx.msk vm0, v31;
	vm5 =	vmmov vm1;
	vm7 =	vmmov vm0;
	vm0 =	vmmov vm9  }
0x225: {  	v38 =	vld [tilespmem:s10+$0xFFFFFFE0];
	p0 =	slt.u32 s9, $0xF4;
	vm1 =	vmand vm10, vm6;
	v31 =	vsel vm8, $0x1, v3;
	vm6 =	vgt.s32 v36, $0x0;
	[tilespmem:v35+s31+$0x0] =	vst.idx.msk vm2, v37  }
0x226: {  	v36 =	vld [tilespmem:s10+$0xFFFFFFF0];
	v37 =	vsel vm1, $0x1, v3;
	v40 =	vmpcnt.ones.xlane vm1;
	(xrf0) =	vadd.scan.msk.s32 $0xffff, v31;
	[tilespmem:v35+s1+$0x0] =	vst.idx.msk vm2, v20;
	v20 =	vmovc v30  }
0x227: {  	v30 =	vmpcnt.ones.xlane vm8;
	(xrf0) =	vadd.scan.msk.s32 $0xffff, v37;
	[tilespmem:v34+s0+$0x0] =	vst.idx.add.f32.msk vm2, v6;
	vm2 =	vmand vm6, vm11  }
0x228: {  	v35 =	vand.u32 $0xFFFFFF80, v24;
	v34 =	vsel vm0, $0x1, v3;
	v37 =	vsel vm2, $0x1, v3;
	[tilespmem:v33+s0+$0x0] =	vst.idx.add.f32.msk vm4, v6;
	v31 =	vmovc v32  }
0x229: {  	v41 =	vand.u32 $0xFFFFFF80, v20;
	v33 =	vand.u32 $0xFFFFFF80, v27;
	v32 =	vld [tilespmem:s10+$0x10];
	(xrf0) =	vadd.scan.msk.s32 $0xffff, v34;
	[tilespmem:v29+s1+$0x0] =	vst.idx.msk vm3, v17;
	v17 =	vmovc v26  }
0x22a: {  	vm4 =	vmmov vm8;
	vm3 =	vmmov vm1;
	v42 =	vld [tilespmem:s8+$0xFFFFFFE0];
	(xrf0) =	vadd.scan.msk.s32 $0xffff, v37;
	[tilespmem:v28+s1+$0x0] =	vst.idx.msk vm7, v16;
	v16 =	vmovc v27  }
0x22b: {  	v26 =	vand.u32 $0xFFFFFF80, v17;
	v27 =	vand.u32 $0x7F, v15;
	v37 =	vand.u32 $0x7F, v19;
	v15 =	vmovc v38;
	[tilespmem:v25+s0+$0x0] =	vst.idx.add.f32.msk vm7, v6;
	v19 =	vmovc v36  }
0x22c: {  	v45 =	vmpcnt.ones.xlane vm0;
	v43 =	vadd.s32 v23, v40;
	v28 =	vand.u32 $0x7F, v18;
	v29, _, _ =	vpop (xrf0);
	[tilespmem:v22+s0+$0x0] =	vst.idx.add.f32.msk vm5, v6  }
0x22d: {  	v30 =	vadd.s32 v43, v30;
	v34 =	vmpcnt.ones.xlane vm2;
	v40 =	vld [tilespmem:s8+$0xFFFFFFF0];
	v29 =	vadd.s32 v29, v43;
	v25, _, _ =	vpop (xrf0)  }
0x22e: {  	v18 =	vmovc v39;
	v22 =	vor.u32 v27, v26;
	v26 =	vadd.s32 v30, v45;
	v43 =	vld.idx.msk [tilespmem:v39+s7+$0x0], $0xffff;
	v44 =	vadd.s32 $0xFFFFFFFF, v29  }
0x22f: {  	v27 =	vadd.s32 v25, v23;
	v25 =	vor.u32 v28, v33;
	v23 =	vadd.s32 v26, v34;
	v39 =	vld.idx.msk [tilespmem:v36+s7+$0x0], $0xffff;
	v28, _, _ =	vpop (xrf0)  }
0x230: {  	v33 =	vand.u32 $0x7F, v21;
	v29 =	vadd.s32 $0xFFFFFFFF, v27;
	v38 =	vld.idx.msk [tilespmem:v38+s7+$0x0], $0xffff;
	v27 =	vadd.s32 v28, v30;
	v30, _, _ =	vpop (xrf0)  }
.Ltmp16:
0x231: {  	v21 =	vmovc v32;
	v34 =	vor.u32 v33, v41;
	v36 =	vld.idx.msk [tilespmem:v32+s7+$0x0], $0xffff;
	v28 =	vadd.s32 $0xFFFFFFFF, v27;
	v27 =	vadd.s32 v30, v26;
	(pc) =	sbr.rel @p0 .LBB2_26-.Ltmp16, $4  }
0x232: {  	v33 =	vor.u32 v37, v35;
	v26 =	vsub.s32 v15, v0;
	v37 =	vld [tilespmem:s8+$0x10];
	v35 =	vadd.s32 $0xFFFFFFFF, v27  }
0x233: {  	v30 =	vsub.s32 v21, v0;
	vm6 =	vlt.u32 v26, $0x1400;
	v27 =	vsub.s32 v18, v0;
	[tilespmem:v44+s31+$0x0] =	vst.idx.msk vm4, v40  }
0x234: {  	s8 =	sadd.s32 $0x40, s8;
	vm8 =	vgt.s32 v43, $0x0;
	vm9 =	vlt.u32 v27, $0x1400;
	[tilespmem:v44+s1+$0x0] =	vst.idx.msk vm4, v24;
	v24 =	vsub.s32 v19, v0  }
0x235: {  	s10 =	sadd.s32 $0x40, s10;
	vm5 =	vgt.s32 v39, $0x0;
	vm9 =	vmand vm8, vm9;
	vm7 =	vlt.u32 v24, $0x1400;
	v32 =	vld [tilespmem:s8+$0x0];
	[tilespmem:v29+s31+$0x0] =	vst.idx.msk vm1, v42  }
0x236: {  	vm8 =	vmand vm5, vm7  }
0x237: {  	vm13 =	vgt.s32 v38, $0x0;
	v43 =	vsel vm8, $0x1, v3  }
0x238: {  	vm6 =	vmand vm13, vm6;
	(xrf0) =	vadd.scan.msk.s32 $0xffff, v43  }
0x239: {  	vm7 =	vmmov vm9;
	v44 =	vsel vm6, $0x1, v3  }
0x23a: {  	v45 =	vsel vm7, $0x1, v3;
	(xrf0) =	vadd.scan.msk.s32 $0xffff, v44  }
0x23b: {  	vm14 =	vlt.u32 v30, $0x1400;
	vm15 =	vgt.s32 v36, $0x0;
	vm12 =	vmmov vm0;
	(xrf0) =	vadd.scan.msk.s32 $0xffff, v45  }
0x23c: {  	[tilespmem:v28+s31+$0x0] =	vst.idx.msk vm0, v31;
	vm5 =	vmand vm15, vm14;
	v47 =	vmpcnt.ones.xlane vm6  }
0x23d: {  	vm1 =	vmmov vm1;
	[tilespmem:v33+s0+$0x0] =	vst.idx.add.f32.msk vm4, v6;
	v46 =	vsel vm5, $0x1, v3  }
0x23e: {  	[tilespmem:v29+s1+$0x0] =	vst.idx.msk vm3, v17;
	v48 =	vadd.s32 v23, v47;
	(xrf0) =	vadd.scan.msk.s32 $0xffff, v46;
	v49, _, _ =	vpop (xrf0)  }
0x23f: {  	[tilespmem:v35+s31+$0x0] =	vst.idx.msk vm2, v37;
	v50 =	vmpcnt.ones.xlane vm8;
	v31 =	vadd.s32 v49, v48  }
0x240: {  	v51 =	vld [tilespmem:s8+$0xFFFFFFF0];
	v17 =	vmpcnt.ones.xlane vm7;
	[tilespmem:v35+s1+$0x0] =	vst.idx.msk vm2, v20;
	v52, _, _ =	vpop (xrf0);
	v31 =	vadd.s32 $0xFFFFFFFF, v31  }
0x241: {  	v53 =	vld [tilespmem:s8+$0xFFFFFFE0];
	[tilespmem:v28+s1+$0x0] =	vst.idx.msk vm12, v16;
	v16 =	vadd.s32 v48, v50;
	v54 =	vadd.s32 v52, v23;
	v55, _, _ =	vpop (xrf0)  }
0x242: {  	[tilespmem:v34+s0+$0x0] =	vst.idx.add.f32.msk vm2, v6;
	v17 =	vadd.s32 v16, v17;
	v20 =	vadd.s32 $0xFFFFFFFF, v54;
	v16 =	vadd.s32 v55, v16  }
0x243: {  	v60 =	vand.u32 $0xFFFFFF80, v24;
	v19 =	vand.u32 $0x7F, v19;
	[tilespmem:v22+s0+$0x0] =	vst.idx.add.f32.msk vm1, v6;
	v16 =	vadd.s32 $0xFFFFFFFF, v16  }
0x244: {  	v19 =	vor.u32 v19, v60;
	[tilespmem:v25+s0+$0x0] =	vst.idx.add.f32.msk vm12, v6;
	v56, _, _ =	vpop (xrf0)  }
0x245: {  	v57 =	vadd.s32 v56, v17;
	[tilespmem:v31+s31+$0x0] =	vst.idx.msk vm8, v51  }
0x246: {  	v58 =	vld [tilespmem:s8+$0x10];
	v22 =	vadd.s32 $0xFFFFFFFF, v57;
	[tilespmem:v31+s1+$0x0] =	vst.idx.msk vm8, v24  }
0x247: {  	v62 =	vand.u32 $0xFFFFFF80, v26;
	v15 =	vand.u32 $0x7F, v15;
	[tilespmem:v20+s31+$0x0] =	vst.idx.msk vm6, v53  }
0x248: {  	v63 =	vor.u32 v15, v62;
	[tilespmem:v16+s31+$0x0] =	vst.idx.msk vm7, v32  }
0x249: {  	v61 =	vand.u32 $0xFFFFFF80, v27;
	v18 =	vand.u32 $0x7F, v18;
	[tilespmem:v19+s0+$0x0] =	vst.idx.add.f32.msk vm8, v6  }
0x24a: {  	v59 =	vand.u32 $0xFFFFFF80, v30;
	v21 =	vand.u32 $0x7F, v21;
	v18 =	vor.u32 v18, v61;
	[tilespmem:v20+s1+$0x0] =	vst.idx.msk vm6, v26  }
0x24b: {  	v21 =	vor.u32 v21, v59;
	[tilespmem:v22+s31+$0x0] =	vst.idx.msk vm5, v58  }
0x24c: {  	[tilespmem:v16+s1+$0x0] =	vst.idx.msk vm7, v27  }
0x24d: {  	[tilespmem:v63+s0+$0x0] =	vst.idx.add.f32.msk vm6, v6  }
0x24e: {  	v15 =	vmpcnt.ones.xlane vm5;
	[tilespmem:v22+s1+$0x0] =	vst.idx.msk vm5, v30  }
0x24f: {  	vm13 =	vmmov vm8;
	[tilespmem:v18+s0+$0x0] =	vst.idx.add.f32.msk vm7, v6  }
0x250: {  	vm15 =	vmmov vm7;
	vm14 =	vmmov vm6;
	v15 =	vadd.s32 v17, v15;
	[tilespmem:v21+s0+$0x0] =	vst.idx.add.f32.msk vm5, v6  }
.LBB2_28:
0x251: {  	s8 =	sshra.s32 s7, $0x2  }
0x252: {  	v16 =	vld [tilespmem:s8+$0x5B00];
	_ =	sdelay $0x7  }
0x253: {  	v17 =	vld.idx.msk [tilespmem:v16+s5+$0x0], $0xffff;
	_ =	sdelay $0x3  }
0x254: {  	v16 =	vadd.s32 v1, v16  }
0x255: {  	vm1 =	vlt.u32 v16, $0x1400;
	vm0 =	vgt.s32 v17, $0x0  }
0x256: {  	vm0 =	vmand vm0, vm1  }
0x257: {  	v17 =	vsel vm0, $0x1, v3  }
0x258: {  	(xrf0) =	vadd.scan.msk.s32 $0xffff, v17;
	_ =	sdelay $0x5  }
0x259: {  	v17, _, _ =	vpop (xrf0)  }
0x25a: {  	v17 =	vadd.s32 v17, v15  }
0x25b: {  	v18 =	vld [tilespmem:s8+$0x3B00];
	v17 =	vadd.s32 $0xFFFFFFFF, v17;
	_ =	sdelay $0x1  }
0x25c: {  	p0 =	sne.s32 s7, $0x40  }
.Ltmp17:
0x25d: {  	_ = 	snop;
	(pc) =	sbr.rel @p0 .LBB2_28-.Ltmp17, $4  }
0x25e: {  	_ = 	snop  }
0x25f: {  	v63 =	vmpcnt.ones.xlane vm0;
	[tilespmem:v17+s31+$0x0] =	vst.idx.msk vm0, v18  }
0x260: {  	[tilespmem:v17+s1+$0x0] =	vst.idx.msk vm0, v16  }
0x261: {  	s7 =	sadd.s32 $0x40, s7;
	v15 =	vadd.s32 v15, v63;
	[tilespmem:v16+s0+$0x0] =	vst.idx.add.f32.msk vm0, v6  }
0x262: {  	v16 =	vadd.s32 $0x7F, v15  }
0x263: {  	v16 =	vand.u32 $0xFFFFFF80, v16  }
0x264: {  	v17 =	vxor.u32 $0x80000000, v16  }
0x265: {  	(xrf0) =	vmax.scan.msk.u32 $0xffff, v17;
	_ =	sdelay $0x5  }
0x266: {  	v19, _, _ =	vpop (xrf0)  }
0x267: {  	(v2sf) =	vpush v19, $0xF  }
0x268: {  	v59 =	vadd.s32 v5, v15  }
0x269: {  	vm0 =	vlt.s32 v59, v16  }
0x26a: {  	v18 =	vadd.s32 v8, v15  }
0x26b: {  	vm1 =	vlt.s32 v18, v16  }
0x26c: {  	v60 =	vadd.s32 v9, v15  }
0x26d: {  	vm2 =	vlt.s32 v60, v16  }
0x26e: {  	v20 =	vadd.s32 v10, v15  }
0x26f: {  	vm3 =	vlt.s32 v20, v16;
	[tilespmem:v59+s31+$0x0] =	vst.idx.msk vm0, v3  }
0x270: {  	v61 =	vadd.s32 v11, v15;
	[tilespmem:v59+s1+$0x0] =	vst.idx.msk vm0, v7  }
0x271: {  	vm12 =	vlt.s32 v61, v16;
	[tilespmem:v18+s31+$0x0] =	vst.idx.msk vm1, v3  }
0x272: {  	v62 =	vadd.s32 v12, v15;
	[tilespmem:v18+s1+$0x0] =	vst.idx.msk vm1, v7  }
0x273: {  	vm13 =	vlt.s32 v62, v16;
	[tilespmem:v60+s31+$0x0] =	vst.idx.msk vm2, v3  }
0x274: {  	v63 =	vadd.s32 v13, v15;
	[tilespmem:v60+s1+$0x0] =	vst.idx.msk vm2, v7  }
0x275: {  	vm14 =	vlt.s32 v63, v16;
	[tilespmem:v20+s31+$0x0] =	vst.idx.msk vm3, v3  }
0x276: {  	v15 =	vadd.s32 v14, v15;
	[tilespmem:v20+s1+$0x0] =	vst.idx.msk vm3, v7;
	s7 =	spop (v2sf)  }
0x277: {  	vm15 =	vlt.s32 v15, v16;
	[tilespmem:v61+s31+$0x0] =	vst.idx.msk vm12, v3;
	s7 =	sshra.s32 s7, $0x7  }
0x278: {  	[tilespmem:v61+s1+$0x0] =	vst.idx.msk vm12, v7;
	s8 =	sxor.u32 $0xFF000000, s7  }
0x279: {  	[tilespmem:v62+s31+$0x0] =	vst.idx.msk vm13, v3;
	p0 =	slt.s32 s8, $0x1  }
.Ltmp18:
0x27a: {  	[tilespmem:v62+s1+$0x0] =	vst.idx.msk vm13, v7;
	(pc) =	sbr.rel @p0 .LBB2_33-.Ltmp18, $4  }
0x27b: {  	[tilespmem:v63+s31+$0x0] =	vst.idx.msk vm14, v3  }
0x27c: {  	[tilespmem:v63+s1+$0x0] =	vst.idx.msk vm14, v7  }
0x27d: {  	[tilespmem:v15+s31+$0x0] =	vst.idx.msk vm15, v3  }
0x27e: {  	[tilespmem:v15+s1+$0x0] =	vst.idx.msk vm15, v7  }
0x27f: {  	[tilespmem:s22], [sflag:$0x3] =	stream.indirect.gather [hbm4b:s3+s2], $0x80, s31, s2, $0xb8;
	[tilespmem:$0x1C400] =	vst v63  }
0x280: {  	s9 =	simm.s32 $0x0;
	p0 =	sle.s32 s8, $0x1  }
0x281: {  	s7 =	sand.u32 @!p0 $0x1, s9  }
0x282: {  	p1 =	seq.s32 @!p0 s7, $0x0  }
0x283: {  	s10 =	simm.s32 $0x6C00;
	p2 =	por !p1, p0;
	p0 =	por p1, p0  }
0x284: {  	p1 =	sne.s32 s8, $0x1;
	s11 =	simm.s32 @!p2 $0xE000;
	s12 =	simm.s32 @!p2 $0x80  }
0x285: {  	[tilespmem:s11], [sflag:$0x4] =	stream.indirect.gather @!p2 [hbm4b:s3+s12], $0x80, s10, s12, $0xb8;
	[tilespmem:$0x1C400] =	vst v63  }
.Ltmp19:
0x286: {  	_ = 	snop;
	(pc) =	sbr.rel @!p1 .LBB2_32-.Ltmp19, $4  }
0x287: {  	s9 =	sand.u32 $0x1, s9;
	s11 =	simm.s32 @!p0 $0x80;
	s12 =	simm.s32 @!p0 $0xA000  }
0x288: {  	[tilespmem:s12], [sflag:$0x3] =	stream.indirect.gather @!p0 [hbm4b:s3+s11], $0x80, s10, s11, $0xb8;
	[tilespmem:$0x1C400] =	vst v63  }
0x289: {  	s7 =	simm.s32 $0x7B80;
	s10 =	simm.s32 $0x1;
	p0 =	sne.s32 s9, $0x0  }
0x28a: {  	s11 =	simm.s32 $0x6C80;
	s12 =	simm.s32 @p0 $0x4;
	s9 =	simm.s32 @!p0 $0x7  }
.LBB2_31:
0x28b: {  	_ =	swait.ge @p0 [sflag:s12], $0x4000  }
0x28c: {  	s13 =	simm.s32 @!p0 $0x3;
	s9 =	simm.s32 @p0 $0x6;
	s14 =	smov.u32 s10  }
0x28d: {  	s10 =	sadd.s32 $0x1, s10;
	s15 =	simm.s32 @p0 $0xE000;
	[sflag:s12] =	ssyncset.done @p0 $0x0  }
0x28e: {  	p1 =	sge.s32 s10, s8;
	[sflag:s12] =	ssyncadd.s32 @p0 $0xFFFFC000;
	s12 =	simm.s32 @p0 $0x80  }
0x28f: {  	[spmem:s4] =	stream.indirect.scatter.add.f32 @p0 [tilespmem:s15], [sflag:$0x6], $0x80, s7, s12, $0xb8;
	[tilespmem:$0x1C400] =	vst v63  }
0x290: {  	s12 =	sand.u32 @!p1 $0x1, s14;
	s15 =	simm.s32 @!p0 $0xA000;
	_ =	swait.ge @!p0 [sflag:s13], $0x4000  }
0x291: {  	p2 =	seq.s32 @!p1 s12, $0x0;
	s12 =	simm.s32 @!p0 $0x80;
	[sflag:s13] =	ssyncset.done @!p0 $0x0  }
0x292: {  	p3 =	por !p2, p1;
	p2 =	por p2, p1;
	[sflag:s13] =	ssyncadd.s32 @!p0 $0xFFFFC000  }
0x293: {  	[spmem:s4] =	stream.indirect.scatter.add.f32 @!p0 [tilespmem:s15], [sflag:$0x7], $0x80, s7, s12, $0xb8;
	[tilespmem:$0x1C400] =	vst v63  }
0x294: {  	p1 =	sne.s32 s8, s10;
	s7 =	sadd.s32 $0x80, s7;
	_ =	swait.ge [sflag:s9], $0x4000  }
0x295: {  	s13 =	simm.s32 @!p3 $0xE000;
	s12 =	sand.u32 $0x1, s14;
	[sflag:s9] =	ssyncset.done $0x0  }
.Ltmp20:
0x296: {  	s14 =	simm.s32 @!p3 $0x80;
	[sflag:s9] =	ssyncadd.s32 $0xFFFFC000;
	(pc) =	sbr.rel @p1 .LBB2_31-.Ltmp20, $4  }
0x297: {  	[tilespmem:s13], [sflag:$0x4] =	stream.indirect.gather @!p3 [hbm4b:s3+s14], $0x80, s11, s14, $0xb8;
	[tilespmem:$0x1C400] =	vst v63  }
0x298: {  	p0 =	sne.s32 s12, $0x0;
	s9 =	simm.s32 @!p2 $0x80;
	s13 =	simm.s32 @!p2 $0xA000  }
0x299: {  	[tilespmem:s13], [sflag:$0x3] =	stream.indirect.gather @!p2 [hbm4b:s3+s9], $0x80, s11, s9, $0xb8;
	[tilespmem:$0x1C400] =	vst v63  }
0x29a: {  	s12 =	simm.s32 @p0 $0x4;
	s9 =	simm.s32 @!p0 $0x7;
	s11 =	sadd.s32 $0x80, s11  }
.LBB2_32:
0x29b: {  	_ =	swait.ge @p0 [sflag:s12], $0x4000  }
0x29c: {  	s8 =	simm.s32 @!p0 $0x3;
	[sflag:s12] =	ssyncset.done @p0 $0x0  }
0x29d: {  	s10 =	simm.s32 @p0 $0xE000;
	s11 =	simm.s32 @p0 $0x80;
	[sflag:s12] =	ssyncadd.s32 @p0 $0xFFFFC000  }
0x29e: {  	[spmem:s4] =	stream.indirect.scatter.add.f32 @p0 [tilespmem:s10], [sflag:$0x6], $0x80, s7, s11, $0xb8;
	[tilespmem:$0x1C400] =	vst v63  }
0x29f: {  	_ =	swait.ge @!p0 [sflag:s8], $0x4000  }
0x2a0: {  	s9 =	simm.s32 @p0 $0x6;
	[sflag:s8] =	ssyncset.done @!p0 $0x0  }
0x2a1: {  	s10 =	simm.s32 @!p0 $0xA000;
	s11 =	simm.s32 @!p0 $0x80;
	[sflag:s8] =	ssyncadd.s32 @!p0 $0xFFFFC000  }
0x2a2: {  	[spmem:s4] =	stream.indirect.scatter.add.f32 @!p0 [tilespmem:s10], [sflag:$0x7], $0x80, s7, s11, $0xb8;
	[tilespmem:$0x1C400] =	vst v63  }
0x2a3: {  	_ =	swait.ge [sflag:s9], $0x4000  }
0x2a4: {  	[sflag:s9] =	ssyncset.done $0x0  }
0x2a5: {  	[sflag:s9] =	ssyncadd.s32 $0xFFFFC000  }
.LBB2_33:
0x2a6: {  	_ =	swait.ge [sflag:s29], $0xFA0  }
0x2a7: {  	[sflag:s29] =	ssyncset.done $0x0  }
0x2a8: {  	[sflag:s29] =	ssyncadd.s32 $0xFFFFF060  }
0x2a9: {  	_ =	swait.ge [sflag:s29], $0xFA0  }
0x2aa: {  	[sflag:s29] =	ssyncset.done $0x0  }
0x2ab: {  	[sflag:s29] =	ssyncadd.s32 $0xFFFFF060  }
0x2ac: {  	[tilespmem:s23], [sflag:$0x1] =	stream.linear.gather [hbm4b:s17+s5], $0xFA0, $0x38;
	[tilespmem:$0x1C400] =	vst v63  }
0x2ad: {  	s7 =	simm.s32 $0x5BA0  }
0x2ae: {  	[tilespmem:s24], [sflag:$0x1] =	stream.linear.gather [hbm4b:s18+s5], $0xFA0, $0x38;
	[tilespmem:$0x1C400] =	vst v63  }
0x2af: {  	v22 =	vld [tilespmem:s7+$0xFFFFFFF0]  }
0x2b0: {  	v23 =	vld [tilespmem:s7+$0x0]  }
0x2b1: {  	v24 =	vld [tilespmem:s7+$0xFFFFFFE0];
	_ =	sdelay $0x2  }
0x2b2: {  	v26 =	vld [tilespmem:s7+$0x10];
	_ =	sdelay $0x1  }
0x2b3: {  	s7 =	simm.s32 $0x0  }
0x2b4: {  	v15 =	vld.idx.msk [tilespmem:v22+s7+$0x0], $0xffff  }
0x2b5: {  	v18 =	vld.idx.msk [tilespmem:v23+s7+$0x0], $0xffff  }
0x2b6: {  	v19 =	vld.idx.msk [tilespmem:v24+s7+$0x0], $0xffff  }
0x2b7: {  	v25 =	vimm.s32 $0x0;
	v17 =	vsub.s32 v24, v0  }
0x2b8: {  	v16 =	vsub.s32 v23, v0;
	v32 =	vsub.s32 v22, v0;
	v20 =	vsub.s32 v26, v0  }
0x2b9: {  	v35 =	vand.u32 $0x7F, v22;
	vm2 =	vlt.u32 v32, $0x1400;
	v21 =	vld.idx.msk [tilespmem:v26+s7+$0x0], $0xffff;
	vm0 =	vgt.s32 v15, $0x0  }
0x2ba: {  	vm1 =	vlt.u32 v17, $0x1400;
	vm4 =	vlt.u32 v16, $0x1400;
	vm5 =	vmand vm0, vm2  }
0x2bb: {  	s8 =	simm.s32 $0x5BE0;
	vm3 =	vgt.s32 v18, $0x0;
	vm2 =	vgt.s32 v19, $0x0;
	v15 =	vsel vm5, $0x1, v3  }
0x2bc: {  	v30 =	vand.u32 $0xFFFFFF80, v32;
	v18 =	vld [tilespmem:s8+$0x0];
	vm0 =	vmand vm3, vm4;
	vm1 =	vmand vm2, vm1;
	(xrf0) =	vadd.scan.msk.s32 $0xffff, v15  }
0x2bd: {  	v31 =	vand.u32 $0xFFFFFF80, v16;
	v19 =	vld [tilespmem:s8+$0xFFFFFFF0];
	vm0 =	vmmov vm0;
	v15 =	vsel vm1, $0x1, v3  }
0x2be: {  	vm3 =	vlt.u32 v20, $0x1400;
	vm2 =	vgt.s32 v21, $0x0;
	v21 =	vsel vm0, $0x1, v3;
	(xrf0) =	vadd.scan.msk.s32 $0xffff, v15;
	v15 =	vld [tilespmem:s8+$0xFFFFFFE0]  }
0x2bf: {  	v33 =	vand.u32 $0xFFFFFF80, v20;
	v24 =	vand.u32 $0x7F, v24;
	vm2 =	vmand vm2, vm3;
	(xrf0) =	vadd.scan.msk.s32 $0xffff, v21;
	v21 =	vld [tilespmem:s8+$0x10]  }
0x2c0: {  	v23 =	vand.u32 $0x7F, v23;
	v27 =	vmpcnt.ones.xlane vm1;
	v29 =	vsel vm2, $0x1, v3  }
0x2c1: {  	s15 =	simm.s32 $0x3BA0;
	v26 =	vand.u32 $0x7F, v26;
	v28 =	vmpcnt.ones.xlane vm5;
	vm4 =	vmmov vm5;
	(xrf0) =	vadd.scan.msk.s32 $0xffff, v29  }
0x2c2: {  	v39 =	vld [tilespmem:s15+$0xFFFFFFE0];
	vm3 =	vmmov vm1;
	v36 =	vmpcnt.ones.xlane vm2;
	v22 =	vadd.s32 v25, v27;
	v34, _, _ =	vpop (xrf0)  }
0x2c3: {  	v37 =	vld [tilespmem:s15+$0xFFFFFFF0];
	v27 =	vmpcnt.ones.xlane vm0;
	v29 =	vand.u32 $0xFFFFFF80, v17;
	v34 =	vadd.s32 v34, v22  }
0x2c4: {  	v28 =	vadd.s32 v22, v28;
	v41 =	vld.idx.msk [tilespmem:v18+s7+$0x0], $0xffff;
	v38, _, _ =	vpop (xrf0);
	v22 =	vor.u32 v24, v29;
	v40 =	vadd.s32 $0xFFFFFFFF, v34  }
0x2c5: {  	v42 =	vld.idx.msk [tilespmem:v19+s7+$0x0], $0xffff;
	v24 =	vadd.s32 v28, v27;
	v27 =	vadd.s32 v38, v25;
	v25 =	vor.u32 v23, v31  }
0x2c6: {  	v23 =	vadd.s32 v24, v36;
	v31, _, _ =	vpop (xrf0);
	v34 =	vor.u32 v26, v33;
	v29 =	vadd.s32 $0xFFFFFFFF, v27;
	v38 =	vld.idx.msk [tilespmem:v15+s7+$0x0], $0xffff  }
0x2c7: {  	v26 =	vsub.s32 v15, v0;
	v33 =	vor.u32 v35, v30;
	v27 =	vadd.s32 v31, v28;
	v31, _, _ =	vpop (xrf0);
	v36 =	vld.idx.msk [tilespmem:v21+s7+$0x0], $0xffff  }
0x2c8: {  	v30 =	vsub.s32 v21, v0;
	v28 =	vadd.s32 $0xFFFFFFFF, v27;
	v24 =	vadd.s32 v31, v24;
	v31 =	vld [tilespmem:s15+$0x0]  }
0x2c9: {  	vm6 =	vlt.u32 v26, $0x1400;
	v27 =	vsub.s32 v18, v0;
	v35 =	vadd.s32 $0xFFFFFFFF, v24;
	[tilespmem:v40+s31+$0x0] =	vst.idx.msk vm5, v37;
	v37 =	vld [tilespmem:s15+$0x10]  }
0x2ca: {  	s8 =	simm.s32 $0x3BE0;
	vm8 =	vgt.s32 v41, $0x0;
	v24 =	vsub.s32 v19, v0;
	vm9 =	vlt.u32 v27, $0x1400;
	[tilespmem:v40+s1+$0x0] =	vst.idx.msk vm5, v32  }
0x2cb: {  	s9 =	simm.s32 $0x4;
	s10 =	simm.s32 $0x5C20;
	vm7 =	vlt.u32 v24, $0x1400;
	vm9 =	vmand vm8, vm9;
	vm5 =	vgt.s32 v42, $0x0;
	v32 =	vld [tilespmem:s8+$0x0];
	[tilespmem:v29+s31+$0x0] =	vst.idx.msk vm1, v39  }
.LBB2_34:
0x2cc: {  	vm10 =	vgt.s32 v38, $0x0;
	vm8 =	vmand vm5, vm7;
	vm11 =	vlt.u32 v30, $0x1400  }
0x2cd: {  	v39 =	vld [tilespmem:s10+$0x0];
	s9 =	sadd.s32 $0x4, s9;
	[tilespmem:v28+s31+$0x0] =	vst.idx.msk vm0, v31;
	vm5 =	vmmov vm1;
	vm7 =	vmmov vm0;
	vm0 =	vmmov vm9  }
0x2ce: {  	v38 =	vld [tilespmem:s10+$0xFFFFFFE0];
	p0 =	slt.u32 s9, $0xF4;
	vm1 =	vmand vm10, vm6;
	v31 =	vsel vm8, $0x1, v3;
	vm6 =	vgt.s32 v36, $0x0;
	[tilespmem:v35+s31+$0x0] =	vst.idx.msk vm2, v37  }
0x2cf: {  	v36 =	vld [tilespmem:s10+$0xFFFFFFF0];
	v37 =	vsel vm1, $0x1, v3;
	v40 =	vmpcnt.ones.xlane vm1;
	(xrf0) =	vadd.scan.msk.s32 $0xffff, v31;
	[tilespmem:v35+s1+$0x0] =	vst.idx.msk vm2, v20;
	v20 =	vmovc v30  }
0x2d0: {  	v30 =	vmpcnt.ones.xlane vm8;
	(xrf0) =	vadd.scan.msk.s32 $0xffff, v37;
	[tilespmem:v34+s0+$0x0] =	vst.idx.add.f32.msk vm2, v6;
	vm2 =	vmand vm6, vm11  }
0x2d1: {  	v35 =	vand.u32 $0xFFFFFF80, v24;
	v34 =	vsel vm0, $0x1, v3;
	v37 =	vsel vm2, $0x1, v3;
	[tilespmem:v33+s0+$0x0] =	vst.idx.add.f32.msk vm4, v6;
	v31 =	vmovc v32  }
0x2d2: {  	v41 =	vand.u32 $0xFFFFFF80, v20;
	v33 =	vand.u32 $0xFFFFFF80, v27;
	v32 =	vld [tilespmem:s10+$0x10];
	(xrf0) =	vadd.scan.msk.s32 $0xffff, v34;
	[tilespmem:v29+s1+$0x0] =	vst.idx.msk vm3, v17;
	v17 =	vmovc v26  }
0x2d3: {  	vm4 =	vmmov vm8;
	vm3 =	vmmov vm1;
	v42 =	vld [tilespmem:s8+$0xFFFFFFE0];
	(xrf0) =	vadd.scan.msk.s32 $0xffff, v37;
	[tilespmem:v28+s1+$0x0] =	vst.idx.msk vm7, v16;
	v16 =	vmovc v27  }
0x2d4: {  	v26 =	vand.u32 $0xFFFFFF80, v17;
	v27 =	vand.u32 $0x7F, v15;
	v37 =	vand.u32 $0x7F, v19;
	v15 =	vmovc v38;
	[tilespmem:v25+s0+$0x0] =	vst.idx.add.f32.msk vm7, v6;
	v19 =	vmovc v36  }
0x2d5: {  	v45 =	vmpcnt.ones.xlane vm0;
	v43 =	vadd.s32 v23, v40;
	v28 =	vand.u32 $0x7F, v18;
	v29, _, _ =	vpop (xrf0);
	[tilespmem:v22+s0+$0x0] =	vst.idx.add.f32.msk vm5, v6  }
0x2d6: {  	v30 =	vadd.s32 v43, v30;
	v34 =	vmpcnt.ones.xlane vm2;
	v40 =	vld [tilespmem:s8+$0xFFFFFFF0];
	v29 =	vadd.s32 v29, v43;
	v25, _, _ =	vpop (xrf0)  }
0x2d7: {  	v18 =	vmovc v39;
	v22 =	vor.u32 v27, v26;
	v26 =	vadd.s32 v30, v45;
	v43 =	vld.idx.msk [tilespmem:v39+s7+$0x0], $0xffff;
	v44 =	vadd.s32 $0xFFFFFFFF, v29  }
0x2d8: {  	v27 =	vadd.s32 v25, v23;
	v25 =	vor.u32 v28, v33;
	v23 =	vadd.s32 v26, v34;
	v39 =	vld.idx.msk [tilespmem:v36+s7+$0x0], $0xffff;
	v28, _, _ =	vpop (xrf0)  }
0x2d9: {  	v33 =	vand.u32 $0x7F, v21;
	v29 =	vadd.s32 $0xFFFFFFFF, v27;
	v38 =	vld.idx.msk [tilespmem:v38+s7+$0x0], $0xffff;
	v27 =	vadd.s32 v28, v30;
	v30, _, _ =	vpop (xrf0)  }
.Ltmp21:
0x2da: {  	v21 =	vmovc v32;
	v34 =	vor.u32 v33, v41;
	v36 =	vld.idx.msk [tilespmem:v32+s7+$0x0], $0xffff;
	v28 =	vadd.s32 $0xFFFFFFFF, v27;
	v27 =	vadd.s32 v30, v26;
	(pc) =	sbr.rel @p0 .LBB2_34-.Ltmp21, $4  }
0x2db: {  	v33 =	vor.u32 v37, v35;
	v26 =	vsub.s32 v15, v0;
	v37 =	vld [tilespmem:s8+$0x10];
	v35 =	vadd.s32 $0xFFFFFFFF, v27  }
0x2dc: {  	v30 =	vsub.s32 v21, v0;
	vm6 =	vlt.u32 v26, $0x1400;
	v27 =	vsub.s32 v18, v0;
	[tilespmem:v44+s31+$0x0] =	vst.idx.msk vm4, v40  }
0x2dd: {  	s8 =	sadd.s32 $0x40, s8;
	vm8 =	vgt.s32 v43, $0x0;
	vm9 =	vlt.u32 v27, $0x1400;
	[tilespmem:v44+s1+$0x0] =	vst.idx.msk vm4, v24;
	v24 =	vsub.s32 v19, v0  }
0x2de: {  	s10 =	sadd.s32 $0x40, s10;
	vm5 =	vgt.s32 v39, $0x0;
	vm9 =	vmand vm8, vm9;
	vm7 =	vlt.u32 v24, $0x1400;
	v32 =	vld [tilespmem:s8+$0x0];
	[tilespmem:v29+s31+$0x0] =	vst.idx.msk vm1, v42  }
0x2df: {  	vm8 =	vmand vm5, vm7  }
0x2e0: {  	vm13 =	vgt.s32 v38, $0x0;
	v43 =	vsel vm8, $0x1, v3  }
0x2e1: {  	vm6 =	vmand vm13, vm6;
	(xrf0) =	vadd.scan.msk.s32 $0xffff, v43  }
0x2e2: {  	vm7 =	vmmov vm9;
	v44 =	vsel vm6, $0x1, v3  }
0x2e3: {  	v45 =	vsel vm7, $0x1, v3;
	(xrf0) =	vadd.scan.msk.s32 $0xffff, v44  }
0x2e4: {  	vm14 =	vlt.u32 v30, $0x1400;
	vm15 =	vgt.s32 v36, $0x0;
	vm12 =	vmmov vm0;
	(xrf0) =	vadd.scan.msk.s32 $0xffff, v45  }
0x2e5: {  	[tilespmem:v28+s31+$0x0] =	vst.idx.msk vm0, v31;
	vm5 =	vmand vm15, vm14;
	v47 =	vmpcnt.ones.xlane vm6  }
0x2e6: {  	vm1 =	vmmov vm1;
	[tilespmem:v33+s0+$0x0] =	vst.idx.add.f32.msk vm4, v6;
	v46 =	vsel vm5, $0x1, v3  }
0x2e7: {  	[tilespmem:v29+s1+$0x0] =	vst.idx.msk vm3, v17;
	v48 =	vadd.s32 v23, v47;
	(xrf0) =	vadd.scan.msk.s32 $0xffff, v46;
	v49, _, _ =	vpop (xrf0)  }
0x2e8: {  	[tilespmem:v35+s31+$0x0] =	vst.idx.msk vm2, v37;
	v50 =	vmpcnt.ones.xlane vm8;
	v31 =	vadd.s32 v49, v48  }
0x2e9: {  	v51 =	vld [tilespmem:s8+$0xFFFFFFF0];
	v17 =	vmpcnt.ones.xlane vm7;
	[tilespmem:v35+s1+$0x0] =	vst.idx.msk vm2, v20;
	v52, _, _ =	vpop (xrf0);
	v31 =	vadd.s32 $0xFFFFFFFF, v31  }
0x2ea: {  	v53 =	vld [tilespmem:s8+$0xFFFFFFE0];
	[tilespmem:v28+s1+$0x0] =	vst.idx.msk vm12, v16;
	v16 =	vadd.s32 v48, v50;
	v54 =	vadd.s32 v52, v23;
	v55, _, _ =	vpop (xrf0)  }
0x2eb: {  	[tilespmem:v34+s0+$0x0] =	vst.idx.add.f32.msk vm2, v6;
	v17 =	vadd.s32 v16, v17;
	v20 =	vadd.s32 $0xFFFFFFFF, v54;
	v16 =	vadd.s32 v55, v16  }
0x2ec: {  	v60 =	vand.u32 $0xFFFFFF80, v24;
	v19 =	vand.u32 $0x7F, v19;
	[tilespmem:v22+s0+$0x0] =	vst.idx.add.f32.msk vm1, v6;
	v16 =	vadd.s32 $0xFFFFFFFF, v16  }
0x2ed: {  	v19 =	vor.u32 v19, v60;
	[tilespmem:v25+s0+$0x0] =	vst.idx.add.f32.msk vm12, v6;
	v56, _, _ =	vpop (xrf0)  }
0x2ee: {  	v57 =	vadd.s32 v56, v17;
	[tilespmem:v31+s31+$0x0] =	vst.idx.msk vm8, v51  }
0x2ef: {  	v58 =	vld [tilespmem:s8+$0x10];
	v22 =	vadd.s32 $0xFFFFFFFF, v57;
	[tilespmem:v31+s1+$0x0] =	vst.idx.msk vm8, v24  }
0x2f0: {  	v62 =	vand.u32 $0xFFFFFF80, v26;
	v15 =	vand.u32 $0x7F, v15;
	[tilespmem:v20+s31+$0x0] =	vst.idx.msk vm6, v53  }
0x2f1: {  	v63 =	vor.u32 v15, v62;
	[tilespmem:v16+s31+$0x0] =	vst.idx.msk vm7, v32  }
0x2f2: {  	v61 =	vand.u32 $0xFFFFFF80, v27;
	v18 =	vand.u32 $0x7F, v18;
	[tilespmem:v19+s0+$0x0] =	vst.idx.add.f32.msk vm8, v6  }
0x2f3: {  	v59 =	vand.u32 $0xFFFFFF80, v30;
	v21 =	vand.u32 $0x7F, v21;
	v18 =	vor.u32 v18, v61;
	[tilespmem:v20+s1+$0x0] =	vst.idx.msk vm6, v26  }
0x2f4: {  	v21 =	vor.u32 v21, v59;
	[tilespmem:v22+s31+$0x0] =	vst.idx.msk vm5, v58  }
0x2f5: {  	[tilespmem:v16+s1+$0x0] =	vst.idx.msk vm7, v27  }
0x2f6: {  	[tilespmem:v63+s0+$0x0] =	vst.idx.add.f32.msk vm6, v6  }
0x2f7: {  	v15 =	vmpcnt.ones.xlane vm5;
	[tilespmem:v22+s1+$0x0] =	vst.idx.msk vm5, v30  }
0x2f8: {  	vm13 =	vmmov vm8;
	[tilespmem:v18+s0+$0x0] =	vst.idx.add.f32.msk vm7, v6  }
0x2f9: {  	vm15 =	vmmov vm7;
	vm14 =	vmmov vm6;
	v15 =	vadd.s32 v17, v15;
	[tilespmem:v21+s0+$0x0] =	vst.idx.add.f32.msk vm5, v6  }
.LBB2_36:
0x2fa: {  	s8 =	sshra.s32 s7, $0x2  }
0x2fb: {  	v16 =	vld [tilespmem:s8+$0x6B00];
	_ =	sdelay $0x7  }
0x2fc: {  	v17 =	vld.idx.msk [tilespmem:v16+s5+$0x0], $0xffff;
	_ =	sdelay $0x3  }
0x2fd: {  	v16 =	vadd.s32 v1, v16  }
0x2fe: {  	vm1 =	vlt.u32 v16, $0x1400;
	vm0 =	vgt.s32 v17, $0x0  }
0x2ff: {  	vm0 =	vmand vm0, vm1  }
0x300: {  	v17 =	vsel vm0, $0x1, v3  }
0x301: {  	(xrf0) =	vadd.scan.msk.s32 $0xffff, v17;
	_ =	sdelay $0x5  }
0x302: {  	v17, _, _ =	vpop (xrf0)  }
0x303: {  	v17 =	vadd.s32 v17, v15  }
0x304: {  	v18 =	vld [tilespmem:s8+$0x4B00];
	v17 =	vadd.s32 $0xFFFFFFFF, v17;
	_ =	sdelay $0x1  }
0x305: {  	p0 =	sne.s32 s7, $0x40  }
.Ltmp22:
0x306: {  	_ = 	snop;
	(pc) =	sbr.rel @p0 .LBB2_36-.Ltmp22, $4  }
0x307: {  	_ = 	snop  }
0x308: {  	v63 =	vmpcnt.ones.xlane vm0;
	[tilespmem:v17+s31+$0x0] =	vst.idx.msk vm0, v18  }
0x309: {  	[tilespmem:v17+s1+$0x0] =	vst.idx.msk vm0, v16  }
0x30a: {  	s7 =	sadd.s32 $0x40, s7;
	v15 =	vadd.s32 v15, v63;
	[tilespmem:v16+s0+$0x0] =	vst.idx.add.f32.msk vm0, v6  }
0x30b: {  	v16 =	vadd.s32 $0x7F, v15  }
0x30c: {  	v16 =	vand.u32 $0xFFFFFF80, v16  }
0x30d: {  	v17 =	vxor.u32 $0x80000000, v16  }
0x30e: {  	(xrf0) =	vmax.scan.msk.u32 $0xffff, v17;
	_ =	sdelay $0x5  }
0x30f: {  	v19, _, _ =	vpop (xrf0)  }
0x310: {  	(v2sf) =	vpush v19, $0xF  }
0x311: {  	v59 =	vadd.s32 v5, v15  }
0x312: {  	vm0 =	vlt.s32 v59, v16  }
0x313: {  	v18 =	vadd.s32 v8, v15  }
0x314: {  	vm1 =	vlt.s32 v18, v16  }
0x315: {  	v60 =	vadd.s32 v9, v15  }
0x316: {  	vm2 =	vlt.s32 v60, v16  }
0x317: {  	v20 =	vadd.s32 v10, v15  }
0x318: {  	vm3 =	vlt.s32 v20, v16;
	[tilespmem:v59+s31+$0x0] =	vst.idx.msk vm0, v3  }
0x319: {  	v61 =	vadd.s32 v11, v15;
	[tilespmem:v59+s1+$0x0] =	vst.idx.msk vm0, v7  }
0x31a: {  	vm12 =	vlt.s32 v61, v16;
	[tilespmem:v18+s31+$0x0] =	vst.idx.msk vm1, v3  }
0x31b: {  	v62 =	vadd.s32 v12, v15;
	[tilespmem:v18+s1+$0x0] =	vst.idx.msk vm1, v7  }
0x31c: {  	vm13 =	vlt.s32 v62, v16;
	[tilespmem:v60+s31+$0x0] =	vst.idx.msk vm2, v3  }
0x31d: {  	v63 =	vadd.s32 v13, v15;
	[tilespmem:v60+s1+$0x0] =	vst.idx.msk vm2, v7  }
0x31e: {  	vm14 =	vlt.s32 v63, v16;
	[tilespmem:v20+s31+$0x0] =	vst.idx.msk vm3, v3  }
0x31f: {  	v15 =	vadd.s32 v14, v15;
	[tilespmem:v20+s1+$0x0] =	vst.idx.msk vm3, v7;
	s7 =	spop (v2sf)  }
0x320: {  	vm15 =	vlt.s32 v15, v16;
	[tilespmem:v61+s31+$0x0] =	vst.idx.msk vm12, v3;
	s7 =	sshra.s32 s7, $0x7  }
0x321: {  	[tilespmem:v61+s1+$0x0] =	vst.idx.msk vm12, v7;
	s8 =	sxor.u32 $0xFF000000, s7  }
0x322: {  	[tilespmem:v62+s31+$0x0] =	vst.idx.msk vm13, v3;
	p0 =	slt.s32 s8, $0x1  }
.Ltmp23:
0x323: {  	[tilespmem:v62+s1+$0x0] =	vst.idx.msk vm13, v7;
	(pc) =	sbr.rel @p0 .LBB2_41-.Ltmp23, $4  }
0x324: {  	[tilespmem:v63+s31+$0x0] =	vst.idx.msk vm14, v3  }
0x325: {  	[tilespmem:v63+s1+$0x0] =	vst.idx.msk vm14, v7  }
0x326: {  	[tilespmem:v15+s31+$0x0] =	vst.idx.msk vm15, v3  }
0x327: {  	[tilespmem:v15+s1+$0x0] =	vst.idx.msk vm15, v7  }
0x328: {  	[tilespmem:s22], [sflag:$0x3] =	stream.indirect.gather [hbm4b:s3+s2], $0x80, s31, s2, $0xb8;
	[tilespmem:$0x1C400] =	vst v63  }
0x329: {  	s9 =	simm.s32 $0x0;
	p0 =	sle.s32 s8, $0x1  }
0x32a: {  	s7 =	sand.u32 @!p0 $0x1, s9  }
0x32b: {  	p1 =	seq.s32 @!p0 s7, $0x0  }
0x32c: {  	s10 =	simm.s32 $0x6C00;
	p2 =	por !p1, p0;
	p0 =	por p1, p0  }
0x32d: {  	p1 =	sne.s32 s8, $0x1;
	s11 =	simm.s32 @!p2 $0xE000;
	s12 =	simm.s32 @!p2 $0x80  }
0x32e: {  	[tilespmem:s11], [sflag:$0x4] =	stream.indirect.gather @!p2 [hbm4b:s3+s12], $0x80, s10, s12, $0xb8;
	[tilespmem:$0x1C400] =	vst v63  }
.Ltmp24:
0x32f: {  	_ = 	snop;
	(pc) =	sbr.rel @!p1 .LBB2_40-.Ltmp24, $4  }
0x330: {  	s9 =	sand.u32 $0x1, s9;
	s11 =	simm.s32 @!p0 $0x80;
	s12 =	simm.s32 @!p0 $0xA000  }
0x331: {  	[tilespmem:s12], [sflag:$0x3] =	stream.indirect.gather @!p0 [hbm4b:s3+s11], $0x80, s10, s11, $0xb8;
	[tilespmem:$0x1C400] =	vst v63  }
0x332: {  	s7 =	simm.s32 $0x7B80;
	s10 =	simm.s32 $0x1;
	p0 =	sne.s32 s9, $0x0  }
0x333: {  	s11 =	simm.s32 $0x6C80;
	s12 =	simm.s32 @p0 $0x4;
	s9 =	simm.s32 @!p0 $0x7  }
.LBB2_39:
0x334: {  	_ =	swait.ge @p0 [sflag:s12], $0x4000  }
0x335: {  	s13 =	simm.s32 @!p0 $0x3;
	s9 =	simm.s32 @p0 $0x6;
	s14 =	smov.u32 s10  }
0x336: {  	s10 =	sadd.s32 $0x1, s10;
	s15 =	simm.s32 @p0 $0xE000;
	[sflag:s12] =	ssyncset.done @p0 $0x0  }
0x337: {  	p1 =	sge.s32 s10, s8;
	[sflag:s12] =	ssyncadd.s32 @p0 $0xFFFFC000;
	s12 =	simm.s32 @p0 $0x80  }
0x338: {  	[spmem:s4] =	stream.indirect.scatter.add.f32 @p0 [tilespmem:s15], [sflag:$0x6], $0x80, s7, s12, $0xb8;
	[tilespmem:$0x1C400] =	vst v63  }
0x339: {  	s12 =	sand.u32 @!p1 $0x1, s14;
	s15 =	simm.s32 @!p0 $0xA000;
	_ =	swait.ge @!p0 [sflag:s13], $0x4000  }
0x33a: {  	p2 =	seq.s32 @!p1 s12, $0x0;
	s12 =	simm.s32 @!p0 $0x80;
	[sflag:s13] =	ssyncset.done @!p0 $0x0  }
0x33b: {  	p3 =	por !p2, p1;
	p2 =	por p2, p1;
	[sflag:s13] =	ssyncadd.s32 @!p0 $0xFFFFC000  }
0x33c: {  	[spmem:s4] =	stream.indirect.scatter.add.f32 @!p0 [tilespmem:s15], [sflag:$0x7], $0x80, s7, s12, $0xb8;
	[tilespmem:$0x1C400] =	vst v63  }
0x33d: {  	p1 =	sne.s32 s8, s10;
	s7 =	sadd.s32 $0x80, s7;
	_ =	swait.ge [sflag:s9], $0x4000  }
0x33e: {  	s13 =	simm.s32 @!p3 $0xE000;
	s12 =	sand.u32 $0x1, s14;
	[sflag:s9] =	ssyncset.done $0x0  }
.Ltmp25:
0x33f: {  	s14 =	simm.s32 @!p3 $0x80;
	[sflag:s9] =	ssyncadd.s32 $0xFFFFC000;
	(pc) =	sbr.rel @p1 .LBB2_39-.Ltmp25, $4  }
0x340: {  	[tilespmem:s13], [sflag:$0x4] =	stream.indirect.gather @!p3 [hbm4b:s3+s14], $0x80, s11, s14, $0xb8;
	[tilespmem:$0x1C400] =	vst v63  }
0x341: {  	p0 =	sne.s32 s12, $0x0;
	s9 =	simm.s32 @!p2 $0x80;
	s13 =	simm.s32 @!p2 $0xA000  }
0x342: {  	[tilespmem:s13], [sflag:$0x3] =	stream.indirect.gather @!p2 [hbm4b:s3+s9], $0x80, s11, s9, $0xb8;
	[tilespmem:$0x1C400] =	vst v63  }
0x343: {  	s12 =	simm.s32 @p0 $0x4;
	s9 =	simm.s32 @!p0 $0x7;
	s11 =	sadd.s32 $0x80, s11  }
.LBB2_40:
0x344: {  	_ =	swait.ge @p0 [sflag:s12], $0x4000  }
0x345: {  	s8 =	simm.s32 @!p0 $0x3;
	[sflag:s12] =	ssyncset.done @p0 $0x0  }
0x346: {  	s10 =	simm.s32 @p0 $0xE000;
	s11 =	simm.s32 @p0 $0x80;
	[sflag:s12] =	ssyncadd.s32 @p0 $0xFFFFC000  }
0x347: {  	[spmem:s4] =	stream.indirect.scatter.add.f32 @p0 [tilespmem:s10], [sflag:$0x6], $0x80, s7, s11, $0xb8;
	[tilespmem:$0x1C400] =	vst v63  }
0x348: {  	_ =	swait.ge @!p0 [sflag:s8], $0x4000  }
0x349: {  	s9 =	simm.s32 @p0 $0x6;
	[sflag:s8] =	ssyncset.done @!p0 $0x0  }
0x34a: {  	s10 =	simm.s32 @!p0 $0xA000;
	s11 =	simm.s32 @!p0 $0x80;
	[sflag:s8] =	ssyncadd.s32 @!p0 $0xFFFFC000  }
0x34b: {  	[spmem:s4] =	stream.indirect.scatter.add.f32 @!p0 [tilespmem:s10], [sflag:$0x7], $0x80, s7, s11, $0xb8;
	[tilespmem:$0x1C400] =	vst v63  }
0x34c: {  	_ =	swait.ge [sflag:s9], $0x4000  }
0x34d: {  	[sflag:s9] =	ssyncset.done $0x0  }
0x34e: {  	[sflag:s9] =	ssyncadd.s32 $0xFFFFC000  }
.LBB2_41:
0x34f: {  	_ =	swait.ge [sflag:s28], $0xFA0  }
0x350: {  	[sflag:s28] =	ssyncset.done $0x0  }
0x351: {  	[sflag:s28] =	ssyncadd.s32 $0xFFFFF060  }
0x352: {  	_ =	swait.ge [sflag:s28], $0xFA0  }
0x353: {  	[sflag:s28] =	ssyncset.done $0x0  }
0x354: {  	s7 =	simm.s32 $0x4BA0;
	[sflag:s28] =	ssyncadd.s32 $0xFFFFF060  }
0x355: {  	v22 =	vld [tilespmem:s7+$0xFFFFFFF0]  }
0x356: {  	v23 =	vld [tilespmem:s7+$0x0]  }
0x357: {  	v24 =	vld [tilespmem:s7+$0xFFFFFFE0];
	_ =	sdelay $0x2  }
0x358: {  	v26 =	vld [tilespmem:s7+$0x10];
	_ =	sdelay $0x1  }
0x359: {  	s7 =	simm.s32 $0x0  }
0x35a: {  	v15 =	vld.idx.msk [tilespmem:v22+s7+$0x0], $0xffff  }
0x35b: {  	v18 =	vld.idx.msk [tilespmem:v23+s7+$0x0], $0xffff  }
0x35c: {  	v19 =	vld.idx.msk [tilespmem:v24+s7+$0x0], $0xffff  }
0x35d: {  	v25 =	vimm.s32 $0x0;
	v17 =	vsub.s32 v24, v0  }
0x35e: {  	v16 =	vsub.s32 v23, v0;
	v32 =	vsub.s32 v22, v0;
	v20 =	vsub.s32 v26, v0  }
0x35f: {  	v35 =	vand.u32 $0x7F, v22;
	vm2 =	vlt.u32 v32, $0x1400;
	v21 =	vld.idx.msk [tilespmem:v26+s7+$0x0], $0xffff;
	vm0 =	vgt.s32 v15, $0x0  }
0x360: {  	vm1 =	vlt.u32 v17, $0x1400;
	vm4 =	vlt.u32 v16, $0x1400;
	vm5 =	vmand vm0, vm2  }
0x361: {  	s8 =	simm.s32 $0x4BE0;
	vm3 =	vgt.s32 v18, $0x0;
	vm2 =	vgt.s32 v19, $0x0;
	v15 =	vsel vm5, $0x1, v3  }
0x362: {  	v30 =	vand.u32 $0xFFFFFF80, v32;
	v18 =	vld [tilespmem:s8+$0x0];
	vm0 =	vmand vm3, vm4;
	vm1 =	vmand vm2, vm1;
	(xrf0) =	vadd.scan.msk.s32 $0xffff, v15  }
0x363: {  	v31 =	vand.u32 $0xFFFFFF80, v16;
	v19 =	vld [tilespmem:s8+$0xFFFFFFF0];
	vm0 =	vmmov vm0;
	v15 =	vsel vm1, $0x1, v3  }
0x364: {  	vm3 =	vlt.u32 v20, $0x1400;
	vm2 =	vgt.s32 v21, $0x0;
	v21 =	vsel vm0, $0x1, v3;
	(xrf0) =	vadd.scan.msk.s32 $0xffff, v15;
	v15 =	vld [tilespmem:s8+$0xFFFFFFE0]  }
0x365: {  	v33 =	vand.u32 $0xFFFFFF80, v20;
	v24 =	vand.u32 $0x7F, v24;
	vm2 =	vmand vm2, vm3;
	(xrf0) =	vadd.scan.msk.s32 $0xffff, v21;
	v21 =	vld [tilespmem:s8+$0x10]  }
0x366: {  	v23 =	vand.u32 $0x7F, v23;
	v27 =	vmpcnt.ones.xlane vm1;
	v29 =	vsel vm2, $0x1, v3  }
0x367: {  	s15 =	simm.s32 $0x2BA0;
	v26 =	vand.u32 $0x7F, v26;
	v28 =	vmpcnt.ones.xlane vm5;
	vm4 =	vmmov vm5;
	(xrf0) =	vadd.scan.msk.s32 $0xffff, v29  }
0x368: {  	v39 =	vld [tilespmem:s15+$0xFFFFFFE0];
	vm3 =	vmmov vm1;
	v36 =	vmpcnt.ones.xlane vm2;
	v22 =	vadd.s32 v25, v27;
	v34, _, _ =	vpop (xrf0)  }
0x369: {  	v37 =	vld [tilespmem:s15+$0xFFFFFFF0];
	v27 =	vmpcnt.ones.xlane vm0;
	v29 =	vand.u32 $0xFFFFFF80, v17;
	v34 =	vadd.s32 v34, v22  }
0x36a: {  	v28 =	vadd.s32 v22, v28;
	v41 =	vld.idx.msk [tilespmem:v18+s7+$0x0], $0xffff;
	v38, _, _ =	vpop (xrf0);
	v22 =	vor.u32 v24, v29;
	v40 =	vadd.s32 $0xFFFFFFFF, v34  }
0x36b: {  	v42 =	vld.idx.msk [tilespmem:v19+s7+$0x0], $0xffff;
	v24 =	vadd.s32 v28, v27;
	v27 =	vadd.s32 v38, v25;
	v25 =	vor.u32 v23, v31  }
0x36c: {  	v23 =	vadd.s32 v24, v36;
	v31, _, _ =	vpop (xrf0);
	v34 =	vor.u32 v26, v33;
	v29 =	vadd.s32 $0xFFFFFFFF, v27;
	v38 =	vld.idx.msk [tilespmem:v15+s7+$0x0], $0xffff  }
0x36d: {  	v26 =	vsub.s32 v15, v0;
	v33 =	vor.u32 v35, v30;
	v27 =	vadd.s32 v31, v28;
	v31, _, _ =	vpop (xrf0);
	v36 =	vld.idx.msk [tilespmem:v21+s7+$0x0], $0xffff  }
0x36e: {  	v30 =	vsub.s32 v21, v0;
	v28 =	vadd.s32 $0xFFFFFFFF, v27;
	v24 =	vadd.s32 v31, v24;
	v31 =	vld [tilespmem:s15+$0x0]  }
0x36f: {  	vm6 =	vlt.u32 v26, $0x1400;
	v27 =	vsub.s32 v18, v0;
	v35 =	vadd.s32 $0xFFFFFFFF, v24;
	[tilespmem:v40+s31+$0x0] =	vst.idx.msk vm5, v37;
	v37 =	vld [tilespmem:s15+$0x10]  }
0x370: {  	s8 =	simm.s32 $0x2BE0;
	vm8 =	vgt.s32 v41, $0x0;
	v24 =	vsub.s32 v19, v0;
	vm9 =	vlt.u32 v27, $0x1400;
	[tilespmem:v40+s1+$0x0] =	vst.idx.msk vm5, v32  }
0x371: {  	s9 =	simm.s32 $0x4;
	s10 =	simm.s32 $0x4C20;
	vm7 =	vlt.u32 v24, $0x1400;
	vm9 =	vmand vm8, vm9;
	vm5 =	vgt.s32 v42, $0x0;
	v32 =	vld [tilespmem:s8+$0x0];
	[tilespmem:v29+s31+$0x0] =	vst.idx.msk vm1, v39  }
.LBB2_42:
0x372: {  	vm10 =	vgt.s32 v38, $0x0;
	vm8 =	vmand vm5, vm7;
	vm11 =	vlt.u32 v30, $0x1400  }
0x373: {  	v39 =	vld [tilespmem:s10+$0x0];
	s9 =	sadd.s32 $0x4, s9;
	[tilespmem:v28+s31+$0x0] =	vst.idx.msk vm0, v31;
	vm5 =	vmmov vm1;
	vm7 =	vmmov vm0;
	vm0 =	vmmov vm9  }
0x374: {  	v38 =	vld [tilespmem:s10+$0xFFFFFFE0];
	p0 =	slt.u32 s9, $0xF4;
	vm1 =	vmand vm10, vm6;
	v31 =	vsel vm8, $0x1, v3;
	vm6 =	vgt.s32 v36, $0x0;
	[tilespmem:v35+s31+$0x0] =	vst.idx.msk vm2, v37  }
0x375: {  	v36 =	vld [tilespmem:s10+$0xFFFFFFF0];
	v37 =	vsel vm1, $0x1, v3;
	v40 =	vmpcnt.ones.xlane vm1;
	(xrf0) =	vadd.scan.msk.s32 $0xffff, v31;
	[tilespmem:v35+s1+$0x0] =	vst.idx.msk vm2, v20;
	v20 =	vmovc v30  }
0x376: {  	v30 =	vmpcnt.ones.xlane vm8;
	(xrf0) =	vadd.scan.msk.s32 $0xffff, v37;
	[tilespmem:v34+s0+$0x0] =	vst.idx.add.f32.msk vm2, v6;
	vm2 =	vmand vm6, vm11  }
0x377: {  	v35 =	vand.u32 $0xFFFFFF80, v24;
	v34 =	vsel vm0, $0x1, v3;
	v37 =	vsel vm2, $0x1, v3;
	[tilespmem:v33+s0+$0x0] =	vst.idx.add.f32.msk vm4, v6;
	v31 =	vmovc v32  }
0x378: {  	v41 =	vand.u32 $0xFFFFFF80, v20;
	v33 =	vand.u32 $0xFFFFFF80, v27;
	v32 =	vld [tilespmem:s10+$0x10];
	(xrf0) =	vadd.scan.msk.s32 $0xffff, v34;
	[tilespmem:v29+s1+$0x0] =	vst.idx.msk vm3, v17;
	v17 =	vmovc v26  }
0x379: {  	vm4 =	vmmov vm8;
	vm3 =	vmmov vm1;
	v42 =	vld [tilespmem:s8+$0xFFFFFFE0];
	(xrf0) =	vadd.scan.msk.s32 $0xffff, v37;
	[tilespmem:v28+s1+$0x0] =	vst.idx.msk vm7, v16;
	v16 =	vmovc v27  }
0x37a: {  	v26 =	vand.u32 $0xFFFFFF80, v17;
	v27 =	vand.u32 $0x7F, v15;
	v37 =	vand.u32 $0x7F, v19;
	v15 =	vmovc v38;
	[tilespmem:v25+s0+$0x0] =	vst.idx.add.f32.msk vm7, v6;
	v19 =	vmovc v36  }
0x37b: {  	v45 =	vmpcnt.ones.xlane vm0;
	v43 =	vadd.s32 v23, v40;
	v28 =	vand.u32 $0x7F, v18;
	v29, _, _ =	vpop (xrf0);
	[tilespmem:v22+s0+$0x0] =	vst.idx.add.f32.msk vm5, v6  }
0x37c: {  	v30 =	vadd.s32 v43, v30;
	v34 =	vmpcnt.ones.xlane vm2;
	v40 =	vld [tilespmem:s8+$0xFFFFFFF0];
	v29 =	vadd.s32 v29, v43;
	v25, _, _ =	vpop (xrf0)  }
0x37d: {  	v18 =	vmovc v39;
	v22 =	vor.u32 v27, v26;
	v26 =	vadd.s32 v30, v45;
	v43 =	vld.idx.msk [tilespmem:v39+s7+$0x0], $0xffff;
	v44 =	vadd.s32 $0xFFFFFFFF, v29  }
0x37e: {  	v27 =	vadd.s32 v25, v23;
	v25 =	vor.u32 v28, v33;
	v23 =	vadd.s32 v26, v34;
	v39 =	vld.idx.msk [tilespmem:v36+s7+$0x0], $0xffff;
	v28, _, _ =	vpop (xrf0)  }
0x37f: {  	v33 =	vand.u32 $0x7F, v21;
	v29 =	vadd.s32 $0xFFFFFFFF, v27;
	v38 =	vld.idx.msk [tilespmem:v38+s7+$0x0], $0xffff;
	v27 =	vadd.s32 v28, v30;
	v30, _, _ =	vpop (xrf0)  }
.Ltmp26:
0x380: {  	v21 =	vmovc v32;
	v34 =	vor.u32 v33, v41;
	v36 =	vld.idx.msk [tilespmem:v32+s7+$0x0], $0xffff;
	v28 =	vadd.s32 $0xFFFFFFFF, v27;
	v27 =	vadd.s32 v30, v26;
	(pc) =	sbr.rel @p0 .LBB2_42-.Ltmp26, $4  }
0x381: {  	v33 =	vor.u32 v37, v35;
	v26 =	vsub.s32 v15, v0;
	v37 =	vld [tilespmem:s8+$0x10];
	v35 =	vadd.s32 $0xFFFFFFFF, v27  }
0x382: {  	v30 =	vsub.s32 v21, v0;
	vm6 =	vlt.u32 v26, $0x1400;
	v27 =	vsub.s32 v18, v0;
	[tilespmem:v44+s31+$0x0] =	vst.idx.msk vm4, v40  }
0x383: {  	s8 =	sadd.s32 $0x40, s8;
	vm8 =	vgt.s32 v43, $0x0;
	vm9 =	vlt.u32 v27, $0x1400;
	[tilespmem:v44+s1+$0x0] =	vst.idx.msk vm4, v24;
	v24 =	vsub.s32 v19, v0  }
0x384: {  	s10 =	sadd.s32 $0x40, s10;
	vm5 =	vgt.s32 v39, $0x0;
	vm9 =	vmand vm8, vm9;
	vm7 =	vlt.u32 v24, $0x1400;
	v32 =	vld [tilespmem:s8+$0x0];
	[tilespmem:v29+s31+$0x0] =	vst.idx.msk vm1, v42  }
0x385: {  	vm8 =	vmand vm5, vm7  }
0x386: {  	vm13 =	vgt.s32 v38, $0x0;
	v43 =	vsel vm8, $0x1, v3  }
0x387: {  	vm6 =	vmand vm13, vm6;
	(xrf0) =	vadd.scan.msk.s32 $0xffff, v43  }
0x388: {  	vm7 =	vmmov vm9;
	v44 =	vsel vm6, $0x1, v3  }
0x389: {  	v45 =	vsel vm7, $0x1, v3;
	(xrf0) =	vadd.scan.msk.s32 $0xffff, v44  }
0x38a: {  	vm14 =	vlt.u32 v30, $0x1400;
	vm15 =	vgt.s32 v36, $0x0;
	vm12 =	vmmov vm0;
	(xrf0) =	vadd.scan.msk.s32 $0xffff, v45  }
0x38b: {  	[tilespmem:v28+s31+$0x0] =	vst.idx.msk vm0, v31;
	vm5 =	vmand vm15, vm14;
	v47 =	vmpcnt.ones.xlane vm6  }
0x38c: {  	vm1 =	vmmov vm1;
	[tilespmem:v33+s0+$0x0] =	vst.idx.add.f32.msk vm4, v6;
	v46 =	vsel vm5, $0x1, v3  }
0x38d: {  	[tilespmem:v29+s1+$0x0] =	vst.idx.msk vm3, v17;
	v48 =	vadd.s32 v23, v47;
	(xrf0) =	vadd.scan.msk.s32 $0xffff, v46;
	v49, _, _ =	vpop (xrf0)  }
0x38e: {  	[tilespmem:v35+s31+$0x0] =	vst.idx.msk vm2, v37;
	v50 =	vmpcnt.ones.xlane vm8;
	v31 =	vadd.s32 v49, v48  }
0x38f: {  	v51 =	vld [tilespmem:s8+$0xFFFFFFF0];
	v17 =	vmpcnt.ones.xlane vm7;
	[tilespmem:v35+s1+$0x0] =	vst.idx.msk vm2, v20;
	v52, _, _ =	vpop (xrf0);
	v31 =	vadd.s32 $0xFFFFFFFF, v31  }
0x390: {  	v53 =	vld [tilespmem:s8+$0xFFFFFFE0];
	[tilespmem:v28+s1+$0x0] =	vst.idx.msk vm12, v16;
	v16 =	vadd.s32 v48, v50;
	v54 =	vadd.s32 v52, v23;
	v55, _, _ =	vpop (xrf0)  }
0x391: {  	[tilespmem:v34+s0+$0x0] =	vst.idx.add.f32.msk vm2, v6;
	v17 =	vadd.s32 v16, v17;
	v20 =	vadd.s32 $0xFFFFFFFF, v54;
	v16 =	vadd.s32 v55, v16  }
0x392: {  	v60 =	vand.u32 $0xFFFFFF80, v24;
	v19 =	vand.u32 $0x7F, v19;
	[tilespmem:v22+s0+$0x0] =	vst.idx.add.f32.msk vm1, v6;
	v16 =	vadd.s32 $0xFFFFFFFF, v16  }
0x393: {  	v19 =	vor.u32 v19, v60;
	[tilespmem:v25+s0+$0x0] =	vst.idx.add.f32.msk vm12, v6;
	v56, _, _ =	vpop (xrf0)  }
0x394: {  	v57 =	vadd.s32 v56, v17;
	[tilespmem:v31+s31+$0x0] =	vst.idx.msk vm8, v51  }
0x395: {  	v58 =	vld [tilespmem:s8+$0x10];
	v22 =	vadd.s32 $0xFFFFFFFF, v57;
	[tilespmem:v31+s1+$0x0] =	vst.idx.msk vm8, v24  }
0x396: {  	v62 =	vand.u32 $0xFFFFFF80, v26;
	v15 =	vand.u32 $0x7F, v15;
	[tilespmem:v20+s31+$0x0] =	vst.idx.msk vm6, v53  }
0x397: {  	v63 =	vor.u32 v15, v62;
	[tilespmem:v16+s31+$0x0] =	vst.idx.msk vm7, v32  }
0x398: {  	v61 =	vand.u32 $0xFFFFFF80, v27;
	v18 =	vand.u32 $0x7F, v18;
	[tilespmem:v19+s0+$0x0] =	vst.idx.add.f32.msk vm8, v6  }
0x399: {  	v59 =	vand.u32 $0xFFFFFF80, v30;
	v21 =	vand.u32 $0x7F, v21;
	v18 =	vor.u32 v18, v61;
	[tilespmem:v20+s1+$0x0] =	vst.idx.msk vm6, v26  }
0x39a: {  	v21 =	vor.u32 v21, v59;
	[tilespmem:v22+s31+$0x0] =	vst.idx.msk vm5, v58  }
0x39b: {  	[tilespmem:v16+s1+$0x0] =	vst.idx.msk vm7, v27  }
0x39c: {  	[tilespmem:v63+s0+$0x0] =	vst.idx.add.f32.msk vm6, v6  }
0x39d: {  	v15 =	vmpcnt.ones.xlane vm5;
	[tilespmem:v22+s1+$0x0] =	vst.idx.msk vm5, v30  }
0x39e: {  	vm13 =	vmmov vm8;
	[tilespmem:v18+s0+$0x0] =	vst.idx.add.f32.msk vm7, v6  }
0x39f: {  	vm15 =	vmmov vm7;
	vm14 =	vmmov vm6;
	v15 =	vadd.s32 v17, v15;
	[tilespmem:v21+s0+$0x0] =	vst.idx.add.f32.msk vm5, v6  }
.LBB2_44:
0x3a0: {  	s8 =	sshra.s32 s7, $0x2  }
0x3a1: {  	v16 =	vld [tilespmem:s8+$0x5B00];
	_ =	sdelay $0x7  }
0x3a2: {  	v17 =	vld.idx.msk [tilespmem:v16+s5+$0x0], $0xffff;
	_ =	sdelay $0x3  }
0x3a3: {  	v16 =	vadd.s32 v1, v16  }
0x3a4: {  	vm1 =	vlt.u32 v16, $0x1400;
	vm0 =	vgt.s32 v17, $0x0  }
0x3a5: {  	vm0 =	vmand vm0, vm1  }
0x3a6: {  	v17 =	vsel vm0, $0x1, v3  }
0x3a7: {  	(xrf0) =	vadd.scan.msk.s32 $0xffff, v17;
	_ =	sdelay $0x5  }
0x3a8: {  	v17, _, _ =	vpop (xrf0)  }
0x3a9: {  	v17 =	vadd.s32 v17, v15  }
0x3aa: {  	v18 =	vld [tilespmem:s8+$0x3B00];
	v17 =	vadd.s32 $0xFFFFFFFF, v17;
	_ =	sdelay $0x1  }
0x3ab: {  	p0 =	sne.s32 s7, $0x40  }
.Ltmp27:
0x3ac: {  	_ = 	snop;
	(pc) =	sbr.rel @p0 .LBB2_44-.Ltmp27, $4  }
0x3ad: {  	_ = 	snop  }
0x3ae: {  	v63 =	vmpcnt.ones.xlane vm0;
	[tilespmem:v17+s31+$0x0] =	vst.idx.msk vm0, v18  }
0x3af: {  	[tilespmem:v17+s1+$0x0] =	vst.idx.msk vm0, v16  }
0x3b0: {  	s7 =	sadd.s32 $0x40, s7;
	v15 =	vadd.s32 v15, v63;
	[tilespmem:v16+s0+$0x0] =	vst.idx.add.f32.msk vm0, v6  }
0x3b1: {  	v16 =	vadd.s32 $0x7F, v15  }
0x3b2: {  	v16 =	vand.u32 $0xFFFFFF80, v16  }
0x3b3: {  	v17 =	vxor.u32 $0x80000000, v16  }
0x3b4: {  	(xrf0) =	vmax.scan.msk.u32 $0xffff, v17;
	_ =	sdelay $0x5  }
0x3b5: {  	v19, _, _ =	vpop (xrf0)  }
0x3b6: {  	(v2sf) =	vpush v19, $0xF  }
0x3b7: {  	v59 =	vadd.s32 v5, v15  }
0x3b8: {  	vm0 =	vlt.s32 v59, v16  }
0x3b9: {  	v18 =	vadd.s32 v8, v15  }
0x3ba: {  	vm1 =	vlt.s32 v18, v16  }
0x3bb: {  	v60 =	vadd.s32 v9, v15  }
0x3bc: {  	vm2 =	vlt.s32 v60, v16  }
0x3bd: {  	v20 =	vadd.s32 v10, v15  }
0x3be: {  	vm3 =	vlt.s32 v20, v16;
	[tilespmem:v59+s31+$0x0] =	vst.idx.msk vm0, v3  }
0x3bf: {  	v61 =	vadd.s32 v11, v15;
	[tilespmem:v59+s1+$0x0] =	vst.idx.msk vm0, v7  }
0x3c0: {  	vm12 =	vlt.s32 v61, v16;
	[tilespmem:v18+s31+$0x0] =	vst.idx.msk vm1, v3  }
0x3c1: {  	v62 =	vadd.s32 v12, v15;
	[tilespmem:v18+s1+$0x0] =	vst.idx.msk vm1, v7  }
0x3c2: {  	vm13 =	vlt.s32 v62, v16;
	[tilespmem:v60+s31+$0x0] =	vst.idx.msk vm2, v3  }
0x3c3: {  	v63 =	vadd.s32 v13, v15;
	[tilespmem:v60+s1+$0x0] =	vst.idx.msk vm2, v7  }
0x3c4: {  	vm14 =	vlt.s32 v63, v16;
	[tilespmem:v20+s31+$0x0] =	vst.idx.msk vm3, v3  }
0x3c5: {  	v15 =	vadd.s32 v14, v15;
	[tilespmem:v20+s1+$0x0] =	vst.idx.msk vm3, v7;
	s7 =	spop (v2sf)  }
0x3c6: {  	vm15 =	vlt.s32 v15, v16;
	[tilespmem:v61+s31+$0x0] =	vst.idx.msk vm12, v3;
	s7 =	sshra.s32 s7, $0x7  }
0x3c7: {  	[tilespmem:v61+s1+$0x0] =	vst.idx.msk vm12, v7;
	s8 =	sxor.u32 $0xFF000000, s7  }
0x3c8: {  	[tilespmem:v62+s31+$0x0] =	vst.idx.msk vm13, v3;
	p0 =	slt.s32 s8, $0x1  }
.Ltmp28:
0x3c9: {  	[tilespmem:v62+s1+$0x0] =	vst.idx.msk vm13, v7;
	(pc) =	sbr.rel @p0 .LBB2_49-.Ltmp28, $4  }
0x3ca: {  	[tilespmem:v63+s31+$0x0] =	vst.idx.msk vm14, v3  }
0x3cb: {  	[tilespmem:v63+s1+$0x0] =	vst.idx.msk vm14, v7  }
0x3cc: {  	[tilespmem:v15+s31+$0x0] =	vst.idx.msk vm15, v3  }
0x3cd: {  	[tilespmem:v15+s1+$0x0] =	vst.idx.msk vm15, v7  }
0x3ce: {  	[tilespmem:s22], [sflag:$0x3] =	stream.indirect.gather [hbm4b:s3+s2], $0x80, s31, s2, $0xb8;
	[tilespmem:$0x1C400] =	vst v63  }
0x3cf: {  	s9 =	simm.s32 $0x0;
	p0 =	sle.s32 s8, $0x1  }
0x3d0: {  	s7 =	sand.u32 @!p0 $0x1, s9  }
0x3d1: {  	p1 =	seq.s32 @!p0 s7, $0x0  }
0x3d2: {  	s10 =	simm.s32 $0x6C00;
	p2 =	por !p1, p0;
	p0 =	por p1, p0  }
0x3d3: {  	p1 =	sne.s32 s8, $0x1;
	s11 =	simm.s32 @!p2 $0xE000;
	s12 =	simm.s32 @!p2 $0x80  }
0x3d4: {  	[tilespmem:s11], [sflag:$0x4] =	stream.indirect.gather @!p2 [hbm4b:s3+s12], $0x80, s10, s12, $0xb8;
	[tilespmem:$0x1C400] =	vst v63  }
.Ltmp29:
0x3d5: {  	_ = 	snop;
	(pc) =	sbr.rel @!p1 .LBB2_48-.Ltmp29, $4  }
0x3d6: {  	s9 =	sand.u32 $0x1, s9;
	s11 =	simm.s32 @!p0 $0x80;
	s12 =	simm.s32 @!p0 $0xA000  }
0x3d7: {  	[tilespmem:s12], [sflag:$0x3] =	stream.indirect.gather @!p0 [hbm4b:s3+s11], $0x80, s10, s11, $0xb8;
	[tilespmem:$0x1C400] =	vst v63  }
0x3d8: {  	s7 =	simm.s32 $0x7B80;
	s10 =	simm.s32 $0x1;
	p0 =	sne.s32 s9, $0x0  }
0x3d9: {  	s11 =	simm.s32 $0x6C80;
	s12 =	simm.s32 @p0 $0x4;
	s9 =	simm.s32 @!p0 $0x7  }
.LBB2_47:
0x3da: {  	_ =	swait.ge @p0 [sflag:s12], $0x4000  }
0x3db: {  	s13 =	simm.s32 @!p0 $0x3;
	s9 =	simm.s32 @p0 $0x6;
	s14 =	smov.u32 s10  }
0x3dc: {  	s10 =	sadd.s32 $0x1, s10;
	s15 =	simm.s32 @p0 $0xE000;
	[sflag:s12] =	ssyncset.done @p0 $0x0  }
0x3dd: {  	p1 =	sge.s32 s10, s8;
	[sflag:s12] =	ssyncadd.s32 @p0 $0xFFFFC000;
	s12 =	simm.s32 @p0 $0x80  }
0x3de: {  	[spmem:s4] =	stream.indirect.scatter.add.f32 @p0 [tilespmem:s15], [sflag:$0x6], $0x80, s7, s12, $0xb8;
	[tilespmem:$0x1C400] =	vst v63  }
0x3df: {  	s12 =	sand.u32 @!p1 $0x1, s14;
	s15 =	simm.s32 @!p0 $0xA000;
	_ =	swait.ge @!p0 [sflag:s13], $0x4000  }
0x3e0: {  	p2 =	seq.s32 @!p1 s12, $0x0;
	s12 =	simm.s32 @!p0 $0x80;
	[sflag:s13] =	ssyncset.done @!p0 $0x0  }
0x3e1: {  	p3 =	por !p2, p1;
	p2 =	por p2, p1;
	[sflag:s13] =	ssyncadd.s32 @!p0 $0xFFFFC000  }
0x3e2: {  	[spmem:s4] =	stream.indirect.scatter.add.f32 @!p0 [tilespmem:s15], [sflag:$0x7], $0x80, s7, s12, $0xb8;
	[tilespmem:$0x1C400] =	vst v63  }
0x3e3: {  	p1 =	sne.s32 s8, s10;
	s7 =	sadd.s32 $0x80, s7;
	_ =	swait.ge [sflag:s9], $0x4000  }
0x3e4: {  	s13 =	simm.s32 @!p3 $0xE000;
	s12 =	sand.u32 $0x1, s14;
	[sflag:s9] =	ssyncset.done $0x0  }
.Ltmp30:
0x3e5: {  	s14 =	simm.s32 @!p3 $0x80;
	[sflag:s9] =	ssyncadd.s32 $0xFFFFC000;
	(pc) =	sbr.rel @p1 .LBB2_47-.Ltmp30, $4  }
0x3e6: {  	[tilespmem:s13], [sflag:$0x4] =	stream.indirect.gather @!p3 [hbm4b:s3+s14], $0x80, s11, s14, $0xb8;
	[tilespmem:$0x1C400] =	vst v63  }
0x3e7: {  	p0 =	sne.s32 s12, $0x0;
	s9 =	simm.s32 @!p2 $0x80;
	s13 =	simm.s32 @!p2 $0xA000  }
0x3e8: {  	[tilespmem:s13], [sflag:$0x3] =	stream.indirect.gather @!p2 [hbm4b:s3+s9], $0x80, s11, s9, $0xb8;
	[tilespmem:$0x1C400] =	vst v63  }
0x3e9: {  	s12 =	simm.s32 @p0 $0x4;
	s9 =	simm.s32 @!p0 $0x7;
	s11 =	sadd.s32 $0x80, s11  }
.Ltmp31:
0x3ea: {  	_ = 	snop;
	(pc) =	sbr.rel .LBB2_48-.Ltmp31, $1  }
0x3eb: {  	_ =	sdelay $0x3  }
.LBB2_50:
0x3ec: {  	_ =	sfence.sel $0x180000  }
0x3ed: {  	[bflag:$0x0] =	sbarrier.arrive $0xFFFF  }
0x3ee: {  	_ =	strace $0x90000047  }
0x3ef: {  	s0 =	stileid.u32;
	[bflag:$0x2] =	sbarrier.arrive $0xFFFF  }
0x3f0: {  	p0 =	sne.s32 s0, $0x0;
	s0 =	rddreg [dreg:$0x4]  }
0x3f1: {  	s0 =	sadd.s32 @!p0 $0x100000, s0  }
0x3f2: {  	[sflag:s0] =	ssyncadd.tile.s32 @!p0 $0x1;
	_ =	shalt  }
.Lfunc_end2:
_tile_overlayer_lowered:
.L_overlay_start_2:
0x3f3: {  	(tag) =	ssettag $0x2  }
0x3f4: {  	s0 =	rddreg [dreg:$0x0];
	s2 =	stileid.u32  }
0x3f5: {  	s1 =	rddreg [dreg:$0x1];
	p0 =	sne.s32 s2, $0x0  }
0x3f6: {  	s3 =	rddreg [dreg:$0x2];
	[bflag:$0x3] =	sbarrier.arrive $0xFFFF;
	s2 =	simm.s32 @!p0 $0x1C06  }
0x3f7: {  	[timem:s3], [sflag:s2] =	dma.local @!p0 [hbm:s0], s1  }
0x3f8: {  	s0 =	simm.s32 @!p0 $0x6  }
0x3f9: {  	_ =	swait.ge @!p0 [sflag:s0], s1  }
0x3fa: {  	s1 =	ssub.s32 @!p0 $0x0, s1;
	[sflag:s0] =	ssyncset.done @!p0 $0x0  }
0x3fb: {  	[sflag:s0] =	ssyncadd.s32 @!p0 s1  }
0x3fc: {  	[bflag:$0x3] =	sbarrier.arrive $0xFFFF  }
0x3fd: {  	_ =	shalt  }

// kernel: kernel.8.cloned.1.call-start
scs
__scs_entry_jumppad:
0x0: {  	(pc) =	sbr.rel $0x88, $3  }
0x1: {  	(tag) =	ssettag $0x0;
	lr =	simm.s32 $0x1  }
0x2: {  	[smem:$0x3F9A] =	sst lr;
	_ =	strace $0xD0000000  }
0x3: {  	_ = 	snop  }
0x4: {  	_ = 	snop  }
0x5: {  	_ = 	snop  }
0x6: {  	_ = 	snop  }
0x7: {  	_ = 	snop  }
__scs_overlays_trampoline_lowered:
0x8: {  	[smem:$0x3FA9] =	sst s0  }
0x9: {  	[smem:$0x3FAA] =	sst s1  }
0xa: {  	[smem:$0x3FAB] =	sst s2  }
0xb: {  	[smem:$0x3FAC] =	sst s3  }
0xc: {  	[smem:$0x3FAD] =	sst s4  }
0xd: {  	[smem:$0x3FAE] =	sst s5  }
0xe: {  	[smem:$0x3FAF] =	sst s6  }
0xf: {  	[smem:$0x3FB0] =	sst s7  }
0x10: {  	[smem:$0x3FB1] =	sst s8  }
0x11: {  	[smem:$0x3FB2] =	sst s9;
	s0 =	simm.s32 @!p0 $0x0  }
0x12: {  	s1 =	sld [smem:$0x3F98];
	s0 =	simm.s32 @p0 $0x1  }
0x13: {  	[smem:$0x3FB3] =	sst s0;
	s0 =	simm.s32 @!p1 $0x0  }
0x14: {  	s2 =	sld [smem:$0x3F97];
	s0 =	simm.s32 @p1 $0x1  }
0x15: {  	[smem:$0x3FB4] =	sst s0;
	s0 =	simm.s32 @!p2 $0x0  }
0x16: {  	s3 =	sld [smem:$0x3FDB];
	s0 =	simm.s32 @p2 $0x1  }
0x17: {  	s4 =	simm.s32 $0x1BF5;
	[smem:$0x3FB6] =	sst s0  }
0x18: {  	s0 =	sld [smem:$0x3F99];
	_ =	swait.ge [sflag:s4], $0x0  }
0x19: {  	s7 =	sld [smem:$0x3F9A]  }
0x1a: {  	s8 =	sadd.s32 $0xFFFFE003, lr  }
0x1b: {  	s9 =	sadd.s32 $0xFFFFFEF7, lr;
	s5 =	simm.s32 $0xFFFFFFFF;
	p2 =	slt.u32 s8, $0xFFFFF086  }
0x1c: {  	p1 =	slt.u32 s9, $0xF7A;
	s5 =	simm.s32 @!p2 $0x0  }
0x1d: {  	s5 =	simm.s32 @p1 $0x1;
	p0 =	seq.s32 s7, s2  }
0x1e: {  	s7 =	smul.u32 @!p0 $0xF7A, s2;
	p2 =	seq.s32 @!p0 s5, $0x0  }
0x1f: {  	s9 =	smul.u32 $0xF7A, s1;
	s8 =	simm.s32 @!p0 $0x1BF5;
	p2 =	por !p2, p0  }
0x20: {  	[sflag:s8] =	ssyncset.s32 @!p0 $0xFFFFF086;
	s6 =	sadd.s32 @!p0 s3, s7;
	s7 =	simm.s32 @!p0 $0x108  }
0x21: {  	s3 =	sadd.s32 s3, s9;
	s6 =	sadd.s32 @!p0 $0x88, s6;
	s7 =	simm.s32 @p2 $0x1082  }
0x22: {  	[simem:s7], [sflag:s8] =	dma.local @!p0 [hbm:s6], $0xF7A  }
0x23: {  	s9 =	sor.u32 $0xD0000000, s2;
	s6 =	simm.s32 $0x108;
	_ =	swait.ge @!p0 [sflag:s8], $0x0  }
0x24: {  	s3 =	sadd.s32 $0x88, s3;
	s6 =	simm.s32 @!p1 $0x1082;
	[sflag:s4] =	ssyncset.s32 $0xFFFFF086  }
0x25: {  	[simem:s6], [sflag:s4] =	dma.local [hbm:s3], $0xF7A  }
0x26: {  	[smem:$0x3F9A] =	sst s1;
	(tag) =	ssettag s2;
	_ =	strace s9  }
0x27: {  	s1 =	sld [smem:$0x3FAA]  }
0x28: {  	s2 =	sld [smem:$0x3FAB]  }
0x29: {  	s4 =	sld [smem:$0x3FAD]  }
0x2a: {  	p0 =	seq.s32 s5, $0x0;
	s5 =	sld [smem:$0x3FAE]  }
0x2b: {  	s6 =	sld [smem:$0x3FAF]  }
0x2c: {  	s7 =	sld [smem:$0x3FB0]  }
0x2d: {  	s3 =	simm.s32 $0x108;
	s8 =	sld [smem:$0x3FB1]  }
0x2e: {  	s3 =	simm.s32 @!p0 $0x1082;
	s9 =	sld [smem:$0x3FB2]  }
0x2f: {  	lr =	sadd.s32 s0, s3;
	s0 =	sld [smem:$0x3FA9]  }
0x30: {  	s3 =	sld [smem:$0x3FAC]  }
0x31: {  	[smem:$0x3FB5] =	sst s10  }
0x32: {  	s10 =	sld [smem:$0x3FB3];
	_ =	sdelay $0x3  }
0x33: {  	p0 =	seq.s32 s10, $0x1;
	s10 =	sld [smem:$0x3FB5];
	_ =	sdelay $0x3  }
0x34: {  	[smem:$0x3FB5] =	sst s10  }
0x35: {  	s10 =	sld [smem:$0x3FB4];
	_ =	sdelay $0x3  }
0x36: {  	p1 =	seq.s32 s10, $0x1;
	s10 =	sld [smem:$0x3FB5];
	_ =	sdelay $0x3  }
0x37: {  	[smem:$0x3FB5] =	sst s10  }
0x38: {  	s10 =	sld [smem:$0x3FB6]  }
0x39: {  	_ = 	snop;
	(pc) =	sbr.ind lr, $3  }
0x3a: {  	_ = 	snop  }
0x3b: {  	_ = 	snop  }
0x3c: {  	p2 =	seq.s32 s10, $0x1;
	s10 =	sld [smem:$0x3FB5]  }
0x3d: {  	_ =	shalt  }
0x3e: {  	_ =	shalt  }
0x3f: {  	_ =	shalt  }
0x40: {  	_ =	shalt  }
0x41: {  	_ =	shalt  }
0x42: {  	_ =	shalt  }
0x43: {  	_ =	shalt  }
0x44: {  	_ =	shalt  }
0x45: {  	_ =	shalt  }
0x46: {  	_ =	shalt  }
0x47: {  	_ =	shalt  }
0x48: {  	_ =	shalt  }
0x49: {  	_ =	shalt  }
0x4a: {  	_ =	shalt  }
0x4b: {  	_ =	shalt  }
0x4c: {  	_ =	shalt  }
0x4d: {  	_ =	shalt  }
0x4e: {  	_ =	shalt  }
0x4f: {  	_ =	shalt  }
0x50: {  	_ =	shalt  }
0x51: {  	_ =	shalt  }
0x52: {  	_ =	shalt  }
0x53: {  	_ =	shalt  }
0x54: {  	_ =	shalt  }
0x55: {  	_ =	shalt  }
0x56: {  	_ =	shalt  }
0x57: {  	_ =	shalt  }
0x58: {  	_ =	shalt  }
0x59: {  	_ =	shalt  }
0x5a: {  	_ =	shalt  }
0x5b: {  	_ =	shalt  }
0x5c: {  	_ =	shalt  }
0x5d: {  	_ =	shalt  }
0x5e: {  	_ =	shalt  }
0x5f: {  	_ =	shalt  }
0x60: {  	_ =	shalt  }
0x61: {  	_ =	shalt  }
0x62: {  	_ =	shalt  }
0x63: {  	_ =	shalt  }
0x64: {  	_ =	shalt  }
0x65: {  	_ =	shalt  }
0x66: {  	_ =	shalt  }
0x67: {  	_ =	shalt  }
0x68: {  	_ =	shalt  }
0x69: {  	_ =	shalt  }
0x6a: {  	_ =	shalt  }
0x6b: {  	_ =	shalt  }
0x6c: {  	_ =	shalt  }
0x6d: {  	_ =	shalt  }
0x6e: {  	_ =	shalt  }
0x6f: {  	_ =	shalt  }
0x70: {  	_ =	shalt  }
0x71: {  	_ =	shalt  }
0x72: {  	_ =	shalt  }
0x73: {  	_ =	shalt  }
0x74: {  	_ =	shalt  }
0x75: {  	_ =	shalt  }
0x76: {  	_ =	shalt  }
0x77: {  	_ =	shalt  }
0x78: {  	_ =	shalt  }
0x79: {  	_ =	shalt  }
0x7a: {  	_ =	shalt  }
0x7b: {  	_ =	shalt  }
0x7c: {  	_ =	shalt  }
0x7d: {  	_ =	shalt  }
0x7e: {  	_ =	shalt  }
0x7f: {  	_ =	shalt  }
0x80: {  	_ =	shalt  }
0x81: {  	_ =	shalt  }
0x82: {  	_ =	shalt  }
0x83: {  	_ =	shalt  }
0x84: {  	_ =	shalt  }
0x85: {  	_ =	shalt  }
0x86: {  	_ =	shalt  }
0x87: {  	_ =	shalt  }
.Lfunc_end0:
.L_simem_size_0:
called_computation.1_lowered:
.L_overlay_start_0:
0x88: {  	s2 =	sld [smem:$0x3FD9]  }
0x89: {  	s3 =	sld [smem:$0x3FFE];
	_ =	sdelay $0x1  }
0x8a: {  	s1 =	srdreg.scid  }
0x8b: {  	s0 =	sand.u32 $0x1, s1  }
0x8c: {  	s17 =	sshll.u32 s0, $0xA;
	s2 =	sadd.s32 s3, s2  }
0x8d: {  	s2 =	sadd.s32 s2, s17  }
0x8e: {  	[smem:$0x3FC1] =	sst s2  }
0x8f: {  	_ = 	snop  }
0x90: {  	s2 =	sld [smem:$0x3FC7];
	(tm) =	ssettm $0x1  }
0x91: {  	s18 =	sld [smem:$0x3FFB];
	_ =	sdelay $0x3  }
0x92: {  	_ =	strace s18  }
0x93: {  	s3 =	sld [smem:$0x3FFC];
	_ =	sdelay $0x3  }
0x94: {  	_ =	strace s3  }
0x95: {  	s3 =	sld [smem:$0x3FFD];
	_ =	sdelay $0x3  }
0x96: {  	_ =	strace s3  }
0x97: {  	_ =	strace $0x8FFFFFFF  }
0x98: {  	s19 =	sld [smem:$0x3FDB];
	_ =	sdelay $0x1  }
0x99: {  	s4 =	simm.s32 $_scs_section_size  }
0x9a: {  	s5 =	simm.s32 $_size__tile_overlayer_lowered;
	s6 =	simm.s32 $_tile_overlayer_lowered  }
0x9b: {  	s22 =	simm.s32 $0x1BFF;
	s21 =	sshll.u32 s6, $0x1;
	s3 =	sadd.s32 s4, s19  }
0x9c: {  	s7 =	simm.s32 $0x0;
	s20 =	sshll.u32 s5, $0x1;
	s5 =	sadd.s32 s21, s3  }
0x9d: {  	[timem:s7], [sflag:s22] =	dma.local [hbm:s5], s20  }
0x9e: {  	_ =	swait.ge [sflag:s22], s20  }
0x9f: {  	s4 =	ssub.s32 $0x0, s20;
	[sflag:s22] =	ssyncset.done $0x0  }
0xa0: {  	[sflag:s22] =	ssyncadd.s32 s4;
	_ =	sdelay $0x1  }
0xa1: {  	s23 =	simm.s32 $0x1B8B  }
0xa2: {  	_ =	swait.ge [sflag:s23], $0x1  }
0xa3: {  	[sflag:s23] =	ssyncset.done $0x0  }
0xa4: {  	s25 =	simm.s32 $0x1B8E;
	s24 =	sld [smem:$0x3FFE];
	[sflag:s23] =	ssyncadd.s32 $0xFFFFFFFF  }
0xa5: {  	s26 =	simm.s32 $execute0_lowered;
	[smem:$0x3FD2] =	sst s25  }
0xa6: {  	s5 =	sshll.u32 s26, $0x1;
	_ =	strace $0x80000049;
	[dreg:$0x1] =	wrdreg $0xFFFFFFFF  }
0xa7: {  	s28 =	simm.s32 $_size_execute0_lowered;
	s3 =	sadd.s32 s3, s5;
	[dreg:$0x0] =	wrdreg $0x0  }
0xa8: {  	s5 =	sshll.u32 s28, $0x1;
	[dreg:$0x2] =	wrdreg s3  }
0xa9: {  	[dreg:$0x3] =	wrdreg s5  }
0xaa: {  	[dreg:$0x4] =	wrdreg $0xC0  }
0xab: {  	_ =	task [dreg:s7], $0x5FFFF  }
0xac: {  	[dreg:$0x1] =	wrdreg $0xFFFFFFFF  }
0xad: {  	[dreg:$0x0] =	wrdreg $0x60  }
0xae: {  	[dreg:$0x2] =	wrdreg s24  }
0xaf: {  	[dreg:$0x3] =	wrdreg s2  }
0xb0: {  	[dreg:$0x4] =	wrdreg $0x9  }
0xb1: {  	_ =	task.clear_ibuf [dreg:s7], $0x5FFFF;
	_ =	strace $0x90000049  }
0xb2: {  	s29 =	simm.s32 $0x9;
	_ =	strace $0x8000004B  }
0xb3: {  	_ =	swait.ge [sflag:s29], $0x1  }
0xb4: {  	[sflag:s29] =	ssyncadd.s32 $0xFFFFFFFF  }
0xb5: {  	_ =	strace $0x9000004B  }
0xb6: {  	_ =	sfence  }
0xb7: {  	s30 =	sld [smem:$0x0];
	_ =	sdelay $0x2  }
0xb8: {  	s31 =	sshll.u32 s1, $0xD;
	s1 =	sshrl.u32 s1, $0x2  }
0xb9: {  	s3 =	sand.u32 $0x4000, s31;
	s1 =	sadd.s32 s1, s30  }
0xba: {  	s0 =	sor.u32 s3, s0;
	s1 =	sshll.u32 s1, $0x11  }
0xbb: {  	s0 =	sor.u32 s1, s0  }
0xbc: {  	s0 =	sadd.s32 $0x8F2B, s0  }
0xbd: {  	[sflag:s0] =	ssyncadd.remote.s32 $0x1  }
0xbe: {  	_ =	sfence.sel $0xFFFF  }
0xbf: {  	[dreg:$0x0] =	wrdreg $0xFFFFFFFF;
	(pc) =	sbr.abs _section_cstart, $3  }
0xc0: {  	[dreg:$0x1] =	wrdreg $0xFFFFFFFF  }
0xc1: {  	_ =	task.clear_ibuf [dreg:s7], $0x2FFFF;
	_ =	strace $0x9FFFFFFF  }
0xc2: {  	(tm) =	ssettm $0x7FFFFFFF  }
0xc3: {  	_ =	shalt  }
tec
execute0_lowered:
.L_overlay_start_1:
0x0: {  	(tag) =	ssettag $0x1  }
0x1: {  	s1 =	srdreg.scid;
	s9 =	rddreg [dreg:$0x0]  }
0x2: {  	s0 =	stileid.u32;
	s3 =	rddreg [dreg:$0x1]  }
0x3: {  	s2 =	simm.s32 $0x0;
	s7 =	simm.s32 $0x80;
	s6 =	sand.u32 $0x1, s1  }
0x4: {  	s5 =	sshll.u32 s0, $0x5;
	s1 =	rddreg [dreg:$0x2];
	s4 =	sshll.u32 s6, $0x9  }
0x5: {  	s8 =	simm.s32 $0x1;
	[smem:$0x7FF] =	sst s2;
	s10 =	sor.u32 s5, s4  }
0x6: {  	_ =	strace $0x8000004A;
	s11 =	ssub.s32 $0x2, s6;
	s4 =	sshrl.u32 s10, $0x3  }
0x7: {  	s6 =	simm.s32 $0x20;
	s4 =	sadd.s32 s3, s4;
	s3 =	simm.s32 $0x2  }
0x8: {  	[tilespmem:s2], [sflag:$0x2] =	stream.linear.gather [hbm4b:s4+s2], $0x20, $0x38;
	[tilespmem:$0x1080] =	vst v63  }
0x9: {  	s5 =	sadd.s32 $0x1000, s9;
	s12 =	sshrl.u32 s11, $0x1;
	_ =	swait.ge [sflag:s3], $0x20  }
0xa: {  	s10 =	sshll.u32 s10, $0x4;
	s31 =	ssub.s32 s11, s12;
	[sflag:s3] =	ssyncset.done $0x0  }
0xb: {  	s9 =	sadd.s32 s10, s9;
	s10 =	smax.u32 s31, $0x1;
	[sflag:s3] =	ssyncadd.s32 $0xFFFFFFE0  }
0xc: {  	[tilespmem:s7], [sflag:$0x1] =	stream.indirect.gather [hbm4b:s5+s6], $0x80, s2, s6, $0xb8;
	[tilespmem:$0x1080] =	vst v63  }
0xd: {  	p0 =	sne.s32 s10, $0x1;
	_ =	swait.ge [sflag:s8], $0x1000  }
.Ltmp0:
0xe: {  	[sflag:s8] =	ssyncset.done $0x0;
	(pc) =	sbr.rel @!p0 .LBB2_2-.Ltmp0, $4  }
0xf: {  	s9 =	sadd.s32 $0x29000, s9;
	[sflag:s8] =	ssyncadd.s32 $0xFFFFF000  }
0x10: {  	[hbm4b:s9+s2] =	stream.linear.scatter [tilespmem:s7], [sflag:$0x2], $0x1000, $0x38;
	[tilespmem:$0x1080] =	vst v63  }
0x11: {  	_ =	swait.ge [sflag:s3], $0x1000  }
0x12: {  	s10 =	sadd.s32 $0xFFFFFFFF, s10;
	[sflag:s3] =	ssyncset.done $0x0  }
.LBB2_1:
0x13: {  	p0 =	sne.s32 s10, $0x1;
	s10 =	sadd.s32 $0xFFFFFFFF, s10;
	[sflag:s3] =	ssyncadd.s32 $0xFFFFF000  }
0x14: {  	[tilespmem:s2], [sflag:$0x2] =	stream.linear.gather [hbm4b:s4+s2], $0x20, $0x38;
	[tilespmem:$0x1080] =	vst v63  }
0x15: {  	_ =	swait.ge [sflag:s3], $0x20  }
0x16: {  	[sflag:s3] =	ssyncset.done $0x0  }
0x17: {  	[sflag:s3] =	ssyncadd.s32 $0xFFFFFFE0  }
0x18: {  	[tilespmem:s7], [sflag:$0x1] =	stream.indirect.gather [hbm4b:s5+s6], $0x80, s2, s6, $0xb8;
	[tilespmem:$0x1080] =	vst v63  }
0x19: {  	_ =	swait.ge [sflag:s8], $0x1000  }
.Ltmp1:
0x1a: {  	[sflag:s8] =	ssyncset.done $0x0;
	(pc) =	sbr.rel @p0 .LBB2_1-.Ltmp1, $4  }
0x1b: {  	[sflag:s8] =	ssyncadd.s32 $0xFFFFF000  }
0x1c: {  	[hbm4b:s9+s2] =	stream.linear.scatter [tilespmem:s7], [sflag:$0x2], $0x1000, $0x38;
	[tilespmem:$0x1080] =	vst v63  }
0x1d: {  	_ =	swait.ge [sflag:s3], $0x1000  }
0x1e: {  	[sflag:s3] =	ssyncset.done $0x0  }
.LBB2_2:
0x1f: {  	[sflag:s3] =	ssyncadd.s32 $0xFFFFF000  }
0x20: {  	_ =	sfence.sel $0x180000  }
0x21: {  	[bflag:$0x0] =	sbarrier.arrive $0xFFFF  }
0x22: {  	p0 =	sne.s32 s0, $0x0;
	_ =	strace $0x9000004A  }
0x23: {  	s0 =	sadd.s32 @!p0 $0x100000, s1;
	[bflag:$0x2] =	sbarrier.arrive $0xFFFF  }
0x24: {  	[sflag:s0] =	ssyncadd.tile.s32 @!p0 $0x1;
	_ =	shalt  }
.Lfunc_end2:
_tile_overlayer_lowered:
.L_overlay_start_2:
0x25: {  	(tag) =	ssettag $0x2  }
0x26: {  	s0 =	rddreg [dreg:$0x0];
	s2 =	stileid.u32  }
0x27: {  	s1 =	rddreg [dreg:$0x1];
	p0 =	sne.s32 s2, $0x0  }
0x28: {  	s3 =	rddreg [dreg:$0x2];
	[bflag:$0x3] =	sbarrier.arrive $0xFFFF;
	s2 =	simm.s32 @!p0 $0x1C02  }
0x29: {  	[timem:s3], [sflag:s2] =	dma.local @!p0 [hbm:s0], s1  }
0x2a: {  	s0 =	simm.s32 @!p0 $0x2  }
0x2b: {  	_ =	swait.ge @!p0 [sflag:s0], s1  }
0x2c: {  	s1 =	ssub.s32 @!p0 $0x0, s1;
	[sflag:s0] =	ssyncset.done @!p0 $0x0  }
0x2d: {  	[sflag:s0] =	ssyncadd.s32 @!p0 s1  }
0x2e: {  	[bflag:$0x3] =	sbarrier.arrive $0xFFFF  }
0x2f: {  	_ =	shalt  }

</sc_bundles>
